<compile_context>
chip_gen: v7x
topology: tpu7x:2x2x1
jax: 0.10.2.dev20260603
libtpu: 0.0.44.dev20260713+nightly
codegen_flags: <defaults>
</compile_context>

<pallas_src>
import functools

import jax
import jax.numpy as jnp
from jax import lax
from jax.experimental import pallas as pl
from jax.experimental.pallas import tpu as pltpu
from jax.experimental.pallas import tpu_sc as plsc

FEAT_DIM = 128
EXP_DIM = 64
POSE_DIM = 6
N_LMK = 68
POS_FREQ = 4
NEAR = 0.1
FAR = 0.25
DEFORM_SCALE = 0.3
ATTR_SCALE = 0.05

BLK = 2048
NW = 32
CH = 96


def _so3_exp(log_rot, eps=1e-4):
    theta2 = jnp.clip(jnp.sum(log_rot * log_rot, axis=-1), eps)
    theta = jnp.sqrt(theta2)
    fac1 = jnp.sin(theta) / theta
    fac2 = (1.0 - jnp.cos(theta)) / theta2
    x, y, z = log_rot[..., 0], log_rot[..., 1], log_rot[..., 2]
    zz = jnp.zeros_like(x)
    K = jnp.stack([
        jnp.stack([zz, -z, y], axis=-1),
        jnp.stack([z, zz, -x], axis=-1),
        jnp.stack([-y, x, zz], axis=-1),
    ], axis=-2)
    I = jnp.eye(3, dtype=log_rot.dtype)
    return I + fac1[..., None, None] * K + fac2[..., None, None] * (K @ K)


def _pos_embed_rows(xT):
    scaled = jnp.concatenate([xT * (2.0 ** i) for i in range(POS_FREQ)], axis=0)
    return jnp.concatenate([xT, jnp.sin(scaled), jnp.cos(scaled)], axis=0)


def _dist_gate(xyzT, lmk):
    dx = xyzT[0:1, :] - lmk[:, 0:1]
    dy = xyzT[1:2, :] - lmk[:, 1:2]
    dz = xyzT[2:3, :] - lmk[:, 2:2 + 1]
    d2 = dx * dx + dy * dy + dz * dz
    return jnp.min(d2, axis=0, keepdims=True)


def _mask_body(xyzT_ref, lmk_ref, mask_ref):
    dists = _dist_gate(xyzT_ref[...], lmk_ref[...])
    mask_ref[...] = (dists < FAR).astype(jnp.float32)


def _scan_body(mask_ref, ut_ref, sl_ref, pos_ref, nact_ref):
    f32 = jnp.float32
    m = mask_ref[...]
    cum = jnp.dot(m, ut_ref[...], preferred_element_type=f32)
    tot = cum[:, 127:128]
    offs = jnp.dot(sl_ref[...], tot, preferred_element_type=f32)
    cum = cum + offs
    s2 = jnp.sum(jnp.sum(m, axis=0, keepdims=True), axis=1, keepdims=True)
    rows = m.shape[0]
    ii = (lax.broadcasted_iota(jnp.int32, (rows, 128), 0) * 128
          + lax.broadcasted_iota(jnp.int32, (rows, 128), 1)).astype(f32)
    pos = jnp.where(m > 0.5, cum - 1.0, s2 + ii - cum)
    pos_ref[...] = pos.astype(jnp.int32)
    nact_ref[...] = s2.astype(jnp.int32)


def _tmm(w_ref, h, bT_ref):
    out = jax.lax.dot_general(
        w_ref[...], h, (((0,), (1,)), ((), ())),
        preferred_element_type=jnp.float32)
    return out + bT_ref[...]


def _main_body(blk,
               nact_ref,
               featp_ref, smallp_ref,
               lmk_ref, ec_ref, poseT_ref, scale_ref, R9_ref, R6_ref,
               Wf_ref, Wx_ref, Wech_ref, bech_ref, Wpeh_ref, bpeh_ref,
               Wce2_ref, bce2_ref, Wae2_ref, bae2_ref, Wde2_ref, bde2_ref,
               Wce3_ref, bce3T_ref, Wae3_ref, bae3T_ref, Wde3_ref, bde3T_ref,
               Wcp2_ref, bcp2T_ref, Wap2_ref, bap2T_ref, Wdp2_ref, bdp2T_ref,
               out_ref, exp_scr):
    f32 = jnp.float32
    pid = pl.program_id(0)
    active = pid * blk < nact_ref[0]

    smallT = smallp_ref[...][:, 0:16].T
    xyzT = smallT[0:3]
    spT = smallT[3:6]
    rpT = smallT[6:10]
    opT = smallT[10:11]
    feat = jnp.tanh(featp_ref[...])

    dists = _dist_gate(xyzT, lmk_ref[...])
    wT = jnp.clip((FAR - dists) / (FAR - NEAR), 0.0, 1.0)

    embT = _pos_embed_rows(xyzT)
    emb_poseT = _pos_embed_rows(poseT_ref[...])

    relu = lambda v: jnp.maximum(v, 0.0)
    mm = lambda a, w_ref, b_ref: (
        jnp.dot(a, w_ref[...], preferred_element_type=f32) + b_ref[...])

    F1p = jnp.dot(feat, Wf_ref[:, 512:768], preferred_element_type=f32)
    X1p = jax.lax.dot_general(
        embT, Wx_ref[:, 256:384], (((0,), (0,)), ((), ())),
        preferred_element_type=f32)
    ofs_p = jax.lax.dot_general(
        emb_poseT, Wpeh_ref[...], (((0,), (0,)), ((), ())),
        preferred_element_type=f32) + bpeh_ref[...]

    @pl.when(active)
    def _compute_exp():
        F1e = jnp.dot(feat, Wf_ref[:, 0:512], preferred_element_type=f32)
        X1e = jax.lax.dot_general(
            embT, Wx_ref[:, 0:256], (((0,), (0,)), ((), ())),
            preferred_element_type=f32)
        ofs_e = jnp.dot(ec_ref[...], Wech_ref[...],
                        preferred_element_type=f32) + bech_ref[...]
        for b in range(2):
            hc = relu(F1e[:, 0:256] + ofs_e[b:b + 1, 0:256])
            colT_e = _tmm(Wce3_ref, relu(mm(hc, Wce2_ref, bce2_ref)),
                          bce3T_ref)
            ha = relu(F1e[:, 256:512] + ofs_e[b:b + 1, 256:512])
            attrT_e = _tmm(Wae3_ref, relu(mm(ha, Wae2_ref, bae2_ref)),
                           bae3T_ref)
            hd = relu(X1e + ofs_e[b:b + 1, 512:768])
            dxyzT_e = jnp.tanh(_tmm(Wde3_ref,
                                    relu(mm(hd, Wde2_ref, bde2_ref)),
                                    bde3T_ref))
            exp_scr[b] = jnp.concatenate(
                [colT_e, attrT_e, dxyzT_e,
                 jnp.zeros((5, colT_e.shape[1]), f32)], axis=0)

    @pl.when(jnp.logical_not(active))
    def _zero_exp():
        exp_scr[...] = jnp.zeros(exp_scr.shape, f32)

    R9 = R9_ref[...]
    R6 = R6_ref[...]
    scv = scale_ref[...]
    poseT = poseT_ref[...]
    pw = 1.0 - wT

    for b in range(2):
        es = exp_scr[b]
        hpc = relu(F1p[:, 0:128] + ofs_p[b:b + 1, 0:128])
        colT_p = _tmm(Wcp2_ref, hpc, bcp2T_ref)
        hpa = relu(F1p[:, 128:256] + ofs_p[b:b + 1, 128:256])
        attrT_p = _tmm(Wap2_ref, hpa, bap2T_ref)
        hpd = relu(X1p + ofs_p[b:b + 1, 256:384])
        dxyzT_p = jnp.tanh(_tmm(Wdp2_ref, hpd, bdp2T_ref))

        color = es[0:32] * wT + colT_p * pw
        daT = es[32:40] * wT + attrT_p * pw
        dxyzT = es[40:43] * wT + dxyzT_p * pw

        S = scv[b, 0]
        sclT = jnp.exp(spT + daT[0:3] * ATTR_SCALE) * S
        opaT = jax.nn.sigmoid(opT + daT[7:8] * ATTR_SCALE)

        xsT = (xyzT + dxyzT * DEFORM_SCALE) * S
        Rb = R6[3 * b:3 * b + 3, :]
        xyzoT = (jnp.dot(Rb, xsT, preferred_element_type=f32)
                 + poseT[3:6, b:b + 1])

        q = rpT + daT[3:7] * ATTR_SCALE
        qn = q / jnp.maximum(
            jnp.sqrt(jnp.sum(q * q, axis=0, keepdims=True)), 1e-12)
        r = qn[0:1]; i_ = qn[1:2]; j_ = qn[2:3]; k_ = qn[3:4]
        two_s = 2.0 / jnp.sum(qn * qn, axis=0, keepdims=True)
        M = [[1 - two_s * (j_ * j_ + k_ * k_), two_s * (i_ * j_ - k_ * r),
              two_s * (i_ * k_ + j_ * r)],
             [two_s * (i_ * j_ + k_ * r), 1 - two_s * (i_ * i_ + k_ * k_),
              two_s * (j_ * k_ - i_ * r)],
             [two_s * (i_ * k_ - j_ * r), two_s * (j_ * k_ + i_ * r),
              1 - two_s * (i_ * i_ + j_ * j_)]]
        rm = [[R9[b, 3 * a_ + 0] * M[0][c_] + R9[b, 3 * a_ + 1] * M[1][c_]
               + R9[b, 3 * a_ + 2] * M[2][c_]
               for c_ in range(3)] for a_ in range(3)]
        m00, m01, m02 = rm[0]
        m10, m11, m12 = rm[1]
        m20, m21, m22 = rm[2]
        s0 = 1.0 + m00 + m11 + m22
        s1 = 1.0 + m00 - m11 - m22
        s2 = 1.0 - m00 + m11 - m22
        s3 = 1.0 - m00 - m11 + m22
        qa = [jnp.sqrt(jnp.maximum(s_, 1e-8)) for s_ in (s0, s1, s2, s3)]
        cands = [
            [qa[0] * qa[0], m21 - m12, m02 - m20, m10 - m01],
            [m21 - m12, qa[1] * qa[1], m10 + m01, m02 + m20],
            [m02 - m20, m10 + m01, qa[2] * qa[2], m12 + m21],
            [m10 - m01, m20 + m02, m21 + m12, qa[3] * qa[3]],
        ]
        mx = jnp.maximum(jnp.maximum(qa[0], qa[1]), jnp.maximum(qa[2], qa[3]))
        isel = [(qa_k >= mx).astype(f32) for qa_k in qa]
        f_sel = [isel[0],
                 isel[1] * (1.0 - isel[0]),
                 isel[2] * (1.0 - isel[0]) * (1.0 - isel[1]),
                 isel[3] * (1.0 - isel[0]) * (1.0 - isel[1]) * (1.0 - isel[2])]
        rows = []
        for c_ in range(4):
            acc = f_sel[0] * cands[0][c_]
            for k2 in range(1, 4):
                acc = acc + f_sel[k2] * cands[k2][c_]
            den = (f_sel[0] * (2.0 * jnp.maximum(qa[0], 0.1))
                   + f_sel[1] * (2.0 * jnp.maximum(qa[1], 0.1))
                   + f_sel[2] * (2.0 * jnp.maximum(qa[2], 0.1))
                   + f_sel[3] * (2.0 * jnp.maximum(qa[3], 0.1)))
            rows.append(acc / den)
        rotT = jnp.concatenate(rows, axis=0)

        outT = jnp.concatenate(
            [xyzoT, color, sclT, rotT, opaT,
             jnp.zeros((5, blk), f32)], axis=0)
        out_ref[:, 48 * b:48 * b + 48] = outT.T
    out_ref[:, 96:128] = jnp.zeros((blk, 32), f32)


def _sc_scatter_inputs(feature, small, pos3, Np):
    f32 = jnp.float32
    iters = Np // (NW * CH)

    @functools.partial(
        pl.kernel,
        mesh=plsc.VectorSubcoreMesh(core_axis_name="c", subcore_axis_name="s"),
        out_type=[jax.ShapeDtypeStruct((Np, 128), f32),
                  jax.ShapeDtypeStruct((Np, 128), f32)],
        scratch_types=[pltpu.VMEM((iters, CH), jnp.int32)]
        + [pltpu.VMEM((CH, 128), f32) for _ in range(6)]
        + [pltpu.SemaphoreType.DMA for _ in range(12)],
    )
    def k(feat_hbm, small_hbm, pos_hbm, fout_hbm, sout_hbm,
          idx_v, fb0, fb1, fb2, sb0, sb1, sb2, *sems):
        rsem = sems[0:3]
        wfsem = sems[3:6]
        wssem = sems[6:9]
        rssem = sems[9:12]
        fbufs = [fb0, fb1, fb2]
        sbufs = [sb0, sb1, sb2]
        wid = lax.axis_index("s") * 2 + lax.axis_index("c")
        base = wid * (iters * CH)
        pltpu.sync_copy(pos_hbm.at[wid], idx_v)
        rd = {}

        def issue_read(j):
            b = j % 3
            rd[j] = (
                pltpu.async_copy(feat_hbm.at[pl.ds(base + j * CH, CH)],
                                 fbufs[b], rsem[b]),
                pltpu.async_copy(small_hbm.at[pl.ds(base + j * CH, CH)],
                                 sbufs[b], rssem[b]))

        for j in range(min(2, iters)):
            issue_read(j)
        wd = {}
        for j in range(iters):
            b = j % 3
            rd[j][0].wait()
            rd[j][1].wait()
            wd[j] = (
                pltpu.async_copy(fbufs[b], fout_hbm.at[idx_v.at[j]],
                                 wfsem[b]),
                pltpu.async_copy(sbufs[b], sout_hbm.at[idx_v.at[j]],
                                 wssem[b]))
            if j - 1 >= 0:
                wd[j - 1][0].wait()
                wd[j - 1][1].wait()
            if j + 2 < iters:
                issue_read(j + 2)
        wd[iters - 1][0].wait()
        wd[iters - 1][1].wait()

    return k(feature, small, pos3)


def _sc_gather_rows(rows, pos3, Np):
    f32 = jnp.float32
    iters = Np // (NW * CH)

    @functools.partial(
        pl.kernel,
        mesh=plsc.VectorSubcoreMesh(core_axis_name="c", subcore_axis_name="s"),
        out_type=jax.ShapeDtypeStruct((Np, 128), f32),
        scratch_types=[pltpu.VMEM((iters, CH), jnp.int32)]
        + [pltpu.VMEM((CH, 128), f32) for _ in range(3)]
        + [pltpu.SemaphoreType.DMA for _ in range(3)],
    )
    def k(rows_hbm, pos_hbm, out_hbm, idx_v, b0, b1, b2, g0, g1, g2):
        bufs = [b0, b1, b2]
        gsem = [g0, g1, g2]
        wid = lax.axis_index("s") * 2 + lax.axis_index("c")
        base = wid * (iters * CH)
        pltpu.sync_copy(pos_hbm.at[wid], idx_v)
        gd = {}
        for j in range(min(3, iters)):
            gd[j] = pltpu.async_copy(rows_hbm.at[idx_v.at[j]], bufs[j % 3],
                                     gsem[j % 3])
        for j in range(iters):
            b = j % 3
            gd[j].wait()
            pltpu.sync_copy(bufs[b], out_hbm.at[pl.ds(base + j * CH, CH)])
            if j + 3 < iters:
                gd[j + 3] = pltpu.async_copy(rows_hbm.at[idx_v.at[j + 3]],
                                             bufs[b], gsem[b])

    return k(rows, pos3)


def kernel(exp_coeff, pose, scale, params, xyz, feature, scales_param,
           rotation_param, opacity_param, landmarks):
    f32 = jnp.float32
    i32 = jnp.int32
    N = xyz.shape[0]
    blk = BLK
    align = NW * CH
    Np = ((N + align - 1) // align) * align
    nblk = Np // blk

    def padT(a):
        aT = a.T
        if Np != N:
            aT = jnp.concatenate(
                [aT, jnp.zeros((aT.shape[0], Np - N), f32)], axis=1)
        return aT

    def padR(a):
        if Np != N:
            a = jnp.concatenate([a, jnp.zeros((Np - N, a.shape[1]), f32)],
                                axis=0)
        return a

    xyzT = padT(xyz)
    featp = padR(feature)
    small = padR(jnp.concatenate(
        [xyz, scales_param, rotation_param, opacity_param,
         jnp.zeros((N, 117), f32)], axis=1))

    pc, pa, pd = params["exp_color"], params["exp_attributes"], params["exp_deform"]
    qc, qa_, qd = params["pose_color"], params["pose_attributes"], params["pose_deform"]
    W_feat = jnp.concatenate([pc["w"][0][:FEAT_DIM], pa["w"][0][:FEAT_DIM],
                              qc["w"][0][:FEAT_DIM], qa_["w"][0][:FEAT_DIM]],
                             axis=1)
    perm = ([0, 1, 2] + [3 + 6 * i + j for i in range(POS_FREQ) for j in range(3)]
            + [6 + 6 * i + j for i in range(POS_FREQ) for j in range(3)])
    W_xyz = jnp.concatenate([pd["w"][0][:27][jnp.array(perm)],
                             qd["w"][0][:27][jnp.array(perm)]], axis=1)
    Wec_hi = jnp.concatenate([pc["w"][0][FEAT_DIM:], pa["w"][0][FEAT_DIM:],
                              pd["w"][0][27:]], axis=1)
    bec = jnp.concatenate([pc["b"][0], pa["b"][0], pd["b"][0]])[None]
    perm54 = ([0, 1, 2, 3, 4, 5]
              + [6 + 12 * i + j for i in range(POS_FREQ) for j in range(6)]
              + [12 + 12 * i + j for i in range(POS_FREQ) for j in range(6)])
    Wpe_hi = jnp.concatenate([qc["w"][0][FEAT_DIM:], qa_["w"][0][FEAT_DIM:],
                              qd["w"][0][27:]], axis=1)[jnp.array(perm54)]
    bpe = jnp.concatenate([qc["b"][0], qa_["b"][0], qd["b"][0]])[None]

    Rm = _so3_exp(pose[:, :3])
    R9 = Rm.reshape(2, 9)
    R6 = jnp.concatenate([Rm[0], Rm[1]], axis=0)

    rep = lambda s: pl.BlockSpec(s, lambda *a: (0,) * len(s))

    mask = pl.pallas_call(
        _mask_body,
        grid=(nblk,),
        in_specs=[pl.BlockSpec((3, blk), lambda i, *_: (0, i)),
                  rep((N_LMK, 3))],
        out_specs=pl.BlockSpec((1, blk), lambda i, *_: (0, i)),
        out_shape=jax.ShapeDtypeStruct((1, Np), f32),
    )(xyzT, landmarks)

    rows = Np // 128
    ut = jnp.triu(jnp.ones((128, 128), f32))
    sl = jnp.tril(jnp.ones((rows, rows), f32), k=-1)
    pos, nact = pl.pallas_call(
        _scan_body,
        in_specs=[rep((rows, 128)), rep((128, 128)), rep((rows, rows))],
        out_specs=[rep((rows, 128)), rep((1, 1))],
        out_shape=[jax.ShapeDtypeStruct((rows, 128), i32),
                   jax.ShapeDtypeStruct((1, 1), i32)],
    )(mask.reshape(rows, 128), ut, sl)
    pos3 = pos.reshape(NW, Np // (NW * CH), CH)
    nact1 = nact.reshape((1,))

    featp_perm, small_perm = _sc_scatter_inputs(featp, small, pos3, Np)

    in_specs = [
        pl.BlockSpec((blk, FEAT_DIM), lambda i, *_: (i, 0)),
        pl.BlockSpec((blk, 128), lambda i, *_: (i, 0)),
        rep((N_LMK, 3)), rep((2, EXP_DIM)), rep((POSE_DIM, 2)),
        rep((2, 1)), rep((2, 9)), rep((6, 3)),
        rep((FEAT_DIM, 768)), rep((27, 384)), rep((EXP_DIM, 768)),
        rep((1, 768)), rep((54, 384)), rep((1, 384)),
        rep((256, 256)), rep((1, 256)), rep((256, 256)), rep((1, 256)),
        rep((256, 256)), rep((1, 256)),
        rep((256, 32)), rep((32, 1)), rep((256, 8)), rep((8, 1)),
        rep((256, 3)), rep((3, 1)),
        rep((128, 32)), rep((32, 1)), rep((128, 8)), rep((8, 1)),
        rep((128, 3)), rep((3, 1)),
    ]
    bT = lambda v: v[:, None]
    operands = [
        featp_perm, small_perm,
        landmarks, exp_coeff, pose.T, scale, R9, R6,
        W_feat, W_xyz, Wec_hi, bec, Wpe_hi, bpe,
        pc["w"][1], pc["b"][1][None], pa["w"][1], pa["b"][1][None],
        pd["w"][1], pd["b"][1][None],
        pc["w"][2], bT(pc["b"][2]), pa["w"][2], bT(pa["b"][2]),
        pd["w"][2], bT(pd["b"][2]),
        qc["w"][1], bT(qc["b"][1]), qa_["w"][1], bT(qa_["b"][1]),
        qd["w"][1], bT(qd["b"][1]),
    ]
    outp = pl.pallas_call(
        functools.partial(_main_body, blk),
        grid_spec=pltpu.PrefetchScalarGridSpec(
            num_scalar_prefetch=1,
            grid=(nblk,),
            in_specs=in_specs,
            out_specs=pl.BlockSpec((blk, 128), lambda i, *_: (i, 0)),
            scratch_shapes=[pltpu.VMEM((2, 48, blk), f32)],
        ),
        out_shape=jax.ShapeDtypeStruct((Np, 128), f32),
    )(nact1, *operands)

    final = _sc_gather_rows(outp, pos3, Np)

    def leaf(off, c):
        return jnp.stack([final[:N, off:off + c],
                          final[:N, 48 + off:48 + off + c]], axis=0)

    xyz_out = leaf(0, 3)
    color = leaf(3, 32)
    scales = leaf(35, 3)
    rotation = leaf(38, 4)
    opacity = leaf(42, 1)
    return xyz_out, color, scales, rotation, opacity

# --- scband reference (transcript-rebuilt; emitter-appended) ---
"""Pipeline reference for scband-gaussian-head-module-51041391345917 (READ-ONLY COPY).

The authoritative reference and input builder live on the scoring server;
editing this copy changes nothing except your own understanding.
"""

import jax, jax.numpy as jnp
import numpy as np

N_POINTS = 30000
FEAT_DIM = 128
EXP_DIM = 64
POSE_DIM = 6
N_LMK = 68
POS_FREQ = 4
NEAR = 0.1
FAR = 0.25
DEFORM_SCALE = 0.3
ATTR_SCALE = 0.05
BATCH = 2
MLP_DIMS = {
    "exp_color": [192, 256, 256, 32],
    "pose_color": [182, 128, 32],
    "exp_attributes": [192, 256, 256, 8],
    "pose_attributes": [182, 128, 8],
    "exp_deform": [91, 256, 256, 3],
    "pose_deform": [81, 128, 3],
}


def pos_embed(x):
    outs = [x]
    for i in range(POS_FREQ):
        f = 2.0 ** i
        outs.append(jnp.sin(x * f))
        outs.append(jnp.cos(x * f))
    return jnp.concatenate(outs, axis=-1)


def mlp_apply(p, x, last_tanh=False):
    n = len(p["w"])
    for i in range(n):
        x = x @ p["w"][i] + p["b"][i]
        if i < n - 1:
            x = jax.nn.relu(x)
    if last_tanh:
        x = jnp.tanh(x)
    return x


def so3_exponential_map(log_rot, eps=1e-4):
    theta2 = jnp.clip(jnp.sum(log_rot * log_rot, axis=-1), eps)
    theta = jnp.sqrt(theta2)
    fac1 = jnp.sin(theta) / theta
    fac2 = (1.0 - jnp.cos(theta)) / theta2
    x, y, z = log_rot[..., 0], log_rot[..., 1], log_rot[..., 2]
    zz = jnp.zeros_like(x)
    K = jnp.stack([
        jnp.stack([zz, -z, y], axis=-1),
        jnp.stack([z, zz, -x], axis=-1),
        jnp.stack([-y, x, zz], axis=-1),
    ], axis=-2)
    I = jnp.eye(3, dtype=log_rot.dtype)
    return I + fac1[..., None, None] * K + fac2[..., None, None] * (K @ K)


def quaternion_to_matrix(q):
    r, i, j, k = q[..., 0], q[..., 1], q[..., 2], q[..., 3]
    two_s = 2.0 / jnp.sum(q * q, axis=-1)
    o = jnp.stack([
        1 - two_s * (j * j + k * k), two_s * (i * j - k * r), two_s * (i * k + j * r),
        two_s * (i * j + k * r), 1 - two_s * (i * i + k * k), two_s * (j * k - i * r),
        two_s * (i * k - j * r), two_s * (j * k + i * r), 1 - two_s * (i * i + j * j),
    ], axis=-1)
    return o.reshape(q.shape[:-1] + (3, 3))


def matrix_to_quaternion(M):
    m00 = M[..., 0, 0]; m01 = M[..., 0, 1]; m02 = M[..., 0, 2]
    m10 = M[..., 1, 0]; m11 = M[..., 1, 1]; m12 = M[..., 1, 2]
    m20 = M[..., 2, 0]; m21 = M[..., 2, 1]; m22 = M[..., 2, 2]
    q_abs2 = jnp.stack([1.0 + m00 + m11 + m22, 1.0 + m00 - m11 - m22,
                        1.0 - m00 + m11 - m22, 1.0 - m00 - m11 + m22], axis=-1)
    q_abs = jnp.sqrt(jnp.clip(q_abs2, 1e-8))
    quat_by_rijk = jnp.stack([
        jnp.stack([q_abs[..., 0] ** 2, m21 - m12, m02 - m20, m10 - m01], axis=-1),
        jnp.stack([m21 - m12, q_abs[..., 1] ** 2, m10 + m01, m02 + m20], axis=-1),
        jnp.stack([m02 - m20, m10 + m01, q_abs[..., 2] ** 2, m12 + m21], axis=-1),
        jnp.stack([m10 - m01, m20 + m02, m21 + m12, q_abs[..., 3] ** 2], axis=-1),
    ], axis=-2)
    quat_candidates = quat_by_rijk / (2.0 * jnp.maximum(q_abs[..., None], 0.1))
    idx = jnp.argmax(q_abs, axis=-1)
    onehot = jax.nn.one_hot(idx, 4, dtype=M.dtype)
    return jnp.sum(quat_candidates * onehot[..., None], axis=-2)


def _forward(exp_coeff, pose, scale, params, xyz, feature, scales_param,
             rotation_param, opacity_param, landmarks):
    N = xyz.shape[0]
    feat = jnp.tanh(feature)
    # knn_points with K=1 returns SQUARED distance to nearest landmark
    d2 = jnp.sum((xyz[:, None, :] - landmarks[None, :, :]) ** 2, axis=-1)
    dists = jnp.min(d2, axis=-1)
    exp_w = jnp.clip((FAR - dists) / (FAR - NEAR), 0.0, 1.0)[:, None]
    pose_w = 1.0 - exp_w
    emb_xyz = pos_embed(xyz)

    def per_sample(ec, ps):
        emb_pose = pos_embed(ps)
        ec_b = jnp.broadcast_to(ec[None, :], (N, ec.shape[0]))
        pe_b = jnp.broadcast_to(emb_pose[None, :], (N, emb_pose.shape[0]))
        exp_in = jnp.concatenate([feat, ec_b], axis=-1)
        pose_in = jnp.concatenate([feat, pe_b], axis=-1)
        color = mlp_apply(params["exp_color"], exp_in) * exp_w \
              + mlp_apply(params["pose_color"], pose_in) * pose_w
        dattr = mlp_apply(params["exp_attributes"], exp_in) * exp_w \
              + mlp_apply(params["pose_attributes"], pose_in) * pose_w
        exp_def_in = jnp.concatenate([emb_xyz, ec_b], axis=-1)
        pose_def_in = jnp.concatenate([emb_xyz, pe_b], axis=-1)
        dxyz = mlp_apply(params["exp_deform"], exp_def_in, True) * exp_w \
             + mlp_apply(params["pose_deform"], pose_def_in, True) * pose_w
        return color, dattr, dxyz

    color, dattr, dxyz = jax.vmap(per_sample)(exp_coeff, pose)
    xyz_b = xyz[None] + dxyz * DEFORM_SCALE
    scales = jnp.exp(scales_param[None] + dattr[..., 0:3] * ATTR_SCALE)
    rotation = rotation_param[None] + dattr[..., 3:7] * ATTR_SCALE
    rotation = rotation / jnp.maximum(jnp.linalg.norm(rotation, axis=-1, keepdims=True), 1e-12)
    opacity = jax.nn.sigmoid(opacity_param[None] + dattr[..., 7:8] * ATTR_SCALE)
    R = so3_exponential_map(pose[:, :3])
    T = pose[:, None, 3:]
    S = scale[:, :, None]
    xyz_out = jnp.einsum('bnd,bid->bni', xyz_b * S, R) + T
    rotmat = quaternion_to_matrix(rotation)
    rotmat = jnp.einsum('bij,bnjk->bnik', R, rotmat)
    rotation = matrix_to_quaternion(rotmat)
    scales = scales * S
    return xyz_out, color, scales, rotation, opacity


def setup_inputs(seed: int = 0):
    key = jax.random.key(seed)
    ks = jax.random.split(key, 8)
    B = BATCH
    exp_coeff = jax.random.normal(ks[0], (B, EXP_DIM), dtype=jnp.float32)
    pose = jax.random.normal(ks[1], (B, POSE_DIM), dtype=jnp.float32)
    scale = jax.random.uniform(ks[2], (B, 1), dtype=jnp.float32)
    xyz = jax.random.normal(ks[3], (N_POINTS, 3), dtype=jnp.float32)
    feature = jax.random.normal(ks[4], (N_POINTS, FEAT_DIM), dtype=jnp.float32) * 0.1
    landmarks = jax.random.normal(ks[5], (N_LMK, 3), dtype=jnp.float32)
    scales_param = jnp.full((N_POINTS, 3), float(np.log(0.02)), dtype=jnp.float32) \
                 + 0.1 * jax.random.normal(ks[6], (N_POINTS, 3), dtype=jnp.float32)
    rotation_param = jnp.concatenate([jnp.ones((N_POINTS, 1)), jnp.zeros((N_POINTS, 3))], axis=-1).astype(jnp.float32)
    opacity_param = jnp.full((N_POINTS, 1), float(np.log(0.3 / 0.7)), dtype=jnp.float32)
    params = {}
    pk = ks[7]
    for name, dims in MLP_DIMS.items():
        ws, bs = [], []
        for i in range(len(dims) - 1):
            pk, k1 = jax.random.split(pk)
            ws.append(jax.random.normal(k1, (dims[i], dims[i + 1]), dtype=jnp.float32) * (1.0 / np.sqrt(dims[i])))
            bs.append(jnp.zeros((dims[i + 1],), dtype=jnp.float32))
        params[name] = {"w": ws, "b": bs}
    return {"exp_coeff": exp_coeff, "pose": pose, "scale": scale, "params": params,
            "xyz": xyz, "feature": feature, "scales_param": scales_param,
            "rotation_param": rotation_param, "opacity_param": opacity_param,
            "landmarks": landmarks}


def reference(exp_coeff, pose, scale, params, xyz, feature, scales_param,
              rotation_param, opacity_param, landmarks):
    return _forward(exp_coeff, pose, scale, params, xyz, feature, scales_param,
                    rotation_param, opacity_param, landmarks)

if __name__ == "__main__":
    import jax
    _d = setup_inputs()
    print(jax.jit(kernel)(*tuple(_d.values())))

</pallas_src>

<mosaic_0001>
#map = affine_map<(d0, d1) -> (0, 0)>
#map1 = affine_map<(d0, d1) -> (0, 0, 0)>
module attributes {stable_mosaic.version = 14 : i64} {
  func.func @k(%arg0: i32, %arg1: i32, %arg2: memref<30720x128xf32, #tpu.memory_space<hbm>>, %arg3: memref<30720x128xf32, #tpu.memory_space<hbm>>, %arg4: memref<32x10x96xi32, #tpu.memory_space<hbm>>, %arg5: memref<30720x128xf32, #tpu.memory_space<hbm>>, %arg6: memref<30720x128xf32, #tpu.memory_space<hbm>>, %arg7: memref<10x96xi32, #tpu.memory_space<vmem>>, %arg8: memref<96x128xf32, #tpu.memory_space<vmem>>, %arg9: memref<96x128xf32, #tpu.memory_space<vmem>>, %arg10: memref<96x128xf32, #tpu.memory_space<vmem>>, %arg11: memref<96x128xf32, #tpu.memory_space<vmem>>, %arg12: memref<96x128xf32, #tpu.memory_space<vmem>>, %arg13: memref<96x128xf32, #tpu.memory_space<vmem>>, %arg14: memref<!tpu.dma_semaphore, #tpu.memory_space<semaphore_mem>>, %arg15: memref<!tpu.dma_semaphore, #tpu.memory_space<semaphore_mem>>, %arg16: memref<!tpu.dma_semaphore, #tpu.memory_space<semaphore_mem>>, %arg17: memref<!tpu.dma_semaphore, #tpu.memory_space<semaphore_mem>>, %arg18: memref<!tpu.dma_semaphore, #tpu.memory_space<semaphore_mem>>, %arg19: memref<!tpu.dma_semaphore, #tpu.memory_space<semaphore_mem>>, %arg20: memref<!tpu.dma_semaphore, #tpu.memory_space<semaphore_mem>>, %arg21: memref<!tpu.dma_semaphore, #tpu.memory_space<semaphore_mem>>, %arg22: memref<!tpu.dma_semaphore, #tpu.memory_space<semaphore_mem>>, %arg23: memref<!tpu.dma_semaphore, #tpu.memory_space<semaphore_mem>>, %arg24: memref<!tpu.dma_semaphore, #tpu.memory_space<semaphore_mem>>, %arg25: memref<!tpu.dma_semaphore, #tpu.memory_space<semaphore_mem>>) attributes {dimension_semantics = [#tpu.dimension_semantics<core_parallel>, #tpu.dimension_semantics<subcore_parallel>], iteration_bounds = array<i64: 2, 16>, scalar_prefetch = 0 : i64, scratch_operands = 19 : i64, tpu.core_type = #tpu.core_type<sc_vector_subcore>, window_params = [{transform_indices = #map}, {transform_indices = #map}, {transform_indices = #map1}, {transform_indices = #map}, {transform_indices = #map}]} {
    %mul3A = arith.constant 2 : i32
    %mul3A_0 = arith.muli %arg1, %mul3A : i32
    %add3A = arith.addi %mul3A_0, %arg0 : i32
    %mul3A_1 = arith.constant 960 : i32
    %mul3A_2 = arith.muli %add3A, %mul3A_1 : i32
    "tpu.region"() ({
      %run_scoped3A = tpu.sem_alloc : memref<!tpu.dma_semaphore, #tpu.memory_space<semaphore_mem>>
      %dma_start3A_481 = arith.constant 0 : i32
      %dma_start3A_482 = arith.constant 0 : i32
      %dma_start3A_483 = tpu.memref_slice %arg4[%add3A, %dma_start3A_481, %dma_start3A_482] : memref<32x10x96xi32, #tpu.memory_space<hbm>> -> memref<1x10x96xi32, #tpu.memory_space<hbm>>
      %dma_start3A_484 = tpu.memref_squeeze %dma_start3A_483 : memref<1x10x96xi32, #tpu.memory_space<hbm>> -> memref<10x96xi32, #tpu.memory_space<hbm>>
      %dma_start3A_485 = arith.constant 0 : i32
      %dma_start3A_486 = arith.constant 0 : i32
      %dma_start3A_487 = tpu.memref_slice %arg4[%add3A, %dma_start3A_485, %dma_start3A_486] : memref<32x10x96xi32, #tpu.memory_space<hbm>> -> memref<1x10x96xi32, #tpu.memory_space<hbm>>
      %dma_start3A_488 = tpu.memref_squeeze %dma_start3A_487 : memref<1x10x96xi32, #tpu.memory_space<hbm>> -> memref<10x96xi32, #tpu.memory_space<hbm>>
      tpu.enqueue_dma source(%dma_start3A_488 : memref<10x96xi32, #tpu.memory_space<hbm>>) target(%arg7 : memref<10x96xi32, #tpu.memory_space<vmem>>) target_semaphore(%run_scoped3A : memref<!tpu.dma_semaphore, #tpu.memory_space<semaphore_mem>>)
      %dma_wait3A_489 = arith.constant 0 : i32
      %dma_wait3A_490 = arith.constant 0 : i32
      %dma_wait3A_491 = tpu.memref_slice %arg4[%add3A, %dma_wait3A_489, %dma_wait3A_490] : memref<32x10x96xi32, #tpu.memory_space<hbm>> -> memref<1x10x96xi32, #tpu.memory_space<hbm>>
      %dma_wait3A_492 = tpu.memref_squeeze %dma_wait3A_491 : memref<1x10x96xi32, #tpu.memory_space<hbm>> -> memref<10x96xi32, #tpu.memory_space<hbm>>
      %dma_wait3A_493 = arith.constant 0 : i32
      %dma_wait3A_494 = arith.constant 0 : i32
      %dma_wait3A_495 = tpu.memref_slice %arg4[%add3A, %dma_wait3A_493, %dma_wait3A_494] : memref<32x10x96xi32, #tpu.memory_space<hbm>> -> memref<1x10x96xi32, #tpu.memory_space<hbm>>
      %dma_wait3A_496 = tpu.memref_squeeze %dma_wait3A_495 : memref<1x10x96xi32, #tpu.memory_space<hbm>> -> memref<10x96xi32, #tpu.memory_space<hbm>>
      tpu.wait_dma2 semaphore(%run_scoped3A : memref<!tpu.dma_semaphore, #tpu.memory_space<semaphore_mem>>) src(%dma_wait3A_496 : memref<10x96xi32, #tpu.memory_space<hbm>>) dst(%arg7 : memref<10x96xi32, #tpu.memory_space<vmem>>)
      tpu.yield
    }) : () -> ()
    %add3A_3 = arith.constant 0 : i32
    %add3A_4 = arith.addi %mul3A_2, %add3A_3 : i32
    %dma_start3A = arith.constant 0 : i32
    %dma_start3A_5 = tpu.memref_slice %arg2[%add3A_4, %dma_start3A] : memref<30720x128xf32, #tpu.memory_space<hbm>> -> memref<96x128xf32, #tpu.memory_space<hbm>>
    %dma_start3A_6 = arith.constant 0 : i32
    %dma_start3A_7 = tpu.memref_slice %arg2[%add3A_4, %dma_start3A_6] : memref<30720x128xf32, #tpu.memory_space<hbm>> -> memref<96x128xf32, #tpu.memory_space<hbm>>
    tpu.enqueue_dma source(%dma_start3A_7 : memref<96x128xf32, #tpu.memory_space<hbm>>) target(%arg8 : memref<96x128xf32, #tpu.memory_space<vmem>>) target_semaphore(%arg14 : memref<!tpu.dma_semaphore, #tpu.memory_space<semaphore_mem>>)
    %add3A_8 = arith.constant 0 : i32
    %add3A_9 = arith.addi %mul3A_2, %add3A_8 : i32
    %dma_start3A_10 = arith.constant 0 : i32
    %dma_start3A_11 = tpu.memref_slice %arg3[%add3A_9, %dma_start3A_10] : memref<30720x128xf32, #tpu.memory_space<hbm>> -> memref<96x128xf32, #tpu.memory_space<hbm>>
    %dma_start3A_12 = arith.constant 0 : i32
    %dma_start3A_13 = tpu.memref_slice %arg3[%add3A_9, %dma_start3A_12] : memref<30720x128xf32, #tpu.memory_space<hbm>> -> memref<96x128xf32, #tpu.memory_space<hbm>>
    tpu.enqueue_dma source(%dma_start3A_13 : memref<96x128xf32, #tpu.memory_space<hbm>>) target(%arg11 : memref<96x128xf32, #tpu.memory_space<vmem>>) target_semaphore(%arg23 : memref<!tpu.dma_semaphore, #tpu.memory_space<semaphore_mem>>)
    %add3A_14 = arith.constant 96 : i32
    %add3A_15 = arith.addi %mul3A_2, %add3A_14 : i32
    %dma_start3A_16 = arith.constant 0 : i32
    %dma_start3A_17 = tpu.memref_slice %arg2[%add3A_15, %dma_start3A_16] : memref<30720x128xf32, #tpu.memory_space<hbm>> -> memref<96x128xf32, #tpu.memory_space<hbm>>
    %dma_start3A_18 = arith.constant 0 : i32
    %dma_start3A_19 = tpu.memref_slice %arg2[%add3A_15, %dma_start3A_18] : memref<30720x128xf32, #tpu.memory_space<hbm>> -> memref<96x128xf32, #tpu.memory_space<hbm>>
    tpu.enqueue_dma source(%dma_start3A_19 : memref<96x128xf32, #tpu.memory_space<hbm>>) target(%arg9 : memref<96x128xf32, #tpu.memory_space<vmem>>) target_semaphore(%arg15 : memref<!tpu.dma_semaphore, #tpu.memory_space<semaphore_mem>>)
    %add3A_20 = arith.constant 96 : i32
    %add3A_21 = arith.addi %mul3A_2, %add3A_20 : i32
    %dma_start3A_22 = arith.constant 0 : i32
    %dma_start3A_23 = tpu.memref_slice %arg3[%add3A_21, %dma_start3A_22] : memref<30720x128xf32, #tpu.memory_space<hbm>> -> memref<96x128xf32, #tpu.memory_space<hbm>>
    %dma_start3A_24 = arith.constant 0 : i32
    %dma_start3A_25 = tpu.memref_slice %arg3[%add3A_21, %dma_start3A_24] : memref<30720x128xf32, #tpu.memory_space<hbm>> -> memref<96x128xf32, #tpu.memory_space<hbm>>
    tpu.enqueue_dma source(%dma_start3A_25 : memref<96x128xf32, #tpu.memory_space<hbm>>) target(%arg12 : memref<96x128xf32, #tpu.memory_space<vmem>>) target_semaphore(%arg24 : memref<!tpu.dma_semaphore, #tpu.memory_space<semaphore_mem>>)
    %dma_wait3A = arith.constant 0 : i32
    %dma_wait3A_26 = tpu.memref_slice %arg2[%add3A_4, %dma_wait3A] : memref<30720x128xf32, #tpu.memory_space<hbm>> -> memref<96x128xf32, #tpu.memory_space<hbm>>
    %dma_wait3A_27 = arith.constant 0 : i32
    %dma_wait3A_28 = tpu.memref_slice %arg2[%add3A_4, %dma_wait3A_27] : memref<30720x128xf32, #tpu.memory_space<hbm>> -> memref<96x128xf32, #tpu.memory_space<hbm>>
    tpu.wait_dma2 semaphore(%arg14 : memref<!tpu.dma_semaphore, #tpu.memory_space<semaphore_mem>>) src(%dma_wait3A_28 : memref<96x128xf32, #tpu.memory_space<hbm>>) dst(%arg8 : memref<96x128xf32, #tpu.memory_space<vmem>>)
    %dma_wait3A_29 = arith.constant 0 : i32
    %dma_wait3A_30 = tpu.memref_slice %arg3[%add3A_9, %dma_wait3A_29] : memref<30720x128xf32, #tpu.memory_space<hbm>> -> memref<96x128xf32, #tpu.memory_space<hbm>>
    %dma_wait3A_31 = arith.constant 0 : i32
    %dma_wait3A_32 = tpu.memref_slice %arg3[%add3A_9, %dma_wait3A_31] : memref<30720x128xf32, #tpu.memory_space<hbm>> -> memref<96x128xf32, #tpu.memory_space<hbm>>
    tpu.wait_dma2 semaphore(%arg23 : memref<!tpu.dma_semaphore, #tpu.memory_space<semaphore_mem>>) src(%dma_wait3A_32 : memref<96x128xf32, #tpu.memory_space<hbm>>) dst(%arg11 : memref<96x128xf32, #tpu.memory_space<vmem>>)
    %dma_start3A_33 = arith.constant 0 : i32
    %dma_start3A_34 = arith.constant 0 : i32
    %dma_start3A_35 = tpu.memref_slice %arg7[%dma_start3A_33, %dma_start3A_34] : memref<10x96xi32, #tpu.memory_space<vmem>> -> memref<1x96xi32, #tpu.memory_space<vmem>>
    %dma_start3A_36 = tpu.memref_squeeze %dma_start3A_35 : memref<1x96xi32, #tpu.memory_space<vmem>> -> memref<96xi32, #tpu.memory_space<vmem>>
    %dma_start3A_37 = arith.constant 0 : i32
    %dma_start3A_38 = arith.constant 0 : i32
    %dma_start3A_39 = tpu.memref_slice %arg5[%dma_start3A_37, %dma_start3A_38] : memref<30720x128xf32, #tpu.memory_space<hbm>> -> memref<30720x128xf32, #tpu.memory_space<hbm>>
    tpu.enqueue_indirect_dma source(%arg8 : memref<96x128xf32, #tpu.memory_space<vmem>>) target(%dma_start3A_39 : memref<30720x128xf32, #tpu.memory_space<hbm>>) offsets(%dma_start3A_36 : memref<96xi32, #tpu.memory_space<vmem>>) semaphore(%arg17 : memref<!tpu.dma_semaphore, #tpu.memory_space<semaphore_mem>>)
    %dma_start3A_40 = arith.constant 0 : i32
    %dma_start3A_41 = arith.constant 0 : i32
    %dma_start3A_42 = tpu.memref_slice %arg7[%dma_start3A_40, %dma_start3A_41] : memref<10x96xi32, #tpu.memory_space<vmem>> -> memref<1x96xi32, #tpu.memory_space<vmem>>
    %dma_start3A_43 = tpu.memref_squeeze %dma_start3A_42 : memref<1x96xi32, #tpu.memory_space<vmem>> -> memref<96xi32, #tpu.memory_space<vmem>>
    %dma_start3A_44 = arith.constant 0 : i32
    %dma_start3A_45 = arith.constant 0 : i32
    %dma_start3A_46 = tpu.memref_slice %arg6[%dma_start3A_44, %dma_start3A_45] : memref<30720x128xf32, #tpu.memory_space<hbm>> -> memref<30720x128xf32, #tpu.memory_space<hbm>>
    tpu.enqueue_indirect_dma source(%arg11 : memref<96x128xf32, #tpu.memory_space<vmem>>) target(%dma_start3A_46 : memref<30720x128xf32, #tpu.memory_space<hbm>>) offsets(%dma_start3A_43 : memref<96xi32, #tpu.memory_space<vmem>>) semaphore(%arg20 : memref<!tpu.dma_semaphore, #tpu.memory_space<semaphore_mem>>)
    %add3A_47 = arith.constant 192 : i32
    %add3A_48 = arith.addi %mul3A_2, %add3A_47 : i32
    %dma_start3A_49 = arith.constant 0 : i32
    %dma_start3A_50 = tpu.memref_slice %arg2[%add3A_48, %dma_start3A_49] : memref<30720x128xf32, #tpu.memory_space<hbm>> -> memref<96x128xf32, #tpu.memory_space<hbm>>
    %dma_start3A_51 = arith.constant 0 : i32
    %dma_start3A_52 = tpu.memref_slice %arg2[%add3A_48, %dma_start3A_51] : memref<30720x128xf32, #tpu.memory_space<hbm>> -> memref<96x128xf32, #tpu.memory_space<hbm>>
    tpu.enqueue_dma source(%dma_start3A_52 : memref<96x128xf32, #tpu.memory_space<hbm>>) target(%arg10 : memref<96x128xf32, #tpu.memory_space<vmem>>) target_semaphore(%arg16 : memref<!tpu.dma_semaphore, #tpu.memory_space<semaphore_mem>>)
    %add3A_53 = arith.constant 192 : i32
    %add3A_54 = arith.addi %mul3A_2, %add3A_53 : i32
    %dma_start3A_55 = arith.constant 0 : i32
    %dma_start3A_56 = tpu.memref_slice %arg3[%add3A_54, %dma_start3A_55] : memref<30720x128xf32, #tpu.memory_space<hbm>> -> memref<96x128xf32, #tpu.memory_space<hbm>>
    %dma_start3A_57 = arith.constant 0 : i32
    %dma_start3A_58 = tpu.memref_slice %arg3[%add3A_54, %dma_start3A_57] : memref<30720x128xf32, #tpu.memory_space<hbm>> -> memref<96x128xf32, #tpu.memory_space<hbm>>
    tpu.enqueue_dma source(%dma_start3A_58 : memref<96x128xf32, #tpu.memory_space<hbm>>) target(%arg13 : memref<96x128xf32, #tpu.memory_space<vmem>>) target_semaphore(%arg25 : memref<!tpu.dma_semaphore, #tpu.memory_space<semaphore_mem>>)
    %dma_wait3A_59 = arith.constant 0 : i32
    %dma_wait3A_60 = tpu.memref_slice %arg2[%add3A_15, %dma_wait3A_59] : memref<30720x128xf32, #tpu.memory_space<hbm>> -> memref<96x128xf32, #tpu.memory_space<hbm>>
    %dma_wait3A_61 = arith.constant 0 : i32
    %dma_wait3A_62 = tpu.memref_slice %arg2[%add3A_15, %dma_wait3A_61] : memref<30720x128xf32, #tpu.memory_space<hbm>> -> memref<96x128xf32, #tpu.memory_space<hbm>>
    tpu.wait_dma2 semaphore(%arg15 : memref<!tpu.dma_semaphore, #tpu.memory_space<semaphore_mem>>) src(%dma_wait3A_62 : memref<96x128xf32, #tpu.memory_space<hbm>>) dst(%arg9 : memref<96x128xf32, #tpu.memory_space<vmem>>)
    %dma_wait3A_63 = arith.constant 0 : i32
    %dma_wait3A_64 = tpu.memref_slice %arg3[%add3A_21, %dma_wait3A_63] : memref<30720x128xf32, #tpu.memory_space<hbm>> -> memref<96x128xf32, #tpu.memory_space<hbm>>
    %dma_wait3A_65 = arith.constant 0 : i32
    %dma_wait3A_66 = tpu.memref_slice %arg3[%add3A_21, %dma_wait3A_65] : memref<30720x128xf32, #tpu.memory_space<hbm>> -> memref<96x128xf32, #tpu.memory_space<hbm>>
    tpu.wait_dma2 semaphore(%arg24 : memref<!tpu.dma_semaphore, #tpu.memory_space<semaphore_mem>>) src(%dma_wait3A_66 : memref<96x128xf32, #tpu.memory_space<hbm>>) dst(%arg12 : memref<96x128xf32, #tpu.memory_space<vmem>>)
    %dma_start3A_67 = arith.constant 1 : i32
    %dma_start3A_68 = arith.constant 0 : i32
    %dma_start3A_69 = tpu.memref_slice %arg7[%dma_start3A_67, %dma_start3A_68] : memref<10x96xi32, #tpu.memory_space<vmem>> -> memref<1x96xi32, #tpu.memory_space<vmem>>
    %dma_start3A_70 = tpu.memref_squeeze %dma_start3A_69 : memref<1x96xi32, #tpu.memory_space<vmem>> -> memref<96xi32, #tpu.memory_space<vmem>>
    %dma_start3A_71 = arith.constant 0 : i32
    %dma_start3A_72 = arith.constant 0 : i32
    %dma_start3A_73 = tpu.memref_slice %arg5[%dma_start3A_71, %dma_start3A_72] : memref<30720x128xf32, #tpu.memory_space<hbm>> -> memref<30720x128xf32, #tpu.memory_space<hbm>>
    tpu.enqueue_indirect_dma source(%arg9 : memref<96x128xf32, #tpu.memory_space<vmem>>) target(%dma_start3A_73 : memref<30720x128xf32, #tpu.memory_space<hbm>>) offsets(%dma_start3A_70 : memref<96xi32, #tpu.memory_space<vmem>>) semaphore(%arg18 : memref<!tpu.dma_semaphore, #tpu.memory_space<semaphore_mem>>)
    %dma_start3A_74 = arith.constant 1 : i32
    %dma_start3A_75 = arith.constant 0 : i32
    %dma_start3A_76 = tpu.memref_slice %arg7[%dma_start3A_74, %dma_start3A_75] : memref<10x96xi32, #tpu.memory_space<vmem>> -> memref<1x96xi32, #tpu.memory_space<vmem>>
    %dma_start3A_77 = tpu.memref_squeeze %dma_start3A_76 : memref<1x96xi32, #tpu.memory_space<vmem>> -> memref<96xi32, #tpu.memory_space<vmem>>
    %dma_start3A_78 = arith.constant 0 : i32
    %dma_start3A_79 = arith.constant 0 : i32
    %dma_start3A_80 = tpu.memref_slice %arg6[%dma_start3A_78, %dma_start3A_79] : memref<30720x128xf32, #tpu.memory_space<hbm>> -> memref<30720x128xf32, #tpu.memory_space<hbm>>
    tpu.enqueue_indirect_dma source(%arg12 : memref<96x128xf32, #tpu.memory_space<vmem>>) target(%dma_start3A_80 : memref<30720x128xf32, #tpu.memory_space<hbm>>) offsets(%dma_start3A_77 : memref<96xi32, #tpu.memory_space<vmem>>) semaphore(%arg21 : memref<!tpu.dma_semaphore, #tpu.memory_space<semaphore_mem>>)
    %dma_wait3A_81 = arith.constant 0 : i32
    %dma_wait3A_82 = arith.constant 0 : i32
    %dma_wait3A_83 = tpu.memref_slice %arg7[%dma_wait3A_81, %dma_wait3A_82] : memref<10x96xi32, #tpu.memory_space<vmem>> -> memref<1x96xi32, #tpu.memory_space<vmem>>
    %dma_wait3A_84 = tpu.memref_squeeze %dma_wait3A_83 : memref<1x96xi32, #tpu.memory_space<vmem>> -> memref<96xi32, #tpu.memory_space<vmem>>
    %dma_wait3A_85 = arith.constant 0 : i32
    %dma_wait3A_86 = arith.constant 0 : i32
    %dma_wait3A_87 = tpu.memref_slice %arg5[%dma_wait3A_85, %dma_wait3A_86] : memref<30720x128xf32, #tpu.memory_space<hbm>> -> memref<30720x128xf32, #tpu.memory_space<hbm>>
    tpu.wait_indirect_dma semaphore(%arg17 : memref<!tpu.dma_semaphore, #tpu.memory_space<semaphore_mem>>) src(%arg8 : memref<96x128xf32, #tpu.memory_space<vmem>>) dst(%dma_wait3A_87 : memref<30720x128xf32, #tpu.memory_space<hbm>>)
    %dma_wait3A_88 = arith.constant 0 : i32
    %dma_wait3A_89 = arith.constant 0 : i32
    %dma_wait3A_90 = tpu.memref_slice %arg7[%dma_wait3A_88, %dma_wait3A_89] : memref<10x96xi32, #tpu.memory_space<vmem>> -> memref<1x96xi32, #tpu.memory_space<vmem>>
    %dma_wait3A_91 = tpu.memref_squeeze %dma_wait3A_90 : memref<1x96xi32, #tpu.memory_space<vmem>> -> memref<96xi32, #tpu.memory_space<vmem>>
    %dma_wait3A_92 = arith.constant 0 : i32
    %dma_wait3A_93 = arith.constant 0 : i32
    %dma_wait3A_94 = tpu.memref_slice %arg6[%dma_wait3A_92, %dma_wait3A_93] : memref<30720x128xf32, #tpu.memory_space<hbm>> -> memref<30720x128xf32, #tpu.memory_space<hbm>>
    tpu.wait_indirect_dma semaphore(%arg20 : memref<!tpu.dma_semaphore, #tpu.memory_space<semaphore_mem>>) src(%arg11 : memref<96x128xf32, #tpu.memory_space<vmem>>) dst(%dma_wait3A_94 : memref<30720x128xf32, #tpu.memory_space<hbm>>)
    %add3A_95 = arith.constant 288 : i32
    %add3A_96 = arith.addi %mul3A_2, %add3A_95 : i32
    %dma_start3A_97 = arith.constant 0 : i32
    %dma_start3A_98 = tpu.memref_slice %arg2[%add3A_96, %dma_start3A_97] : memref<30720x128xf32, #tpu.memory_space<hbm>> -> memref<96x128xf32, #tpu.memory_space<hbm>>
    %dma_start3A_99 = arith.constant 0 : i32
    %dma_start3A_100 = tpu.memref_slice %arg2[%add3A_96, %dma_start3A_99] : memref<30720x128xf32, #tpu.memory_space<hbm>> -> memref<96x128xf32, #tpu.memory_space<hbm>>
    tpu.enqueue_dma source(%dma_start3A_100 : memref<96x128xf32, #tpu.memory_space<hbm>>) target(%arg8 : memref<96x128xf32, #tpu.memory_space<vmem>>) target_semaphore(%arg14 : memref<!tpu.dma_semaphore, #tpu.memory_space<semaphore_mem>>)
    %add3A_101 = arith.constant 288 : i32
    %add3A_102 = arith.addi %mul3A_2, %add3A_101 : i32
    %dma_start3A_103 = arith.constant 0 : i32
    %dma_start3A_104 = tpu.memref_slice %arg3[%add3A_102, %dma_start3A_103] : memref<30720x128xf32, #tpu.memory_space<hbm>> -> memref<96x128xf32, #tpu.memory_space<hbm>>
    %dma_start3A_105 = arith.constant 0 : i32
    %dma_start3A_106 = tpu.memref_slice %arg3[%add3A_102, %dma_start3A_105] : memref<30720x128xf32, #tpu.memory_space<hbm>> -> memref<96x128xf32, #tpu.memory_space<hbm>>
    tpu.enqueue_dma source(%dma_start3A_106 : memref<96x128xf32, #tpu.memory_space<hbm>>) target(%arg11 : memref<96x128xf32, #tpu.memory_space<vmem>>) target_semaphore(%arg23 : memref<!tpu.dma_semaphore, #tpu.memory_space<semaphore_mem>>)
    %dma_wait3A_107 = arith.constant 0 : i32
    %dma_wait3A_108 = tpu.memref_slice %arg2[%add3A_48, %dma_wait3A_107] : memref<30720x128xf32, #tpu.memory_space<hbm>> -> memref<96x128xf32, #tpu.memory_space<hbm>>
    %dma_wait3A_109 = arith.constant 0 : i32
    %dma_wait3A_110 = tpu.memref_slice %arg2[%add3A_48, %dma_wait3A_109] : memref<30720x128xf32, #tpu.memory_space<hbm>> -> memref<96x128xf32, #tpu.memory_space<hbm>>
    tpu.wait_dma2 semaphore(%arg16 : memref<!tpu.dma_semaphore, #tpu.memory_space<semaphore_mem>>) src(%dma_wait3A_110 : memref<96x128xf32, #tpu.memory_space<hbm>>) dst(%arg10 : memref<96x128xf32, #tpu.memory_space<vmem>>)
    %dma_wait3A_111 = arith.constant 0 : i32
    %dma_wait3A_112 = tpu.memref_slice %arg3[%add3A_54, %dma_wait3A_111] : memref<30720x128xf32, #tpu.memory_space<hbm>> -> memref<96x128xf32, #tpu.memory_space<hbm>>
    %dma_wait3A_113 = arith.constant 0 : i32
    %dma_wait3A_114 = tpu.memref_slice %arg3[%add3A_54, %dma_wait3A_113] : memref<30720x128xf32, #tpu.memory_space<hbm>> -> memref<96x128xf32, #tpu.memory_space<hbm>>
    tpu.wait_dma2 semaphore(%arg25 : memref<!tpu.dma_semaphore, #tpu.memory_space<semaphore_mem>>) src(%dma_wait3A_114 : memref<96x128xf32, #tpu.memory_space<hbm>>) dst(%arg13 : memref<96x128xf32, #tpu.memory_space<vmem>>)
    %dma_start3A_115 = arith.constant 2 : i32
    %dma_start3A_116 = arith.constant 0 : i32
    %dma_start3A_117 = tpu.memref_slice %arg7[%dma_start3A_115, %dma_start3A_116] : memref<10x96xi32, #tpu.memory_space<vmem>> -> memref<1x96xi32, #tpu.memory_space<vmem>>
    %dma_start3A_118 = tpu.memref_squeeze %dma_start3A_117 : memref<1x96xi32, #tpu.memory_space<vmem>> -> memref<96xi32, #tpu.memory_space<vmem>>
    %dma_start3A_119 = arith.constant 0 : i32
    %dma_start3A_120 = arith.constant 0 : i32
    %dma_start3A_121 = tpu.memref_slice %arg5[%dma_start3A_119, %dma_start3A_120] : memref<30720x128xf32, #tpu.memory_space<hbm>> -> memref<30720x128xf32, #tpu.memory_space<hbm>>
    tpu.enqueue_indirect_dma source(%arg10 : memref<96x128xf32, #tpu.memory_space<vmem>>) target(%dma_start3A_121 : memref<30720x128xf32, #tpu.memory_space<hbm>>) offsets(%dma_start3A_118 : memref<96xi32, #tpu.memory_space<vmem>>) semaphore(%arg19 : memref<!tpu.dma_semaphore, #tpu.memory_space<semaphore_mem>>)
    %dma_start3A_122 = arith.constant 2 : i32
    %dma_start3A_123 = arith.constant 0 : i32
    %dma_start3A_124 = tpu.memref_slice %arg7[%dma_start3A_122, %dma_start3A_123] : memref<10x96xi32, #tpu.memory_space<vmem>> -> memref<1x96xi32, #tpu.memory_space<vmem>>
    %dma_start3A_125 = tpu.memref_squeeze %dma_start3A_124 : memref<1x96xi32, #tpu.memory_space<vmem>> -> memref<96xi32, #tpu.memory_space<vmem>>
    %dma_start3A_126 = arith.constant 0 : i32
    %dma_start3A_127 = arith.constant 0 : i32
    %dma_start3A_128 = tpu.memref_slice %arg6[%dma_start3A_126, %dma_start3A_127] : memref<30720x128xf32, #tpu.memory_space<hbm>> -> memref<30720x128xf32, #tpu.memory_space<hbm>>
    tpu.enqueue_indirect_dma source(%arg13 : memref<96x128xf32, #tpu.memory_space<vmem>>) target(%dma_start3A_128 : memref<30720x128xf32, #tpu.memory_space<hbm>>) offsets(%dma_start3A_125 : memref<96xi32, #tpu.memory_space<vmem>>) semaphore(%arg22 : memref<!tpu.dma_semaphore, #tpu.memory_space<semaphore_mem>>)
    %dma_wait3A_129 = arith.constant 1 : i32
    %dma_wait3A_130 = arith.constant 0 : i32
    %dma_wait3A_131 = tpu.memref_slice %arg7[%dma_wait3A_129, %dma_wait3A_130] : memref<10x96xi32, #tpu.memory_space<vmem>> -> memref<1x96xi32, #tpu.memory_space<vmem>>
    %dma_wait3A_132 = tpu.memref_squeeze %dma_wait3A_131 : memref<1x96xi32, #tpu.memory_space<vmem>> -> memref<96xi32, #tpu.memory_space<vmem>>
    %dma_wait3A_133 = arith.constant 0 : i32
    %dma_wait3A_134 = arith.constant 0 : i32
    %dma_wait3A_135 = tpu.memref_slice %arg5[%dma_wait3A_133, %dma_wait3A_134] : memref<30720x128xf32, #tpu.memory_space<hbm>> -> memref<30720x128xf32, #tpu.memory_space<hbm>>
    tpu.wait_indirect_dma semaphore(%arg18 : memref<!tpu.dma_semaphore, #tpu.memory_space<semaphore_mem>>) src(%arg9 : memref<96x128xf32, #tpu.memory_space<vmem>>) dst(%dma_wait3A_135 : memref<30720x128xf32, #tpu.memory_space<hbm>>)
    %dma_wait3A_136 = arith.constant 1 : i32
    %dma_wait3A_137 = arith.constant 0 : i32
    %dma_wait3A_138 = tpu.memref_slice %arg7[%dma_wait3A_136, %dma_wait3A_137] : memref<10x96xi32, #tpu.memory_space<vmem>> -> memref<1x96xi32, #tpu.memory_space<vmem>>
    %dma_wait3A_139 = tpu.memref_squeeze %dma_wait3A_138 : memref<1x96xi32, #tpu.memory_space<vmem>> -> memref<96xi32, #tpu.memory_space<vmem>>
    %dma_wait3A_140 = arith.constant 0 : i32
    %dma_wait3A_141 = arith.constant 0 : i32
    %dma_wait3A_142 = tpu.memref_slice %arg6[%dma_wait3A_140, %dma_wait3A_141] : memref<30720x128xf32, #tpu.memory_space<hbm>> -> memref<30720x128xf32, #tpu.memory_space<hbm>>
    tpu.wait_indirect_dma semaphore(%arg21 : memref<!tpu.dma_semaphore, #tpu.memory_space<semaphore_mem>>) src(%arg12 : memref<96x128xf32, #tpu.memory_space<vmem>>) dst(%dma_wait3A_142 : memref<30720x128xf32, #tpu.memory_space<hbm>>)
    %add3A_143 = arith.constant 384 : i32
    %add3A_144 = arith.addi %mul3A_2, %add3A_143 : i32
    %dma_start3A_145 = arith.constant 0 : i32
    %dma_start3A_146 = tpu.memref_slice %arg2[%add3A_144, %dma_start3A_145] : memref<30720x128xf32, #tpu.memory_space<hbm>> -> memref<96x128xf32, #tpu.memory_space<hbm>>
    %dma_start3A_147 = arith.constant 0 : i32
    %dma_start3A_148 = tpu.memref_slice %arg2[%add3A_144, %dma_start3A_147] : memref<30720x128xf32, #tpu.memory_space<hbm>> -> memref<96x128xf32, #tpu.memory_space<hbm>>
    tpu.enqueue_dma source(%dma_start3A_148 : memref<96x128xf32, #tpu.memory_space<hbm>>) target(%arg9 : memref<96x128xf32, #tpu.memory_space<vmem>>) target_semaphore(%arg15 : memref<!tpu.dma_semaphore, #tpu.memory_space<semaphore_mem>>)
    %add3A_149 = arith.constant 384 : i32
    %add3A_150 = arith.addi %mul3A_2, %add3A_149 : i32
    %dma_start3A_151 = arith.constant 0 : i32
    %dma_start3A_152 = tpu.memref_slice %arg3[%add3A_150, %dma_start3A_151] : memref<30720x128xf32, #tpu.memory_space<hbm>> -> memref<96x128xf32, #tpu.memory_space<hbm>>
    %dma_start3A_153 = arith.constant 0 : i32
    %dma_start3A_154 = tpu.memref_slice %arg3[%add3A_150, %dma_start3A_153] : memref<30720x128xf32, #tpu.memory_space<hbm>> -> memref<96x128xf32, #tpu.memory_space<hbm>>
    tpu.enqueue_dma source(%dma_start3A_154 : memref<96x128xf32, #tpu.memory_space<hbm>>) target(%arg12 : memref<96x128xf32, #tpu.memory_space<vmem>>) target_semaphore(%arg24 : memref<!tpu.dma_semaphore, #tpu.memory_space<semaphore_mem>>)
    %dma_wait3A_155 = arith.constant 0 : i32
    %dma_wait3A_156 = tpu.memref_slice %arg2[%add3A_96, %dma_wait3A_155] : memref<30720x128xf32, #tpu.memory_space<hbm>> -> memref<96x128xf32, #tpu.memory_space<hbm>>
    %dma_wait3A_157 = arith.constant 0 : i32
    %dma_wait3A_158 = tpu.memref_slice %arg2[%add3A_96, %dma_wait3A_157] : memref<30720x128xf32, #tpu.memory_space<hbm>> -> memref<96x128xf32, #tpu.memory_space<hbm>>
    tpu.wait_dma2 semaphore(%arg14 : memref<!tpu.dma_semaphore, #tpu.memory_space<semaphore_mem>>) src(%dma_wait3A_158 : memref<96x128xf32, #tpu.memory_space<hbm>>) dst(%arg8 : memref<96x128xf32, #tpu.memory_space<vmem>>)
    %dma_wait3A_159 = arith.constant 0 : i32
    %dma_wait3A_160 = tpu.memref_slice %arg3[%add3A_102, %dma_wait3A_159] : memref<30720x128xf32, #tpu.memory_space<hbm>> -> memref<96x128xf32, #tpu.memory_space<hbm>>
    %dma_wait3A_161 = arith.constant 0 : i32
    %dma_wait3A_162 = tpu.memref_slice %arg3[%add3A_102, %dma_wait3A_161] : memref<30720x128xf32, #tpu.memory_space<hbm>> -> memref<96x128xf32, #tpu.memory_space<hbm>>
    tpu.wait_dma2 semaphore(%arg23 : memref<!tpu.dma_semaphore, #tpu.memory_space<semaphore_mem>>) src(%dma_wait3A_162 : memref<96x128xf32, #tpu.memory_space<hbm>>) dst(%arg11 : memref<96x128xf32, #tpu.memory_space<vmem>>)
    %dma_start3A_163 = arith.constant 3 : i32
    %dma_start3A_164 = arith.constant 0 : i32
    %dma_start3A_165 = tpu.memref_slice %arg7[%dma_start3A_163, %dma_start3A_164] : memref<10x96xi32, #tpu.memory_space<vmem>> -> memref<1x96xi32, #tpu.memory_space<vmem>>
    %dma_start3A_166 = tpu.memref_squeeze %dma_start3A_165 : memref<1x96xi32, #tpu.memory_space<vmem>> -> memref<96xi32, #tpu.memory_space<vmem>>
    %dma_start3A_167 = arith.constant 0 : i32
    %dma_start3A_168 = arith.constant 0 : i32
    %dma_start3A_169 = tpu.memref_slice %arg5[%dma_start3A_167, %dma_start3A_168] : memref<30720x128xf32, #tpu.memory_space<hbm>> -> memref<30720x128xf32, #tpu.memory_space<hbm>>
    tpu.enqueue_indirect_dma source(%arg8 : memref<96x128xf32, #tpu.memory_space<vmem>>) target(%dma_start3A_169 : memref<30720x128xf32, #tpu.memory_space<hbm>>) offsets(%dma_start3A_166 : memref<96xi32, #tpu.memory_space<vmem>>) semaphore(%arg17 : memref<!tpu.dma_semaphore, #tpu.memory_space<semaphore_mem>>)
    %dma_start3A_170 = arith.constant 3 : i32
    %dma_start3A_171 = arith.constant 0 : i32
    %dma_start3A_172 = tpu.memref_slice %arg7[%dma_start3A_170, %dma_start3A_171] : memref<10x96xi32, #tpu.memory_space<vmem>> -> memref<1x96xi32, #tpu.memory_space<vmem>>
    %dma_start3A_173 = tpu.memref_squeeze %dma_start3A_172 : memref<1x96xi32, #tpu.memory_space<vmem>> -> memref<96xi32, #tpu.memory_space<vmem>>
    %dma_start3A_174 = arith.constant 0 : i32
    %dma_start3A_175 = arith.constant 0 : i32
    %dma_start3A_176 = tpu.memref_slice %arg6[%dma_start3A_174, %dma_start3A_175] : memref<30720x128xf32, #tpu.memory_space<hbm>> -> memref<30720x128xf32, #tpu.memory_space<hbm>>
    tpu.enqueue_indirect_dma source(%arg11 : memref<96x128xf32, #tpu.memory_space<vmem>>) target(%dma_start3A_176 : memref<30720x128xf32, #tpu.memory_space<hbm>>) offsets(%dma_start3A_173 : memref<96xi32, #tpu.memory_space<vmem>>) semaphore(%arg20 : memref<!tpu.dma_semaphore, #tpu.memory_space<semaphore_mem>>)
    %dma_wait3A_177 = arith.constant 2 : i32
    %dma_wait3A_178 = arith.constant 0 : i32
    %dma_wait3A_179 = tpu.memref_slice %arg7[%dma_wait3A_177, %dma_wait3A_178] : memref<10x96xi32, #tpu.memory_space<vmem>> -> memref<1x96xi32, #tpu.memory_space<vmem>>
    %dma_wait3A_180 = tpu.memref_squeeze %dma_wait3A_179 : memref<1x96xi32, #tpu.memory_space<vmem>> -> memref<96xi32, #tpu.memory_space<vmem>>
    %dma_wait3A_181 = arith.constant 0 : i32
    %dma_wait3A_182 = arith.constant 0 : i32
    %dma_wait3A_183 = tpu.memref_slice %arg5[%dma_wait3A_181, %dma_wait3A_182] : memref<30720x128xf32, #tpu.memory_space<hbm>> -> memref<30720x128xf32, #tpu.memory_space<hbm>>
    tpu.wait_indirect_dma semaphore(%arg19 : memref<!tpu.dma_semaphore, #tpu.memory_space<semaphore_mem>>) src(%arg10 : memref<96x128xf32, #tpu.memory_space<vmem>>) dst(%dma_wait3A_183 : memref<30720x128xf32, #tpu.memory_space<hbm>>)
    %dma_wait3A_184 = arith.constant 2 : i32
    %dma_wait3A_185 = arith.constant 0 : i32
    %dma_wait3A_186 = tpu.memref_slice %arg7[%dma_wait3A_184, %dma_wait3A_185] : memref<10x96xi32, #tpu.memory_space<vmem>> -> memref<1x96xi32, #tpu.memory_space<vmem>>
    %dma_wait3A_187 = tpu.memref_squeeze %dma_wait3A_186 : memref<1x96xi32, #tpu.memory_space<vmem>> -> memref<96xi32, #tpu.memory_space<vmem>>
    %dma_wait3A_188 = arith.constant 0 : i32
    %dma_wait3A_189 = arith.constant 0 : i32
    %dma_wait3A_190 = tpu.memref_slice %arg6[%dma_wait3A_188, %dma_wait3A_189] : memref<30720x128xf32, #tpu.memory_space<hbm>> -> memref<30720x128xf32, #tpu.memory_space<hbm>>
    tpu.wait_indirect_dma semaphore(%arg22 : memref<!tpu.dma_semaphore, #tpu.memory_space<semaphore_mem>>) src(%arg13 : memref<96x128xf32, #tpu.memory_space<vmem>>) dst(%dma_wait3A_190 : memref<30720x128xf32, #tpu.memory_space<hbm>>)
    %add3A_191 = arith.constant 480 : i32
    %add3A_192 = arith.addi %mul3A_2, %add3A_191 : i32
    %dma_start3A_193 = arith.constant 0 : i32
    %dma_start3A_194 = tpu.memref_slice %arg2[%add3A_192, %dma_start3A_193] : memref<30720x128xf32, #tpu.memory_space<hbm>> -> memref<96x128xf32, #tpu.memory_space<hbm>>
    %dma_start3A_195 = arith.constant 0 : i32
    %dma_start3A_196 = tpu.memref_slice %arg2[%add3A_192, %dma_start3A_195] : memref<30720x128xf32, #tpu.memory_space<hbm>> -> memref<96x128xf32, #tpu.memory_space<hbm>>
    tpu.enqueue_dma source(%dma_start3A_196 : memref<96x128xf32, #tpu.memory_space<hbm>>) target(%arg10 : memref<96x128xf32, #tpu.memory_space<vmem>>) target_semaphore(%arg16 : memref<!tpu.dma_semaphore, #tpu.memory_space<semaphore_mem>>)
    %add3A_197 = arith.constant 480 : i32
    %add3A_198 = arith.addi %mul3A_2, %add3A_197 : i32
    %dma_start3A_199 = arith.constant 0 : i32
    %dma_start3A_200 = tpu.memref_slice %arg3[%add3A_198, %dma_start3A_199] : memref<30720x128xf32, #tpu.memory_space<hbm>> -> memref<96x128xf32, #tpu.memory_space<hbm>>
    %dma_start3A_201 = arith.constant 0 : i32
    %dma_start3A_202 = tpu.memref_slice %arg3[%add3A_198, %dma_start3A_201] : memref<30720x128xf32, #tpu.memory_space<hbm>> -> memref<96x128xf32, #tpu.memory_space<hbm>>
    tpu.enqueue_dma source(%dma_start3A_202 : memref<96x128xf32, #tpu.memory_space<hbm>>) target(%arg13 : memref<96x128xf32, #tpu.memory_space<vmem>>) target_semaphore(%arg25 : memref<!tpu.dma_semaphore, #tpu.memory_space<semaphore_mem>>)
    %dma_wait3A_203 = arith.constant 0 : i32
    %dma_wait3A_204 = tpu.memref_slice %arg2[%add3A_144, %dma_wait3A_203] : memref<30720x128xf32, #tpu.memory_space<hbm>> -> memref<96x128xf32, #tpu.memory_space<hbm>>
    %dma_wait3A_205 = arith.constant 0 : i32
    %dma_wait3A_206 = tpu.memref_slice %arg2[%add3A_144, %dma_wait3A_205] : memref<30720x128xf32, #tpu.memory_space<hbm>> -> memref<96x128xf32, #tpu.memory_space<hbm>>
    tpu.wait_dma2 semaphore(%arg15 : memref<!tpu.dma_semaphore, #tpu.memory_space<semaphore_mem>>) src(%dma_wait3A_206 : memref<96x128xf32, #tpu.memory_space<hbm>>) dst(%arg9 : memref<96x128xf32, #tpu.memory_space<vmem>>)
    %dma_wait3A_207 = arith.constant 0 : i32
    %dma_wait3A_208 = tpu.memref_slice %arg3[%add3A_150, %dma_wait3A_207] : memref<30720x128xf32, #tpu.memory_space<hbm>> -> memref<96x128xf32, #tpu.memory_space<hbm>>
    %dma_wait3A_209 = arith.constant 0 : i32
    %dma_wait3A_210 = tpu.memref_slice %arg3[%add3A_150, %dma_wait3A_209] : memref<30720x128xf32, #tpu.memory_space<hbm>> -> memref<96x128xf32, #tpu.memory_space<hbm>>
    tpu.wait_dma2 semaphore(%arg24 : memref<!tpu.dma_semaphore, #tpu.memory_space<semaphore_mem>>) src(%dma_wait3A_210 : memref<96x128xf32, #tpu.memory_space<hbm>>) dst(%arg12 : memref<96x128xf32, #tpu.memory_space<vmem>>)
    %dma_start3A_211 = arith.constant 4 : i32
    %dma_start3A_212 = arith.constant 0 : i32
    %dma_start3A_213 = tpu.memref_slice %arg7[%dma_start3A_211, %dma_start3A_212] : memref<10x96xi32, #tpu.memory_space<vmem>> -> memref<1x96xi32, #tpu.memory_space<vmem>>
    %dma_start3A_214 = tpu.memref_squeeze %dma_start3A_213 : memref<1x96xi32, #tpu.memory_space<vmem>> -> memref<96xi32, #tpu.memory_space<vmem>>
    %dma_start3A_215 = arith.constant 0 : i32
    %dma_start3A_216 = arith.constant 0 : i32
    %dma_start3A_217 = tpu.memref_slice %arg5[%dma_start3A_215, %dma_start3A_216] : memref<30720x128xf32, #tpu.memory_space<hbm>> -> memref<30720x128xf32, #tpu.memory_space<hbm>>
    tpu.enqueue_indirect_dma source(%arg9 : memref<96x128xf32, #tpu.memory_space<vmem>>) target(%dma_start3A_217 : memref<30720x128xf32, #tpu.memory_space<hbm>>) offsets(%dma_start3A_214 : memref<96xi32, #tpu.memory_space<vmem>>) semaphore(%arg18 : memref<!tpu.dma_semaphore, #tpu.memory_space<semaphore_mem>>)
    %dma_start3A_218 = arith.constant 4 : i32
    %dma_start3A_219 = arith.constant 0 : i32
    %dma_start3A_220 = tpu.memref_slice %arg7[%dma_start3A_218, %dma_start3A_219] : memref<10x96xi32, #tpu.memory_space<vmem>> -> memref<1x96xi32, #tpu.memory_space<vmem>>
    %dma_start3A_221 = tpu.memref_squeeze %dma_start3A_220 : memref<1x96xi32, #tpu.memory_space<vmem>> -> memref<96xi32, #tpu.memory_space<vmem>>
    %dma_start3A_222 = arith.constant 0 : i32
    %dma_start3A_223 = arith.constant 0 : i32
    %dma_start3A_224 = tpu.memref_slice %arg6[%dma_start3A_222, %dma_start3A_223] : memref<30720x128xf32, #tpu.memory_space<hbm>> -> memref<30720x128xf32, #tpu.memory_space<hbm>>
    tpu.enqueue_indirect_dma source(%arg12 : memref<96x128xf32, #tpu.memory_space<vmem>>) target(%dma_start3A_224 : memref<30720x128xf32, #tpu.memory_space<hbm>>) offsets(%dma_start3A_221 : memref<96xi32, #tpu.memory_space<vmem>>) semaphore(%arg21 : memref<!tpu.dma_semaphore, #tpu.memory_space<semaphore_mem>>)
    %dma_wait3A_225 = arith.constant 3 : i32
    %dma_wait3A_226 = arith.constant 0 : i32
    %dma_wait3A_227 = tpu.memref_slice %arg7[%dma_wait3A_225, %dma_wait3A_226] : memref<10x96xi32, #tpu.memory_space<vmem>> -> memref<1x96xi32, #tpu.memory_space<vmem>>
    %dma_wait3A_228 = tpu.memref_squeeze %dma_wait3A_227 : memref<1x96xi32, #tpu.memory_space<vmem>> -> memref<96xi32, #tpu.memory_space<vmem>>
    %dma_wait3A_229 = arith.constant 0 : i32
    %dma_wait3A_230 = arith.constant 0 : i32
    %dma_wait3A_231 = tpu.memref_slice %arg5[%dma_wait3A_229, %dma_wait3A_230] : memref<30720x128xf32, #tpu.memory_space<hbm>> -> memref<30720x128xf32, #tpu.memory_space<hbm>>
    tpu.wait_indirect_dma semaphore(%arg17 : memref<!tpu.dma_semaphore, #tpu.memory_space<semaphore_mem>>) src(%arg8 : memref<96x128xf32, #tpu.memory_space<vmem>>) dst(%dma_wait3A_231 : memref<30720x128xf32, #tpu.memory_space<hbm>>)
    %dma_wait3A_232 = arith.constant 3 : i32
    %dma_wait3A_233 = arith.constant 0 : i32
    %dma_wait3A_234 = tpu.memref_slice %arg7[%dma_wait3A_232, %dma_wait3A_233] : memref<10x96xi32, #tpu.memory_space<vmem>> -> memref<1x96xi32, #tpu.memory_space<vmem>>
    %dma_wait3A_235 = tpu.memref_squeeze %dma_wait3A_234 : memref<1x96xi32, #tpu.memory_space<vmem>> -> memref<96xi32, #tpu.memory_space<vmem>>
    %dma_wait3A_236 = arith.constant 0 : i32
    %dma_wait3A_237 = arith.constant 0 : i32
    %dma_wait3A_238 = tpu.memref_slice %arg6[%dma_wait3A_236, %dma_wait3A_237] : memref<30720x128xf32, #tpu.memory_space<hbm>> -> memref<30720x128xf32, #tpu.memory_space<hbm>>
    tpu.wait_indirect_dma semaphore(%arg20 : memref<!tpu.dma_semaphore, #tpu.memory_space<semaphore_mem>>) src(%arg11 : memref<96x128xf32, #tpu.memory_space<vmem>>) dst(%dma_wait3A_238 : memref<30720x128xf32, #tpu.memory_space<hbm>>)
    %add3A_239 = arith.constant 576 : i32
    %add3A_240 = arith.addi %mul3A_2, %add3A_239 : i32
    %dma_start3A_241 = arith.constant 0 : i32
    %dma_start3A_242 = tpu.memref_slice %arg2[%add3A_240, %dma_start3A_241] : memref<30720x128xf32, #tpu.memory_space<hbm>> -> memref<96x128xf32, #tpu.memory_space<hbm>>
    %dma_start3A_243 = arith.constant 0 : i32
    %dma_start3A_244 = tpu.memref_slice %arg2[%add3A_240, %dma_start3A_243] : memref<30720x128xf32, #tpu.memory_space<hbm>> -> memref<96x128xf32, #tpu.memory_space<hbm>>
    tpu.enqueue_dma source(%dma_start3A_244 : memref<96x128xf32, #tpu.memory_space<hbm>>) target(%arg8 : memref<96x128xf32, #tpu.memory_space<vmem>>) target_semaphore(%arg14 : memref<!tpu.dma_semaphore, #tpu.memory_space<semaphore_mem>>)
    %add3A_245 = arith.constant 576 : i32
    %add3A_246 = arith.addi %mul3A_2, %add3A_245 : i32
    %dma_start3A_247 = arith.constant 0 : i32
    %dma_start3A_248 = tpu.memref_slice %arg3[%add3A_246, %dma_start3A_247] : memref<30720x128xf32, #tpu.memory_space<hbm>> -> memref<96x128xf32, #tpu.memory_space<hbm>>
    %dma_start3A_249 = arith.constant 0 : i32
    %dma_start3A_250 = tpu.memref_slice %arg3[%add3A_246, %dma_start3A_249] : memref<30720x128xf32, #tpu.memory_space<hbm>> -> memref<96x128xf32, #tpu.memory_space<hbm>>
    tpu.enqueue_dma source(%dma_start3A_250 : memref<96x128xf32, #tpu.memory_space<hbm>>) target(%arg11 : memref<96x128xf32, #tpu.memory_space<vmem>>) target_semaphore(%arg23 : memref<!tpu.dma_semaphore, #tpu.memory_space<semaphore_mem>>)
    %dma_wait3A_251 = arith.constant 0 : i32
    %dma_wait3A_252 = tpu.memref_slice %arg2[%add3A_192, %dma_wait3A_251] : memref<30720x128xf32, #tpu.memory_space<hbm>> -> memref<96x128xf32, #tpu.memory_space<hbm>>
    %dma_wait3A_253 = arith.constant 0 : i32
    %dma_wait3A_254 = tpu.memref_slice %arg2[%add3A_192, %dma_wait3A_253] : memref<30720x128xf32, #tpu.memory_space<hbm>> -> memref<96x128xf32, #tpu.memory_space<hbm>>
    tpu.wait_dma2 semaphore(%arg16 : memref<!tpu.dma_semaphore, #tpu.memory_space<semaphore_mem>>) src(%dma_wait3A_254 : memref<96x128xf32, #tpu.memory_space<hbm>>) dst(%arg10 : memref<96x128xf32, #tpu.memory_space<vmem>>)
    %dma_wait3A_255 = arith.constant 0 : i32
    %dma_wait3A_256 = tpu.memref_slice %arg3[%add3A_198, %dma_wait3A_255] : memref<30720x128xf32, #tpu.memory_space<hbm>> -> memref<96x128xf32, #tpu.memory_space<hbm>>
    %dma_wait3A_257 = arith.constant 0 : i32
    %dma_wait3A_258 = tpu.memref_slice %arg3[%add3A_198, %dma_wait3A_257] : memref<30720x128xf32, #tpu.memory_space<hbm>> -> memref<96x128xf32, #tpu.memory_space<hbm>>
    tpu.wait_dma2 semaphore(%arg25 : memref<!tpu.dma_semaphore, #tpu.memory_space<semaphore_mem>>) src(%dma_wait3A_258 : memref<96x128xf32, #tpu.memory_space<hbm>>) dst(%arg13 : memref<96x128xf32, #tpu.memory_space<vmem>>)
    %dma_start3A_259 = arith.constant 5 : i32
    %dma_start3A_260 = arith.constant 0 : i32
    %dma_start3A_261 = tpu.memref_slice %arg7[%dma_start3A_259, %dma_start3A_260] : memref<10x96xi32, #tpu.memory_space<vmem>> -> memref<1x96xi32, #tpu.memory_space<vmem>>
    %dma_start3A_262 = tpu.memref_squeeze %dma_start3A_261 : memref<1x96xi32, #tpu.memory_space<vmem>> -> memref<96xi32, #tpu.memory_space<vmem>>
    %dma_start3A_263 = arith.constant 0 : i32
    %dma_start3A_264 = arith.constant 0 : i32
    %dma_start3A_265 = tpu.memref_slice %arg5[%dma_start3A_263, %dma_start3A_264] : memref<30720x128xf32, #tpu.memory_space<hbm>> -> memref<30720x128xf32, #tpu.memory_space<hbm>>
    tpu.enqueue_indirect_dma source(%arg10 : memref<96x128xf32, #tpu.memory_space<vmem>>) target(%dma_start3A_265 : memref<30720x128xf32, #tpu.memory_space<hbm>>) offsets(%dma_start3A_262 : memref<96xi32, #tpu.memory_space<vmem>>) semaphore(%arg19 : memref<!tpu.dma_semaphore, #tpu.memory_space<semaphore_mem>>)
    %dma_start3A_266 = arith.constant 5 : i32
    %dma_start3A_267 = arith.constant 0 : i32
    %dma_start3A_268 = tpu.memref_slice %arg7[%dma_start3A_266, %dma_start3A_267] : memref<10x96xi32, #tpu.memory_space<vmem>> -> memref<1x96xi32, #tpu.memory_space<vmem>>
    %dma_start3A_269 = tpu.memref_squeeze %dma_start3A_268 : memref<1x96xi32, #tpu.memory_space<vmem>> -> memref<96xi32, #tpu.memory_space<vmem>>
    %dma_start3A_270 = arith.constant 0 : i32
    %dma_start3A_271 = arith.constant 0 : i32
    %dma_start3A_272 = tpu.memref_slice %arg6[%dma_start3A_270, %dma_start3A_271] : memref<30720x128xf32, #tpu.memory_space<hbm>> -> memref<30720x128xf32, #tpu.memory_space<hbm>>
    tpu.enqueue_indirect_dma source(%arg13 : memref<96x128xf32, #tpu.memory_space<vmem>>) target(%dma_start3A_272 : memref<30720x128xf32, #tpu.memory_space<hbm>>) offsets(%dma_start3A_269 : memref<96xi32, #tpu.memory_space<vmem>>) semaphore(%arg22 : memref<!tpu.dma_semaphore, #tpu.memory_space<semaphore_mem>>)
    %dma_wait3A_273 = arith.constant 4 : i32
    %dma_wait3A_274 = arith.constant 0 : i32
    %dma_wait3A_275 = tpu.memref_slice %arg7[%dma_wait3A_273, %dma_wait3A_274] : memref<10x96xi32, #tpu.memory_space<vmem>> -> memref<1x96xi32, #tpu.memory_space<vmem>>
    %dma_wait3A_276 = tpu.memref_squeeze %dma_wait3A_275 : memref<1x96xi32, #tpu.memory_space<vmem>> -> memref<96xi32, #tpu.memory_space<vmem>>
    %dma_wait3A_277 = arith.constant 0 : i32
    %dma_wait3A_278 = arith.constant 0 : i32
    %dma_wait3A_279 = tpu.memref_slice %arg5[%dma_wait3A_277, %dma_wait3A_278] : memref<30720x128xf32, #tpu.memory_space<hbm>> -> memref<30720x128xf32, #tpu.memory_space<hbm>>
    tpu.wait_indirect_dma semaphore(%arg18 : memref<!tpu.dma_semaphore, #tpu.memory_space<semaphore_mem>>) src(%arg9 : memref<96x128xf32, #tpu.memory_space<vmem>>) dst(%dma_wait3A_279 : memref<30720x128xf32, #tpu.memory_space<hbm>>)
    %dma_wait3A_280 = arith.constant 4 : i32
    %dma_wait3A_281 = arith.constant 0 : i32
    %dma_wait3A_282 = tpu.memref_slice %arg7[%dma_wait3A_280, %dma_wait3A_281] : memref<10x96xi32, #tpu.memory_space<vmem>> -> memref<1x96xi32, #tpu.memory_space<vmem>>
    %dma_wait3A_283 = tpu.memref_squeeze %dma_wait3A_282 : memref<1x96xi32, #tpu.memory_space<vmem>> -> memref<96xi32, #tpu.memory_space<vmem>>
    %dma_wait3A_284 = arith.constant 0 : i32
    %dma_wait3A_285 = arith.constant 0 : i32
    %dma_wait3A_286 = tpu.memref_slice %arg6[%dma_wait3A_284, %dma_wait3A_285] : memref<30720x128xf32, #tpu.memory_space<hbm>> -> memref<30720x128xf32, #tpu.memory_space<hbm>>
    tpu.wait_indirect_dma semaphore(%arg21 : memref<!tpu.dma_semaphore, #tpu.memory_space<semaphore_mem>>) src(%arg12 : memref<96x128xf32, #tpu.memory_space<vmem>>) dst(%dma_wait3A_286 : memref<30720x128xf32, #tpu.memory_space<hbm>>)
    %add3A_287 = arith.constant 672 : i32
    %add3A_288 = arith.addi %mul3A_2, %add3A_287 : i32
    %dma_start3A_289 = arith.constant 0 : i32
    %dma_start3A_290 = tpu.memref_slice %arg2[%add3A_288, %dma_start3A_289] : memref<30720x128xf32, #tpu.memory_space<hbm>> -> memref<96x128xf32, #tpu.memory_space<hbm>>
    %dma_start3A_291 = arith.constant 0 : i32
    %dma_start3A_292 = tpu.memref_slice %arg2[%add3A_288, %dma_start3A_291] : memref<30720x128xf32, #tpu.memory_space<hbm>> -> memref<96x128xf32, #tpu.memory_space<hbm>>
    tpu.enqueue_dma source(%dma_start3A_292 : memref<96x128xf32, #tpu.memory_space<hbm>>) target(%arg9 : memref<96x128xf32, #tpu.memory_space<vmem>>) target_semaphore(%arg15 : memref<!tpu.dma_semaphore, #tpu.memory_space<semaphore_mem>>)
    %add3A_293 = arith.constant 672 : i32
    %add3A_294 = arith.addi %mul3A_2, %add3A_293 : i32
    %dma_start3A_295 = arith.constant 0 : i32
    %dma_start3A_296 = tpu.memref_slice %arg3[%add3A_294, %dma_start3A_295] : memref<30720x128xf32, #tpu.memory_space<hbm>> -> memref<96x128xf32, #tpu.memory_space<hbm>>
    %dma_start3A_297 = arith.constant 0 : i32
    %dma_start3A_298 = tpu.memref_slice %arg3[%add3A_294, %dma_start3A_297] : memref<30720x128xf32, #tpu.memory_space<hbm>> -> memref<96x128xf32, #tpu.memory_space<hbm>>
    tpu.enqueue_dma source(%dma_start3A_298 : memref<96x128xf32, #tpu.memory_space<hbm>>) target(%arg12 : memref<96x128xf32, #tpu.memory_space<vmem>>) target_semaphore(%arg24 : memref<!tpu.dma_semaphore, #tpu.memory_space<semaphore_mem>>)
    %dma_wait3A_299 = arith.constant 0 : i32
    %dma_wait3A_300 = tpu.memref_slice %arg2[%add3A_240, %dma_wait3A_299] : memref<30720x128xf32, #tpu.memory_space<hbm>> -> memref<96x128xf32, #tpu.memory_space<hbm>>
    %dma_wait3A_301 = arith.constant 0 : i32
    %dma_wait3A_302 = tpu.memref_slice %arg2[%add3A_240, %dma_wait3A_301] : memref<30720x128xf32, #tpu.memory_space<hbm>> -> memref<96x128xf32, #tpu.memory_space<hbm>>
    tpu.wait_dma2 semaphore(%arg14 : memref<!tpu.dma_semaphore, #tpu.memory_space<semaphore_mem>>) src(%dma_wait3A_302 : memref<96x128xf32, #tpu.memory_space<hbm>>) dst(%arg8 : memref<96x128xf32, #tpu.memory_space<vmem>>)
    %dma_wait3A_303 = arith.constant 0 : i32
    %dma_wait3A_304 = tpu.memref_slice %arg3[%add3A_246, %dma_wait3A_303] : memref<30720x128xf32, #tpu.memory_space<hbm>> -> memref<96x128xf32, #tpu.memory_space<hbm>>
    %dma_wait3A_305 = arith.constant 0 : i32
    %dma_wait3A_306 = tpu.memref_slice %arg3[%add3A_246, %dma_wait3A_305] : memref<30720x128xf32, #tpu.memory_space<hbm>> -> memref<96x128xf32, #tpu.memory_space<hbm>>
    tpu.wait_dma2 semaphore(%arg23 : memref<!tpu.dma_semaphore, #tpu.memory_space<semaphore_mem>>) src(%dma_wait3A_306 : memref<96x128xf32, #tpu.memory_space<hbm>>) dst(%arg11 : memref<96x128xf32, #tpu.memory_space<vmem>>)
    %dma_start3A_307 = arith.constant 6 : i32
    %dma_start3A_308 = arith.constant 0 : i32
    %dma_start3A_309 = tpu.memref_slice %arg7[%dma_start3A_307, %dma_start3A_308] : memref<10x96xi32, #tpu.memory_space<vmem>> -> memref<1x96xi32, #tpu.memory_space<vmem>>
    %dma_start3A_310 = tpu.memref_squeeze %dma_start3A_309 : memref<1x96xi32, #tpu.memory_space<vmem>> -> memref<96xi32, #tpu.memory_space<vmem>>
    %dma_start3A_311 = arith.constant 0 : i32
    %dma_start3A_312 = arith.constant 0 : i32
    %dma_start3A_313 = tpu.memref_slice %arg5[%dma_start3A_311, %dma_start3A_312] : memref<30720x128xf32, #tpu.memory_space<hbm>> -> memref<30720x128xf32, #tpu.memory_space<hbm>>
    tpu.enqueue_indirect_dma source(%arg8 : memref<96x128xf32, #tpu.memory_space<vmem>>) target(%dma_start3A_313 : memref<30720x128xf32, #tpu.memory_space<hbm>>) offsets(%dma_start3A_310 : memref<96xi32, #tpu.memory_space<vmem>>) semaphore(%arg17 : memref<!tpu.dma_semaphore, #tpu.memory_space<semaphore_mem>>)
    %dma_start3A_314 = arith.constant 6 : i32
    %dma_start3A_315 = arith.constant 0 : i32
    %dma_start3A_316 = tpu.memref_slice %arg7[%dma_start3A_314, %dma_start3A_315] : memref<10x96xi32, #tpu.memory_space<vmem>> -> memref<1x96xi32, #tpu.memory_space<vmem>>
    %dma_start3A_317 = tpu.memref_squeeze %dma_start3A_316 : memref<1x96xi32, #tpu.memory_space<vmem>> -> memref<96xi32, #tpu.memory_space<vmem>>
    %dma_start3A_318 = arith.constant 0 : i32
    %dma_start3A_319 = arith.constant 0 : i32
    %dma_start3A_320 = tpu.memref_slice %arg6[%dma_start3A_318, %dma_start3A_319] : memref<30720x128xf32, #tpu.memory_space<hbm>> -> memref<30720x128xf32, #tpu.memory_space<hbm>>
    tpu.enqueue_indirect_dma source(%arg11 : memref<96x128xf32, #tpu.memory_space<vmem>>) target(%dma_start3A_320 : memref<30720x128xf32, #tpu.memory_space<hbm>>) offsets(%dma_start3A_317 : memref<96xi32, #tpu.memory_space<vmem>>) semaphore(%arg20 : memref<!tpu.dma_semaphore, #tpu.memory_space<semaphore_mem>>)
    %dma_wait3A_321 = arith.constant 5 : i32
    %dma_wait3A_322 = arith.constant 0 : i32
    %dma_wait3A_323 = tpu.memref_slice %arg7[%dma_wait3A_321, %dma_wait3A_322] : memref<10x96xi32, #tpu.memory_space<vmem>> -> memref<1x96xi32, #tpu.memory_space<vmem>>
    %dma_wait3A_324 = tpu.memref_squeeze %dma_wait3A_323 : memref<1x96xi32, #tpu.memory_space<vmem>> -> memref<96xi32, #tpu.memory_space<vmem>>
    %dma_wait3A_325 = arith.constant 0 : i32
    %dma_wait3A_326 = arith.constant 0 : i32
    %dma_wait3A_327 = tpu.memref_slice %arg5[%dma_wait3A_325, %dma_wait3A_326] : memref<30720x128xf32, #tpu.memory_space<hbm>> -> memref<30720x128xf32, #tpu.memory_space<hbm>>
    tpu.wait_indirect_dma semaphore(%arg19 : memref<!tpu.dma_semaphore, #tpu.memory_space<semaphore_mem>>) src(%arg10 : memref<96x128xf32, #tpu.memory_space<vmem>>) dst(%dma_wait3A_327 : memref<30720x128xf32, #tpu.memory_space<hbm>>)
    %dma_wait3A_328 = arith.constant 5 : i32
    %dma_wait3A_329 = arith.constant 0 : i32
    %dma_wait3A_330 = tpu.memref_slice %arg7[%dma_wait3A_328, %dma_wait3A_329] : memref<10x96xi32, #tpu.memory_space<vmem>> -> memref<1x96xi32, #tpu.memory_space<vmem>>
    %dma_wait3A_331 = tpu.memref_squeeze %dma_wait3A_330 : memref<1x96xi32, #tpu.memory_space<vmem>> -> memref<96xi32, #tpu.memory_space<vmem>>
    %dma_wait3A_332 = arith.constant 0 : i32
    %dma_wait3A_333 = arith.constant 0 : i32
    %dma_wait3A_334 = tpu.memref_slice %arg6[%dma_wait3A_332, %dma_wait3A_333] : memref<30720x128xf32, #tpu.memory_space<hbm>> -> memref<30720x128xf32, #tpu.memory_space<hbm>>
    tpu.wait_indirect_dma semaphore(%arg22 : memref<!tpu.dma_semaphore, #tpu.memory_space<semaphore_mem>>) src(%arg13 : memref<96x128xf32, #tpu.memory_space<vmem>>) dst(%dma_wait3A_334 : memref<30720x128xf32, #tpu.memory_space<hbm>>)
    %add3A_335 = arith.constant 768 : i32
    %add3A_336 = arith.addi %mul3A_2, %add3A_335 : i32
    %dma_start3A_337 = arith.constant 0 : i32
    %dma_start3A_338 = tpu.memref_slice %arg2[%add3A_336, %dma_start3A_337] : memref<30720x128xf32, #tpu.memory_space<hbm>> -> memref<96x128xf32, #tpu.memory_space<hbm>>
    %dma_start3A_339 = arith.constant 0 : i32
    %dma_start3A_340 = tpu.memref_slice %arg2[%add3A_336, %dma_start3A_339] : memref<30720x128xf32, #tpu.memory_space<hbm>> -> memref<96x128xf32, #tpu.memory_space<hbm>>
    tpu.enqueue_dma source(%dma_start3A_340 : memref<96x128xf32, #tpu.memory_space<hbm>>) target(%arg10 : memref<96x128xf32, #tpu.memory_space<vmem>>) target_semaphore(%arg16 : memref<!tpu.dma_semaphore, #tpu.memory_space<semaphore_mem>>)
    %add3A_341 = arith.constant 768 : i32
    %add3A_342 = arith.addi %mul3A_2, %add3A_341 : i32
    %dma_start3A_343 = arith.constant 0 : i32
    %dma_start3A_344 = tpu.memref_slice %arg3[%add3A_342, %dma_start3A_343] : memref<30720x128xf32, #tpu.memory_space<hbm>> -> memref<96x128xf32, #tpu.memory_space<hbm>>
    %dma_start3A_345 = arith.constant 0 : i32
    %dma_start3A_346 = tpu.memref_slice %arg3[%add3A_342, %dma_start3A_345] : memref<30720x128xf32, #tpu.memory_space<hbm>> -> memref<96x128xf32, #tpu.memory_space<hbm>>
    tpu.enqueue_dma source(%dma_start3A_346 : memref<96x128xf32, #tpu.memory_space<hbm>>) target(%arg13 : memref<96x128xf32, #tpu.memory_space<vmem>>) target_semaphore(%arg25 : memref<!tpu.dma_semaphore, #tpu.memory_space<semaphore_mem>>)
    %dma_wait3A_347 = arith.constant 0 : i32
    %dma_wait3A_348 = tpu.memref_slice %arg2[%add3A_288, %dma_wait3A_347] : memref<30720x128xf32, #tpu.memory_space<hbm>> -> memref<96x128xf32, #tpu.memory_space<hbm>>
    %dma_wait3A_349 = arith.constant 0 : i32
    %dma_wait3A_350 = tpu.memref_slice %arg2[%add3A_288, %dma_wait3A_349] : memref<30720x128xf32, #tpu.memory_space<hbm>> -> memref<96x128xf32, #tpu.memory_space<hbm>>
    tpu.wait_dma2 semaphore(%arg15 : memref<!tpu.dma_semaphore, #tpu.memory_space<semaphore_mem>>) src(%dma_wait3A_350 : memref<96x128xf32, #tpu.memory_space<hbm>>) dst(%arg9 : memref<96x128xf32, #tpu.memory_space<vmem>>)
    %dma_wait3A_351 = arith.constant 0 : i32
    %dma_wait3A_352 = tpu.memref_slice %arg3[%add3A_294, %dma_wait3A_351] : memref<30720x128xf32, #tpu.memory_space<hbm>> -> memref<96x128xf32, #tpu.memory_space<hbm>>
    %dma_wait3A_353 = arith.constant 0 : i32
    %dma_wait3A_354 = tpu.memref_slice %arg3[%add3A_294, %dma_wait3A_353] : memref<30720x128xf32, #tpu.memory_space<hbm>> -> memref<96x128xf32, #tpu.memory_space<hbm>>
    tpu.wait_dma2 semaphore(%arg24 : memref<!tpu.dma_semaphore, #tpu.memory_space<semaphore_mem>>) src(%dma_wait3A_354 : memref<96x128xf32, #tpu.memory_space<hbm>>) dst(%arg12 : memref<96x128xf32, #tpu.memory_space<vmem>>)
    %dma_start3A_355 = arith.constant 7 : i32
    %dma_start3A_356 = arith.constant 0 : i32
    %dma_start3A_357 = tpu.memref_slice %arg7[%dma_start3A_355, %dma_start3A_356] : memref<10x96xi32, #tpu.memory_space<vmem>> -> memref<1x96xi32, #tpu.memory_space<vmem>>
    %dma_start3A_358 = tpu.memref_squeeze %dma_start3A_357 : memref<1x96xi32, #tpu.memory_space<vmem>> -> memref<96xi32, #tpu.memory_space<vmem>>
    %dma_start3A_359 = arith.constant 0 : i32
    %dma_start3A_360 = arith.constant 0 : i32
    %dma_start3A_361 = tpu.memref_slice %arg5[%dma_start3A_359, %dma_start3A_360] : memref<30720x128xf32, #tpu.memory_space<hbm>> -> memref<30720x128xf32, #tpu.memory_space<hbm>>
    tpu.enqueue_indirect_dma source(%arg9 : memref<96x128xf32, #tpu.memory_space<vmem>>) target(%dma_start3A_361 : memref<30720x128xf32, #tpu.memory_space<hbm>>) offsets(%dma_start3A_358 : memref<96xi32, #tpu.memory_space<vmem>>) semaphore(%arg18 : memref<!tpu.dma_semaphore, #tpu.memory_space<semaphore_mem>>)
    %dma_start3A_362 = arith.constant 7 : i32
    %dma_start3A_363 = arith.constant 0 : i32
    %dma_start3A_364 = tpu.memref_slice %arg7[%dma_start3A_362, %dma_start3A_363] : memref<10x96xi32, #tpu.memory_space<vmem>> -> memref<1x96xi32, #tpu.memory_space<vmem>>
    %dma_start3A_365 = tpu.memref_squeeze %dma_start3A_364 : memref<1x96xi32, #tpu.memory_space<vmem>> -> memref<96xi32, #tpu.memory_space<vmem>>
    %dma_start3A_366 = arith.constant 0 : i32
    %dma_start3A_367 = arith.constant 0 : i32
    %dma_start3A_368 = tpu.memref_slice %arg6[%dma_start3A_366, %dma_start3A_367] : memref<30720x128xf32, #tpu.memory_space<hbm>> -> memref<30720x128xf32, #tpu.memory_space<hbm>>
    tpu.enqueue_indirect_dma source(%arg12 : memref<96x128xf32, #tpu.memory_space<vmem>>) target(%dma_start3A_368 : memref<30720x128xf32, #tpu.memory_space<hbm>>) offsets(%dma_start3A_365 : memref<96xi32, #tpu.memory_space<vmem>>) semaphore(%arg21 : memref<!tpu.dma_semaphore, #tpu.memory_space<semaphore_mem>>)
    %dma_wait3A_369 = arith.constant 6 : i32
    %dma_wait3A_370 = arith.constant 0 : i32
    %dma_wait3A_371 = tpu.memref_slice %arg7[%dma_wait3A_369, %dma_wait3A_370] : memref<10x96xi32, #tpu.memory_space<vmem>> -> memref<1x96xi32, #tpu.memory_space<vmem>>
    %dma_wait3A_372 = tpu.memref_squeeze %dma_wait3A_371 : memref<1x96xi32, #tpu.memory_space<vmem>> -> memref<96xi32, #tpu.memory_space<vmem>>
    %dma_wait3A_373 = arith.constant 0 : i32
    %dma_wait3A_374 = arith.constant 0 : i32
    %dma_wait3A_375 = tpu.memref_slice %arg5[%dma_wait3A_373, %dma_wait3A_374] : memref<30720x128xf32, #tpu.memory_space<hbm>> -> memref<30720x128xf32, #tpu.memory_space<hbm>>
    tpu.wait_indirect_dma semaphore(%arg17 : memref<!tpu.dma_semaphore, #tpu.memory_space<semaphore_mem>>) src(%arg8 : memref<96x128xf32, #tpu.memory_space<vmem>>) dst(%dma_wait3A_375 : memref<30720x128xf32, #tpu.memory_space<hbm>>)
    %dma_wait3A_376 = arith.constant 6 : i32
    %dma_wait3A_377 = arith.constant 0 : i32
    %dma_wait3A_378 = tpu.memref_slice %arg7[%dma_wait3A_376, %dma_wait3A_377] : memref<10x96xi32, #tpu.memory_space<vmem>> -> memref<1x96xi32, #tpu.memory_space<vmem>>
    %dma_wait3A_379 = tpu.memref_squeeze %dma_wait3A_378 : memref<1x96xi32, #tpu.memory_space<vmem>> -> memref<96xi32, #tpu.memory_space<vmem>>
    %dma_wait3A_380 = arith.constant 0 : i32
    %dma_wait3A_381 = arith.constant 0 : i32
    %dma_wait3A_382 = tpu.memref_slice %arg6[%dma_wait3A_380, %dma_wait3A_381] : memref<30720x128xf32, #tpu.memory_space<hbm>> -> memref<30720x128xf32, #tpu.memory_space<hbm>>
    tpu.wait_indirect_dma semaphore(%arg20 : memref<!tpu.dma_semaphore, #tpu.memory_space<semaphore_mem>>) src(%arg11 : memref<96x128xf32, #tpu.memory_space<vmem>>) dst(%dma_wait3A_382 : memref<30720x128xf32, #tpu.memory_space<hbm>>)
    %add3A_383 = arith.constant 864 : i32
    %add3A_384 = arith.addi %mul3A_2, %add3A_383 : i32
    %dma_start3A_385 = arith.constant 0 : i32
    %dma_start3A_386 = tpu.memref_slice %arg2[%add3A_384, %dma_start3A_385] : memref<30720x128xf32, #tpu.memory_space<hbm>> -> memref<96x128xf32, #tpu.memory_space<hbm>>
    %dma_start3A_387 = arith.constant 0 : i32
    %dma_start3A_388 = tpu.memref_slice %arg2[%add3A_384, %dma_start3A_387] : memref<30720x128xf32, #tpu.memory_space<hbm>> -> memref<96x128xf32, #tpu.memory_space<hbm>>
    tpu.enqueue_dma source(%dma_start3A_388 : memref<96x128xf32, #tpu.memory_space<hbm>>) target(%arg8 : memref<96x128xf32, #tpu.memory_space<vmem>>) target_semaphore(%arg14 : memref<!tpu.dma_semaphore, #tpu.memory_space<semaphore_mem>>)
    %add3A_389 = arith.constant 864 : i32
    %add3A_390 = arith.addi %mul3A_2, %add3A_389 : i32
    %dma_start3A_391 = arith.constant 0 : i32
    %dma_start3A_392 = tpu.memref_slice %arg3[%add3A_390, %dma_start3A_391] : memref<30720x128xf32, #tpu.memory_space<hbm>> -> memref<96x128xf32, #tpu.memory_space<hbm>>
    %dma_start3A_393 = arith.constant 0 : i32
    %dma_start3A_394 = tpu.memref_slice %arg3[%add3A_390, %dma_start3A_393] : memref<30720x128xf32, #tpu.memory_space<hbm>> -> memref<96x128xf32, #tpu.memory_space<hbm>>
    tpu.enqueue_dma source(%dma_start3A_394 : memref<96x128xf32, #tpu.memory_space<hbm>>) target(%arg11 : memref<96x128xf32, #tpu.memory_space<vmem>>) target_semaphore(%arg23 : memref<!tpu.dma_semaphore, #tpu.memory_space<semaphore_mem>>)
    %dma_wait3A_395 = arith.constant 0 : i32
    %dma_wait3A_396 = tpu.memref_slice %arg2[%add3A_336, %dma_wait3A_395] : memref<30720x128xf32, #tpu.memory_space<hbm>> -> memref<96x128xf32, #tpu.memory_space<hbm>>
    %dma_wait3A_397 = arith.constant 0 : i32
    %dma_wait3A_398 = tpu.memref_slice %arg2[%add3A_336, %dma_wait3A_397] : memref<30720x128xf32, #tpu.memory_space<hbm>> -> memref<96x128xf32, #tpu.memory_space<hbm>>
    tpu.wait_dma2 semaphore(%arg16 : memref<!tpu.dma_semaphore, #tpu.memory_space<semaphore_mem>>) src(%dma_wait3A_398 : memref<96x128xf32, #tpu.memory_space<hbm>>) dst(%arg10 : memref<96x128xf32, #tpu.memory_space<vmem>>)
    %dma_wait3A_399 = arith.constant 0 : i32
    %dma_wait3A_400 = tpu.memref_slice %arg3[%add3A_342, %dma_wait3A_399] : memref<30720x128xf32, #tpu.memory_space<hbm>> -> memref<96x128xf32, #tpu.memory_space<hbm>>
    %dma_wait3A_401 = arith.constant 0 : i32
    %dma_wait3A_402 = tpu.memref_slice %arg3[%add3A_342, %dma_wait3A_401] : memref<30720x128xf32, #tpu.memory_space<hbm>> -> memref<96x128xf32, #tpu.memory_space<hbm>>
    tpu.wait_dma2 semaphore(%arg25 : memref<!tpu.dma_semaphore, #tpu.memory_space<semaphore_mem>>) src(%dma_wait3A_402 : memref<96x128xf32, #tpu.memory_space<hbm>>) dst(%arg13 : memref<96x128xf32, #tpu.memory_space<vmem>>)
    %dma_start3A_403 = arith.constant 8 : i32
    %dma_start3A_404 = arith.constant 0 : i32
    %dma_start3A_405 = tpu.memref_slice %arg7[%dma_start3A_403, %dma_start3A_404] : memref<10x96xi32, #tpu.memory_space<vmem>> -> memref<1x96xi32, #tpu.memory_space<vmem>>
    %dma_start3A_406 = tpu.memref_squeeze %dma_start3A_405 : memref<1x96xi32, #tpu.memory_space<vmem>> -> memref<96xi32, #tpu.memory_space<vmem>>
    %dma_start3A_407 = arith.constant 0 : i32
    %dma_start3A_408 = arith.constant 0 : i32
    %dma_start3A_409 = tpu.memref_slice %arg5[%dma_start3A_407, %dma_start3A_408] : memref<30720x128xf32, #tpu.memory_space<hbm>> -> memref<30720x128xf32, #tpu.memory_space<hbm>>
    tpu.enqueue_indirect_dma source(%arg10 : memref<96x128xf32, #tpu.memory_space<vmem>>) target(%dma_start3A_409 : memref<30720x128xf32, #tpu.memory_space<hbm>>) offsets(%dma_start3A_406 : memref<96xi32, #tpu.memory_space<vmem>>) semaphore(%arg19 : memref<!tpu.dma_semaphore, #tpu.memory_space<semaphore_mem>>)
    %dma_start3A_410 = arith.constant 8 : i32
    %dma_start3A_411 = arith.constant 0 : i32
    %dma_start3A_412 = tpu.memref_slice %arg7[%dma_start3A_410, %dma_start3A_411] : memref<10x96xi32, #tpu.memory_space<vmem>> -> memref<1x96xi32, #tpu.memory_space<vmem>>
    %dma_start3A_413 = tpu.memref_squeeze %dma_start3A_412 : memref<1x96xi32, #tpu.memory_space<vmem>> -> memref<96xi32, #tpu.memory_space<vmem>>
    %dma_start3A_414 = arith.constant 0 : i32
    %dma_start3A_415 = arith.constant 0 : i32
    %dma_start3A_416 = tpu.memref_slice %arg6[%dma_start3A_414, %dma_start3A_415] : memref<30720x128xf32, #tpu.memory_space<hbm>> -> memref<30720x128xf32, #tpu.memory_space<hbm>>
    tpu.enqueue_indirect_dma source(%arg13 : memref<96x128xf32, #tpu.memory_space<vmem>>) target(%dma_start3A_416 : memref<30720x128xf32, #tpu.memory_space<hbm>>) offsets(%dma_start3A_413 : memref<96xi32, #tpu.memory_space<vmem>>) semaphore(%arg22 : memref<!tpu.dma_semaphore, #tpu.memory_space<semaphore_mem>>)
    %dma_wait3A_417 = arith.constant 7 : i32
    %dma_wait3A_418 = arith.constant 0 : i32
    %dma_wait3A_419 = tpu.memref_slice %arg7[%dma_wait3A_417, %dma_wait3A_418] : memref<10x96xi32, #tpu.memory_space<vmem>> -> memref<1x96xi32, #tpu.memory_space<vmem>>
    %dma_wait3A_420 = tpu.memref_squeeze %dma_wait3A_419 : memref<1x96xi32, #tpu.memory_space<vmem>> -> memref<96xi32, #tpu.memory_space<vmem>>
    %dma_wait3A_421 = arith.constant 0 : i32
    %dma_wait3A_422 = arith.constant 0 : i32
    %dma_wait3A_423 = tpu.memref_slice %arg5[%dma_wait3A_421, %dma_wait3A_422] : memref<30720x128xf32, #tpu.memory_space<hbm>> -> memref<30720x128xf32, #tpu.memory_space<hbm>>
    tpu.wait_indirect_dma semaphore(%arg18 : memref<!tpu.dma_semaphore, #tpu.memory_space<semaphore_mem>>) src(%arg9 : memref<96x128xf32, #tpu.memory_space<vmem>>) dst(%dma_wait3A_423 : memref<30720x128xf32, #tpu.memory_space<hbm>>)
    %dma_wait3A_424 = arith.constant 7 : i32
    %dma_wait3A_425 = arith.constant 0 : i32
    %dma_wait3A_426 = tpu.memref_slice %arg7[%dma_wait3A_424, %dma_wait3A_425] : memref<10x96xi32, #tpu.memory_space<vmem>> -> memref<1x96xi32, #tpu.memory_space<vmem>>
    %dma_wait3A_427 = tpu.memref_squeeze %dma_wait3A_426 : memref<1x96xi32, #tpu.memory_space<vmem>> -> memref<96xi32, #tpu.memory_space<vmem>>
    %dma_wait3A_428 = arith.constant 0 : i32
    %dma_wait3A_429 = arith.constant 0 : i32
    %dma_wait3A_430 = tpu.memref_slice %arg6[%dma_wait3A_428, %dma_wait3A_429] : memref<30720x128xf32, #tpu.memory_space<hbm>> -> memref<30720x128xf32, #tpu.memory_space<hbm>>
    tpu.wait_indirect_dma semaphore(%arg21 : memref<!tpu.dma_semaphore, #tpu.memory_space<semaphore_mem>>) src(%arg12 : memref<96x128xf32, #tpu.memory_space<vmem>>) dst(%dma_wait3A_430 : memref<30720x128xf32, #tpu.memory_space<hbm>>)
    %dma_wait3A_431 = arith.constant 0 : i32
    %dma_wait3A_432 = tpu.memref_slice %arg2[%add3A_384, %dma_wait3A_431] : memref<30720x128xf32, #tpu.memory_space<hbm>> -> memref<96x128xf32, #tpu.memory_space<hbm>>
    %dma_wait3A_433 = arith.constant 0 : i32
    %dma_wait3A_434 = tpu.memref_slice %arg2[%add3A_384, %dma_wait3A_433] : memref<30720x128xf32, #tpu.memory_space<hbm>> -> memref<96x128xf32, #tpu.memory_space<hbm>>
    tpu.wait_dma2 semaphore(%arg14 : memref<!tpu.dma_semaphore, #tpu.memory_space<semaphore_mem>>) src(%dma_wait3A_434 : memref<96x128xf32, #tpu.memory_space<hbm>>) dst(%arg8 : memref<96x128xf32, #tpu.memory_space<vmem>>)
    %dma_wait3A_435 = arith.constant 0 : i32
    %dma_wait3A_436 = tpu.memref_slice %arg3[%add3A_390, %dma_wait3A_435] : memref<30720x128xf32, #tpu.memory_space<hbm>> -> memref<96x128xf32, #tpu.memory_space<hbm>>
    %dma_wait3A_437 = arith.constant 0 : i32
    %dma_wait3A_438 = tpu.memref_slice %arg3[%add3A_390, %dma_wait3A_437] : memref<30720x128xf32, #tpu.memory_space<hbm>> -> memref<96x128xf32, #tpu.memory_space<hbm>>
    tpu.wait_dma2 semaphore(%arg23 : memref<!tpu.dma_semaphore, #tpu.memory_space<semaphore_mem>>) src(%dma_wait3A_438 : memref<96x128xf32, #tpu.memory_space<hbm>>) dst(%arg11 : memref<96x128xf32, #tpu.memory_space<vmem>>)
    %dma_start3A_439 = arith.constant 9 : i32
    %dma_start3A_440 = arith.constant 0 : i32
    %dma_start3A_441 = tpu.memref_slice %arg7[%dma_start3A_439, %dma_start3A_440] : memref<10x96xi32, #tpu.memory_space<vmem>> -> memref<1x96xi32, #tpu.memory_space<vmem>>
    %dma_start3A_442 = tpu.memref_squeeze %dma_start3A_441 : memref<1x96xi32, #tpu.memory_space<vmem>> -> memref<96xi32, #tpu.memory_space<vmem>>
    %dma_start3A_443 = arith.constant 0 : i32
    %dma_start3A_444 = arith.constant 0 : i32
    %dma_start3A_445 = tpu.memref_slice %arg5[%dma_start3A_443, %dma_start3A_444] : memref<30720x128xf32, #tpu.memory_space<hbm>> -> memref<30720x128xf32, #tpu.memory_space<hbm>>
    tpu.enqueue_indirect_dma source(%arg8 : memref<96x128xf32, #tpu.memory_space<vmem>>) target(%dma_start3A_445 : memref<30720x128xf32, #tpu.memory_space<hbm>>) offsets(%dma_start3A_442 : memref<96xi32, #tpu.memory_space<vmem>>) semaphore(%arg17 : memref<!tpu.dma_semaphore, #tpu.memory_space<semaphore_mem>>)
    %dma_start3A_446 = arith.constant 9 : i32
    %dma_start3A_447 = arith.constant 0 : i32
    %dma_start3A_448 = tpu.memref_slice %arg7[%dma_start3A_446, %dma_start3A_447] : memref<10x96xi32, #tpu.memory_space<vmem>> -> memref<1x96xi32, #tpu.memory_space<vmem>>
    %dma_start3A_449 = tpu.memref_squeeze %dma_start3A_448 : memref<1x96xi32, #tpu.memory_space<vmem>> -> memref<96xi32, #tpu.memory_space<vmem>>
    %dma_start3A_450 = arith.constant 0 : i32
    %dma_start3A_451 = arith.constant 0 : i32
    %dma_start3A_452 = tpu.memref_slice %arg6[%dma_start3A_450, %dma_start3A_451] : memref<30720x128xf32, #tpu.memory_space<hbm>> -> memref<30720x128xf32, #tpu.memory_space<hbm>>
    tpu.enqueue_indirect_dma source(%arg11 : memref<96x128xf32, #tpu.memory_space<vmem>>) target(%dma_start3A_452 : memref<30720x128xf32, #tpu.memory_space<hbm>>) offsets(%dma_start3A_449 : memref<96xi32, #tpu.memory_space<vmem>>) semaphore(%arg20 : memref<!tpu.dma_semaphore, #tpu.memory_space<semaphore_mem>>)
    %dma_wait3A_453 = arith.constant 8 : i32
    %dma_wait3A_454 = arith.constant 0 : i32
    %dma_wait3A_455 = tpu.memref_slice %arg7[%dma_wait3A_453, %dma_wait3A_454] : memref<10x96xi32, #tpu.memory_space<vmem>> -> memref<1x96xi32, #tpu.memory_space<vmem>>
    %dma_wait3A_456 = tpu.memref_squeeze %dma_wait3A_455 : memref<1x96xi32, #tpu.memory_space<vmem>> -> memref<96xi32, #tpu.memory_space<vmem>>
    %dma_wait3A_457 = arith.constant 0 : i32
    %dma_wait3A_458 = arith.constant 0 : i32
    %dma_wait3A_459 = tpu.memref_slice %arg5[%dma_wait3A_457, %dma_wait3A_458] : memref<30720x128xf32, #tpu.memory_space<hbm>> -> memref<30720x128xf32, #tpu.memory_space<hbm>>
    tpu.wait_indirect_dma semaphore(%arg19 : memref<!tpu.dma_semaphore, #tpu.memory_space<semaphore_mem>>) src(%arg10 : memref<96x128xf32, #tpu.memory_space<vmem>>) dst(%dma_wait3A_459 : memref<30720x128xf32, #tpu.memory_space<hbm>>)
    %dma_wait3A_460 = arith.constant 8 : i32
    %dma_wait3A_461 = arith.constant 0 : i32
    %dma_wait3A_462 = tpu.memref_slice %arg7[%dma_wait3A_460, %dma_wait3A_461] : memref<10x96xi32, #tpu.memory_space<vmem>> -> memref<1x96xi32, #tpu.memory_space<vmem>>
    %dma_wait3A_463 = tpu.memref_squeeze %dma_wait3A_462 : memref<1x96xi32, #tpu.memory_space<vmem>> -> memref<96xi32, #tpu.memory_space<vmem>>
    %dma_wait3A_464 = arith.constant 0 : i32
    %dma_wait3A_465 = arith.constant 0 : i32
    %dma_wait3A_466 = tpu.memref_slice %arg6[%dma_wait3A_464, %dma_wait3A_465] : memref<30720x128xf32, #tpu.memory_space<hbm>> -> memref<30720x128xf32, #tpu.memory_space<hbm>>
    tpu.wait_indirect_dma semaphore(%arg22 : memref<!tpu.dma_semaphore, #tpu.memory_space<semaphore_mem>>) src(%arg13 : memref<96x128xf32, #tpu.memory_space<vmem>>) dst(%dma_wait3A_466 : memref<30720x128xf32, #tpu.memory_space<hbm>>)
    %dma_wait3A_467 = arith.constant 9 : i32
    %dma_wait3A_468 = arith.constant 0 : i32
    %dma_wait3A_469 = tpu.memref_slice %arg7[%dma_wait3A_467, %dma_wait3A_468] : memref<10x96xi32, #tpu.memory_space<vmem>> -> memref<1x96xi32, #tpu.memory_space<vmem>>
    %dma_wait3A_470 = tpu.memref_squeeze %dma_wait3A_469 : memref<1x96xi32, #tpu.memory_space<vmem>> -> memref<96xi32, #tpu.memory_space<vmem>>
    %dma_wait3A_471 = arith.constant 0 : i32
    %dma_wait3A_472 = arith.constant 0 : i32
    %dma_wait3A_473 = tpu.memref_slice %arg5[%dma_wait3A_471, %dma_wait3A_472] : memref<30720x128xf32, #tpu.memory_space<hbm>> -> memref<30720x128xf32, #tpu.memory_space<hbm>>
    tpu.wait_indirect_dma semaphore(%arg17 : memref<!tpu.dma_semaphore, #tpu.memory_space<semaphore_mem>>) src(%arg8 : memref<96x128xf32, #tpu.memory_space<vmem>>) dst(%dma_wait3A_473 : memref<30720x128xf32, #tpu.memory_space<hbm>>)
    %dma_wait3A_474 = arith.constant 9 : i32
    %dma_wait3A_475 = arith.constant 0 : i32
    %dma_wait3A_476 = tpu.memref_slice %arg7[%dma_wait3A_474, %dma_wait3A_475] : memref<10x96xi32, #tpu.memory_space<vmem>> -> memref<1x96xi32, #tpu.memory_space<vmem>>
    %dma_wait3A_477 = tpu.memref_squeeze %dma_wait3A_476 : memref<1x96xi32, #tpu.memory_space<vmem>> -> memref<96xi32, #tpu.memory_space<vmem>>
    %dma_wait3A_478 = arith.constant 0 : i32
    %dma_wait3A_479 = arith.constant 0 : i32
    %dma_wait3A_480 = tpu.memref_slice %arg6[%dma_wait3A_478, %dma_wait3A_479] : memref<30720x128xf32, #tpu.memory_space<hbm>> -> memref<30720x128xf32, #tpu.memory_space<hbm>>
    tpu.wait_indirect_dma semaphore(%arg20 : memref<!tpu.dma_semaphore, #tpu.memory_space<semaphore_mem>>) src(%arg11 : memref<96x128xf32, #tpu.memory_space<vmem>>) dst(%dma_wait3A_480 : memref<30720x128xf32, #tpu.memory_space<hbm>>)
    return
  }
}

#map = affine_map<(d0, d1) -> (0, 0)>
#map1 = affine_map<(d0, d1) -> (0, 0, 0)>
module attributes {stable_mosaic.version = 14 : i64} {
  func.func @k(%arg0: i32, %arg1: i32, %arg2: memref<30720x128xf32, #tpu.memory_space<hbm>>, %arg3: memref<32x10x96xi32, #tpu.memory_space<hbm>>, %arg4: memref<30720x128xf32, #tpu.memory_space<hbm>>, %arg5: memref<10x96xi32, #tpu.memory_space<vmem>>, %arg6: memref<96x128xf32, #tpu.memory_space<vmem>>, %arg7: memref<96x128xf32, #tpu.memory_space<vmem>>, %arg8: memref<96x128xf32, #tpu.memory_space<vmem>>, %arg9: memref<!tpu.dma_semaphore, #tpu.memory_space<semaphore_mem>>, %arg10: memref<!tpu.dma_semaphore, #tpu.memory_space<semaphore_mem>>, %arg11: memref<!tpu.dma_semaphore, #tpu.memory_space<semaphore_mem>>) attributes {dimension_semantics = [#tpu.dimension_semantics<core_parallel>, #tpu.dimension_semantics<subcore_parallel>], iteration_bounds = array<i64: 2, 16>, scalar_prefetch = 0 : i64, scratch_operands = 7 : i64, tpu.core_type = #tpu.core_type<sc_vector_subcore>, window_params = [{transform_indices = #map}, {transform_indices = #map1}, {transform_indices = #map}]} {
    %mul3A = arith.constant 2 : i32
    %mul3A_0 = arith.muli %arg1, %mul3A : i32
    %add3A = arith.addi %mul3A_0, %arg0 : i32
    %mul3A_1 = arith.constant 960 : i32
    %mul3A_2 = arith.muli %add3A, %mul3A_1 : i32
    "tpu.region"() ({
      %run_scoped3A = tpu.sem_alloc : memref<!tpu.dma_semaphore, #tpu.memory_space<semaphore_mem>>
      %dma_start3A_161 = arith.constant 0 : i32
      %dma_start3A_162 = arith.constant 0 : i32
      %dma_start3A_163 = tpu.memref_slice %arg3[%add3A, %dma_start3A_161, %dma_start3A_162] : memref<32x10x96xi32, #tpu.memory_space<hbm>> -> memref<1x10x96xi32, #tpu.memory_space<hbm>>
      %dma_start3A_164 = tpu.memref_squeeze %dma_start3A_163 : memref<1x10x96xi32, #tpu.memory_space<hbm>> -> memref<10x96xi32, #tpu.memory_space<hbm>>
      %dma_start3A_165 = arith.constant 0 : i32
      %dma_start3A_166 = arith.constant 0 : i32
      %dma_start3A_167 = tpu.memref_slice %arg3[%add3A, %dma_start3A_165, %dma_start3A_166] : memref<32x10x96xi32, #tpu.memory_space<hbm>> -> memref<1x10x96xi32, #tpu.memory_space<hbm>>
      %dma_start3A_168 = tpu.memref_squeeze %dma_start3A_167 : memref<1x10x96xi32, #tpu.memory_space<hbm>> -> memref<10x96xi32, #tpu.memory_space<hbm>>
      tpu.enqueue_dma source(%dma_start3A_168 : memref<10x96xi32, #tpu.memory_space<hbm>>) target(%arg5 : memref<10x96xi32, #tpu.memory_space<vmem>>) target_semaphore(%run_scoped3A : memref<!tpu.dma_semaphore, #tpu.memory_space<semaphore_mem>>)
      %dma_wait3A_169 = arith.constant 0 : i32
      %dma_wait3A_170 = arith.constant 0 : i32
      %dma_wait3A_171 = tpu.memref_slice %arg3[%add3A, %dma_wait3A_169, %dma_wait3A_170] : memref<32x10x96xi32, #tpu.memory_space<hbm>> -> memref<1x10x96xi32, #tpu.memory_space<hbm>>
      %dma_wait3A_172 = tpu.memref_squeeze %dma_wait3A_171 : memref<1x10x96xi32, #tpu.memory_space<hbm>> -> memref<10x96xi32, #tpu.memory_space<hbm>>
      %dma_wait3A_173 = arith.constant 0 : i32
      %dma_wait3A_174 = arith.constant 0 : i32
      %dma_wait3A_175 = tpu.memref_slice %arg3[%add3A, %dma_wait3A_173, %dma_wait3A_174] : memref<32x10x96xi32, #tpu.memory_space<hbm>> -> memref<1x10x96xi32, #tpu.memory_space<hbm>>
      %dma_wait3A_176 = tpu.memref_squeeze %dma_wait3A_175 : memref<1x10x96xi32, #tpu.memory_space<hbm>> -> memref<10x96xi32, #tpu.memory_space<hbm>>
      tpu.wait_dma2 semaphore(%run_scoped3A : memref<!tpu.dma_semaphore, #tpu.memory_space<semaphore_mem>>) src(%dma_wait3A_176 : memref<10x96xi32, #tpu.memory_space<hbm>>) dst(%arg5 : memref<10x96xi32, #tpu.memory_space<vmem>>)
      tpu.yield
    }) : () -> ()
    %dma_start3A = arith.constant 0 : i32
    %dma_start3A_3 = arith.constant 0 : i32
    %dma_start3A_4 = tpu.memref_slice %arg5[%dma_start3A, %dma_start3A_3] : memref<10x96xi32, #tpu.memory_space<vmem>> -> memref<1x96xi32, #tpu.memory_space<vmem>>
    %dma_start3A_5 = tpu.memref_squeeze %dma_start3A_4 : memref<1x96xi32, #tpu.memory_space<vmem>> -> memref<96xi32, #tpu.memory_space<vmem>>
    %dma_start3A_6 = arith.constant 0 : i32
    %dma_start3A_7 = arith.constant 0 : i32
    %dma_start3A_8 = tpu.memref_slice %arg2[%dma_start3A_6, %dma_start3A_7] : memref<30720x128xf32, #tpu.memory_space<hbm>> -> memref<30720x128xf32, #tpu.memory_space<hbm>>
    tpu.enqueue_indirect_dma source(%dma_start3A_8 : memref<30720x128xf32, #tpu.memory_space<hbm>>) target(%arg6 : memref<96x128xf32, #tpu.memory_space<vmem>>) offsets(%dma_start3A_5 : memref<96xi32, #tpu.memory_space<vmem>>) semaphore(%arg9 : memref<!tpu.dma_semaphore, #tpu.memory_space<semaphore_mem>>)
    %dma_start3A_9 = arith.constant 1 : i32
    %dma_start3A_10 = arith.constant 0 : i32
    %dma_start3A_11 = tpu.memref_slice %arg5[%dma_start3A_9, %dma_start3A_10] : memref<10x96xi32, #tpu.memory_space<vmem>> -> memref<1x96xi32, #tpu.memory_space<vmem>>
    %dma_start3A_12 = tpu.memref_squeeze %dma_start3A_11 : memref<1x96xi32, #tpu.memory_space<vmem>> -> memref<96xi32, #tpu.memory_space<vmem>>
    %dma_start3A_13 = arith.constant 0 : i32
    %dma_start3A_14 = arith.constant 0 : i32
    %dma_start3A_15 = tpu.memref_slice %arg2[%dma_start3A_13, %dma_start3A_14] : memref<30720x128xf32, #tpu.memory_space<hbm>> -> memref<30720x128xf32, #tpu.memory_space<hbm>>
    tpu.enqueue_indirect_dma source(%dma_start3A_15 : memref<30720x128xf32, #tpu.memory_space<hbm>>) target(%arg7 : memref<96x128xf32, #tpu.memory_space<vmem>>) offsets(%dma_start3A_12 : memref<96xi32, #tpu.memory_space<vmem>>) semaphore(%arg10 : memref<!tpu.dma_semaphore, #tpu.memory_space<semaphore_mem>>)
    %dma_start3A_16 = arith.constant 2 : i32
    %dma_start3A_17 = arith.constant 0 : i32
    %dma_start3A_18 = tpu.memref_slice %arg5[%dma_start3A_16, %dma_start3A_17] : memref<10x96xi32, #tpu.memory_space<vmem>> -> memref<1x96xi32, #tpu.memory_space<vmem>>
    %dma_start3A_19 = tpu.memref_squeeze %dma_start3A_18 : memref<1x96xi32, #tpu.memory_space<vmem>> -> memref<96xi32, #tpu.memory_space<vmem>>
    %dma_start3A_20 = arith.constant 0 : i32
    %dma_start3A_21 = arith.constant 0 : i32
    %dma_start3A_22 = tpu.memref_slice %arg2[%dma_start3A_20, %dma_start3A_21] : memref<30720x128xf32, #tpu.memory_space<hbm>> -> memref<30720x128xf32, #tpu.memory_space<hbm>>
    tpu.enqueue_indirect_dma source(%dma_start3A_22 : memref<30720x128xf32, #tpu.memory_space<hbm>>) target(%arg8 : memref<96x128xf32, #tpu.memory_space<vmem>>) offsets(%dma_start3A_19 : memref<96xi32, #tpu.memory_space<vmem>>) semaphore(%arg11 : memref<!tpu.dma_semaphore, #tpu.memory_space<semaphore_mem>>)
    %dma_wait3A = arith.constant 0 : i32
    %dma_wait3A_23 = arith.constant 0 : i32
    %dma_wait3A_24 = tpu.memref_slice %arg5[%dma_wait3A, %dma_wait3A_23] : memref<10x96xi32, #tpu.memory_space<vmem>> -> memref<1x96xi32, #tpu.memory_space<vmem>>
    %dma_wait3A_25 = tpu.memref_squeeze %dma_wait3A_24 : memref<1x96xi32, #tpu.memory_space<vmem>> -> memref<96xi32, #tpu.memory_space<vmem>>
    %dma_wait3A_26 = arith.constant 0 : i32
    %dma_wait3A_27 = arith.constant 0 : i32
    %dma_wait3A_28 = tpu.memref_slice %arg2[%dma_wait3A_26, %dma_wait3A_27] : memref<30720x128xf32, #tpu.memory_space<hbm>> -> memref<30720x128xf32, #tpu.memory_space<hbm>>
    tpu.wait_indirect_dma semaphore(%arg9 : memref<!tpu.dma_semaphore, #tpu.memory_space<semaphore_mem>>) src(%dma_wait3A_28 : memref<30720x128xf32, #tpu.memory_space<hbm>>) dst(%arg6 : memref<96x128xf32, #tpu.memory_space<vmem>>)
    %add3A_29 = arith.constant 0 : i32
    %add3A_30 = arith.addi %mul3A_2, %add3A_29 : i32
    "tpu.region"() ({
      %run_scoped3A = tpu.sem_alloc : memref<!tpu.dma_semaphore, #tpu.memory_space<semaphore_mem>>
      %dma_start3A_161 = arith.constant 0 : i32
      %dma_start3A_162 = tpu.memref_slice %arg4[%add3A_30, %dma_start3A_161] : memref<30720x128xf32, #tpu.memory_space<hbm>> -> memref<96x128xf32, #tpu.memory_space<hbm>>
      %dma_start3A_163 = arith.constant 0 : i32
      %dma_start3A_164 = tpu.memref_slice %arg4[%add3A_30, %dma_start3A_163] : memref<30720x128xf32, #tpu.memory_space<hbm>> -> memref<96x128xf32, #tpu.memory_space<hbm>>
      tpu.enqueue_dma source(%arg6 : memref<96x128xf32, #tpu.memory_space<vmem>>) target(%dma_start3A_164 : memref<96x128xf32, #tpu.memory_space<hbm>>) target_semaphore(%run_scoped3A : memref<!tpu.dma_semaphore, #tpu.memory_space<semaphore_mem>>)
      %dma_wait3A_165 = arith.constant 0 : i32
      %dma_wait3A_166 = tpu.memref_slice %arg4[%add3A_30, %dma_wait3A_165] : memref<30720x128xf32, #tpu.memory_space<hbm>> -> memref<96x128xf32, #tpu.memory_space<hbm>>
      %dma_wait3A_167 = arith.constant 0 : i32
      %dma_wait3A_168 = tpu.memref_slice %arg4[%add3A_30, %dma_wait3A_167] : memref<30720x128xf32, #tpu.memory_space<hbm>> -> memref<96x128xf32, #tpu.memory_space<hbm>>
      tpu.wait_dma2 semaphore(%run_scoped3A : memref<!tpu.dma_semaphore, #tpu.memory_space<semaphore_mem>>) src(%arg6 : memref<96x128xf32, #tpu.memory_space<vmem>>) dst(%dma_wait3A_168 : memref<96x128xf32, #tpu.memory_space<hbm>>)
      tpu.yield
    }) : () -> ()
    %dma_start3A_31 = arith.constant 3 : i32
    %dma_start3A_32 = arith.constant 0 : i32
    %dma_start3A_33 = tpu.memref_slice %arg5[%dma_start3A_31, %dma_start3A_32] : memref<10x96xi32, #tpu.memory_space<vmem>> -> memref<1x96xi32, #tpu.memory_space<vmem>>
    %dma_start3A_34 = tpu.memref_squeeze %dma_start3A_33 : memref<1x96xi32, #tpu.memory_space<vmem>> -> memref<96xi32, #tpu.memory_space<vmem>>
    %dma_start3A_35 = arith.constant 0 : i32
    %dma_start3A_36 = arith.constant 0 : i32
    %dma_start3A_37 = tpu.memref_slice %arg2[%dma_start3A_35, %dma_start3A_36] : memref<30720x128xf32, #tpu.memory_space<hbm>> -> memref<30720x128xf32, #tpu.memory_space<hbm>>
    tpu.enqueue_indirect_dma source(%dma_start3A_37 : memref<30720x128xf32, #tpu.memory_space<hbm>>) target(%arg6 : memref<96x128xf32, #tpu.memory_space<vmem>>) offsets(%dma_start3A_34 : memref<96xi32, #tpu.memory_space<vmem>>) semaphore(%arg9 : memref<!tpu.dma_semaphore, #tpu.memory_space<semaphore_mem>>)
    %dma_wait3A_38 = arith.constant 1 : i32
    %dma_wait3A_39 = arith.constant 0 : i32
    %dma_wait3A_40 = tpu.memref_slice %arg5[%dma_wait3A_38, %dma_wait3A_39] : memref<10x96xi32, #tpu.memory_space<vmem>> -> memref<1x96xi32, #tpu.memory_space<vmem>>
    %dma_wait3A_41 = tpu.memref_squeeze %dma_wait3A_40 : memref<1x96xi32, #tpu.memory_space<vmem>> -> memref<96xi32, #tpu.memory_space<vmem>>
    %dma_wait3A_42 = arith.constant 0 : i32
    %dma_wait3A_43 = arith.constant 0 : i32
    %dma_wait3A_44 = tpu.memref_slice %arg2[%dma_wait3A_42, %dma_wait3A_43] : memref<30720x128xf32, #tpu.memory_space<hbm>> -> memref<30720x128xf32, #tpu.memory_space<hbm>>
    tpu.wait_indirect_dma semaphore(%arg10 : memref<!tpu.dma_semaphore, #tpu.memory_space<semaphore_mem>>) src(%dma_wait3A_44 : memref<30720x128xf32, #tpu.memory_space<hbm>>) dst(%arg7 : memref<96x128xf32, #tpu.memory_space<vmem>>)
    %add3A_45 = arith.constant 96 : i32
    %add3A_46 = arith.addi %mul3A_2, %add3A_45 : i32
    "tpu.region"() ({
      %run_scoped3A = tpu.sem_alloc : memref<!tpu.dma_semaphore, #tpu.memory_space<semaphore_mem>>
      %dma_start3A_161 = arith.constant 0 : i32
      %dma_start3A_162 = tpu.memref_slice %arg4[%add3A_46, %dma_start3A_161] : memref<30720x128xf32, #tpu.memory_space<hbm>> -> memref<96x128xf32, #tpu.memory_space<hbm>>
      %dma_start3A_163 = arith.constant 0 : i32
      %dma_start3A_164 = tpu.memref_slice %arg4[%add3A_46, %dma_start3A_163] : memref<30720x128xf32, #tpu.memory_space<hbm>> -> memref<96x128xf32, #tpu.memory_space<hbm>>
      tpu.enqueue_dma source(%arg7 : memref<96x128xf32, #tpu.memory_space<vmem>>) target(%dma_start3A_164 : memref<96x128xf32, #tpu.memory_space<hbm>>) target_semaphore(%run_scoped3A : memref<!tpu.dma_semaphore, #tpu.memory_space<semaphore_mem>>)
      %dma_wait3A_165 = arith.constant 0 : i32
      %dma_wait3A_166 = tpu.memref_slice %arg4[%add3A_46, %dma_wait3A_165] : memref<30720x128xf32, #tpu.memory_space<hbm>> -> memref<96x128xf32, #tpu.memory_space<hbm>>
      %dma_wait3A_167 = arith.constant 0 : i32
      %dma_wait3A_168 = tpu.memref_slice %arg4[%add3A_46, %dma_wait3A_167] : memref<30720x128xf32, #tpu.memory_space<hbm>> -> memref<96x128xf32, #tpu.memory_space<hbm>>
      tpu.wait_dma2 semaphore(%run_scoped3A : memref<!tpu.dma_semaphore, #tpu.memory_space<semaphore_mem>>) src(%arg7 : memref<96x128xf32, #tpu.memory_space<vmem>>) dst(%dma_wait3A_168 : memref<96x128xf32, #tpu.memory_space<hbm>>)
      tpu.yield
    }) : () -> ()
    %dma_start3A_47 = arith.constant 4 : i32
    %dma_start3A_48 = arith.constant 0 : i32
    %dma_start3A_49 = tpu.memref_slice %arg5[%dma_start3A_47, %dma_start3A_48] : memref<10x96xi32, #tpu.memory_space<vmem>> -> memref<1x96xi32, #tpu.memory_space<vmem>>
    %dma_start3A_50 = tpu.memref_squeeze %dma_start3A_49 : memref<1x96xi32, #tpu.memory_space<vmem>> -> memref<96xi32, #tpu.memory_space<vmem>>
    %dma_start3A_51 = arith.constant 0 : i32
    %dma_start3A_52 = arith.constant 0 : i32
    %dma_start3A_53 = tpu.memref_slice %arg2[%dma_start3A_51, %dma_start3A_52] : memref<30720x128xf32, #tpu.memory_space<hbm>> -> memref<30720x128xf32, #tpu.memory_space<hbm>>
    tpu.enqueue_indirect_dma source(%dma_start3A_53 : memref<30720x128xf32, #tpu.memory_space<hbm>>) target(%arg7 : memref<96x128xf32, #tpu.memory_space<vmem>>) offsets(%dma_start3A_50 : memref<96xi32, #tpu.memory_space<vmem>>) semaphore(%arg10 : memref<!tpu.dma_semaphore, #tpu.memory_space<semaphore_mem>>)
    %dma_wait3A_54 = arith.constant 2 : i32
    %dma_wait3A_55 = arith.constant 0 : i32
    %dma_wait3A_56 = tpu.memref_slice %arg5[%dma_wait3A_54, %dma_wait3A_55] : memref<10x96xi32, #tpu.memory_space<vmem>> -> memref<1x96xi32, #tpu.memory_space<vmem>>
    %dma_wait3A_57 = tpu.memref_squeeze %dma_wait3A_56 : memref<1x96xi32, #tpu.memory_space<vmem>> -> memref<96xi32, #tpu.memory_space<vmem>>
    %dma_wait3A_58 = arith.constant 0 : i32
    %dma_wait3A_59 = arith.constant 0 : i32
    %dma_wait3A_60 = tpu.memref_slice %arg2[%dma_wait3A_58, %dma_wait3A_59] : memref<30720x128xf32, #tpu.memory_space<hbm>> -> memref<30720x128xf32, #tpu.memory_space<hbm>>
    tpu.wait_indirect_dma semaphore(%arg11 : memref<!tpu.dma_semaphore, #tpu.memory_space<semaphore_mem>>) src(%dma_wait3A_60 : memref<30720x128xf32, #tpu.memory_space<hbm>>) dst(%arg8 : memref<96x128xf32, #tpu.memory_space<vmem>>)
    %add3A_61 = arith.constant 192 : i32
    %add3A_62 = arith.addi %mul3A_2, %add3A_61 : i32
    "tpu.region"() ({
      %run_scoped3A = tpu.sem_alloc : memref<!tpu.dma_semaphore, #tpu.memory_space<semaphore_mem>>
      %dma_start3A_161 = arith.constant 0 : i32
      %dma_start3A_162 = tpu.memref_slice %arg4[%add3A_62, %dma_start3A_161] : memref<30720x128xf32, #tpu.memory_space<hbm>> -> memref<96x128xf32, #tpu.memory_space<hbm>>
      %dma_start3A_163 = arith.constant 0 : i32
      %dma_start3A_164 = tpu.memref_slice %arg4[%add3A_62, %dma_start3A_163] : memref<30720x128xf32, #tpu.memory_space<hbm>> -> memref<96x128xf32, #tpu.memory_space<hbm>>
      tpu.enqueue_dma source(%arg8 : memref<96x128xf32, #tpu.memory_space<vmem>>) target(%dma_start3A_164 : memref<96x128xf32, #tpu.memory_space<hbm>>) target_semaphore(%run_scoped3A : memref<!tpu.dma_semaphore, #tpu.memory_space<semaphore_mem>>)
      %dma_wait3A_165 = arith.constant 0 : i32
      %dma_wait3A_166 = tpu.memref_slice %arg4[%add3A_62, %dma_wait3A_165] : memref<30720x128xf32, #tpu.memory_space<hbm>> -> memref<96x128xf32, #tpu.memory_space<hbm>>
      %dma_wait3A_167 = arith.constant 0 : i32
      %dma_wait3A_168 = tpu.memref_slice %arg4[%add3A_62, %dma_wait3A_167] : memref<30720x128xf32, #tpu.memory_space<hbm>> -> memref<96x128xf32, #tpu.memory_space<hbm>>
      tpu.wait_dma2 semaphore(%run_scoped3A : memref<!tpu.dma_semaphore, #tpu.memory_space<semaphore_mem>>) src(%arg8 : memref<96x128xf32, #tpu.memory_space<vmem>>) dst(%dma_wait3A_168 : memref<96x128xf32, #tpu.memory_space<hbm>>)
      tpu.yield
    }) : () -> ()
    %dma_start3A_63 = arith.constant 5 : i32
    %dma_start3A_64 = arith.constant 0 : i32
    %dma_start3A_65 = tpu.memref_slice %arg5[%dma_start3A_63, %dma_start3A_64] : memref<10x96xi32, #tpu.memory_space<vmem>> -> memref<1x96xi32, #tpu.memory_space<vmem>>
    %dma_start3A_66 = tpu.memref_squeeze %dma_start3A_65 : memref<1x96xi32, #tpu.memory_space<vmem>> -> memref<96xi32, #tpu.memory_space<vmem>>
    %dma_start3A_67 = arith.constant 0 : i32
    %dma_start3A_68 = arith.constant 0 : i32
    %dma_start3A_69 = tpu.memref_slice %arg2[%dma_start3A_67, %dma_start3A_68] : memref<30720x128xf32, #tpu.memory_space<hbm>> -> memref<30720x128xf32, #tpu.memory_space<hbm>>
    tpu.enqueue_indirect_dma source(%dma_start3A_69 : memref<30720x128xf32, #tpu.memory_space<hbm>>) target(%arg8 : memref<96x128xf32, #tpu.memory_space<vmem>>) offsets(%dma_start3A_66 : memref<96xi32, #tpu.memory_space<vmem>>) semaphore(%arg11 : memref<!tpu.dma_semaphore, #tpu.memory_space<semaphore_mem>>)
    %dma_wait3A_70 = arith.constant 3 : i32
    %dma_wait3A_71 = arith.constant 0 : i32
    %dma_wait3A_72 = tpu.memref_slice %arg5[%dma_wait3A_70, %dma_wait3A_71] : memref<10x96xi32, #tpu.memory_space<vmem>> -> memref<1x96xi32, #tpu.memory_space<vmem>>
    %dma_wait3A_73 = tpu.memref_squeeze %dma_wait3A_72 : memref<1x96xi32, #tpu.memory_space<vmem>> -> memref<96xi32, #tpu.memory_space<vmem>>
    %dma_wait3A_74 = arith.constant 0 : i32
    %dma_wait3A_75 = arith.constant 0 : i32
    %dma_wait3A_76 = tpu.memref_slice %arg2[%dma_wait3A_74, %dma_wait3A_75] : memref<30720x128xf32, #tpu.memory_space<hbm>> -> memref<30720x128xf32, #tpu.memory_space<hbm>>
    tpu.wait_indirect_dma semaphore(%arg9 : memref<!tpu.dma_semaphore, #tpu.memory_space<semaphore_mem>>) src(%dma_wait3A_76 : memref<30720x128xf32, #tpu.memory_space<hbm>>) dst(%arg6 : memref<96x128xf32, #tpu.memory_space<vmem>>)
    %add3A_77 = arith.constant 288 : i32
    %add3A_78 = arith.addi %mul3A_2, %add3A_77 : i32
    "tpu.region"() ({
      %run_scoped3A = tpu.sem_alloc : memref<!tpu.dma_semaphore, #tpu.memory_space<semaphore_mem>>
      %dma_start3A_161 = arith.constant 0 : i32
      %dma_start3A_162 = tpu.memref_slice %arg4[%add3A_78, %dma_start3A_161] : memref<30720x128xf32, #tpu.memory_space<hbm>> -> memref<96x128xf32, #tpu.memory_space<hbm>>
      %dma_start3A_163 = arith.constant 0 : i32
      %dma_start3A_164 = tpu.memref_slice %arg4[%add3A_78, %dma_start3A_163] : memref<30720x128xf32, #tpu.memory_space<hbm>> -> memref<96x128xf32, #tpu.memory_space<hbm>>
      tpu.enqueue_dma source(%arg6 : memref<96x128xf32, #tpu.memory_space<vmem>>) target(%dma_start3A_164 : memref<96x128xf32, #tpu.memory_space<hbm>>) target_semaphore(%run_scoped3A : memref<!tpu.dma_semaphore, #tpu.memory_space<semaphore_mem>>)
      %dma_wait3A_165 = arith.constant 0 : i32
      %dma_wait3A_166 = tpu.memref_slice %arg4[%add3A_78, %dma_wait3A_165] : memref<30720x128xf32, #tpu.memory_space<hbm>> -> memref<96x128xf32, #tpu.memory_space<hbm>>
      %dma_wait3A_167 = arith.constant 0 : i32
      %dma_wait3A_168 = tpu.memref_slice %arg4[%add3A_78, %dma_wait3A_167] : memref<30720x128xf32, #tpu.memory_space<hbm>> -> memref<96x128xf32, #tpu.memory_space<hbm>>
      tpu.wait_dma2 semaphore(%run_scoped3A : memref<!tpu.dma_semaphore, #tpu.memory_space<semaphore_mem>>) src(%arg6 : memref<96x128xf32, #tpu.memory_space<vmem>>) dst(%dma_wait3A_168 : memref<96x128xf32, #tpu.memory_space<hbm>>)
      tpu.yield
    }) : () -> ()
    %dma_start3A_79 = arith.constant 6 : i32
    %dma_start3A_80 = arith.constant 0 : i32
    %dma_start3A_81 = tpu.memref_slice %arg5[%dma_start3A_79, %dma_start3A_80] : memref<10x96xi32, #tpu.memory_space<vmem>> -> memref<1x96xi32, #tpu.memory_space<vmem>>
    %dma_start3A_82 = tpu.memref_squeeze %dma_start3A_81 : memref<1x96xi32, #tpu.memory_space<vmem>> -> memref<96xi32, #tpu.memory_space<vmem>>
    %dma_start3A_83 = arith.constant 0 : i32
    %dma_start3A_84 = arith.constant 0 : i32
    %dma_start3A_85 = tpu.memref_slice %arg2[%dma_start3A_83, %dma_start3A_84] : memref<30720x128xf32, #tpu.memory_space<hbm>> -> memref<30720x128xf32, #tpu.memory_space<hbm>>
    tpu.enqueue_indirect_dma source(%dma_start3A_85 : memref<30720x128xf32, #tpu.memory_space<hbm>>) target(%arg6 : memref<96x128xf32, #tpu.memory_space<vmem>>) offsets(%dma_start3A_82 : memref<96xi32, #tpu.memory_space<vmem>>) semaphore(%arg9 : memref<!tpu.dma_semaphore, #tpu.memory_space<semaphore_mem>>)
    %dma_wait3A_86 = arith.constant 4 : i32
    %dma_wait3A_87 = arith.constant 0 : i32
    %dma_wait3A_88 = tpu.memref_slice %arg5[%dma_wait3A_86, %dma_wait3A_87] : memref<10x96xi32, #tpu.memory_space<vmem>> -> memref<1x96xi32, #tpu.memory_space<vmem>>
    %dma_wait3A_89 = tpu.memref_squeeze %dma_wait3A_88 : memref<1x96xi32, #tpu.memory_space<vmem>> -> memref<96xi32, #tpu.memory_space<vmem>>
    %dma_wait3A_90 = arith.constant 0 : i32
    %dma_wait3A_91 = arith.constant 0 : i32
    %dma_wait3A_92 = tpu.memref_slice %arg2[%dma_wait3A_90, %dma_wait3A_91] : memref<30720x128xf32, #tpu.memory_space<hbm>> -> memref<30720x128xf32, #tpu.memory_space<hbm>>
    tpu.wait_indirect_dma semaphore(%arg10 : memref<!tpu.dma_semaphore, #tpu.memory_space<semaphore_mem>>) src(%dma_wait3A_92 : memref<30720x128xf32, #tpu.memory_space<hbm>>) dst(%arg7 : memref<96x128xf32, #tpu.memory_space<vmem>>)
    %add3A_93 = arith.constant 384 : i32
    %add3A_94 = arith.addi %mul3A_2, %add3A_93 : i32
    "tpu.region"() ({
      %run_scoped3A = tpu.sem_alloc : memref<!tpu.dma_semaphore, #tpu.memory_space<semaphore_mem>>
      %dma_start3A_161 = arith.constant 0 : i32
      %dma_start3A_162 = tpu.memref_slice %arg4[%add3A_94, %dma_start3A_161] : memref<30720x128xf32, #tpu.memory_space<hbm>> -> memref<96x128xf32, #tpu.memory_space<hbm>>
      %dma_start3A_163 = arith.constant 0 : i32
      %dma_start3A_164 = tpu.memref_slice %arg4[%add3A_94, %dma_start3A_163] : memref<30720x128xf32, #tpu.memory_space<hbm>> -> memref<96x128xf32, #tpu.memory_space<hbm>>
      tpu.enqueue_dma source(%arg7 : memref<96x128xf32, #tpu.memory_space<vmem>>) target(%dma_start3A_164 : memref<96x128xf32, #tpu.memory_space<hbm>>) target_semaphore(%run_scoped3A : memref<!tpu.dma_semaphore, #tpu.memory_space<semaphore_mem>>)
      %dma_wait3A_165 = arith.constant 0 : i32
      %dma_wait3A_166 = tpu.memref_slice %arg4[%add3A_94, %dma_wait3A_165] : memref<30720x128xf32, #tpu.memory_space<hbm>> -> memref<96x128xf32, #tpu.memory_space<hbm>>
      %dma_wait3A_167 = arith.constant 0 : i32
      %dma_wait3A_168 = tpu.memref_slice %arg4[%add3A_94, %dma_wait3A_167] : memref<30720x128xf32, #tpu.memory_space<hbm>> -> memref<96x128xf32, #tpu.memory_space<hbm>>
      tpu.wait_dma2 semaphore(%run_scoped3A : memref<!tpu.dma_semaphore, #tpu.memory_space<semaphore_mem>>) src(%arg7 : memref<96x128xf32, #tpu.memory_space<vmem>>) dst(%dma_wait3A_168 : memref<96x128xf32, #tpu.memory_space<hbm>>)
      tpu.yield
    }) : () -> ()
    %dma_start3A_95 = arith.constant 7 : i32
    %dma_start3A_96 = arith.constant 0 : i32
    %dma_start3A_97 = tpu.memref_slice %arg5[%dma_start3A_95, %dma_start3A_96] : memref<10x96xi32, #tpu.memory_space<vmem>> -> memref<1x96xi32, #tpu.memory_space<vmem>>
    %dma_start3A_98 = tpu.memref_squeeze %dma_start3A_97 : memref<1x96xi32, #tpu.memory_space<vmem>> -> memref<96xi32, #tpu.memory_space<vmem>>
    %dma_start3A_99 = arith.constant 0 : i32
    %dma_start3A_100 = arith.constant 0 : i32
    %dma_start3A_101 = tpu.memref_slice %arg2[%dma_start3A_99, %dma_start3A_100] : memref<30720x128xf32, #tpu.memory_space<hbm>> -> memref<30720x128xf32, #tpu.memory_space<hbm>>
    tpu.enqueue_indirect_dma source(%dma_start3A_101 : memref<30720x128xf32, #tpu.memory_space<hbm>>) target(%arg7 : memref<96x128xf32, #tpu.memory_space<vmem>>) offsets(%dma_start3A_98 : memref<96xi32, #tpu.memory_space<vmem>>) semaphore(%arg10 : memref<!tpu.dma_semaphore, #tpu.memory_space<semaphore_mem>>)
    %dma_wait3A_102 = arith.constant 5 : i32
    %dma_wait3A_103 = arith.constant 0 : i32
    %dma_wait3A_104 = tpu.memref_slice %arg5[%dma_wait3A_102, %dma_wait3A_103] : memref<10x96xi32, #tpu.memory_space<vmem>> -> memref<1x96xi32, #tpu.memory_space<vmem>>
    %dma_wait3A_105 = tpu.memref_squeeze %dma_wait3A_104 : memref<1x96xi32, #tpu.memory_space<vmem>> -> memref<96xi32, #tpu.memory_space<vmem>>
    %dma_wait3A_106 = arith.constant 0 : i32
    %dma_wait3A_107 = arith.constant 0 : i32
    %dma_wait3A_108 = tpu.memref_slice %arg2[%dma_wait3A_106, %dma_wait3A_107] : memref<30720x128xf32, #tpu.memory_space<hbm>> -> memref<30720x128xf32, #tpu.memory_space<hbm>>
    tpu.wait_indirect_dma semaphore(%arg11 : memref<!tpu.dma_semaphore, #tpu.memory_space<semaphore_mem>>) src(%dma_wait3A_108 : memref<30720x128xf32, #tpu.memory_space<hbm>>) dst(%arg8 : memref<96x128xf32, #tpu.memory_space<vmem>>)
    %add3A_109 = arith.constant 480 : i32
    %add3A_110 = arith.addi %mul3A_2, %add3A_109 : i32
    "tpu.region"() ({
      %run_scoped3A = tpu.sem_alloc : memref<!tpu.dma_semaphore, #tpu.memory_space<semaphore_mem>>
      %dma_start3A_161 = arith.constant 0 : i32
      %dma_start3A_162 = tpu.memref_slice %arg4[%add3A_110, %dma_start3A_161] : memref<30720x128xf32, #tpu.memory_space<hbm>> -> memref<96x128xf32, #tpu.memory_space<hbm>>
      %dma_start3A_163 = arith.constant 0 : i32
      %dma_start3A_164 = tpu.memref_slice %arg4[%add3A_110, %dma_start3A_163] : memref<30720x128xf32, #tpu.memory_space<hbm>> -> memref<96x128xf32, #tpu.memory_space<hbm>>
      tpu.enqueue_dma source(%arg8 : memref<96x128xf32, #tpu.memory_space<vmem>>) target(%dma_start3A_164 : memref<96x128xf32, #tpu.memory_space<hbm>>) target_semaphore(%run_scoped3A : memref<!tpu.dma_semaphore, #tpu.memory_space<semaphore_mem>>)
      %dma_wait3A_165 = arith.constant 0 : i32
      %dma_wait3A_166 = tpu.memref_slice %arg4[%add3A_110, %dma_wait3A_165] : memref<30720x128xf32, #tpu.memory_space<hbm>> -> memref<96x128xf32, #tpu.memory_space<hbm>>
      %dma_wait3A_167 = arith.constant 0 : i32
      %dma_wait3A_168 = tpu.memref_slice %arg4[%add3A_110, %dma_wait3A_167] : memref<30720x128xf32, #tpu.memory_space<hbm>> -> memref<96x128xf32, #tpu.memory_space<hbm>>
      tpu.wait_dma2 semaphore(%run_scoped3A : memref<!tpu.dma_semaphore, #tpu.memory_space<semaphore_mem>>) src(%arg8 : memref<96x128xf32, #tpu.memory_space<vmem>>) dst(%dma_wait3A_168 : memref<96x128xf32, #tpu.memory_space<hbm>>)
      tpu.yield
    }) : () -> ()
    %dma_start3A_111 = arith.constant 8 : i32
    %dma_start3A_112 = arith.constant 0 : i32
    %dma_start3A_113 = tpu.memref_slice %arg5[%dma_start3A_111, %dma_start3A_112] : memref<10x96xi32, #tpu.memory_space<vmem>> -> memref<1x96xi32, #tpu.memory_space<vmem>>
    %dma_start3A_114 = tpu.memref_squeeze %dma_start3A_113 : memref<1x96xi32, #tpu.memory_space<vmem>> -> memref<96xi32, #tpu.memory_space<vmem>>
    %dma_start3A_115 = arith.constant 0 : i32
    %dma_start3A_116 = arith.constant 0 : i32
    %dma_start3A_117 = tpu.memref_slice %arg2[%dma_start3A_115, %dma_start3A_116] : memref<30720x128xf32, #tpu.memory_space<hbm>> -> memref<30720x128xf32, #tpu.memory_space<hbm>>
    tpu.enqueue_indirect_dma source(%dma_start3A_117 : memref<30720x128xf32, #tpu.memory_space<hbm>>) target(%arg8 : memref<96x128xf32, #tpu.memory_space<vmem>>) offsets(%dma_start3A_114 : memref<96xi32, #tpu.memory_space<vmem>>) semaphore(%arg11 : memref<!tpu.dma_semaphore, #tpu.memory_space<semaphore_mem>>)
    %dma_wait3A_118 = arith.constant 6 : i32
    %dma_wait3A_119 = arith.constant 0 : i32
    %dma_wait3A_120 = tpu.memref_slice %arg5[%dma_wait3A_118, %dma_wait3A_119] : memref<10x96xi32, #tpu.memory_space<vmem>> -> memref<1x96xi32, #tpu.memory_space<vmem>>
    %dma_wait3A_121 = tpu.memref_squeeze %dma_wait3A_120 : memref<1x96xi32, #tpu.memory_space<vmem>> -> memref<96xi32, #tpu.memory_space<vmem>>
    %dma_wait3A_122 = arith.constant 0 : i32
    %dma_wait3A_123 = arith.constant 0 : i32
    %dma_wait3A_124 = tpu.memref_slice %arg2[%dma_wait3A_122, %dma_wait3A_123] : memref<30720x128xf32, #tpu.memory_space<hbm>> -> memref<30720x128xf32, #tpu.memory_space<hbm>>
    tpu.wait_indirect_dma semaphore(%arg9 : memref<!tpu.dma_semaphore, #tpu.memory_space<semaphore_mem>>) src(%dma_wait3A_124 : memref<30720x128xf32, #tpu.memory_space<hbm>>) dst(%arg6 : memref<96x128xf32, #tpu.memory_space<vmem>>)
    %add3A_125 = arith.constant 576 : i32
    %add3A_126 = arith.addi %mul3A_2, %add3A_125 : i32
    "tpu.region"() ({
      %run_scoped3A = tpu.sem_alloc : memref<!tpu.dma_semaphore, #tpu.memory_space<semaphore_mem>>
      %dma_start3A_161 = arith.constant 0 : i32
      %dma_start3A_162 = tpu.memref_slice %arg4[%add3A_126, %dma_start3A_161] : memref<30720x128xf32, #tpu.memory_space<hbm>> -> memref<96x128xf32, #tpu.memory_space<hbm>>
      %dma_start3A_163 = arith.constant 0 : i32
      %dma_start3A_164 = tpu.memref_slice %arg4[%add3A_126, %dma_start3A_163] : memref<30720x128xf32, #tpu.memory_space<hbm>> -> memref<96x128xf32, #tpu.memory_space<hbm>>
      tpu.enqueue_dma source(%arg6 : memref<96x128xf32, #tpu.memory_space<vmem>>) target(%dma_start3A_164 : memref<96x128xf32, #tpu.memory_space<hbm>>) target_semaphore(%run_scoped3A : memref<!tpu.dma_semaphore, #tpu.memory_space<semaphore_mem>>)
      %dma_wait3A_165 = arith.constant 0 : i32
      %dma_wait3A_166 = tpu.memref_slice %arg4[%add3A_126, %dma_wait3A_165] : memref<30720x128xf32, #tpu.memory_space<hbm>> -> memref<96x128xf32, #tpu.memory_space<hbm>>
      %dma_wait3A_167 = arith.constant 0 : i32
      %dma_wait3A_168 = tpu.memref_slice %arg4[%add3A_126, %dma_wait3A_167] : memref<30720x128xf32, #tpu.memory_space<hbm>> -> memref<96x128xf32, #tpu.memory_space<hbm>>
      tpu.wait_dma2 semaphore(%run_scoped3A : memref<!tpu.dma_semaphore, #tpu.memory_space<semaphore_mem>>) src(%arg6 : memref<96x128xf32, #tpu.memory_space<vmem>>) dst(%dma_wait3A_168 : memref<96x128xf32, #tpu.memory_space<hbm>>)
      tpu.yield
    }) : () -> ()
    %dma_start3A_127 = arith.constant 9 : i32
    %dma_start3A_128 = arith.constant 0 : i32
    %dma_start3A_129 = tpu.memref_slice %arg5[%dma_start3A_127, %dma_start3A_128] : memref<10x96xi32, #tpu.memory_space<vmem>> -> memref<1x96xi32, #tpu.memory_space<vmem>>
    %dma_start3A_130 = tpu.memref_squeeze %dma_start3A_129 : memref<1x96xi32, #tpu.memory_space<vmem>> -> memref<96xi32, #tpu.memory_space<vmem>>
    %dma_start3A_131 = arith.constant 0 : i32
    %dma_start3A_132 = arith.constant 0 : i32
    %dma_start3A_133 = tpu.memref_slice %arg2[%dma_start3A_131, %dma_start3A_132] : memref<30720x128xf32, #tpu.memory_space<hbm>> -> memref<30720x128xf32, #tpu.memory_space<hbm>>
    tpu.enqueue_indirect_dma source(%dma_start3A_133 : memref<30720x128xf32, #tpu.memory_space<hbm>>) target(%arg6 : memref<96x128xf32, #tpu.memory_space<vmem>>) offsets(%dma_start3A_130 : memref<96xi32, #tpu.memory_space<vmem>>) semaphore(%arg9 : memref<!tpu.dma_semaphore, #tpu.memory_space<semaphore_mem>>)
    %dma_wait3A_134 = arith.constant 7 : i32
    %dma_wait3A_135 = arith.constant 0 : i32
    %dma_wait3A_136 = tpu.memref_slice %arg5[%dma_wait3A_134, %dma_wait3A_135] : memref<10x96xi32, #tpu.memory_space<vmem>> -> memref<1x96xi32, #tpu.memory_space<vmem>>
    %dma_wait3A_137 = tpu.memref_squeeze %dma_wait3A_136 : memref<1x96xi32, #tpu.memory_space<vmem>> -> memref<96xi32, #tpu.memory_space<vmem>>
    %dma_wait3A_138 = arith.constant 0 : i32
    %dma_wait3A_139 = arith.constant 0 : i32
    %dma_wait3A_140 = tpu.memref_slice %arg2[%dma_wait3A_138, %dma_wait3A_139] : memref<30720x128xf32, #tpu.memory_space<hbm>> -> memref<30720x128xf32, #tpu.memory_space<hbm>>
    tpu.wait_indirect_dma semaphore(%arg10 : memref<!tpu.dma_semaphore, #tpu.memory_space<semaphore_mem>>) src(%dma_wait3A_140 : memref<30720x128xf32, #tpu.memory_space<hbm>>) dst(%arg7 : memref<96x128xf32, #tpu.memory_space<vmem>>)
    %add3A_141 = arith.constant 672 : i32
    %add3A_142 = arith.addi %mul3A_2, %add3A_141 : i32
    "tpu.region"() ({
      %run_scoped3A = tpu.sem_alloc : memref<!tpu.dma_semaphore, #tpu.memory_space<semaphore_mem>>
      %dma_start3A_161 = arith.constant 0 : i32
      %dma_start3A_162 = tpu.memref_slice %arg4[%add3A_142, %dma_start3A_161] : memref<30720x128xf32, #tpu.memory_space<hbm>> -> memref<96x128xf32, #tpu.memory_space<hbm>>
      %dma_start3A_163 = arith.constant 0 : i32
      %dma_start3A_164 = tpu.memref_slice %arg4[%add3A_142, %dma_start3A_163] : memref<30720x128xf32, #tpu.memory_space<hbm>> -> memref<96x128xf32, #tpu.memory_space<hbm>>
      tpu.enqueue_dma source(%arg7 : memref<96x128xf32, #tpu.memory_space<vmem>>) target(%dma_start3A_164 : memref<96x128xf32, #tpu.memory_space<hbm>>) target_semaphore(%run_scoped3A : memref<!tpu.dma_semaphore, #tpu.memory_space<semaphore_mem>>)
      %dma_wait3A_165 = arith.constant 0 : i32
      %dma_wait3A_166 = tpu.memref_slice %arg4[%add3A_142, %dma_wait3A_165] : memref<30720x128xf32, #tpu.memory_space<hbm>> -> memref<96x128xf32, #tpu.memory_space<hbm>>
      %dma_wait3A_167 = arith.constant 0 : i32
      %dma_wait3A_168 = tpu.memref_slice %arg4[%add3A_142, %dma_wait3A_167] : memref<30720x128xf32, #tpu.memory_space<hbm>> -> memref<96x128xf32, #tpu.memory_space<hbm>>
      tpu.wait_dma2 semaphore(%run_scoped3A : memref<!tpu.dma_semaphore, #tpu.memory_space<semaphore_mem>>) src(%arg7 : memref<96x128xf32, #tpu.memory_space<vmem>>) dst(%dma_wait3A_168 : memref<96x128xf32, #tpu.memory_space<hbm>>)
      tpu.yield
    }) : () -> ()
    %dma_wait3A_143 = arith.constant 8 : i32
    %dma_wait3A_144 = arith.constant 0 : i32
    %dma_wait3A_145 = tpu.memref_slice %arg5[%dma_wait3A_143, %dma_wait3A_144] : memref<10x96xi32, #tpu.memory_space<vmem>> -> memref<1x96xi32, #tpu.memory_space<vmem>>
    %dma_wait3A_146 = tpu.memref_squeeze %dma_wait3A_145 : memref<1x96xi32, #tpu.memory_space<vmem>> -> memref<96xi32, #tpu.memory_space<vmem>>
    %dma_wait3A_147 = arith.constant 0 : i32
    %dma_wait3A_148 = arith.constant 0 : i32
    %dma_wait3A_149 = tpu.memref_slice %arg2[%dma_wait3A_147, %dma_wait3A_148] : memref<30720x128xf32, #tpu.memory_space<hbm>> -> memref<30720x128xf32, #tpu.memory_space<hbm>>
    tpu.wait_indirect_dma semaphore(%arg11 : memref<!tpu.dma_semaphore, #tpu.memory_space<semaphore_mem>>) src(%dma_wait3A_149 : memref<30720x128xf32, #tpu.memory_space<hbm>>) dst(%arg8 : memref<96x128xf32, #tpu.memory_space<vmem>>)
    %add3A_150 = arith.constant 768 : i32
    %add3A_151 = arith.addi %mul3A_2, %add3A_150 : i32
    "tpu.region"() ({
      %run_scoped3A = tpu.sem_alloc : memref<!tpu.dma_semaphore, #tpu.memory_space<semaphore_mem>>
      %dma_start3A_161 = arith.constant 0 : i32
      %dma_start3A_162 = tpu.memref_slice %arg4[%add3A_151, %dma_start3A_161] : memref<30720x128xf32, #tpu.memory_space<hbm>> -> memref<96x128xf32, #tpu.memory_space<hbm>>
      %dma_start3A_163 = arith.constant 0 : i32
      %dma_start3A_164 = tpu.memref_slice %arg4[%add3A_151, %dma_start3A_163] : memref<30720x128xf32, #tpu.memory_space<hbm>> -> memref<96x128xf32, #tpu.memory_space<hbm>>
      tpu.enqueue_dma source(%arg8 : memref<96x128xf32, #tpu.memory_space<vmem>>) target(%dma_start3A_164 : memref<96x128xf32, #tpu.memory_space<hbm>>) target_semaphore(%run_scoped3A : memref<!tpu.dma_semaphore, #tpu.memory_space<semaphore_mem>>)
      %dma_wait3A_165 = arith.constant 0 : i32
      %dma_wait3A_166 = tpu.memref_slice %arg4[%add3A_151, %dma_wait3A_165] : memref<30720x128xf32, #tpu.memory_space<hbm>> -> memref<96x128xf32, #tpu.memory_space<hbm>>
      %dma_wait3A_167 = arith.constant 0 : i32
      %dma_wait3A_168 = tpu.memref_slice %arg4[%add3A_151, %dma_wait3A_167] : memref<30720x128xf32, #tpu.memory_space<hbm>> -> memref<96x128xf32, #tpu.memory_space<hbm>>
      tpu.wait_dma2 semaphore(%run_scoped3A : memref<!tpu.dma_semaphore, #tpu.memory_space<semaphore_mem>>) src(%arg8 : memref<96x128xf32, #tpu.memory_space<vmem>>) dst(%dma_wait3A_168 : memref<96x128xf32, #tpu.memory_space<hbm>>)
      tpu.yield
    }) : () -> ()
    %dma_wait3A_152 = arith.constant 9 : i32
    %dma_wait3A_153 = arith.constant 0 : i32
    %dma_wait3A_154 = tpu.memref_slice %arg5[%dma_wait3A_152, %dma_wait3A_153] : memref<10x96xi32, #tpu.memory_space<vmem>> -> memref<1x96xi32, #tpu.memory_space<vmem>>
    %dma_wait3A_155 = tpu.memref_squeeze %dma_wait3A_154 : memref<1x96xi32, #tpu.memory_space<vmem>> -> memref<96xi32, #tpu.memory_space<vmem>>
    %dma_wait3A_156 = arith.constant 0 : i32
    %dma_wait3A_157 = arith.constant 0 : i32
    %dma_wait3A_158 = tpu.memref_slice %arg2[%dma_wait3A_156, %dma_wait3A_157] : memref<30720x128xf32, #tpu.memory_space<hbm>> -> memref<30720x128xf32, #tpu.memory_space<hbm>>
    tpu.wait_indirect_dma semaphore(%arg9 : memref<!tpu.dma_semaphore, #tpu.memory_space<semaphore_mem>>) src(%dma_wait3A_158 : memref<30720x128xf32, #tpu.memory_space<hbm>>) dst(%arg6 : memref<96x128xf32, #tpu.memory_space<vmem>>)
    %add3A_159 = arith.constant 864 : i32
    %add3A_160 = arith.addi %mul3A_2, %add3A_159 : i32
    "tpu.region"() ({
      %run_scoped3A = tpu.sem_alloc : memref<!tpu.dma_semaphore, #tpu.memory_space<semaphore_mem>>
      %dma_start3A_161 = arith.constant 0 : i32
      %dma_start3A_162 = tpu.memref_slice %arg4[%add3A_160, %dma_start3A_161] : memref<30720x128xf32, #tpu.memory_space<hbm>> -> memref<96x128xf32, #tpu.memory_space<hbm>>
      %dma_start3A_163 = arith.constant 0 : i32
      %dma_start3A_164 = tpu.memref_slice %arg4[%add3A_160, %dma_start3A_163] : memref<30720x128xf32, #tpu.memory_space<hbm>> -> memref<96x128xf32, #tpu.memory_space<hbm>>
      tpu.enqueue_dma source(%arg6 : memref<96x128xf32, #tpu.memory_space<vmem>>) target(%dma_start3A_164 : memref<96x128xf32, #tpu.memory_space<hbm>>) target_semaphore(%run_scoped3A : memref<!tpu.dma_semaphore, #tpu.memory_space<semaphore_mem>>)
      %dma_wait3A_165 = arith.constant 0 : i32
      %dma_wait3A_166 = tpu.memref_slice %arg4[%add3A_160, %dma_wait3A_165] : memref<30720x128xf32, #tpu.memory_space<hbm>> -> memref<96x128xf32, #tpu.memory_space<hbm>>
      %dma_wait3A_167 = arith.constant 0 : i32
      %dma_wait3A_168 = tpu.memref_slice %arg4[%add3A_160, %dma_wait3A_167] : memref<30720x128xf32, #tpu.memory_space<hbm>> -> memref<96x128xf32, #tpu.memory_space<hbm>>
      tpu.wait_dma2 semaphore(%run_scoped3A : memref<!tpu.dma_semaphore, #tpu.memory_space<semaphore_mem>>) src(%arg6 : memref<96x128xf32, #tpu.memory_space<vmem>>) dst(%dma_wait3A_168 : memref<96x128xf32, #tpu.memory_space<hbm>>)
      tpu.yield
    }) : () -> ()
    return
  }
}

module attributes {stable_mosaic.version = 14 : i64} {
  func.func @_mask_body(%arg0: i32, %arg1: memref<3x2048xf32, #tpu.memory_space<vmem>>, %arg2: memref<68x3xf32, #tpu.memory_space<vmem>>, %arg3: memref<1x2048xf32, #tpu.memory_space<vmem>>) attributes {dimension_semantics = [#tpu.dimension_semantics<arbitrary>], iteration_bounds = array<i64: 15>, scalar_prefetch = 0 : i64, scratch_operands = 0 : i64, tpu.core_type = #tpu.core_type<tc>, window_params = [{transform_indices = @transform_0, window_bounds = array<i64: 3, 2048>}, {pipeline_mode = #tpu.pipeline_mode<synchronous>, transform_indices = @transform_1, window_bounds = array<i64: 68, 3>}, {transform_indices = @transform_2, window_bounds = array<i64: 1, 2048>}]} {
    %get3A = arith.constant 0 : index
    %get3A_0 = arith.constant 0 : index
    %get3A_1 = vector.load %arg1[%get3A, %get3A_0] : memref<3x2048xf32, #tpu.memory_space<vmem>>, vector<3x2048xf32>
    %get3A_2 = arith.constant 0 : index
    %get3A_3 = arith.constant 0 : index
    %get3A_4 = vector.load %arg2[%get3A_2, %get3A_3] : memref<68x3xf32, #tpu.memory_space<vmem>>, vector<68x3xf32>
    %slice3A = vector.extract_strided_slice %get3A_1 {offsets = [0, 0], sizes = [1, 2048], strides = [1, 1]} : vector<3x2048xf32> to vector<1x2048xf32>
    %slice3A_5 = vector.extract_strided_slice %get3A_4 {offsets = [0, 0], sizes = [68, 1], strides = [1, 1]} : vector<68x3xf32> to vector<68x1xf32>
    %sub3A = vector.broadcast %slice3A : vector<1x2048xf32> to vector<68x2048xf32>
    %sub3A_6 = vector.broadcast %slice3A_5 : vector<68x1xf32> to vector<68x2048xf32>
    %sub3A_7 = arith.subf %sub3A, %sub3A_6 : vector<68x2048xf32>
    %slice3A_8 = vector.extract_strided_slice %get3A_1 {offsets = [1, 0], sizes = [1, 2048], strides = [1, 1]} : vector<3x2048xf32> to vector<1x2048xf32>
    %slice3A_9 = vector.extract_strided_slice %get3A_4 {offsets = [0, 1], sizes = [68, 1], strides = [1, 1]} : vector<68x3xf32> to vector<68x1xf32>
    %sub3A_10 = vector.broadcast %slice3A_8 : vector<1x2048xf32> to vector<68x2048xf32>
    %sub3A_11 = vector.broadcast %slice3A_9 : vector<68x1xf32> to vector<68x2048xf32>
    %sub3A_12 = arith.subf %sub3A_10, %sub3A_11 : vector<68x2048xf32>
    %slice3A_13 = vector.extract_strided_slice %get3A_1 {offsets = [2, 0], sizes = [1, 2048], strides = [1, 1]} : vector<3x2048xf32> to vector<1x2048xf32>
    %slice3A_14 = vector.extract_strided_slice %get3A_4 {offsets = [0, 2], sizes = [68, 1], strides = [1, 1]} : vector<68x3xf32> to vector<68x1xf32>
    %sub3A_15 = vector.broadcast %slice3A_13 : vector<1x2048xf32> to vector<68x2048xf32>
    %sub3A_16 = vector.broadcast %slice3A_14 : vector<68x1xf32> to vector<68x2048xf32>
    %sub3A_17 = arith.subf %sub3A_15, %sub3A_16 : vector<68x2048xf32>
    %mul3A = arith.mulf %sub3A_7, %sub3A_7 : vector<68x2048xf32>
    %mul3A_18 = arith.mulf %sub3A_12, %sub3A_12 : vector<68x2048xf32>
    %add3A = arith.addf %mul3A, %mul3A_18 : vector<68x2048xf32>
    %mul3A_19 = arith.mulf %sub3A_17, %sub3A_17 : vector<68x2048xf32>
    %add3A_20 = arith.addf %add3A, %mul3A_19 : vector<68x2048xf32>
    %reduce_min3A = arith.constant dense<0x7F800000> : vector<2048xf32>
    %reduce_min3A_21 = vector.multi_reduction <minimumf>, %add3A_20, %reduce_min3A [0] : vector<68x2048xf32> to vector<2048xf32>
    %broadcast_in_dim3A = vector.shape_cast %reduce_min3A_21 : vector<2048xf32> to vector<1x2048xf32>
    %lt3A = arith.constant 2.500000e-01 : f32
    %lt3A_22 = vector.broadcast %lt3A : f32 to vector<1x2048xf32>
    %lt3A_23 = arith.cmpf olt, %broadcast_in_dim3A, %lt3A_22 : vector<1x2048xf32>
    %convert_element_type3A = arith.extui %lt3A_23 : vector<1x2048xi1> to vector<1x2048xi32>
    %convert_element_type3A_24 = arith.sitofp %convert_element_type3A : vector<1x2048xi32> to vector<1x2048xf32>
    %swap3A = arith.constant 0 : index
    %swap3A_25 = arith.constant 0 : index
    %swap3A_26 = vector.load %arg3[%swap3A, %swap3A_25] : memref<1x2048xf32, #tpu.memory_space<vmem>>, vector<1x2048xf32>
    tpu.vector_store %arg3[%swap3A, %swap3A_25], %convert_element_type3A_24 {strides = array<i32>} : memref<1x2048xf32, #tpu.memory_space<vmem>>, vector<1x2048xf32>,
    return
  }
  func.func @transform_0(%arg0: i32) -> (i32, i32) {
    %c0_i32 = arith.constant 0 : i32
    %c0_i32_0 = arith.constant 0 : i32
    return %c0_i32, %arg0 : i32, i32
  }
  func.func @transform_1(%arg0: i32) -> (i32, i32) {
    %c0_i32 = arith.constant 0 : i32
    %c0_i32_0 = arith.constant 0 : i32
    %c0_i32_1 = arith.constant 0 : i32
    return %c0_i32, %c0_i32_0 : i32, i32
  }
  func.func @transform_2(%arg0: i32) -> (i32, i32) {
    %c0_i32 = arith.constant 0 : i32
    %c0_i32_0 = arith.constant 0 : i32
    return %c0_i32, %arg0 : i32, i32
  }
}

module attributes {stable_mosaic.version = 14 : i64} {
  func.func @_scan_body(%arg0: memref<240x128xf32, #tpu.memory_space<vmem>>, %arg1: memref<128x128xf32, #tpu.memory_space<vmem>>, %arg2: memref<240x240xf32, #tpu.memory_space<vmem>>, %arg3: memref<240x128xi32, #tpu.memory_space<vmem>>, %arg4: memref<1x1xi32, #tpu.memory_space<vmem>>) attributes {dimension_semantics = [], scalar_prefetch = 0 : i64, scratch_operands = 0 : i64, tpu.core_type = #tpu.core_type<tc>} {
    %get3A = arith.constant 0 : index
    %get3A_0 = arith.constant 0 : index
    %get3A_1 = vector.load %arg0[%get3A, %get3A_0] : memref<240x128xf32, #tpu.memory_space<vmem>>, vector<240x128xf32>
    %get3A_2 = arith.constant 0 : index
    %get3A_3 = arith.constant 0 : index
    %get3A_4 = vector.load %arg1[%get3A_2, %get3A_3] : memref<128x128xf32, #tpu.memory_space<vmem>>, vector<128x128xf32>
    %dot_general3A = arith.constant dense<0.000000e+00> : vector<240x128xf32>
    %dot_general3A_5 = tpu.matmul %get3A_1, %get3A_4, %dot_general3A {dimension_numbers = #tpu.dot_dimension_numbers<[1], [0], [0], [1], [0, 0, 1, 1], [], []>, transpose_lhs_hint = false} : vector<240x128xf32>, vector<128x128xf32>, vector<240x128xf32> -> vector<240x128xf32>
    %slice3A = vector.extract_strided_slice %dot_general3A_5 {offsets = [0, 127], sizes = [240, 1], strides = [1, 1]} : vector<240x128xf32> to vector<240x1xf32>
    %get3A_6 = arith.constant 0 : index
    %get3A_7 = arith.constant 0 : index
    %get3A_8 = vector.load %arg2[%get3A_6, %get3A_7] : memref<240x240xf32, #tpu.memory_space<vmem>>, vector<240x240xf32>
    %dot_general3A_9 = arith.constant dense<0.000000e+00> : vector<240x1xf32>
    %dot_general3A_10 = tpu.matmul %get3A_8, %slice3A, %dot_general3A_9 {dimension_numbers = #tpu.dot_dimension_numbers<[1], [0], [0], [1], [0, 0, 1, 1], [], []>, transpose_lhs_hint = false} : vector<240x240xf32>, vector<240x1xf32>, vector<240x1xf32> -> vector<240x1xf32>
    %add3A = vector.broadcast %dot_general3A_10 : vector<240x1xf32> to vector<240x128xf32>
    %add3A_11 = arith.addf %dot_general3A_5, %add3A : vector<240x128xf32>
    %reduce_sum3A = arith.constant dense<0.000000e+00> : vector<128xf32>
    %reduce_sum3A_12 = vector.multi_reduction <add>, %get3A_1, %reduce_sum3A [0] : vector<240x128xf32> to vector<128xf32>
    %broadcast_in_dim3A = vector.shape_cast %reduce_sum3A_12 : vector<128xf32> to vector<1x128xf32>
    %reduce_sum3A_13 = arith.constant dense<0.000000e+00> : vector<1xf32>
    %reduce_sum3A_14 = vector.multi_reduction <add>, %broadcast_in_dim3A, %reduce_sum3A_13 [1] : vector<1x128xf32> to vector<1xf32>
    %broadcast_in_dim3A_15 = vector.shape_cast %reduce_sum3A_14 : vector<1xf32> to vector<1x1xf32>
    %iota3A = tpu.iota {dimensions = array<i32: 0>} : vector<240x128xi32>
    %mul3A = arith.constant 128 : i32
    %mul3A_16 = vector.broadcast %mul3A : i32 to vector<240x128xi32>
    %mul3A_17 = arith.muli %iota3A, %mul3A_16 : vector<240x128xi32>
    %iota3A_18 = tpu.iota {dimensions = array<i32: 1>} : vector<240x128xi32>
    %add3A_19 = arith.addi %mul3A_17, %iota3A_18 : vector<240x128xi32>
    %convert_element_type3A = arith.sitofp %add3A_19 : vector<240x128xi32> to vector<240x128xf32>
    %gt3A = arith.constant 5.000000e-01 : f32
    %gt3A_20 = vector.broadcast %gt3A : f32 to vector<240x128xf32>
    %gt3A_21 = arith.cmpf ogt, %get3A_1, %gt3A_20 : vector<240x128xf32>
    %sub3A = arith.constant 1.000000e+00 : f32
    %sub3A_22 = vector.broadcast %sub3A : f32 to vector<240x128xf32>
    %sub3A_23 = arith.subf %add3A_11, %sub3A_22 : vector<240x128xf32>
    %add3A_24 = vector.broadcast %broadcast_in_dim3A_15 : vector<1x1xf32> to vector<240x128xf32>
    %add3A_25 = arith.addf %add3A_24, %convert_element_type3A : vector<240x128xf32>
    %sub3A_26 = arith.subf %add3A_25, %add3A_11 : vector<240x128xf32>
    %select_n3A = arith.select %gt3A_21, %sub3A_23, %sub3A_26 : vector<240x128xi1>, vector<240x128xf32>
    %convert_element_type3A_27 = arith.fptosi %select_n3A : vector<240x128xf32> to vector<240x128xi32>
    %swap3A = arith.constant 0 : index
    %swap3A_28 = arith.constant 0 : index
    %swap3A_29 = vector.load %arg3[%swap3A, %swap3A_28] : memref<240x128xi32, #tpu.memory_space<vmem>>, vector<240x128xi32>
    tpu.vector_store %arg3[%swap3A, %swap3A_28], %convert_element_type3A_27 {strides = array<i32>} : memref<240x128xi32, #tpu.memory_space<vmem>>, vector<240x128xi32>,
    %convert_element_type3A_30 = arith.fptosi %broadcast_in_dim3A_15 : vector<1x1xf32> to vector<1x1xi32>
    %swap3A_31 = arith.constant 0 : index
    %swap3A_32 = arith.constant 0 : index
    %swap3A_33 = vector.load %arg4[%swap3A_31, %swap3A_32] : memref<1x1xi32, #tpu.memory_space<vmem>>, vector<1x1xi32>
    tpu.vector_store %arg4[%swap3A_31, %swap3A_32], %convert_element_type3A_30 {strides = array<i32>} : memref<1x1xi32, #tpu.memory_space<vmem>>, vector<1x1xi32>,
    return
  }
}

module attributes {stable_mosaic.version = 14 : i64} {
  func.func @_main_body(%arg0: i32, %arg1: memref<1xi32, #tpu.memory_space<smem>>, %arg2: memref<2048x128xf32, #tpu.memory_space<vmem>>, %arg3: memref<2048x128xf32, #tpu.memory_space<vmem>>, %arg4: memref<68x3xf32, #tpu.memory_space<vmem>>, %arg5: memref<2x64xf32, #tpu.memory_space<vmem>>, %arg6: memref<6x2xf32, #tpu.memory_space<vmem>>, %arg7: memref<2x1xf32, #tpu.memory_space<vmem>>, %arg8: memref<2x9xf32, #tpu.memory_space<vmem>>, %arg9: memref<6x3xf32, #tpu.memory_space<vmem>>, %arg10: memref<128x768xf32, #tpu.memory_space<vmem>>, %arg11: memref<27x384xf32, #tpu.memory_space<vmem>>, %arg12: memref<64x768xf32, #tpu.memory_space<vmem>>, %arg13: memref<1x768xf32, #tpu.memory_space<vmem>>, %arg14: memref<54x384xf32, #tpu.memory_space<vmem>>, %arg15: memref<1x384xf32, #tpu.memory_space<vmem>>, %arg16: memref<256x256xf32, #tpu.memory_space<vmem>>, %arg17: memref<1x256xf32, #tpu.memory_space<vmem>>, %arg18: memref<256x256xf32, #tpu.memory_space<vmem>>, %arg19: memref<1x256xf32, #tpu.memory_space<vmem>>, %arg20: memref<256x256xf32, #tpu.memory_space<vmem>>, %arg21: memref<1x256xf32, #tpu.memory_space<vmem>>, %arg22: memref<256x32xf32, #tpu.memory_space<vmem>>, %arg23: memref<32x1xf32, #tpu.memory_space<vmem>>, %arg24: memref<256x8xf32, #tpu.memory_space<vmem>>, %arg25: memref<8x1xf32, #tpu.memory_space<vmem>>, %arg26: memref<256x3xf32, #tpu.memory_space<vmem>>, %arg27: memref<3x1xf32, #tpu.memory_space<vmem>>, %arg28: memref<128x32xf32, #tpu.memory_space<vmem>>, %arg29: memref<32x1xf32, #tpu.memory_space<vmem>>, %arg30: memref<128x8xf32, #tpu.memory_space<vmem>>, %arg31: memref<8x1xf32, #tpu.memory_space<vmem>>, %arg32: memref<128x3xf32, #tpu.memory_space<vmem>>, %arg33: memref<3x1xf32, #tpu.memory_space<vmem>>, %arg34: memref<2048x128xf32, #tpu.memory_space<vmem>>, %arg35: memref<2x48x2048xf32, #tpu.memory_space<vmem>>) attributes {dimension_semantics = [#tpu.dimension_semantics<arbitrary>], iteration_bounds = array<i64: 15>, scalar_prefetch = 1 : i64, scratch_operands = 1 : i64, tpu.core_type = #tpu.core_type<tc>, window_params = [{transform_indices = @transform_0, window_bounds = array<i64: 2048, 128>}, {transform_indices = @transform_1, window_bounds = array<i64: 2048, 128>}, {pipeline_mode = #tpu.pipeline_mode<synchronous>, transform_indices = @transform_2, window_bounds = array<i64: 68, 3>}, {pipeline_mode = #tpu.pipeline_mode<synchronous>, transform_indices = @transform_3, window_bounds = array<i64: 2, 64>}, {pipeline_mode = #tpu.pipeline_mode<synchronous>, transform_indices = @transform_4, window_bounds = array<i64: 6, 2>}, {pipeline_mode = #tpu.pipeline_mode<synchronous>, transform_indices = @transform_5, window_bounds = array<i64: 2, 1>}, {pipeline_mode = #tpu.pipeline_mode<synchronous>, transform_indices = @transform_6, window_bounds = array<i64: 2, 9>}, {pipeline_mode = #tpu.pipeline_mode<synchronous>, transform_indices = @transform_7, window_bounds = array<i64: 6, 3>}, {pipeline_mode = #tpu.pipeline_mode<synchronous>, transform_indices = @transform_8, window_bounds = array<i64: 128, 768>}, {pipeline_mode = #tpu.pipeline_mode<synchronous>, transform_indices = @transform_9, window_bounds = array<i64: 27, 384>}, {pipeline_mode = #tpu.pipeline_mode<synchronous>, transform_indices = @transform_10, window_bounds = array<i64: 64, 768>}, {pipeline_mode = #tpu.pipeline_mode<synchronous>, transform_indices = @transform_11, window_bounds = array<i64: 1, 768>}, {pipeline_mode = #tpu.pipeline_mode<synchronous>, transform_indices = @transform_12, window_bounds = array<i64: 54, 384>}, {pipeline_mode = #tpu.pipeline_mode<synchronous>, transform_indices = @transform_13, window_bounds = array<i64: 1, 384>}, {pipeline_mode = #tpu.pipeline_mode<synchronous>, transform_indices = @transform_14, window_bounds = array<i64: 256, 256>}, {pipeline_mode = #tpu.pipeline_mode<synchronous>, transform_indices = @transform_15, window_bounds = array<i64: 1, 256>}, {pipeline_mode = #tpu.pipeline_mode<synchronous>, transform_indices = @transform_16, window_bounds = array<i64: 256, 256>}, {pipeline_mode = #tpu.pipeline_mode<synchronous>, transform_indices = @transform_17, window_bounds = array<i64: 1, 256>}, {pipeline_mode = #tpu.pipeline_mode<synchronous>, transform_indices = @transform_18, window_bounds = array<i64: 256, 256>}, {pipeline_mode = #tpu.pipeline_mode<synchronous>, transform_indices = @transform_19, window_bounds = array<i64: 1, 256>}, {pipeline_mode = #tpu.pipeline_mode<synchronous>, transform_indices = @transform_20, window_bounds = array<i64: 256, 32>}, {pipeline_mode = #tpu.pipeline_mode<synchronous>, transform_indices = @transform_21, window_bounds = array<i64: 32, 1>}, {pipeline_mode = #tpu.pipeline_mode<synchronous>, transform_indices = @transform_22, window_bounds = array<i64: 256, 8>}, {pipeline_mode = #tpu.pipeline_mode<synchronous>, transform_indices = @transform_23, window_bounds = array<i64: 8, 1>}, {pipeline_mode = #tpu.pipeline_mode<synchronous>, transform_indices = @transform_24, window_bounds = array<i64: 256, 3>}, {pipeline_mode = #tpu.pipeline_mode<synchronous>, transform_indices = @transform_25, window_bounds = array<i64: 3, 1>}, {pipeline_mode = #tpu.pipeline_mode<synchronous>, transform_indices = @transform_26, window_bounds = array<i64: 128, 32>}, {pipeline_mode = #tpu.pipeline_mode<synchronous>, transform_indices = @transform_27, window_bounds = array<i64: 32, 1>}, {pipeline_mode = #tpu.pipeline_mode<synchronous>, transform_indices = @transform_28, window_bounds = array<i64: 128, 8>}, {pipeline_mode = #tpu.pipeline_mode<synchronous>, transform_indices = @transform_29, window_bounds = array<i64: 8, 1>}, {pipeline_mode = #tpu.pipeline_mode<synchronous>, transform_indices = @transform_30, window_bounds = array<i64: 128, 3>}, {pipeline_mode = #tpu.pipeline_mode<synchronous>, transform_indices = @transform_31, window_bounds = array<i64: 3, 1>}, {transform_indices = @transform_32, window_bounds = array<i64: 2048, 128>}]} {
    %mul3A = arith.constant 2048 : i32
    %mul3A_0 = arith.muli %arg0, %mul3A : i32
    %get3A = arith.constant 0 : index
    %get3A_1 = memref.load %arg1[%get3A] : memref<1xi32, #tpu.memory_space<smem>>
    %lt3A = arith.cmpi slt, %mul3A_0, %get3A_1 : i32
    %get3A_2 = arith.constant 0 : index
    %get3A_3 = arith.constant 0 : index
    %get3A_4 = vector.load %arg3[%get3A_2, %get3A_3] : memref<2048x128xf32, #tpu.memory_space<vmem>>, vector<2048x128xf32>
    %slice3A = vector.extract_strided_slice %get3A_4 {offsets = [0, 0], sizes = [2048, 16], strides = [1, 1]} : vector<2048x128xf32> to vector<2048x16xf32>
    %transpose3A = tpu.transpose %slice3A, [1, 0] : vector<2048x16xf32> -> vector<16x2048xf32>
    %slice3A_5 = vector.extract_strided_slice %transpose3A {offsets = [0, 0], sizes = [3, 2048], strides = [1, 1]} : vector<16x2048xf32> to vector<3x2048xf32>
    %slice3A_6 = vector.extract_strided_slice %transpose3A {offsets = [3, 0], sizes = [3, 2048], strides = [1, 1]} : vector<16x2048xf32> to vector<3x2048xf32>
    %slice3A_7 = vector.extract_strided_slice %transpose3A {offsets = [6, 0], sizes = [4, 2048], strides = [1, 1]} : vector<16x2048xf32> to vector<4x2048xf32>
    %slice3A_8 = vector.extract_strided_slice %transpose3A {offsets = [10, 0], sizes = [1, 2048], strides = [1, 1]} : vector<16x2048xf32> to vector<1x2048xf32>
    %get3A_9 = arith.constant 0 : index
    %get3A_10 = arith.constant 0 : index
    %get3A_11 = vector.load %arg2[%get3A_9, %get3A_10] : memref<2048x128xf32, #tpu.memory_space<vmem>>, vector<2048x128xf32>
    %tanh3A = math.tanh %get3A_11 : vector<2048x128xf32>
    %get3A_12 = arith.constant 0 : index
    %get3A_13 = arith.constant 0 : index
    %get3A_14 = vector.load %arg4[%get3A_12, %get3A_13] : memref<68x3xf32, #tpu.memory_space<vmem>>, vector<68x3xf32>
    %slice3A_15 = vector.extract_strided_slice %slice3A_5 {offsets = [0, 0], sizes = [1, 2048], strides = [1, 1]} : vector<3x2048xf32> to vector<1x2048xf32>
    %slice3A_16 = vector.extract_strided_slice %get3A_14 {offsets = [0, 0], sizes = [68, 1], strides = [1, 1]} : vector<68x3xf32> to vector<68x1xf32>
    %sub3A = vector.broadcast %slice3A_15 : vector<1x2048xf32> to vector<68x2048xf32>
    %sub3A_17 = vector.broadcast %slice3A_16 : vector<68x1xf32> to vector<68x2048xf32>
    %sub3A_18 = arith.subf %sub3A, %sub3A_17 : vector<68x2048xf32>
    %slice3A_19 = vector.extract_strided_slice %slice3A_5 {offsets = [1, 0], sizes = [1, 2048], strides = [1, 1]} : vector<3x2048xf32> to vector<1x2048xf32>
    %slice3A_20 = vector.extract_strided_slice %get3A_14 {offsets = [0, 1], sizes = [68, 1], strides = [1, 1]} : vector<68x3xf32> to vector<68x1xf32>
    %sub3A_21 = vector.broadcast %slice3A_19 : vector<1x2048xf32> to vector<68x2048xf32>
    %sub3A_22 = vector.broadcast %slice3A_20 : vector<68x1xf32> to vector<68x2048xf32>
    %sub3A_23 = arith.subf %sub3A_21, %sub3A_22 : vector<68x2048xf32>
    %slice3A_24 = vector.extract_strided_slice %slice3A_5 {offsets = [2, 0], sizes = [1, 2048], strides = [1, 1]} : vector<3x2048xf32> to vector<1x2048xf32>
    %slice3A_25 = vector.extract_strided_slice %get3A_14 {offsets = [0, 2], sizes = [68, 1], strides = [1, 1]} : vector<68x3xf32> to vector<68x1xf32>
    %sub3A_26 = vector.broadcast %slice3A_24 : vector<1x2048xf32> to vector<68x2048xf32>
    %sub3A_27 = vector.broadcast %slice3A_25 : vector<68x1xf32> to vector<68x2048xf32>
    %sub3A_28 = arith.subf %sub3A_26, %sub3A_27 : vector<68x2048xf32>
    %mul3A_29 = arith.mulf %sub3A_18, %sub3A_18 : vector<68x2048xf32>
    %mul3A_30 = arith.mulf %sub3A_23, %sub3A_23 : vector<68x2048xf32>
    %add3A = arith.addf %mul3A_29, %mul3A_30 : vector<68x2048xf32>
    %mul3A_31 = arith.mulf %sub3A_28, %sub3A_28 : vector<68x2048xf32>
    %add3A_32 = arith.addf %add3A, %mul3A_31 : vector<68x2048xf32>
    %reduce_min3A = arith.constant dense<0x7F800000> : vector<2048xf32>
    %reduce_min3A_33 = vector.multi_reduction <minimumf>, %add3A_32, %reduce_min3A [0] : vector<68x2048xf32> to vector<2048xf32>
    %broadcast_in_dim3A = vector.shape_cast %reduce_min3A_33 : vector<2048xf32> to vector<1x2048xf32>
    %sub3A_34 = arith.constant 2.500000e-01 : f32
    %sub3A_35 = vector.broadcast %sub3A_34 : f32 to vector<1x2048xf32>
    %sub3A_36 = arith.subf %sub3A_35, %broadcast_in_dim3A : vector<1x2048xf32>
    %div3A = arith.constant 1.500000e-01 : f32
    %div3A_37 = vector.broadcast %div3A : f32 to vector<1x2048xf32>
    %div3A_38 = arith.divf %sub3A_36, %div3A_37 : vector<1x2048xf32>
    %jit3A = arith.constant 0.000000e+00 : f32
    %jit3A_39 = arith.constant 1.000000e+00 : f32
    %max3A = vector.broadcast %jit3A : f32 to vector<1x2048xf32>
    %max3A_40 = arith.maximumf %max3A, %div3A_38 : vector<1x2048xf32>
    %min3A = vector.broadcast %jit3A_39 : f32 to vector<1x2048xf32>
    %min3A_41 = arith.minimumf %min3A, %max3A_40 : vector<1x2048xf32>
    %mul3A_42 = arith.constant 1.000000e+00 : f32
    %mul3A_43 = vector.broadcast %mul3A_42 : f32 to vector<3x2048xf32>
    %mul3A_44 = arith.mulf %slice3A_5, %mul3A_43 : vector<3x2048xf32>
    %mul3A_45 = arith.constant 2.000000e+00 : f32
    %mul3A_46 = vector.broadcast %mul3A_45 : f32 to vector<3x2048xf32>
    %mul3A_47 = arith.mulf %slice3A_5, %mul3A_46 : vector<3x2048xf32>
    %mul3A_48 = arith.constant 4.000000e+00 : f32
    %mul3A_49 = vector.broadcast %mul3A_48 : f32 to vector<3x2048xf32>
    %mul3A_50 = arith.mulf %slice3A_5, %mul3A_49 : vector<3x2048xf32>
    %mul3A_51 = arith.constant 8.000000e+00 : f32
    %mul3A_52 = vector.broadcast %mul3A_51 : f32 to vector<3x2048xf32>
    %mul3A_53 = arith.mulf %slice3A_5, %mul3A_52 : vector<3x2048xf32>
    %concatenate3A = tpu.concatenate %mul3A_44, %mul3A_47, %mul3A_50, %mul3A_53 in 0 : vector<3x2048xf32>, vector<3x2048xf32>, vector<3x2048xf32>, vector<3x2048xf32> -> vector<12x2048xf32>
    %sin3A = math.sin %concatenate3A : vector<12x2048xf32>
    %cos3A = math.cos %concatenate3A : vector<12x2048xf32>
    %concatenate3A_54 = tpu.concatenate %slice3A_5, %sin3A, %cos3A in 0 : vector<3x2048xf32>, vector<12x2048xf32>, vector<12x2048xf32> -> vector<27x2048xf32>
    %get3A_55 = arith.constant 0 : index
    %get3A_56 = arith.constant 0 : index
    %get3A_57 = vector.load %arg6[%get3A_55, %get3A_56] : memref<6x2xf32, #tpu.memory_space<vmem>>, vector<6x2xf32>
    %mul3A_58 = arith.constant 1.000000e+00 : f32
    %mul3A_59 = vector.broadcast %mul3A_58 : f32 to vector<6x2xf32>
    %mul3A_60 = arith.mulf %get3A_57, %mul3A_59 : vector<6x2xf32>
    %mul3A_61 = arith.constant 2.000000e+00 : f32
    %mul3A_62 = vector.broadcast %mul3A_61 : f32 to vector<6x2xf32>
    %mul3A_63 = arith.mulf %get3A_57, %mul3A_62 : vector<6x2xf32>
    %mul3A_64 = arith.constant 4.000000e+00 : f32
    %mul3A_65 = vector.broadcast %mul3A_64 : f32 to vector<6x2xf32>
    %mul3A_66 = arith.mulf %get3A_57, %mul3A_65 : vector<6x2xf32>
    %mul3A_67 = arith.constant 8.000000e+00 : f32
    %mul3A_68 = vector.broadcast %mul3A_67 : f32 to vector<6x2xf32>
    %mul3A_69 = arith.mulf %get3A_57, %mul3A_68 : vector<6x2xf32>
    %concatenate3A_70 = tpu.concatenate %mul3A_60, %mul3A_63, %mul3A_66, %mul3A_69 in 0 : vector<6x2xf32>, vector<6x2xf32>, vector<6x2xf32>, vector<6x2xf32> -> vector<24x2xf32>
    %sin3A_71 = math.sin %concatenate3A_70 : vector<24x2xf32>
    %cos3A_72 = math.cos %concatenate3A_70 : vector<24x2xf32>
    %concatenate3A_73 = tpu.concatenate %get3A_57, %sin3A_71, %cos3A_72 in 0 : vector<6x2xf32>, vector<24x2xf32>, vector<24x2xf32> -> vector<54x2xf32>
    %get3A_74 = arith.constant 0 : index
    %get3A_75 = arith.constant 512 : index
    %get3A_76 = vector.load %arg10[%get3A_74, %get3A_75] : memref<128x768xf32, #tpu.memory_space<vmem>>, vector<128x256xf32>
    %dot_general3A = arith.constant dense<0.000000e+00> : vector<2048x256xf32>
    %dot_general3A_77 = tpu.matmul %tanh3A, %get3A_76, %dot_general3A {dimension_numbers = #tpu.dot_dimension_numbers<[1], [0], [0], [1], [0, 0, 1, 1], [], []>, transpose_lhs_hint = false} : vector<2048x128xf32>, vector<128x256xf32>, vector<2048x256xf32> -> vector<2048x256xf32>
    %get3A_78 = arith.constant 0 : index
    %get3A_79 = arith.constant 256 : index
    %get3A_80 = vector.load %arg11[%get3A_78, %get3A_79] : memref<27x384xf32, #tpu.memory_space<vmem>>, vector<27x128xf32>
    %dot_general3A_81 = arith.constant dense<0.000000e+00> : vector<2048x128xf32>
    %dot_general3A_82 = tpu.matmul %concatenate3A_54, %get3A_80, %dot_general3A_81 {dimension_numbers = #tpu.dot_dimension_numbers<[0], [0], [1], [1], [0, 1, 1, 1], [], []>, transpose_lhs_hint = false} : vector<27x2048xf32>, vector<27x128xf32>, vector<2048x128xf32> -> vector<2048x128xf32>
    %get3A_83 = arith.constant 0 : index
    %get3A_84 = arith.constant 0 : index
    %get3A_85 = vector.load %arg14[%get3A_83, %get3A_84] : memref<54x384xf32, #tpu.memory_space<vmem>>, vector<54x384xf32>
    %dot_general3A_86 = arith.constant dense<0.000000e+00> : vector<2x384xf32>
    %dot_general3A_87 = tpu.matmul %concatenate3A_73, %get3A_85, %dot_general3A_86 {dimension_numbers = #tpu.dot_dimension_numbers<[0], [0], [1], [1], [0, 1, 1, 1], [], []>, transpose_lhs_hint = false} : vector<54x2xf32>, vector<54x384xf32>, vector<2x384xf32> -> vector<2x384xf32>
    %get3A_88 = arith.constant 0 : index
    %get3A_89 = arith.constant 0 : index
    %get3A_90 = vector.load %arg15[%get3A_88, %get3A_89] : memref<1x384xf32, #tpu.memory_space<vmem>>, vector<1x384xf32>
    %add3A_91 = vector.broadcast %get3A_90 : vector<1x384xf32> to vector<2x384xf32>
    %add3A_92 = arith.addf %dot_general3A_87, %add3A_91 : vector<2x384xf32>
    %convert_element_type3A = arith.extui %lt3A : i1 to i32
    %cond3A = arith.constant 0 : i32
    %cond3A_93 = arith.cmpi ne, %convert_element_type3A, %cond3A : i32
    scf.if %cond3A_93 {
      %get3A_1229 = arith.constant 0 : index
      %get3A_1230 = arith.constant 0 : index
      %get3A_1231 = vector.load %arg10[%get3A_1229, %get3A_1230] : memref<128x768xf32, #tpu.memory_space<vmem>>, vector<128x512xf32>
      %dot_general3A_1232 = arith.constant dense<0.000000e+00> : vector<2048x512xf32>
      %dot_general3A_1233 = tpu.matmul %tanh3A, %get3A_1231, %dot_general3A_1232 {dimension_numbers = #tpu.dot_dimension_numbers<[1], [0], [0], [1], [0, 0, 1, 1], [], []>, transpose_lhs_hint = false} : vector<2048x128xf32>, vector<128x512xf32>, vector<2048x512xf32> -> vector<2048x512xf32>
      %get3A_1234 = arith.constant 0 : index
      %get3A_1235 = arith.constant 0 : index
      %get3A_1236 = vector.load %arg11[%get3A_1234, %get3A_1235] : memref<27x384xf32, #tpu.memory_space<vmem>>, vector<27x256xf32>
      %dot_general3A_1237 = arith.constant dense<0.000000e+00> : vector<2048x256xf32>
      %dot_general3A_1238 = tpu.matmul %concatenate3A_54, %get3A_1236, %dot_general3A_1237 {dimension_numbers = #tpu.dot_dimension_numbers<[0], [0], [1], [1], [0, 1, 1, 1], [], []>, transpose_lhs_hint = false} : vector<27x2048xf32>, vector<27x256xf32>, vector<2048x256xf32> -> vector<2048x256xf32>
      %get3A_1239 = arith.constant 0 : index
      %get3A_1240 = arith.constant 0 : index
      %get3A_1241 = vector.load %arg5[%get3A_1239, %get3A_1240] : memref<2x64xf32, #tpu.memory_space<vmem>>, vector<2x64xf32>
      %get3A_1242 = arith.constant 0 : index
      %get3A_1243 = arith.constant 0 : index
      %get3A_1244 = vector.load %arg12[%get3A_1242, %get3A_1243] : memref<64x768xf32, #tpu.memory_space<vmem>>, vector<64x768xf32>
      %dot_general3A_1245 = arith.constant dense<0.000000e+00> : vector<2x768xf32>
      %dot_general3A_1246 = tpu.matmul %get3A_1241, %get3A_1244, %dot_general3A_1245 {dimension_numbers = #tpu.dot_dimension_numbers<[1], [0], [0], [1], [0, 0, 1, 1], [], []>, transpose_lhs_hint = false} : vector<2x64xf32>, vector<64x768xf32>, vector<2x768xf32> -> vector<2x768xf32>
      %get3A_1247 = arith.constant 0 : index
      %get3A_1248 = arith.constant 0 : index
      %get3A_1249 = vector.load %arg13[%get3A_1247, %get3A_1248] : memref<1x768xf32, #tpu.memory_space<vmem>>, vector<1x768xf32>
      %add3A_1250 = vector.broadcast %get3A_1249 : vector<1x768xf32> to vector<2x768xf32>
      %add3A_1251 = arith.addf %dot_general3A_1246, %add3A_1250 : vector<2x768xf32>
      %slice3A_1252 = vector.extract_strided_slice %dot_general3A_1233 {offsets = [0, 0], sizes = [2048, 256], strides = [1, 1]} : vector<2048x512xf32> to vector<2048x256xf32>
      %slice3A_1253 = vector.extract_strided_slice %add3A_1251 {offsets = [0, 0], sizes = [1, 256], strides = [1, 1]} : vector<2x768xf32> to vector<1x256xf32>
      %add3A_1254 = vector.broadcast %slice3A_1253 : vector<1x256xf32> to vector<2048x256xf32>
      %add3A_1255 = arith.addf %slice3A_1252, %add3A_1254 : vector<2048x256xf32>
      %max3A_1256 = arith.constant 0.000000e+00 : f32
      %max3A_1257 = vector.broadcast %max3A_1256 : f32 to vector<2048x256xf32>
      %max3A_1258 = arith.maximumf %add3A_1255, %max3A_1257 : vector<2048x256xf32>
      %get3A_1259 = arith.constant 0 : index
      %get3A_1260 = arith.constant 0 : index
      %get3A_1261 = vector.load %arg16[%get3A_1259, %get3A_1260] : memref<256x256xf32, #tpu.memory_space<vmem>>, vector<256x256xf32>
      %dot_general3A_1262 = arith.constant dense<0.000000e+00> : vector<2048x256xf32>
      %dot_general3A_1263 = tpu.matmul %max3A_1258, %get3A_1261, %dot_general3A_1262 {dimension_numbers = #tpu.dot_dimension_numbers<[1], [0], [0], [1], [0, 0, 1, 1], [], []>, transpose_lhs_hint = false} : vector<2048x256xf32>, vector<256x256xf32>, vector<2048x256xf32> -> vector<2048x256xf32>
      %get3A_1264 = arith.constant 0 : index
      %get3A_1265 = arith.constant 0 : index
      %get3A_1266 = vector.load %arg17[%get3A_1264, %get3A_1265] : memref<1x256xf32, #tpu.memory_space<vmem>>, vector<1x256xf32>
      %add3A_1267 = vector.broadcast %get3A_1266 : vector<1x256xf32> to vector<2048x256xf32>
      %add3A_1268 = arith.addf %dot_general3A_1263, %add3A_1267 : vector<2048x256xf32>
      %max3A_1269 = arith.constant 0.000000e+00 : f32
      %max3A_1270 = vector.broadcast %max3A_1269 : f32 to vector<2048x256xf32>
      %max3A_1271 = arith.maximumf %add3A_1268, %max3A_1270 : vector<2048x256xf32>
      %get3A_1272 = arith.constant 0 : index
      %get3A_1273 = arith.constant 0 : index
      %get3A_1274 = vector.load %arg22[%get3A_1272, %get3A_1273] : memref<256x32xf32, #tpu.memory_space<vmem>>, vector<256x32xf32>
      %dot_general3A_1275 = arith.constant dense<0.000000e+00> : vector<32x2048xf32>
      %dot_general3A_1276 = tpu.matmul %get3A_1274, %max3A_1271, %dot_general3A_1275 {dimension_numbers = #tpu.dot_dimension_numbers<[0], [1], [1], [0], [0, 1, 1, 0], [], []>, transpose_lhs_hint = false} : vector<256x32xf32>, vector<2048x256xf32>, vector<32x2048xf32> -> vector<32x2048xf32>
      %get3A_1277 = arith.constant 0 : index
      %get3A_1278 = arith.constant 0 : index
      %get3A_1279 = vector.load %arg23[%get3A_1277, %get3A_1278] : memref<32x1xf32, #tpu.memory_space<vmem>>, vector<32x1xf32>
      %add3A_1280 = vector.broadcast %get3A_1279 : vector<32x1xf32> to vector<32x2048xf32>
      %add3A_1281 = arith.addf %dot_general3A_1276, %add3A_1280 : vector<32x2048xf32>
      %slice3A_1282 = vector.extract_strided_slice %dot_general3A_1233 {offsets = [0, 256], sizes = [2048, 256], strides = [1, 1]} : vector<2048x512xf32> to vector<2048x256xf32>
      %slice3A_1283 = vector.extract_strided_slice %add3A_1251 {offsets = [0, 256], sizes = [1, 256], strides = [1, 1]} : vector<2x768xf32> to vector<1x256xf32>
      %add3A_1284 = vector.broadcast %slice3A_1283 : vector<1x256xf32> to vector<2048x256xf32>
      %add3A_1285 = arith.addf %slice3A_1282, %add3A_1284 : vector<2048x256xf32>
      %max3A_1286 = arith.constant 0.000000e+00 : f32
      %max3A_1287 = vector.broadcast %max3A_1286 : f32 to vector<2048x256xf32>
      %max3A_1288 = arith.maximumf %add3A_1285, %max3A_1287 : vector<2048x256xf32>
      %get3A_1289 = arith.constant 0 : index
      %get3A_1290 = arith.constant 0 : index
      %get3A_1291 = vector.load %arg18[%get3A_1289, %get3A_1290] : memref<256x256xf32, #tpu.memory_space<vmem>>, vector<256x256xf32>
      %dot_general3A_1292 = arith.constant dense<0.000000e+00> : vector<2048x256xf32>
      %dot_general3A_1293 = tpu.matmul %max3A_1288, %get3A_1291, %dot_general3A_1292 {dimension_numbers = #tpu.dot_dimension_numbers<[1], [0], [0], [1], [0, 0, 1, 1], [], []>, transpose_lhs_hint = false} : vector<2048x256xf32>, vector<256x256xf32>, vector<2048x256xf32> -> vector<2048x256xf32>
      %get3A_1294 = arith.constant 0 : index
      %get3A_1295 = arith.constant 0 : index
      %get3A_1296 = vector.load %arg19[%get3A_1294, %get3A_1295] : memref<1x256xf32, #tpu.memory_space<vmem>>, vector<1x256xf32>
      %add3A_1297 = vector.broadcast %get3A_1296 : vector<1x256xf32> to vector<2048x256xf32>
      %add3A_1298 = arith.addf %dot_general3A_1293, %add3A_1297 : vector<2048x256xf32>
      %max3A_1299 = arith.constant 0.000000e+00 : f32
      %max3A_1300 = vector.broadcast %max3A_1299 : f32 to vector<2048x256xf32>
      %max3A_1301 = arith.maximumf %add3A_1298, %max3A_1300 : vector<2048x256xf32>
      %get3A_1302 = arith.constant 0 : index
      %get3A_1303 = arith.constant 0 : index
      %get3A_1304 = vector.load %arg24[%get3A_1302, %get3A_1303] : memref<256x8xf32, #tpu.memory_space<vmem>>, vector<256x8xf32>
      %dot_general3A_1305 = arith.constant dense<0.000000e+00> : vector<8x2048xf32>
      %dot_general3A_1306 = tpu.matmul %get3A_1304, %max3A_1301, %dot_general3A_1305 {dimension_numbers = #tpu.dot_dimension_numbers<[0], [1], [1], [0], [0, 1, 1, 0], [], []>, transpose_lhs_hint = false} : vector<256x8xf32>, vector<2048x256xf32>, vector<8x2048xf32> -> vector<8x2048xf32>
      %get3A_1307 = arith.constant 0 : index
      %get3A_1308 = arith.constant 0 : index
      %get3A_1309 = vector.load %arg25[%get3A_1307, %get3A_1308] : memref<8x1xf32, #tpu.memory_space<vmem>>, vector<8x1xf32>
      %add3A_1310 = vector.broadcast %get3A_1309 : vector<8x1xf32> to vector<8x2048xf32>
      %add3A_1311 = arith.addf %dot_general3A_1306, %add3A_1310 : vector<8x2048xf32>
      %slice3A_1312 = vector.extract_strided_slice %add3A_1251 {offsets = [0, 512], sizes = [1, 256], strides = [1, 1]} : vector<2x768xf32> to vector<1x256xf32>
      %add3A_1313 = vector.broadcast %slice3A_1312 : vector<1x256xf32> to vector<2048x256xf32>
      %add3A_1314 = arith.addf %dot_general3A_1238, %add3A_1313 : vector<2048x256xf32>
      %max3A_1315 = arith.constant 0.000000e+00 : f32
      %max3A_1316 = vector.broadcast %max3A_1315 : f32 to vector<2048x256xf32>
      %max3A_1317 = arith.maximumf %add3A_1314, %max3A_1316 : vector<2048x256xf32>
      %get3A_1318 = arith.constant 0 : index
      %get3A_1319 = arith.constant 0 : index
      %get3A_1320 = vector.load %arg20[%get3A_1318, %get3A_1319] : memref<256x256xf32, #tpu.memory_space<vmem>>, vector<256x256xf32>
      %dot_general3A_1321 = arith.constant dense<0.000000e+00> : vector<2048x256xf32>
      %dot_general3A_1322 = tpu.matmul %max3A_1317, %get3A_1320, %dot_general3A_1321 {dimension_numbers = #tpu.dot_dimension_numbers<[1], [0], [0], [1], [0, 0, 1, 1], [], []>, transpose_lhs_hint = false} : vector<2048x256xf32>, vector<256x256xf32>, vector<2048x256xf32> -> vector<2048x256xf32>
      %get3A_1323 = arith.constant 0 : index
      %get3A_1324 = arith.constant 0 : index
      %get3A_1325 = vector.load %arg21[%get3A_1323, %get3A_1324] : memref<1x256xf32, #tpu.memory_space<vmem>>, vector<1x256xf32>
      %add3A_1326 = vector.broadcast %get3A_1325 : vector<1x256xf32> to vector<2048x256xf32>
      %add3A_1327 = arith.addf %dot_general3A_1322, %add3A_1326 : vector<2048x256xf32>
      %max3A_1328 = arith.constant 0.000000e+00 : f32
      %max3A_1329 = vector.broadcast %max3A_1328 : f32 to vector<2048x256xf32>
      %max3A_1330 = arith.maximumf %add3A_1327, %max3A_1329 : vector<2048x256xf32>
      %get3A_1331 = arith.constant 0 : index
      %get3A_1332 = arith.constant 0 : index
      %get3A_1333 = vector.load %arg26[%get3A_1331, %get3A_1332] : memref<256x3xf32, #tpu.memory_space<vmem>>, vector<256x3xf32>
      %dot_general3A_1334 = arith.constant dense<0.000000e+00> : vector<3x2048xf32>
      %dot_general3A_1335 = tpu.matmul %get3A_1333, %max3A_1330, %dot_general3A_1334 {dimension_numbers = #tpu.dot_dimension_numbers<[0], [1], [1], [0], [0, 1, 1, 0], [], []>, transpose_lhs_hint = false} : vector<256x3xf32>, vector<2048x256xf32>, vector<3x2048xf32> -> vector<3x2048xf32>
      %get3A_1336 = arith.constant 0 : index
      %get3A_1337 = arith.constant 0 : index
      %get3A_1338 = vector.load %arg27[%get3A_1336, %get3A_1337] : memref<3x1xf32, #tpu.memory_space<vmem>>, vector<3x1xf32>
      %add3A_1339 = vector.broadcast %get3A_1338 : vector<3x1xf32> to vector<3x2048xf32>
      %add3A_1340 = arith.addf %dot_general3A_1335, %add3A_1339 : vector<3x2048xf32>
      %tanh3A_1341 = math.tanh %add3A_1340 : vector<3x2048xf32>
      %broadcast_in_dim3A_1342 = arith.constant 0.000000e+00 : f32
      %broadcast_in_dim3A_1343 = vector.broadcast %broadcast_in_dim3A_1342 : f32 to vector<5x2048xf32>
      %concatenate3A_1344 = tpu.concatenate %add3A_1281, %add3A_1311, %tanh3A_1341, %broadcast_in_dim3A_1343 in 0 : vector<32x2048xf32>, vector<8x2048xf32>, vector<3x2048xf32>, vector<5x2048xf32> -> vector<48x2048xf32>
      %swap3A_1345 = arith.constant 0 : index
      %swap3A_1346 = arith.constant 0 : index
      %swap3A_1347 = arith.constant 0 : index
      %swap3A_1348 = vector.load %arg35[%swap3A_1345, %swap3A_1346, %swap3A_1347] : memref<2x48x2048xf32, #tpu.memory_space<vmem>>, vector<1x48x2048xf32>
      %swap3A_1349 = vector.shape_cast %swap3A_1348 : vector<1x48x2048xf32> to vector<48x2048xf32>
      %swap3A_1350 = vector.shape_cast %concatenate3A_1344 : vector<48x2048xf32> to vector<1x48x2048xf32>
      tpu.vector_store %arg35[%swap3A_1345, %swap3A_1346, %swap3A_1347], %swap3A_1350 {strides = array<i32>} : memref<2x48x2048xf32, #tpu.memory_space<vmem>>, vector<1x48x2048xf32>,
      %slice3A_1351 = vector.extract_strided_slice %dot_general3A_1233 {offsets = [0, 0], sizes = [2048, 256], strides = [1, 1]} : vector<2048x512xf32> to vector<2048x256xf32>
      %slice3A_1352 = vector.extract_strided_slice %add3A_1251 {offsets = [1, 0], sizes = [1, 256], strides = [1, 1]} : vector<2x768xf32> to vector<1x256xf32>
      %add3A_1353 = vector.broadcast %slice3A_1352 : vector<1x256xf32> to vector<2048x256xf32>
      %add3A_1354 = arith.addf %slice3A_1351, %add3A_1353 : vector<2048x256xf32>
      %max3A_1355 = arith.constant 0.000000e+00 : f32
      %max3A_1356 = vector.broadcast %max3A_1355 : f32 to vector<2048x256xf32>
      %max3A_1357 = arith.maximumf %add3A_1354, %max3A_1356 : vector<2048x256xf32>
      %get3A_1358 = arith.constant 0 : index
      %get3A_1359 = arith.constant 0 : index
      %get3A_1360 = vector.load %arg16[%get3A_1358, %get3A_1359] : memref<256x256xf32, #tpu.memory_space<vmem>>, vector<256x256xf32>
      %dot_general3A_1361 = arith.constant dense<0.000000e+00> : vector<2048x256xf32>
      %dot_general3A_1362 = tpu.matmul %max3A_1357, %get3A_1360, %dot_general3A_1361 {dimension_numbers = #tpu.dot_dimension_numbers<[1], [0], [0], [1], [0, 0, 1, 1], [], []>, transpose_lhs_hint = false} : vector<2048x256xf32>, vector<256x256xf32>, vector<2048x256xf32> -> vector<2048x256xf32>
      %get3A_1363 = arith.constant 0 : index
      %get3A_1364 = arith.constant 0 : index
      %get3A_1365 = vector.load %arg17[%get3A_1363, %get3A_1364] : memref<1x256xf32, #tpu.memory_space<vmem>>, vector<1x256xf32>
      %add3A_1366 = vector.broadcast %get3A_1365 : vector<1x256xf32> to vector<2048x256xf32>
      %add3A_1367 = arith.addf %dot_general3A_1362, %add3A_1366 : vector<2048x256xf32>
      %max3A_1368 = arith.constant 0.000000e+00 : f32
      %max3A_1369 = vector.broadcast %max3A_1368 : f32 to vector<2048x256xf32>
      %max3A_1370 = arith.maximumf %add3A_1367, %max3A_1369 : vector<2048x256xf32>
      %get3A_1371 = arith.constant 0 : index
      %get3A_1372 = arith.constant 0 : index
      %get3A_1373 = vector.load %arg22[%get3A_1371, %get3A_1372] : memref<256x32xf32, #tpu.memory_space<vmem>>, vector<256x32xf32>
      %dot_general3A_1374 = arith.constant dense<0.000000e+00> : vector<32x2048xf32>
      %dot_general3A_1375 = tpu.matmul %get3A_1373, %max3A_1370, %dot_general3A_1374 {dimension_numbers = #tpu.dot_dimension_numbers<[0], [1], [1], [0], [0, 1, 1, 0], [], []>, transpose_lhs_hint = false} : vector<256x32xf32>, vector<2048x256xf32>, vector<32x2048xf32> -> vector<32x2048xf32>
      %get3A_1376 = arith.constant 0 : index
      %get3A_1377 = arith.constant 0 : index
      %get3A_1378 = vector.load %arg23[%get3A_1376, %get3A_1377] : memref<32x1xf32, #tpu.memory_space<vmem>>, vector<32x1xf32>
      %add3A_1379 = vector.broadcast %get3A_1378 : vector<32x1xf32> to vector<32x2048xf32>
      %add3A_1380 = arith.addf %dot_general3A_1375, %add3A_1379 : vector<32x2048xf32>
      %slice3A_1381 = vector.extract_strided_slice %dot_general3A_1233 {offsets = [0, 256], sizes = [2048, 256], strides = [1, 1]} : vector<2048x512xf32> to vector<2048x256xf32>
      %slice3A_1382 = vector.extract_strided_slice %add3A_1251 {offsets = [1, 256], sizes = [1, 256], strides = [1, 1]} : vector<2x768xf32> to vector<1x256xf32>
      %add3A_1383 = vector.broadcast %slice3A_1382 : vector<1x256xf32> to vector<2048x256xf32>
      %add3A_1384 = arith.addf %slice3A_1381, %add3A_1383 : vector<2048x256xf32>
      %max3A_1385 = arith.constant 0.000000e+00 : f32
      %max3A_1386 = vector.broadcast %max3A_1385 : f32 to vector<2048x256xf32>
      %max3A_1387 = arith.maximumf %add3A_1384, %max3A_1386 : vector<2048x256xf32>
      %get3A_1388 = arith.constant 0 : index
      %get3A_1389 = arith.constant 0 : index
      %get3A_1390 = vector.load %arg18[%get3A_1388, %get3A_1389] : memref<256x256xf32, #tpu.memory_space<vmem>>, vector<256x256xf32>
      %dot_general3A_1391 = arith.constant dense<0.000000e+00> : vector<2048x256xf32>
      %dot_general3A_1392 = tpu.matmul %max3A_1387, %get3A_1390, %dot_general3A_1391 {dimension_numbers = #tpu.dot_dimension_numbers<[1], [0], [0], [1], [0, 0, 1, 1], [], []>, transpose_lhs_hint = false} : vector<2048x256xf32>, vector<256x256xf32>, vector<2048x256xf32> -> vector<2048x256xf32>
      %get3A_1393 = arith.constant 0 : index
      %get3A_1394 = arith.constant 0 : index
      %get3A_1395 = vector.load %arg19[%get3A_1393, %get3A_1394] : memref<1x256xf32, #tpu.memory_space<vmem>>, vector<1x256xf32>
      %add3A_1396 = vector.broadcast %get3A_1395 : vector<1x256xf32> to vector<2048x256xf32>
      %add3A_1397 = arith.addf %dot_general3A_1392, %add3A_1396 : vector<2048x256xf32>
      %max3A_1398 = arith.constant 0.000000e+00 : f32
      %max3A_1399 = vector.broadcast %max3A_1398 : f32 to vector<2048x256xf32>
      %max3A_1400 = arith.maximumf %add3A_1397, %max3A_1399 : vector<2048x256xf32>
      %get3A_1401 = arith.constant 0 : index
      %get3A_1402 = arith.constant 0 : index
      %get3A_1403 = vector.load %arg24[%get3A_1401, %get3A_1402] : memref<256x8xf32, #tpu.memory_space<vmem>>, vector<256x8xf32>
      %dot_general3A_1404 = arith.constant dense<0.000000e+00> : vector<8x2048xf32>
      %dot_general3A_1405 = tpu.matmul %get3A_1403, %max3A_1400, %dot_general3A_1404 {dimension_numbers = #tpu.dot_dimension_numbers<[0], [1], [1], [0], [0, 1, 1, 0], [], []>, transpose_lhs_hint = false} : vector<256x8xf32>, vector<2048x256xf32>, vector<8x2048xf32> -> vector<8x2048xf32>
      %get3A_1406 = arith.constant 0 : index
      %get3A_1407 = arith.constant 0 : index
      %get3A_1408 = vector.load %arg25[%get3A_1406, %get3A_1407] : memref<8x1xf32, #tpu.memory_space<vmem>>, vector<8x1xf32>
      %add3A_1409 = vector.broadcast %get3A_1408 : vector<8x1xf32> to vector<8x2048xf32>
      %add3A_1410 = arith.addf %dot_general3A_1405, %add3A_1409 : vector<8x2048xf32>
      %slice3A_1411 = vector.extract_strided_slice %add3A_1251 {offsets = [1, 512], sizes = [1, 256], strides = [1, 1]} : vector<2x768xf32> to vector<1x256xf32>
      %add3A_1412 = vector.broadcast %slice3A_1411 : vector<1x256xf32> to vector<2048x256xf32>
      %add3A_1413 = arith.addf %dot_general3A_1238, %add3A_1412 : vector<2048x256xf32>
      %max3A_1414 = arith.constant 0.000000e+00 : f32
      %max3A_1415 = vector.broadcast %max3A_1414 : f32 to vector<2048x256xf32>
      %max3A_1416 = arith.maximumf %add3A_1413, %max3A_1415 : vector<2048x256xf32>
      %get3A_1417 = arith.constant 0 : index
      %get3A_1418 = arith.constant 0 : index
      %get3A_1419 = vector.load %arg20[%get3A_1417, %get3A_1418] : memref<256x256xf32, #tpu.memory_space<vmem>>, vector<256x256xf32>
      %dot_general3A_1420 = arith.constant dense<0.000000e+00> : vector<2048x256xf32>
      %dot_general3A_1421 = tpu.matmul %max3A_1416, %get3A_1419, %dot_general3A_1420 {dimension_numbers = #tpu.dot_dimension_numbers<[1], [0], [0], [1], [0, 0, 1, 1], [], []>, transpose_lhs_hint = false} : vector<2048x256xf32>, vector<256x256xf32>, vector<2048x256xf32> -> vector<2048x256xf32>
      %get3A_1422 = arith.constant 0 : index
      %get3A_1423 = arith.constant 0 : index
      %get3A_1424 = vector.load %arg21[%get3A_1422, %get3A_1423] : memref<1x256xf32, #tpu.memory_space<vmem>>, vector<1x256xf32>
      %add3A_1425 = vector.broadcast %get3A_1424 : vector<1x256xf32> to vector<2048x256xf32>
      %add3A_1426 = arith.addf %dot_general3A_1421, %add3A_1425 : vector<2048x256xf32>
      %max3A_1427 = arith.constant 0.000000e+00 : f32
      %max3A_1428 = vector.broadcast %max3A_1427 : f32 to vector<2048x256xf32>
      %max3A_1429 = arith.maximumf %add3A_1426, %max3A_1428 : vector<2048x256xf32>
      %get3A_1430 = arith.constant 0 : index
      %get3A_1431 = arith.constant 0 : index
      %get3A_1432 = vector.load %arg26[%get3A_1430, %get3A_1431] : memref<256x3xf32, #tpu.memory_space<vmem>>, vector<256x3xf32>
      %dot_general3A_1433 = arith.constant dense<0.000000e+00> : vector<3x2048xf32>
      %dot_general3A_1434 = tpu.matmul %get3A_1432, %max3A_1429, %dot_general3A_1433 {dimension_numbers = #tpu.dot_dimension_numbers<[0], [1], [1], [0], [0, 1, 1, 0], [], []>, transpose_lhs_hint = false} : vector<256x3xf32>, vector<2048x256xf32>, vector<3x2048xf32> -> vector<3x2048xf32>
      %get3A_1435 = arith.constant 0 : index
      %get3A_1436 = arith.constant 0 : index
      %get3A_1437 = vector.load %arg27[%get3A_1435, %get3A_1436] : memref<3x1xf32, #tpu.memory_space<vmem>>, vector<3x1xf32>
      %add3A_1438 = vector.broadcast %get3A_1437 : vector<3x1xf32> to vector<3x2048xf32>
      %add3A_1439 = arith.addf %dot_general3A_1434, %add3A_1438 : vector<3x2048xf32>
      %tanh3A_1440 = math.tanh %add3A_1439 : vector<3x2048xf32>
      %broadcast_in_dim3A_1441 = arith.constant 0.000000e+00 : f32
      %broadcast_in_dim3A_1442 = vector.broadcast %broadcast_in_dim3A_1441 : f32 to vector<5x2048xf32>
      %concatenate3A_1443 = tpu.concatenate %add3A_1380, %add3A_1410, %tanh3A_1440, %broadcast_in_dim3A_1442 in 0 : vector<32x2048xf32>, vector<8x2048xf32>, vector<3x2048xf32>, vector<5x2048xf32> -> vector<48x2048xf32>
      %swap3A_1444 = arith.constant 1 : index
      %swap3A_1445 = arith.constant 0 : index
      %swap3A_1446 = arith.constant 0 : index
      %swap3A_1447 = vector.load %arg35[%swap3A_1444, %swap3A_1445, %swap3A_1446] : memref<2x48x2048xf32, #tpu.memory_space<vmem>>, vector<1x48x2048xf32>
      %swap3A_1448 = vector.shape_cast %swap3A_1447 : vector<1x48x2048xf32> to vector<48x2048xf32>
      %swap3A_1449 = vector.shape_cast %concatenate3A_1443 : vector<48x2048xf32> to vector<1x48x2048xf32>
      tpu.vector_store %arg35[%swap3A_1444, %swap3A_1445, %swap3A_1446], %swap3A_1449 {strides = array<i32>} : memref<2x48x2048xf32, #tpu.memory_space<vmem>>, vector<1x48x2048xf32>,
    } else {
    }
    %not3A = arith.constant true
    %not3A_94 = arith.xori %lt3A, %not3A : i1
    %convert_element_type3A_95 = arith.extui %not3A_94 : i1 to i32
    %cond3A_96 = arith.constant 0 : i32
    %cond3A_97 = arith.cmpi ne, %convert_element_type3A_95, %cond3A_96 : i32
    scf.if %cond3A_97 {
      %broadcast_in_dim3A_1229 = arith.constant 0.000000e+00 : f32
      %broadcast_in_dim3A_1230 = vector.broadcast %broadcast_in_dim3A_1229 : f32 to vector<2x48x2048xf32>
      %swap3A_1231 = arith.constant 0 : index
      %swap3A_1232 = arith.constant 0 : index
      %swap3A_1233 = arith.constant 0 : index
      %swap3A_1234 = vector.load %arg35[%swap3A_1231, %swap3A_1232, %swap3A_1233] : memref<2x48x2048xf32, #tpu.memory_space<vmem>>, vector<2x48x2048xf32>
      tpu.vector_store %arg35[%swap3A_1231, %swap3A_1232, %swap3A_1233], %broadcast_in_dim3A_1230 {strides = array<i32>} : memref<2x48x2048xf32, #tpu.memory_space<vmem>>, vector<2x48x2048xf32>,
    } else {
    }
    %get3A_98 = arith.constant 0 : index
    %get3A_99 = arith.constant 0 : index
    %get3A_100 = vector.load %arg8[%get3A_98, %get3A_99] : memref<2x9xf32, #tpu.memory_space<vmem>>, vector<2x9xf32>
    %get3A_101 = arith.constant 0 : index
    %get3A_102 = arith.constant 0 : index
    %get3A_103 = vector.load %arg9[%get3A_101, %get3A_102] : memref<6x3xf32, #tpu.memory_space<vmem>>, vector<6x3xf32>
    %get3A_104 = arith.constant 0 : index
    %get3A_105 = arith.constant 0 : index
    %get3A_106 = vector.load %arg7[%get3A_104, %get3A_105] : memref<2x1xf32, #tpu.memory_space<vmem>>, vector<2x1xf32>
    %get3A_107 = arith.constant 0 : index
    %get3A_108 = arith.constant 0 : index
    %get3A_109 = vector.load %arg6[%get3A_107, %get3A_108] : memref<6x2xf32, #tpu.memory_space<vmem>>, vector<6x2xf32>
    %sub3A_110 = arith.constant 1.000000e+00 : f32
    %sub3A_111 = vector.broadcast %sub3A_110 : f32 to vector<1x2048xf32>
    %sub3A_112 = arith.subf %sub3A_111, %min3A_41 : vector<1x2048xf32>
    %get3A_113 = arith.constant 0 : index
    %get3A_114 = arith.constant 0 : index
    %get3A_115 = arith.constant 0 : index
    %get3A_116 = vector.load %arg35[%get3A_113, %get3A_114, %get3A_115] : memref<2x48x2048xf32, #tpu.memory_space<vmem>>, vector<1x48x2048xf32>
    %get3A_117 = vector.shape_cast %get3A_116 : vector<1x48x2048xf32> to vector<48x2048xf32>
    %slice3A_118 = vector.extract_strided_slice %dot_general3A_77 {offsets = [0, 0], sizes = [2048, 128], strides = [1, 1]} : vector<2048x256xf32> to vector<2048x128xf32>
    %slice3A_119 = vector.extract_strided_slice %add3A_92 {offsets = [0, 0], sizes = [1, 128], strides = [1, 1]} : vector<2x384xf32> to vector<1x128xf32>
    %add3A_120 = vector.broadcast %slice3A_119 : vector<1x128xf32> to vector<2048x128xf32>
    %add3A_121 = arith.addf %slice3A_118, %add3A_120 : vector<2048x128xf32>
    %max3A_122 = arith.constant 0.000000e+00 : f32
    %max3A_123 = vector.broadcast %max3A_122 : f32 to vector<2048x128xf32>
    %max3A_124 = arith.maximumf %add3A_121, %max3A_123 : vector<2048x128xf32>
    %get3A_125 = arith.constant 0 : index
    %get3A_126 = arith.constant 0 : index
    %get3A_127 = vector.load %arg28[%get3A_125, %get3A_126] : memref<128x32xf32, #tpu.memory_space<vmem>>, vector<128x32xf32>
    %dot_general3A_128 = arith.constant dense<0.000000e+00> : vector<32x2048xf32>
    %dot_general3A_129 = tpu.matmul %get3A_127, %max3A_124, %dot_general3A_128 {dimension_numbers = #tpu.dot_dimension_numbers<[0], [1], [1], [0], [0, 1, 1, 0], [], []>, transpose_lhs_hint = false} : vector<128x32xf32>, vector<2048x128xf32>, vector<32x2048xf32> -> vector<32x2048xf32>
    %get3A_130 = arith.constant 0 : index
    %get3A_131 = arith.constant 0 : index
    %get3A_132 = vector.load %arg29[%get3A_130, %get3A_131] : memref<32x1xf32, #tpu.memory_space<vmem>>, vector<32x1xf32>
    %add3A_133 = vector.broadcast %get3A_132 : vector<32x1xf32> to vector<32x2048xf32>
    %add3A_134 = arith.addf %dot_general3A_129, %add3A_133 : vector<32x2048xf32>
    %slice3A_135 = vector.extract_strided_slice %dot_general3A_77 {offsets = [0, 128], sizes = [2048, 128], strides = [1, 1]} : vector<2048x256xf32> to vector<2048x128xf32>
    %slice3A_136 = vector.extract_strided_slice %add3A_92 {offsets = [0, 128], sizes = [1, 128], strides = [1, 1]} : vector<2x384xf32> to vector<1x128xf32>
    %add3A_137 = vector.broadcast %slice3A_136 : vector<1x128xf32> to vector<2048x128xf32>
    %add3A_138 = arith.addf %slice3A_135, %add3A_137 : vector<2048x128xf32>
    %max3A_139 = arith.constant 0.000000e+00 : f32
    %max3A_140 = vector.broadcast %max3A_139 : f32 to vector<2048x128xf32>
    %max3A_141 = arith.maximumf %add3A_138, %max3A_140 : vector<2048x128xf32>
    %get3A_142 = arith.constant 0 : index
    %get3A_143 = arith.constant 0 : index
    %get3A_144 = vector.load %arg30[%get3A_142, %get3A_143] : memref<128x8xf32, #tpu.memory_space<vmem>>, vector<128x8xf32>
    %dot_general3A_145 = arith.constant dense<0.000000e+00> : vector<8x2048xf32>
    %dot_general3A_146 = tpu.matmul %get3A_144, %max3A_141, %dot_general3A_145 {dimension_numbers = #tpu.dot_dimension_numbers<[0], [1], [1], [0], [0, 1, 1, 0], [], []>, transpose_lhs_hint = false} : vector<128x8xf32>, vector<2048x128xf32>, vector<8x2048xf32> -> vector<8x2048xf32>
    %get3A_147 = arith.constant 0 : index
    %get3A_148 = arith.constant 0 : index
    %get3A_149 = vector.load %arg31[%get3A_147, %get3A_148] : memref<8x1xf32, #tpu.memory_space<vmem>>, vector<8x1xf32>
    %add3A_150 = vector.broadcast %get3A_149 : vector<8x1xf32> to vector<8x2048xf32>
    %add3A_151 = arith.addf %dot_general3A_146, %add3A_150 : vector<8x2048xf32>
    %slice3A_152 = vector.extract_strided_slice %add3A_92 {offsets = [0, 256], sizes = [1, 128], strides = [1, 1]} : vector<2x384xf32> to vector<1x128xf32>
    %add3A_153 = vector.broadcast %slice3A_152 : vector<1x128xf32> to vector<2048x128xf32>
    %add3A_154 = arith.addf %dot_general3A_82, %add3A_153 : vector<2048x128xf32>
    %max3A_155 = arith.constant 0.000000e+00 : f32
    %max3A_156 = vector.broadcast %max3A_155 : f32 to vector<2048x128xf32>
    %max3A_157 = arith.maximumf %add3A_154, %max3A_156 : vector<2048x128xf32>
    %get3A_158 = arith.constant 0 : index
    %get3A_159 = arith.constant 0 : index
    %get3A_160 = vector.load %arg32[%get3A_158, %get3A_159] : memref<128x3xf32, #tpu.memory_space<vmem>>, vector<128x3xf32>
    %dot_general3A_161 = arith.constant dense<0.000000e+00> : vector<3x2048xf32>
    %dot_general3A_162 = tpu.matmul %get3A_160, %max3A_157, %dot_general3A_161 {dimension_numbers = #tpu.dot_dimension_numbers<[0], [1], [1], [0], [0, 1, 1, 0], [], []>, transpose_lhs_hint = false} : vector<128x3xf32>, vector<2048x128xf32>, vector<3x2048xf32> -> vector<3x2048xf32>
    %get3A_163 = arith.constant 0 : index
    %get3A_164 = arith.constant 0 : index
    %get3A_165 = vector.load %arg33[%get3A_163, %get3A_164] : memref<3x1xf32, #tpu.memory_space<vmem>>, vector<3x1xf32>
    %add3A_166 = vector.broadcast %get3A_165 : vector<3x1xf32> to vector<3x2048xf32>
    %add3A_167 = arith.addf %dot_general3A_162, %add3A_166 : vector<3x2048xf32>
    %tanh3A_168 = math.tanh %add3A_167 : vector<3x2048xf32>
    %slice3A_169 = vector.extract_strided_slice %get3A_117 {offsets = [0, 0], sizes = [32, 2048], strides = [1, 1]} : vector<48x2048xf32> to vector<32x2048xf32>
    %mul3A_170 = vector.broadcast %min3A_41 : vector<1x2048xf32> to vector<32x2048xf32>
    %mul3A_171 = arith.mulf %slice3A_169, %mul3A_170 : vector<32x2048xf32>
    %mul3A_172 = vector.broadcast %sub3A_112 : vector<1x2048xf32> to vector<32x2048xf32>
    %mul3A_173 = arith.mulf %add3A_134, %mul3A_172 : vector<32x2048xf32>
    %add3A_174 = arith.addf %mul3A_171, %mul3A_173 : vector<32x2048xf32>
    %slice3A_175 = vector.extract_strided_slice %get3A_117 {offsets = [32, 0], sizes = [8, 2048], strides = [1, 1]} : vector<48x2048xf32> to vector<8x2048xf32>
    %mul3A_176 = vector.broadcast %min3A_41 : vector<1x2048xf32> to vector<8x2048xf32>
    %mul3A_177 = arith.mulf %slice3A_175, %mul3A_176 : vector<8x2048xf32>
    %mul3A_178 = vector.broadcast %sub3A_112 : vector<1x2048xf32> to vector<8x2048xf32>
    %mul3A_179 = arith.mulf %add3A_151, %mul3A_178 : vector<8x2048xf32>
    %add3A_180 = arith.addf %mul3A_177, %mul3A_179 : vector<8x2048xf32>
    %slice3A_181 = vector.extract_strided_slice %get3A_117 {offsets = [40, 0], sizes = [3, 2048], strides = [1, 1]} : vector<48x2048xf32> to vector<3x2048xf32>
    %mul3A_182 = vector.broadcast %min3A_41 : vector<1x2048xf32> to vector<3x2048xf32>
    %mul3A_183 = arith.mulf %slice3A_181, %mul3A_182 : vector<3x2048xf32>
    %mul3A_184 = vector.broadcast %sub3A_112 : vector<1x2048xf32> to vector<3x2048xf32>
    %mul3A_185 = arith.mulf %tanh3A_168, %mul3A_184 : vector<3x2048xf32>
    %add3A_186 = arith.addf %mul3A_183, %mul3A_185 : vector<3x2048xf32>
    %slice3A_187 = vector.extract_strided_slice %get3A_106 {offsets = [0, 0], sizes = [1, 1], strides = [1, 1]} : vector<2x1xf32> to vector<1x1xf32>
    %squeeze3A = vector.extract %slice3A_187[0, 0] : f32 from vector<1x1xf32>
    %slice3A_188 = vector.extract_strided_slice %add3A_180 {offsets = [0, 0], sizes = [3, 2048], strides = [1, 1]} : vector<8x2048xf32> to vector<3x2048xf32>
    %mul3A_189 = arith.constant 5.000000e-02 : f32
    %mul3A_190 = vector.broadcast %mul3A_189 : f32 to vector<3x2048xf32>
    %mul3A_191 = arith.mulf %slice3A_188, %mul3A_190 : vector<3x2048xf32>
    %add3A_192 = arith.addf %slice3A_6, %mul3A_191 : vector<3x2048xf32>
    %exp3A = math.exp %add3A_192 : vector<3x2048xf32>
    %mul3A_193 = vector.broadcast %squeeze3A : f32 to vector<3x2048xf32>
    %mul3A_194 = arith.mulf %exp3A, %mul3A_193 : vector<3x2048xf32>
    %slice3A_195 = vector.extract_strided_slice %add3A_180 {offsets = [7, 0], sizes = [1, 2048], strides = [1, 1]} : vector<8x2048xf32> to vector<1x2048xf32>
    %mul3A_196 = arith.constant 5.000000e-02 : f32
    %mul3A_197 = vector.broadcast %mul3A_196 : f32 to vector<1x2048xf32>
    %mul3A_198 = arith.mulf %slice3A_195, %mul3A_197 : vector<1x2048xf32>
    %add3A_199 = arith.addf %slice3A_8, %mul3A_198 : vector<1x2048xf32>
    %logistic3A = arith.negf %add3A_199 : vector<1x2048xf32>
    %logistic3A_200 = math.exp %logistic3A : vector<1x2048xf32>
    %logistic3A_201 = arith.constant 1.000000e+00 : f32
    %logistic3A_202 = vector.broadcast %logistic3A_201 : f32 to vector<1x2048xf32>
    %logistic3A_203 = arith.addf %logistic3A_202, %logistic3A_200 : vector<1x2048xf32>
    %logistic3A_204 = arith.divf %logistic3A_202, %logistic3A_203 : vector<1x2048xf32>
    %mul3A_205 = arith.constant 3.000000e-01 : f32
    %mul3A_206 = vector.broadcast %mul3A_205 : f32 to vector<3x2048xf32>
    %mul3A_207 = arith.mulf %add3A_186, %mul3A_206 : vector<3x2048xf32>
    %add3A_208 = arith.addf %slice3A_5, %mul3A_207 : vector<3x2048xf32>
    %mul3A_209 = vector.broadcast %squeeze3A : f32 to vector<3x2048xf32>
    %mul3A_210 = arith.mulf %add3A_208, %mul3A_209 : vector<3x2048xf32>
    %slice3A_211 = vector.extract_strided_slice %get3A_103 {offsets = [0, 0], sizes = [3, 3], strides = [1, 1]} : vector<6x3xf32> to vector<3x3xf32>
    %dot_general3A_212 = arith.constant dense<0.000000e+00> : vector<3x2048xf32>
    %dot_general3A_213 = tpu.matmul %slice3A_211, %mul3A_210, %dot_general3A_212 {dimension_numbers = #tpu.dot_dimension_numbers<[1], [0], [0], [1], [0, 0, 1, 1], [], []>, transpose_lhs_hint = false} : vector<3x3xf32>, vector<3x2048xf32>, vector<3x2048xf32> -> vector<3x2048xf32>
    %slice3A_214 = vector.extract_strided_slice %get3A_109 {offsets = [3, 0], sizes = [3, 1], strides = [1, 1]} : vector<6x2xf32> to vector<3x1xf32>
    %add3A_215 = vector.broadcast %slice3A_214 : vector<3x1xf32> to vector<3x2048xf32>
    %add3A_216 = arith.addf %dot_general3A_213, %add3A_215 : vector<3x2048xf32>
    %slice3A_217 = vector.extract_strided_slice %add3A_180 {offsets = [3, 0], sizes = [4, 2048], strides = [1, 1]} : vector<8x2048xf32> to vector<4x2048xf32>
    %mul3A_218 = arith.constant 5.000000e-02 : f32
    %mul3A_219 = vector.broadcast %mul3A_218 : f32 to vector<4x2048xf32>
    %mul3A_220 = arith.mulf %slice3A_217, %mul3A_219 : vector<4x2048xf32>
    %add3A_221 = arith.addf %slice3A_7, %mul3A_220 : vector<4x2048xf32>
    %mul3A_222 = arith.mulf %add3A_221, %add3A_221 : vector<4x2048xf32>
    %reduce_sum3A = arith.constant dense<0.000000e+00> : vector<2048xf32>
    %reduce_sum3A_223 = vector.multi_reduction <add>, %mul3A_222, %reduce_sum3A [0] : vector<4x2048xf32> to vector<2048xf32>
    %broadcast_in_dim3A_224 = vector.shape_cast %reduce_sum3A_223 : vector<2048xf32> to vector<1x2048xf32>
    %sqrt3A = math.sqrt %broadcast_in_dim3A_224 : vector<1x2048xf32>
    %max3A_225 = arith.constant 9.99999996E-13 : f32
    %max3A_226 = vector.broadcast %max3A_225 : f32 to vector<1x2048xf32>
    %max3A_227 = arith.maximumf %sqrt3A, %max3A_226 : vector<1x2048xf32>
    %div3A_228 = vector.broadcast %max3A_227 : vector<1x2048xf32> to vector<4x2048xf32>
    %div3A_229 = arith.divf %add3A_221, %div3A_228 : vector<4x2048xf32>
    %slice3A_230 = vector.extract_strided_slice %div3A_229 {offsets = [0, 0], sizes = [1, 2048], strides = [1, 1]} : vector<4x2048xf32> to vector<1x2048xf32>
    %slice3A_231 = vector.extract_strided_slice %div3A_229 {offsets = [1, 0], sizes = [1, 2048], strides = [1, 1]} : vector<4x2048xf32> to vector<1x2048xf32>
    %slice3A_232 = vector.extract_strided_slice %div3A_229 {offsets = [2, 0], sizes = [1, 2048], strides = [1, 1]} : vector<4x2048xf32> to vector<1x2048xf32>
    %slice3A_233 = vector.extract_strided_slice %div3A_229 {offsets = [3, 0], sizes = [1, 2048], strides = [1, 1]} : vector<4x2048xf32> to vector<1x2048xf32>
    %mul3A_234 = arith.mulf %div3A_229, %div3A_229 : vector<4x2048xf32>
    %reduce_sum3A_235 = arith.constant dense<0.000000e+00> : vector<2048xf32>
    %reduce_sum3A_236 = vector.multi_reduction <add>, %mul3A_234, %reduce_sum3A_235 [0] : vector<4x2048xf32> to vector<2048xf32>
    %broadcast_in_dim3A_237 = vector.shape_cast %reduce_sum3A_236 : vector<2048xf32> to vector<1x2048xf32>
    %div3A_238 = arith.constant 2.000000e+00 : f32
    %div3A_239 = vector.broadcast %div3A_238 : f32 to vector<1x2048xf32>
    %div3A_240 = arith.divf %div3A_239, %broadcast_in_dim3A_237 : vector<1x2048xf32>
    %mul3A_241 = arith.mulf %slice3A_232, %slice3A_232 : vector<1x2048xf32>
    %mul3A_242 = arith.mulf %slice3A_233, %slice3A_233 : vector<1x2048xf32>
    %add3A_243 = arith.addf %mul3A_241, %mul3A_242 : vector<1x2048xf32>
    %mul3A_244 = arith.mulf %div3A_240, %add3A_243 : vector<1x2048xf32>
    %sub3A_245 = arith.constant 1.000000e+00 : f32
    %sub3A_246 = vector.broadcast %sub3A_245 : f32 to vector<1x2048xf32>
    %sub3A_247 = arith.subf %sub3A_246, %mul3A_244 : vector<1x2048xf32>
    %mul3A_248 = arith.mulf %slice3A_231, %slice3A_232 : vector<1x2048xf32>
    %mul3A_249 = arith.mulf %slice3A_233, %slice3A_230 : vector<1x2048xf32>
    %sub3A_250 = arith.subf %mul3A_248, %mul3A_249 : vector<1x2048xf32>
    %mul3A_251 = arith.mulf %div3A_240, %sub3A_250 : vector<1x2048xf32>
    %mul3A_252 = arith.mulf %slice3A_231, %slice3A_233 : vector<1x2048xf32>
    %mul3A_253 = arith.mulf %slice3A_232, %slice3A_230 : vector<1x2048xf32>
    %add3A_254 = arith.addf %mul3A_252, %mul3A_253 : vector<1x2048xf32>
    %mul3A_255 = arith.mulf %div3A_240, %add3A_254 : vector<1x2048xf32>
    %mul3A_256 = arith.mulf %slice3A_231, %slice3A_232 : vector<1x2048xf32>
    %mul3A_257 = arith.mulf %slice3A_233, %slice3A_230 : vector<1x2048xf32>
    %add3A_258 = arith.addf %mul3A_256, %mul3A_257 : vector<1x2048xf32>
    %mul3A_259 = arith.mulf %div3A_240, %add3A_258 : vector<1x2048xf32>
    %mul3A_260 = arith.mulf %slice3A_231, %slice3A_231 : vector<1x2048xf32>
    %mul3A_261 = arith.mulf %slice3A_233, %slice3A_233 : vector<1x2048xf32>
    %add3A_262 = arith.addf %mul3A_260, %mul3A_261 : vector<1x2048xf32>
    %mul3A_263 = arith.mulf %div3A_240, %add3A_262 : vector<1x2048xf32>
    %sub3A_264 = arith.constant 1.000000e+00 : f32
    %sub3A_265 = vector.broadcast %sub3A_264 : f32 to vector<1x2048xf32>
    %sub3A_266 = arith.subf %sub3A_265, %mul3A_263 : vector<1x2048xf32>
    %mul3A_267 = arith.mulf %slice3A_232, %slice3A_233 : vector<1x2048xf32>
    %mul3A_268 = arith.mulf %slice3A_231, %slice3A_230 : vector<1x2048xf32>
    %sub3A_269 = arith.subf %mul3A_267, %mul3A_268 : vector<1x2048xf32>
    %mul3A_270 = arith.mulf %div3A_240, %sub3A_269 : vector<1x2048xf32>
    %mul3A_271 = arith.mulf %slice3A_231, %slice3A_233 : vector<1x2048xf32>
    %mul3A_272 = arith.mulf %slice3A_232, %slice3A_230 : vector<1x2048xf32>
    %sub3A_273 = arith.subf %mul3A_271, %mul3A_272 : vector<1x2048xf32>
    %mul3A_274 = arith.mulf %div3A_240, %sub3A_273 : vector<1x2048xf32>
    %mul3A_275 = arith.mulf %slice3A_232, %slice3A_233 : vector<1x2048xf32>
    %mul3A_276 = arith.mulf %slice3A_231, %slice3A_230 : vector<1x2048xf32>
    %add3A_277 = arith.addf %mul3A_275, %mul3A_276 : vector<1x2048xf32>
    %mul3A_278 = arith.mulf %div3A_240, %add3A_277 : vector<1x2048xf32>
    %mul3A_279 = arith.mulf %slice3A_231, %slice3A_231 : vector<1x2048xf32>
    %mul3A_280 = arith.mulf %slice3A_232, %slice3A_232 : vector<1x2048xf32>
    %add3A_281 = arith.addf %mul3A_279, %mul3A_280 : vector<1x2048xf32>
    %mul3A_282 = arith.mulf %div3A_240, %add3A_281 : vector<1x2048xf32>
    %sub3A_283 = arith.constant 1.000000e+00 : f32
    %sub3A_284 = vector.broadcast %sub3A_283 : f32 to vector<1x2048xf32>
    %sub3A_285 = arith.subf %sub3A_284, %mul3A_282 : vector<1x2048xf32>
    %slice3A_286 = vector.extract_strided_slice %get3A_100 {offsets = [0, 0], sizes = [1, 1], strides = [1, 1]} : vector<2x9xf32> to vector<1x1xf32>
    %squeeze3A_287 = vector.extract %slice3A_286[0, 0] : f32 from vector<1x1xf32>
    %mul3A_288 = vector.broadcast %squeeze3A_287 : f32 to vector<1x2048xf32>
    %mul3A_289 = arith.mulf %mul3A_288, %sub3A_247 : vector<1x2048xf32>
    %slice3A_290 = vector.extract_strided_slice %get3A_100 {offsets = [0, 1], sizes = [1, 1], strides = [1, 1]} : vector<2x9xf32> to vector<1x1xf32>
    %squeeze3A_291 = vector.extract %slice3A_290[0, 0] : f32 from vector<1x1xf32>
    %mul3A_292 = vector.broadcast %squeeze3A_291 : f32 to vector<1x2048xf32>
    %mul3A_293 = arith.mulf %mul3A_292, %mul3A_259 : vector<1x2048xf32>
    %add3A_294 = arith.addf %mul3A_289, %mul3A_293 : vector<1x2048xf32>
    %slice3A_295 = vector.extract_strided_slice %get3A_100 {offsets = [0, 2], sizes = [1, 1], strides = [1, 1]} : vector<2x9xf32> to vector<1x1xf32>
    %squeeze3A_296 = vector.extract %slice3A_295[0, 0] : f32 from vector<1x1xf32>
    %mul3A_297 = vector.broadcast %squeeze3A_296 : f32 to vector<1x2048xf32>
    %mul3A_298 = arith.mulf %mul3A_297, %mul3A_274 : vector<1x2048xf32>
    %add3A_299 = arith.addf %add3A_294, %mul3A_298 : vector<1x2048xf32>
    %slice3A_300 = vector.extract_strided_slice %get3A_100 {offsets = [0, 0], sizes = [1, 1], strides = [1, 1]} : vector<2x9xf32> to vector<1x1xf32>
    %squeeze3A_301 = vector.extract %slice3A_300[0, 0] : f32 from vector<1x1xf32>
    %mul3A_302 = vector.broadcast %squeeze3A_301 : f32 to vector<1x2048xf32>
    %mul3A_303 = arith.mulf %mul3A_302, %mul3A_251 : vector<1x2048xf32>
    %slice3A_304 = vector.extract_strided_slice %get3A_100 {offsets = [0, 1], sizes = [1, 1], strides = [1, 1]} : vector<2x9xf32> to vector<1x1xf32>
    %squeeze3A_305 = vector.extract %slice3A_304[0, 0] : f32 from vector<1x1xf32>
    %mul3A_306 = vector.broadcast %squeeze3A_305 : f32 to vector<1x2048xf32>
    %mul3A_307 = arith.mulf %mul3A_306, %sub3A_266 : vector<1x2048xf32>
    %add3A_308 = arith.addf %mul3A_303, %mul3A_307 : vector<1x2048xf32>
    %slice3A_309 = vector.extract_strided_slice %get3A_100 {offsets = [0, 2], sizes = [1, 1], strides = [1, 1]} : vector<2x9xf32> to vector<1x1xf32>
    %squeeze3A_310 = vector.extract %slice3A_309[0, 0] : f32 from vector<1x1xf32>
    %mul3A_311 = vector.broadcast %squeeze3A_310 : f32 to vector<1x2048xf32>
    %mul3A_312 = arith.mulf %mul3A_311, %mul3A_278 : vector<1x2048xf32>
    %add3A_313 = arith.addf %add3A_308, %mul3A_312 : vector<1x2048xf32>
    %slice3A_314 = vector.extract_strided_slice %get3A_100 {offsets = [0, 0], sizes = [1, 1], strides = [1, 1]} : vector<2x9xf32> to vector<1x1xf32>
    %squeeze3A_315 = vector.extract %slice3A_314[0, 0] : f32 from vector<1x1xf32>
    %mul3A_316 = vector.broadcast %squeeze3A_315 : f32 to vector<1x2048xf32>
    %mul3A_317 = arith.mulf %mul3A_316, %mul3A_255 : vector<1x2048xf32>
    %slice3A_318 = vector.extract_strided_slice %get3A_100 {offsets = [0, 1], sizes = [1, 1], strides = [1, 1]} : vector<2x9xf32> to vector<1x1xf32>
    %squeeze3A_319 = vector.extract %slice3A_318[0, 0] : f32 from vector<1x1xf32>
    %mul3A_320 = vector.broadcast %squeeze3A_319 : f32 to vector<1x2048xf32>
    %mul3A_321 = arith.mulf %mul3A_320, %mul3A_270 : vector<1x2048xf32>
    %add3A_322 = arith.addf %mul3A_317, %mul3A_321 : vector<1x2048xf32>
    %slice3A_323 = vector.extract_strided_slice %get3A_100 {offsets = [0, 2], sizes = [1, 1], strides = [1, 1]} : vector<2x9xf32> to vector<1x1xf32>
    %squeeze3A_324 = vector.extract %slice3A_323[0, 0] : f32 from vector<1x1xf32>
    %mul3A_325 = vector.broadcast %squeeze3A_324 : f32 to vector<1x2048xf32>
    %mul3A_326 = arith.mulf %mul3A_325, %sub3A_285 : vector<1x2048xf32>
    %add3A_327 = arith.addf %add3A_322, %mul3A_326 : vector<1x2048xf32>
    %slice3A_328 = vector.extract_strided_slice %get3A_100 {offsets = [0, 3], sizes = [1, 1], strides = [1, 1]} : vector<2x9xf32> to vector<1x1xf32>
    %squeeze3A_329 = vector.extract %slice3A_328[0, 0] : f32 from vector<1x1xf32>
    %mul3A_330 = vector.broadcast %squeeze3A_329 : f32 to vector<1x2048xf32>
    %mul3A_331 = arith.mulf %mul3A_330, %sub3A_247 : vector<1x2048xf32>
    %slice3A_332 = vector.extract_strided_slice %get3A_100 {offsets = [0, 4], sizes = [1, 1], strides = [1, 1]} : vector<2x9xf32> to vector<1x1xf32>
    %squeeze3A_333 = vector.extract %slice3A_332[0, 0] : f32 from vector<1x1xf32>
    %mul3A_334 = vector.broadcast %squeeze3A_333 : f32 to vector<1x2048xf32>
    %mul3A_335 = arith.mulf %mul3A_334, %mul3A_259 : vector<1x2048xf32>
    %add3A_336 = arith.addf %mul3A_331, %mul3A_335 : vector<1x2048xf32>
    %slice3A_337 = vector.extract_strided_slice %get3A_100 {offsets = [0, 5], sizes = [1, 1], strides = [1, 1]} : vector<2x9xf32> to vector<1x1xf32>
    %squeeze3A_338 = vector.extract %slice3A_337[0, 0] : f32 from vector<1x1xf32>
    %mul3A_339 = vector.broadcast %squeeze3A_338 : f32 to vector<1x2048xf32>
    %mul3A_340 = arith.mulf %mul3A_339, %mul3A_274 : vector<1x2048xf32>
    %add3A_341 = arith.addf %add3A_336, %mul3A_340 : vector<1x2048xf32>
    %slice3A_342 = vector.extract_strided_slice %get3A_100 {offsets = [0, 3], sizes = [1, 1], strides = [1, 1]} : vector<2x9xf32> to vector<1x1xf32>
    %squeeze3A_343 = vector.extract %slice3A_342[0, 0] : f32 from vector<1x1xf32>
    %mul3A_344 = vector.broadcast %squeeze3A_343 : f32 to vector<1x2048xf32>
    %mul3A_345 = arith.mulf %mul3A_344, %mul3A_251 : vector<1x2048xf32>
    %slice3A_346 = vector.extract_strided_slice %get3A_100 {offsets = [0, 4], sizes = [1, 1], strides = [1, 1]} : vector<2x9xf32> to vector<1x1xf32>
    %squeeze3A_347 = vector.extract %slice3A_346[0, 0] : f32 from vector<1x1xf32>
    %mul3A_348 = vector.broadcast %squeeze3A_347 : f32 to vector<1x2048xf32>
    %mul3A_349 = arith.mulf %mul3A_348, %sub3A_266 : vector<1x2048xf32>
    %add3A_350 = arith.addf %mul3A_345, %mul3A_349 : vector<1x2048xf32>
    %slice3A_351 = vector.extract_strided_slice %get3A_100 {offsets = [0, 5], sizes = [1, 1], strides = [1, 1]} : vector<2x9xf32> to vector<1x1xf32>
    %squeeze3A_352 = vector.extract %slice3A_351[0, 0] : f32 from vector<1x1xf32>
    %mul3A_353 = vector.broadcast %squeeze3A_352 : f32 to vector<1x2048xf32>
    %mul3A_354 = arith.mulf %mul3A_353, %mul3A_278 : vector<1x2048xf32>
    %add3A_355 = arith.addf %add3A_350, %mul3A_354 : vector<1x2048xf32>
    %slice3A_356 = vector.extract_strided_slice %get3A_100 {offsets = [0, 3], sizes = [1, 1], strides = [1, 1]} : vector<2x9xf32> to vector<1x1xf32>
    %squeeze3A_357 = vector.extract %slice3A_356[0, 0] : f32 from vector<1x1xf32>
    %mul3A_358 = vector.broadcast %squeeze3A_357 : f32 to vector<1x2048xf32>
    %mul3A_359 = arith.mulf %mul3A_358, %mul3A_255 : vector<1x2048xf32>
    %slice3A_360 = vector.extract_strided_slice %get3A_100 {offsets = [0, 4], sizes = [1, 1], strides = [1, 1]} : vector<2x9xf32> to vector<1x1xf32>
    %squeeze3A_361 = vector.extract %slice3A_360[0, 0] : f32 from vector<1x1xf32>
    %mul3A_362 = vector.broadcast %squeeze3A_361 : f32 to vector<1x2048xf32>
    %mul3A_363 = arith.mulf %mul3A_362, %mul3A_270 : vector<1x2048xf32>
    %add3A_364 = arith.addf %mul3A_359, %mul3A_363 : vector<1x2048xf32>
    %slice3A_365 = vector.extract_strided_slice %get3A_100 {offsets = [0, 5], sizes = [1, 1], strides = [1, 1]} : vector<2x9xf32> to vector<1x1xf32>
    %squeeze3A_366 = vector.extract %slice3A_365[0, 0] : f32 from vector<1x1xf32>
    %mul3A_367 = vector.broadcast %squeeze3A_366 : f32 to vector<1x2048xf32>
    %mul3A_368 = arith.mulf %mul3A_367, %sub3A_285 : vector<1x2048xf32>
    %add3A_369 = arith.addf %add3A_364, %mul3A_368 : vector<1x2048xf32>
    %slice3A_370 = vector.extract_strided_slice %get3A_100 {offsets = [0, 6], sizes = [1, 1], strides = [1, 1]} : vector<2x9xf32> to vector<1x1xf32>
    %squeeze3A_371 = vector.extract %slice3A_370[0, 0] : f32 from vector<1x1xf32>
    %mul3A_372 = vector.broadcast %squeeze3A_371 : f32 to vector<1x2048xf32>
    %mul3A_373 = arith.mulf %mul3A_372, %sub3A_247 : vector<1x2048xf32>
    %slice3A_374 = vector.extract_strided_slice %get3A_100 {offsets = [0, 7], sizes = [1, 1], strides = [1, 1]} : vector<2x9xf32> to vector<1x1xf32>
    %squeeze3A_375 = vector.extract %slice3A_374[0, 0] : f32 from vector<1x1xf32>
    %mul3A_376 = vector.broadcast %squeeze3A_375 : f32 to vector<1x2048xf32>
    %mul3A_377 = arith.mulf %mul3A_376, %mul3A_259 : vector<1x2048xf32>
    %add3A_378 = arith.addf %mul3A_373, %mul3A_377 : vector<1x2048xf32>
    %slice3A_379 = vector.extract_strided_slice %get3A_100 {offsets = [0, 8], sizes = [1, 1], strides = [1, 1]} : vector<2x9xf32> to vector<1x1xf32>
    %squeeze3A_380 = vector.extract %slice3A_379[0, 0] : f32 from vector<1x1xf32>
    %mul3A_381 = vector.broadcast %squeeze3A_380 : f32 to vector<1x2048xf32>
    %mul3A_382 = arith.mulf %mul3A_381, %mul3A_274 : vector<1x2048xf32>
    %add3A_383 = arith.addf %add3A_378, %mul3A_382 : vector<1x2048xf32>
    %slice3A_384 = vector.extract_strided_slice %get3A_100 {offsets = [0, 6], sizes = [1, 1], strides = [1, 1]} : vector<2x9xf32> to vector<1x1xf32>
    %squeeze3A_385 = vector.extract %slice3A_384[0, 0] : f32 from vector<1x1xf32>
    %mul3A_386 = vector.broadcast %squeeze3A_385 : f32 to vector<1x2048xf32>
    %mul3A_387 = arith.mulf %mul3A_386, %mul3A_251 : vector<1x2048xf32>
    %slice3A_388 = vector.extract_strided_slice %get3A_100 {offsets = [0, 7], sizes = [1, 1], strides = [1, 1]} : vector<2x9xf32> to vector<1x1xf32>
    %squeeze3A_389 = vector.extract %slice3A_388[0, 0] : f32 from vector<1x1xf32>
    %mul3A_390 = vector.broadcast %squeeze3A_389 : f32 to vector<1x2048xf32>
    %mul3A_391 = arith.mulf %mul3A_390, %sub3A_266 : vector<1x2048xf32>
    %add3A_392 = arith.addf %mul3A_387, %mul3A_391 : vector<1x2048xf32>
    %slice3A_393 = vector.extract_strided_slice %get3A_100 {offsets = [0, 8], sizes = [1, 1], strides = [1, 1]} : vector<2x9xf32> to vector<1x1xf32>
    %squeeze3A_394 = vector.extract %slice3A_393[0, 0] : f32 from vector<1x1xf32>
    %mul3A_395 = vector.broadcast %squeeze3A_394 : f32 to vector<1x2048xf32>
    %mul3A_396 = arith.mulf %mul3A_395, %mul3A_278 : vector<1x2048xf32>
    %add3A_397 = arith.addf %add3A_392, %mul3A_396 : vector<1x2048xf32>
    %slice3A_398 = vector.extract_strided_slice %get3A_100 {offsets = [0, 6], sizes = [1, 1], strides = [1, 1]} : vector<2x9xf32> to vector<1x1xf32>
    %squeeze3A_399 = vector.extract %slice3A_398[0, 0] : f32 from vector<1x1xf32>
    %mul3A_400 = vector.broadcast %squeeze3A_399 : f32 to vector<1x2048xf32>
    %mul3A_401 = arith.mulf %mul3A_400, %mul3A_255 : vector<1x2048xf32>
    %slice3A_402 = vector.extract_strided_slice %get3A_100 {offsets = [0, 7], sizes = [1, 1], strides = [1, 1]} : vector<2x9xf32> to vector<1x1xf32>
    %squeeze3A_403 = vector.extract %slice3A_402[0, 0] : f32 from vector<1x1xf32>
    %mul3A_404 = vector.broadcast %squeeze3A_403 : f32 to vector<1x2048xf32>
    %mul3A_405 = arith.mulf %mul3A_404, %mul3A_270 : vector<1x2048xf32>
    %add3A_406 = arith.addf %mul3A_401, %mul3A_405 : vector<1x2048xf32>
    %slice3A_407 = vector.extract_strided_slice %get3A_100 {offsets = [0, 8], sizes = [1, 1], strides = [1, 1]} : vector<2x9xf32> to vector<1x1xf32>
    %squeeze3A_408 = vector.extract %slice3A_407[0, 0] : f32 from vector<1x1xf32>
    %mul3A_409 = vector.broadcast %squeeze3A_408 : f32 to vector<1x2048xf32>
    %mul3A_410 = arith.mulf %mul3A_409, %sub3A_285 : vector<1x2048xf32>
    %add3A_411 = arith.addf %add3A_406, %mul3A_410 : vector<1x2048xf32>
    %add3A_412 = arith.constant 1.000000e+00 : f32
    %add3A_413 = vector.broadcast %add3A_412 : f32 to vector<1x2048xf32>
    %add3A_414 = arith.addf %add3A_413, %add3A_299 : vector<1x2048xf32>
    %add3A_415 = arith.addf %add3A_414, %add3A_355 : vector<1x2048xf32>
    %add3A_416 = arith.addf %add3A_415, %add3A_411 : vector<1x2048xf32>
    %add3A_417 = arith.constant 1.000000e+00 : f32
    %add3A_418 = vector.broadcast %add3A_417 : f32 to vector<1x2048xf32>
    %add3A_419 = arith.addf %add3A_418, %add3A_299 : vector<1x2048xf32>
    %sub3A_420 = arith.subf %add3A_419, %add3A_355 : vector<1x2048xf32>
    %sub3A_421 = arith.subf %sub3A_420, %add3A_411 : vector<1x2048xf32>
    %sub3A_422 = arith.constant 1.000000e+00 : f32
    %sub3A_423 = vector.broadcast %sub3A_422 : f32 to vector<1x2048xf32>
    %sub3A_424 = arith.subf %sub3A_423, %add3A_299 : vector<1x2048xf32>
    %add3A_425 = arith.addf %sub3A_424, %add3A_355 : vector<1x2048xf32>
    %sub3A_426 = arith.subf %add3A_425, %add3A_411 : vector<1x2048xf32>
    %sub3A_427 = arith.constant 1.000000e+00 : f32
    %sub3A_428 = vector.broadcast %sub3A_427 : f32 to vector<1x2048xf32>
    %sub3A_429 = arith.subf %sub3A_428, %add3A_299 : vector<1x2048xf32>
    %sub3A_430 = arith.subf %sub3A_429, %add3A_355 : vector<1x2048xf32>
    %add3A_431 = arith.addf %sub3A_430, %add3A_411 : vector<1x2048xf32>
    %max3A_432 = arith.constant 9.99999993E-9 : f32
    %max3A_433 = vector.broadcast %max3A_432 : f32 to vector<1x2048xf32>
    %max3A_434 = arith.maximumf %add3A_416, %max3A_433 : vector<1x2048xf32>
    %sqrt3A_435 = math.sqrt %max3A_434 : vector<1x2048xf32>
    %max3A_436 = arith.constant 9.99999993E-9 : f32
    %max3A_437 = vector.broadcast %max3A_436 : f32 to vector<1x2048xf32>
    %max3A_438 = arith.maximumf %sub3A_421, %max3A_437 : vector<1x2048xf32>
    %sqrt3A_439 = math.sqrt %max3A_438 : vector<1x2048xf32>
    %max3A_440 = arith.constant 9.99999993E-9 : f32
    %max3A_441 = vector.broadcast %max3A_440 : f32 to vector<1x2048xf32>
    %max3A_442 = arith.maximumf %sub3A_426, %max3A_441 : vector<1x2048xf32>
    %sqrt3A_443 = math.sqrt %max3A_442 : vector<1x2048xf32>
    %max3A_444 = arith.constant 9.99999993E-9 : f32
    %max3A_445 = vector.broadcast %max3A_444 : f32 to vector<1x2048xf32>
    %max3A_446 = arith.maximumf %add3A_431, %max3A_445 : vector<1x2048xf32>
    %sqrt3A_447 = math.sqrt %max3A_446 : vector<1x2048xf32>
    %mul3A_448 = arith.mulf %sqrt3A_435, %sqrt3A_435 : vector<1x2048xf32>
    %sub3A_449 = arith.subf %add3A_397, %add3A_369 : vector<1x2048xf32>
    %sub3A_450 = arith.subf %add3A_327, %add3A_383 : vector<1x2048xf32>
    %sub3A_451 = arith.subf %add3A_341, %add3A_313 : vector<1x2048xf32>
    %sub3A_452 = arith.subf %add3A_397, %add3A_369 : vector<1x2048xf32>
    %mul3A_453 = arith.mulf %sqrt3A_439, %sqrt3A_439 : vector<1x2048xf32>
    %add3A_454 = arith.addf %add3A_341, %add3A_313 : vector<1x2048xf32>
    %add3A_455 = arith.addf %add3A_327, %add3A_383 : vector<1x2048xf32>
    %sub3A_456 = arith.subf %add3A_327, %add3A_383 : vector<1x2048xf32>
    %add3A_457 = arith.addf %add3A_341, %add3A_313 : vector<1x2048xf32>
    %mul3A_458 = arith.mulf %sqrt3A_443, %sqrt3A_443 : vector<1x2048xf32>
    %add3A_459 = arith.addf %add3A_369, %add3A_397 : vector<1x2048xf32>
    %sub3A_460 = arith.subf %add3A_341, %add3A_313 : vector<1x2048xf32>
    %add3A_461 = arith.addf %add3A_383, %add3A_327 : vector<1x2048xf32>
    %add3A_462 = arith.addf %add3A_397, %add3A_369 : vector<1x2048xf32>
    %mul3A_463 = arith.mulf %sqrt3A_447, %sqrt3A_447 : vector<1x2048xf32>
    %max3A_464 = arith.maximumf %sqrt3A_435, %sqrt3A_439 : vector<1x2048xf32>
    %max3A_465 = arith.maximumf %sqrt3A_443, %sqrt3A_447 : vector<1x2048xf32>
    %max3A_466 = arith.maximumf %max3A_464, %max3A_465 : vector<1x2048xf32>
    %ge3A = arith.cmpf oge, %sqrt3A_435, %max3A_466 : vector<1x2048xf32>
    %convert_element_type3A_467 = arith.extui %ge3A : vector<1x2048xi1> to vector<1x2048xi32>
    %convert_element_type3A_468 = arith.sitofp %convert_element_type3A_467 : vector<1x2048xi32> to vector<1x2048xf32>
    %ge3A_469 = arith.cmpf oge, %sqrt3A_439, %max3A_466 : vector<1x2048xf32>
    %convert_element_type3A_470 = arith.extui %ge3A_469 : vector<1x2048xi1> to vector<1x2048xi32>
    %convert_element_type3A_471 = arith.sitofp %convert_element_type3A_470 : vector<1x2048xi32> to vector<1x2048xf32>
    %ge3A_472 = arith.cmpf oge, %sqrt3A_443, %max3A_466 : vector<1x2048xf32>
    %convert_element_type3A_473 = arith.extui %ge3A_472 : vector<1x2048xi1> to vector<1x2048xi32>
    %convert_element_type3A_474 = arith.sitofp %convert_element_type3A_473 : vector<1x2048xi32> to vector<1x2048xf32>
    %ge3A_475 = arith.cmpf oge, %sqrt3A_447, %max3A_466 : vector<1x2048xf32>
    %convert_element_type3A_476 = arith.extui %ge3A_475 : vector<1x2048xi1> to vector<1x2048xi32>
    %convert_element_type3A_477 = arith.sitofp %convert_element_type3A_476 : vector<1x2048xi32> to vector<1x2048xf32>
    %sub3A_478 = arith.constant 1.000000e+00 : f32
    %sub3A_479 = vector.broadcast %sub3A_478 : f32 to vector<1x2048xf32>
    %sub3A_480 = arith.subf %sub3A_479, %convert_element_type3A_468 : vector<1x2048xf32>
    %mul3A_481 = arith.mulf %convert_element_type3A_471, %sub3A_480 : vector<1x2048xf32>
    %sub3A_482 = arith.constant 1.000000e+00 : f32
    %sub3A_483 = vector.broadcast %sub3A_482 : f32 to vector<1x2048xf32>
    %sub3A_484 = arith.subf %sub3A_483, %convert_element_type3A_468 : vector<1x2048xf32>
    %mul3A_485 = arith.mulf %convert_element_type3A_474, %sub3A_484 : vector<1x2048xf32>
    %sub3A_486 = arith.constant 1.000000e+00 : f32
    %sub3A_487 = vector.broadcast %sub3A_486 : f32 to vector<1x2048xf32>
    %sub3A_488 = arith.subf %sub3A_487, %convert_element_type3A_471 : vector<1x2048xf32>
    %mul3A_489 = arith.mulf %mul3A_485, %sub3A_488 : vector<1x2048xf32>
    %sub3A_490 = arith.constant 1.000000e+00 : f32
    %sub3A_491 = vector.broadcast %sub3A_490 : f32 to vector<1x2048xf32>
    %sub3A_492 = arith.subf %sub3A_491, %convert_element_type3A_468 : vector<1x2048xf32>
    %mul3A_493 = arith.mulf %convert_element_type3A_477, %sub3A_492 : vector<1x2048xf32>
    %sub3A_494 = arith.constant 1.000000e+00 : f32
    %sub3A_495 = vector.broadcast %sub3A_494 : f32 to vector<1x2048xf32>
    %sub3A_496 = arith.subf %sub3A_495, %convert_element_type3A_471 : vector<1x2048xf32>
    %mul3A_497 = arith.mulf %mul3A_493, %sub3A_496 : vector<1x2048xf32>
    %sub3A_498 = arith.constant 1.000000e+00 : f32
    %sub3A_499 = vector.broadcast %sub3A_498 : f32 to vector<1x2048xf32>
    %sub3A_500 = arith.subf %sub3A_499, %convert_element_type3A_474 : vector<1x2048xf32>
    %mul3A_501 = arith.mulf %mul3A_497, %sub3A_500 : vector<1x2048xf32>
    %mul3A_502 = arith.mulf %convert_element_type3A_468, %mul3A_448 : vector<1x2048xf32>
    %mul3A_503 = arith.mulf %mul3A_481, %sub3A_452 : vector<1x2048xf32>
    %add3A_504 = arith.addf %mul3A_502, %mul3A_503 : vector<1x2048xf32>
    %mul3A_505 = arith.mulf %mul3A_489, %sub3A_456 : vector<1x2048xf32>
    %add3A_506 = arith.addf %add3A_504, %mul3A_505 : vector<1x2048xf32>
    %mul3A_507 = arith.mulf %mul3A_501, %sub3A_460 : vector<1x2048xf32>
    %add3A_508 = arith.addf %add3A_506, %mul3A_507 : vector<1x2048xf32>
    %max3A_509 = arith.constant 1.000000e-01 : f32
    %max3A_510 = vector.broadcast %max3A_509 : f32 to vector<1x2048xf32>
    %max3A_511 = arith.maximumf %sqrt3A_435, %max3A_510 : vector<1x2048xf32>
    %mul3A_512 = arith.constant 2.000000e+00 : f32
    %mul3A_513 = vector.broadcast %mul3A_512 : f32 to vector<1x2048xf32>
    %mul3A_514 = arith.mulf %mul3A_513, %max3A_511 : vector<1x2048xf32>
    %mul3A_515 = arith.mulf %convert_element_type3A_468, %mul3A_514 : vector<1x2048xf32>
    %max3A_516 = arith.constant 1.000000e-01 : f32
    %max3A_517 = vector.broadcast %max3A_516 : f32 to vector<1x2048xf32>
    %max3A_518 = arith.maximumf %sqrt3A_439, %max3A_517 : vector<1x2048xf32>
    %mul3A_519 = arith.constant 2.000000e+00 : f32
    %mul3A_520 = vector.broadcast %mul3A_519 : f32 to vector<1x2048xf32>
    %mul3A_521 = arith.mulf %mul3A_520, %max3A_518 : vector<1x2048xf32>
    %mul3A_522 = arith.mulf %mul3A_481, %mul3A_521 : vector<1x2048xf32>
    %add3A_523 = arith.addf %mul3A_515, %mul3A_522 : vector<1x2048xf32>
    %max3A_524 = arith.constant 1.000000e-01 : f32
    %max3A_525 = vector.broadcast %max3A_524 : f32 to vector<1x2048xf32>
    %max3A_526 = arith.maximumf %sqrt3A_443, %max3A_525 : vector<1x2048xf32>
    %mul3A_527 = arith.constant 2.000000e+00 : f32
    %mul3A_528 = vector.broadcast %mul3A_527 : f32 to vector<1x2048xf32>
    %mul3A_529 = arith.mulf %mul3A_528, %max3A_526 : vector<1x2048xf32>
    %mul3A_530 = arith.mulf %mul3A_489, %mul3A_529 : vector<1x2048xf32>
    %add3A_531 = arith.addf %add3A_523, %mul3A_530 : vector<1x2048xf32>
    %max3A_532 = arith.constant 1.000000e-01 : f32
    %max3A_533 = vector.broadcast %max3A_532 : f32 to vector<1x2048xf32>
    %max3A_534 = arith.maximumf %sqrt3A_447, %max3A_533 : vector<1x2048xf32>
    %mul3A_535 = arith.constant 2.000000e+00 : f32
    %mul3A_536 = vector.broadcast %mul3A_535 : f32 to vector<1x2048xf32>
    %mul3A_537 = arith.mulf %mul3A_536, %max3A_534 : vector<1x2048xf32>
    %mul3A_538 = arith.mulf %mul3A_501, %mul3A_537 : vector<1x2048xf32>
    %add3A_539 = arith.addf %add3A_531, %mul3A_538 : vector<1x2048xf32>
    %div3A_540 = arith.divf %add3A_508, %add3A_539 : vector<1x2048xf32>
    %mul3A_541 = arith.mulf %convert_element_type3A_468, %sub3A_449 : vector<1x2048xf32>
    %mul3A_542 = arith.mulf %mul3A_481, %mul3A_453 : vector<1x2048xf32>
    %add3A_543 = arith.addf %mul3A_541, %mul3A_542 : vector<1x2048xf32>
    %mul3A_544 = arith.mulf %mul3A_489, %add3A_457 : vector<1x2048xf32>
    %add3A_545 = arith.addf %add3A_543, %mul3A_544 : vector<1x2048xf32>
    %mul3A_546 = arith.mulf %mul3A_501, %add3A_461 : vector<1x2048xf32>
    %add3A_547 = arith.addf %add3A_545, %mul3A_546 : vector<1x2048xf32>
    %max3A_548 = arith.constant 1.000000e-01 : f32
    %max3A_549 = vector.broadcast %max3A_548 : f32 to vector<1x2048xf32>
    %max3A_550 = arith.maximumf %sqrt3A_435, %max3A_549 : vector<1x2048xf32>
    %mul3A_551 = arith.constant 2.000000e+00 : f32
    %mul3A_552 = vector.broadcast %mul3A_551 : f32 to vector<1x2048xf32>
    %mul3A_553 = arith.mulf %mul3A_552, %max3A_550 : vector<1x2048xf32>
    %mul3A_554 = arith.mulf %convert_element_type3A_468, %mul3A_553 : vector<1x2048xf32>
    %max3A_555 = arith.constant 1.000000e-01 : f32
    %max3A_556 = vector.broadcast %max3A_555 : f32 to vector<1x2048xf32>
    %max3A_557 = arith.maximumf %sqrt3A_439, %max3A_556 : vector<1x2048xf32>
    %mul3A_558 = arith.constant 2.000000e+00 : f32
    %mul3A_559 = vector.broadcast %mul3A_558 : f32 to vector<1x2048xf32>
    %mul3A_560 = arith.mulf %mul3A_559, %max3A_557 : vector<1x2048xf32>
    %mul3A_561 = arith.mulf %mul3A_481, %mul3A_560 : vector<1x2048xf32>
    %add3A_562 = arith.addf %mul3A_554, %mul3A_561 : vector<1x2048xf32>
    %max3A_563 = arith.constant 1.000000e-01 : f32
    %max3A_564 = vector.broadcast %max3A_563 : f32 to vector<1x2048xf32>
    %max3A_565 = arith.maximumf %sqrt3A_443, %max3A_564 : vector<1x2048xf32>
    %mul3A_566 = arith.constant 2.000000e+00 : f32
    %mul3A_567 = vector.broadcast %mul3A_566 : f32 to vector<1x2048xf32>
    %mul3A_568 = arith.mulf %mul3A_567, %max3A_565 : vector<1x2048xf32>
    %mul3A_569 = arith.mulf %mul3A_489, %mul3A_568 : vector<1x2048xf32>
    %add3A_570 = arith.addf %add3A_562, %mul3A_569 : vector<1x2048xf32>
    %max3A_571 = arith.constant 1.000000e-01 : f32
    %max3A_572 = vector.broadcast %max3A_571 : f32 to vector<1x2048xf32>
    %max3A_573 = arith.maximumf %sqrt3A_447, %max3A_572 : vector<1x2048xf32>
    %mul3A_574 = arith.constant 2.000000e+00 : f32
    %mul3A_575 = vector.broadcast %mul3A_574 : f32 to vector<1x2048xf32>
    %mul3A_576 = arith.mulf %mul3A_575, %max3A_573 : vector<1x2048xf32>
    %mul3A_577 = arith.mulf %mul3A_501, %mul3A_576 : vector<1x2048xf32>
    %add3A_578 = arith.addf %add3A_570, %mul3A_577 : vector<1x2048xf32>
    %div3A_579 = arith.divf %add3A_547, %add3A_578 : vector<1x2048xf32>
    %mul3A_580 = arith.mulf %convert_element_type3A_468, %sub3A_450 : vector<1x2048xf32>
    %mul3A_581 = arith.mulf %mul3A_481, %add3A_454 : vector<1x2048xf32>
    %add3A_582 = arith.addf %mul3A_580, %mul3A_581 : vector<1x2048xf32>
    %mul3A_583 = arith.mulf %mul3A_489, %mul3A_458 : vector<1x2048xf32>
    %add3A_584 = arith.addf %add3A_582, %mul3A_583 : vector<1x2048xf32>
    %mul3A_585 = arith.mulf %mul3A_501, %add3A_462 : vector<1x2048xf32>
    %add3A_586 = arith.addf %add3A_584, %mul3A_585 : vector<1x2048xf32>
    %max3A_587 = arith.constant 1.000000e-01 : f32
    %max3A_588 = vector.broadcast %max3A_587 : f32 to vector<1x2048xf32>
    %max3A_589 = arith.maximumf %sqrt3A_435, %max3A_588 : vector<1x2048xf32>
    %mul3A_590 = arith.constant 2.000000e+00 : f32
    %mul3A_591 = vector.broadcast %mul3A_590 : f32 to vector<1x2048xf32>
    %mul3A_592 = arith.mulf %mul3A_591, %max3A_589 : vector<1x2048xf32>
    %mul3A_593 = arith.mulf %convert_element_type3A_468, %mul3A_592 : vector<1x2048xf32>
    %max3A_594 = arith.constant 1.000000e-01 : f32
    %max3A_595 = vector.broadcast %max3A_594 : f32 to vector<1x2048xf32>
    %max3A_596 = arith.maximumf %sqrt3A_439, %max3A_595 : vector<1x2048xf32>
    %mul3A_597 = arith.constant 2.000000e+00 : f32
    %mul3A_598 = vector.broadcast %mul3A_597 : f32 to vector<1x2048xf32>
    %mul3A_599 = arith.mulf %mul3A_598, %max3A_596 : vector<1x2048xf32>
    %mul3A_600 = arith.mulf %mul3A_481, %mul3A_599 : vector<1x2048xf32>
    %add3A_601 = arith.addf %mul3A_593, %mul3A_600 : vector<1x2048xf32>
    %max3A_602 = arith.constant 1.000000e-01 : f32
    %max3A_603 = vector.broadcast %max3A_602 : f32 to vector<1x2048xf32>
    %max3A_604 = arith.maximumf %sqrt3A_443, %max3A_603 : vector<1x2048xf32>
    %mul3A_605 = arith.constant 2.000000e+00 : f32
    %mul3A_606 = vector.broadcast %mul3A_605 : f32 to vector<1x2048xf32>
    %mul3A_607 = arith.mulf %mul3A_606, %max3A_604 : vector<1x2048xf32>
    %mul3A_608 = arith.mulf %mul3A_489, %mul3A_607 : vector<1x2048xf32>
    %add3A_609 = arith.addf %add3A_601, %mul3A_608 : vector<1x2048xf32>
    %max3A_610 = arith.constant 1.000000e-01 : f32
    %max3A_611 = vector.broadcast %max3A_610 : f32 to vector<1x2048xf32>
    %max3A_612 = arith.maximumf %sqrt3A_447, %max3A_611 : vector<1x2048xf32>
    %mul3A_613 = arith.constant 2.000000e+00 : f32
    %mul3A_614 = vector.broadcast %mul3A_613 : f32 to vector<1x2048xf32>
    %mul3A_615 = arith.mulf %mul3A_614, %max3A_612 : vector<1x2048xf32>
    %mul3A_616 = arith.mulf %mul3A_501, %mul3A_615 : vector<1x2048xf32>
    %add3A_617 = arith.addf %add3A_609, %mul3A_616 : vector<1x2048xf32>
    %div3A_618 = arith.divf %add3A_586, %add3A_617 : vector<1x2048xf32>
    %mul3A_619 = arith.mulf %convert_element_type3A_468, %sub3A_451 : vector<1x2048xf32>
    %mul3A_620 = arith.mulf %mul3A_481, %add3A_455 : vector<1x2048xf32>
    %add3A_621 = arith.addf %mul3A_619, %mul3A_620 : vector<1x2048xf32>
    %mul3A_622 = arith.mulf %mul3A_489, %add3A_459 : vector<1x2048xf32>
    %add3A_623 = arith.addf %add3A_621, %mul3A_622 : vector<1x2048xf32>
    %mul3A_624 = arith.mulf %mul3A_501, %mul3A_463 : vector<1x2048xf32>
    %add3A_625 = arith.addf %add3A_623, %mul3A_624 : vector<1x2048xf32>
    %max3A_626 = arith.constant 1.000000e-01 : f32
    %max3A_627 = vector.broadcast %max3A_626 : f32 to vector<1x2048xf32>
    %max3A_628 = arith.maximumf %sqrt3A_435, %max3A_627 : vector<1x2048xf32>
    %mul3A_629 = arith.constant 2.000000e+00 : f32
    %mul3A_630 = vector.broadcast %mul3A_629 : f32 to vector<1x2048xf32>
    %mul3A_631 = arith.mulf %mul3A_630, %max3A_628 : vector<1x2048xf32>
    %mul3A_632 = arith.mulf %convert_element_type3A_468, %mul3A_631 : vector<1x2048xf32>
    %max3A_633 = arith.constant 1.000000e-01 : f32
    %max3A_634 = vector.broadcast %max3A_633 : f32 to vector<1x2048xf32>
    %max3A_635 = arith.maximumf %sqrt3A_439, %max3A_634 : vector<1x2048xf32>
    %mul3A_636 = arith.constant 2.000000e+00 : f32
    %mul3A_637 = vector.broadcast %mul3A_636 : f32 to vector<1x2048xf32>
    %mul3A_638 = arith.mulf %mul3A_637, %max3A_635 : vector<1x2048xf32>
    %mul3A_639 = arith.mulf %mul3A_481, %mul3A_638 : vector<1x2048xf32>
    %add3A_640 = arith.addf %mul3A_632, %mul3A_639 : vector<1x2048xf32>
    %max3A_641 = arith.constant 1.000000e-01 : f32
    %max3A_642 = vector.broadcast %max3A_641 : f32 to vector<1x2048xf32>
    %max3A_643 = arith.maximumf %sqrt3A_443, %max3A_642 : vector<1x2048xf32>
    %mul3A_644 = arith.constant 2.000000e+00 : f32
    %mul3A_645 = vector.broadcast %mul3A_644 : f32 to vector<1x2048xf32>
    %mul3A_646 = arith.mulf %mul3A_645, %max3A_643 : vector<1x2048xf32>
    %mul3A_647 = arith.mulf %mul3A_489, %mul3A_646 : vector<1x2048xf32>
    %add3A_648 = arith.addf %add3A_640, %mul3A_647 : vector<1x2048xf32>
    %max3A_649 = arith.constant 1.000000e-01 : f32
    %max3A_650 = vector.broadcast %max3A_649 : f32 to vector<1x2048xf32>
    %max3A_651 = arith.maximumf %sqrt3A_447, %max3A_650 : vector<1x2048xf32>
    %mul3A_652 = arith.constant 2.000000e+00 : f32
    %mul3A_653 = vector.broadcast %mul3A_652 : f32 to vector<1x2048xf32>
    %mul3A_654 = arith.mulf %mul3A_653, %max3A_651 : vector<1x2048xf32>
    %mul3A_655 = arith.mulf %mul3A_501, %mul3A_654 : vector<1x2048xf32>
    %add3A_656 = arith.addf %add3A_648, %mul3A_655 : vector<1x2048xf32>
    %div3A_657 = arith.divf %add3A_625, %add3A_656 : vector<1x2048xf32>
    %concatenate3A_658 = tpu.concatenate %div3A_540, %div3A_579, %div3A_618, %div3A_657 in 0 : vector<1x2048xf32>, vector<1x2048xf32>, vector<1x2048xf32>, vector<1x2048xf32> -> vector<4x2048xf32>
    %broadcast_in_dim3A_659 = arith.constant 0.000000e+00 : f32
    %broadcast_in_dim3A_660 = vector.broadcast %broadcast_in_dim3A_659 : f32 to vector<5x2048xf32>
    %concatenate3A_661 = tpu.concatenate %add3A_216, %add3A_174, %mul3A_194, %concatenate3A_658, %logistic3A_204, %broadcast_in_dim3A_660 in 0 : vector<3x2048xf32>, vector<32x2048xf32>, vector<3x2048xf32>, vector<4x2048xf32>, vector<1x2048xf32>, vector<5x2048xf32> -> vector<48x2048xf32>
    %transpose3A_662 = tpu.transpose %concatenate3A_661, [1, 0] : vector<48x2048xf32> -> vector<2048x48xf32>
    %swap3A = arith.constant 0 : index
    %swap3A_663 = arith.constant 0 : index
    %swap3A_664 = vector.load %arg34[%swap3A, %swap3A_663] : memref<2048x128xf32, #tpu.memory_space<vmem>>, vector<2048x48xf32>
    tpu.vector_store %arg34[%swap3A, %swap3A_663], %transpose3A_662 {strides = array<i32>} : memref<2048x128xf32, #tpu.memory_space<vmem>>, vector<2048x48xf32>,
    %get3A_665 = arith.constant 1 : index
    %get3A_666 = arith.constant 0 : index
    %get3A_667 = arith.constant 0 : index
    %get3A_668 = vector.load %arg35[%get3A_665, %get3A_666, %get3A_667] : memref<2x48x2048xf32, #tpu.memory_space<vmem>>, vector<1x48x2048xf32>
    %get3A_669 = vector.shape_cast %get3A_668 : vector<1x48x2048xf32> to vector<48x2048xf32>
    %slice3A_670 = vector.extract_strided_slice %dot_general3A_77 {offsets = [0, 0], sizes = [2048, 128], strides = [1, 1]} : vector<2048x256xf32> to vector<2048x128xf32>
    %slice3A_671 = vector.extract_strided_slice %add3A_92 {offsets = [1, 0], sizes = [1, 128], strides = [1, 1]} : vector<2x384xf32> to vector<1x128xf32>
    %add3A_672 = vector.broadcast %slice3A_671 : vector<1x128xf32> to vector<2048x128xf32>
    %add3A_673 = arith.addf %slice3A_670, %add3A_672 : vector<2048x128xf32>
    %max3A_674 = arith.constant 0.000000e+00 : f32
    %max3A_675 = vector.broadcast %max3A_674 : f32 to vector<2048x128xf32>
    %max3A_676 = arith.maximumf %add3A_673, %max3A_675 : vector<2048x128xf32>
    %get3A_677 = arith.constant 0 : index
    %get3A_678 = arith.constant 0 : index
    %get3A_679 = vector.load %arg28[%get3A_677, %get3A_678] : memref<128x32xf32, #tpu.memory_space<vmem>>, vector<128x32xf32>
    %dot_general3A_680 = arith.constant dense<0.000000e+00> : vector<32x2048xf32>
    %dot_general3A_681 = tpu.matmul %get3A_679, %max3A_676, %dot_general3A_680 {dimension_numbers = #tpu.dot_dimension_numbers<[0], [1], [1], [0], [0, 1, 1, 0], [], []>, transpose_lhs_hint = false} : vector<128x32xf32>, vector<2048x128xf32>, vector<32x2048xf32> -> vector<32x2048xf32>
    %get3A_682 = arith.constant 0 : index
    %get3A_683 = arith.constant 0 : index
    %get3A_684 = vector.load %arg29[%get3A_682, %get3A_683] : memref<32x1xf32, #tpu.memory_space<vmem>>, vector<32x1xf32>
    %add3A_685 = vector.broadcast %get3A_684 : vector<32x1xf32> to vector<32x2048xf32>
    %add3A_686 = arith.addf %dot_general3A_681, %add3A_685 : vector<32x2048xf32>
    %slice3A_687 = vector.extract_strided_slice %dot_general3A_77 {offsets = [0, 128], sizes = [2048, 128], strides = [1, 1]} : vector<2048x256xf32> to vector<2048x128xf32>
    %slice3A_688 = vector.extract_strided_slice %add3A_92 {offsets = [1, 128], sizes = [1, 128], strides = [1, 1]} : vector<2x384xf32> to vector<1x128xf32>
    %add3A_689 = vector.broadcast %slice3A_688 : vector<1x128xf32> to vector<2048x128xf32>
    %add3A_690 = arith.addf %slice3A_687, %add3A_689 : vector<2048x128xf32>
    %max3A_691 = arith.constant 0.000000e+00 : f32
    %max3A_692 = vector.broadcast %max3A_691 : f32 to vector<2048x128xf32>
    %max3A_693 = arith.maximumf %add3A_690, %max3A_692 : vector<2048x128xf32>
    %get3A_694 = arith.constant 0 : index
    %get3A_695 = arith.constant 0 : index
    %get3A_696 = vector.load %arg30[%get3A_694, %get3A_695] : memref<128x8xf32, #tpu.memory_space<vmem>>, vector<128x8xf32>
    %dot_general3A_697 = arith.constant dense<0.000000e+00> : vector<8x2048xf32>
    %dot_general3A_698 = tpu.matmul %get3A_696, %max3A_693, %dot_general3A_697 {dimension_numbers = #tpu.dot_dimension_numbers<[0], [1], [1], [0], [0, 1, 1, 0], [], []>, transpose_lhs_hint = false} : vector<128x8xf32>, vector<2048x128xf32>, vector<8x2048xf32> -> vector<8x2048xf32>
    %get3A_699 = arith.constant 0 : index
    %get3A_700 = arith.constant 0 : index
    %get3A_701 = vector.load %arg31[%get3A_699, %get3A_700] : memref<8x1xf32, #tpu.memory_space<vmem>>, vector<8x1xf32>
    %add3A_702 = vector.broadcast %get3A_701 : vector<8x1xf32> to vector<8x2048xf32>
    %add3A_703 = arith.addf %dot_general3A_698, %add3A_702 : vector<8x2048xf32>
    %slice3A_704 = vector.extract_strided_slice %add3A_92 {offsets = [1, 256], sizes = [1, 128], strides = [1, 1]} : vector<2x384xf32> to vector<1x128xf32>
    %add3A_705 = vector.broadcast %slice3A_704 : vector<1x128xf32> to vector<2048x128xf32>
    %add3A_706 = arith.addf %dot_general3A_82, %add3A_705 : vector<2048x128xf32>
    %max3A_707 = arith.constant 0.000000e+00 : f32
    %max3A_708 = vector.broadcast %max3A_707 : f32 to vector<2048x128xf32>
    %max3A_709 = arith.maximumf %add3A_706, %max3A_708 : vector<2048x128xf32>
    %get3A_710 = arith.constant 0 : index
    %get3A_711 = arith.constant 0 : index
    %get3A_712 = vector.load %arg32[%get3A_710, %get3A_711] : memref<128x3xf32, #tpu.memory_space<vmem>>, vector<128x3xf32>
    %dot_general3A_713 = arith.constant dense<0.000000e+00> : vector<3x2048xf32>
    %dot_general3A_714 = tpu.matmul %get3A_712, %max3A_709, %dot_general3A_713 {dimension_numbers = #tpu.dot_dimension_numbers<[0], [1], [1], [0], [0, 1, 1, 0], [], []>, transpose_lhs_hint = false} : vector<128x3xf32>, vector<2048x128xf32>, vector<3x2048xf32> -> vector<3x2048xf32>
    %get3A_715 = arith.constant 0 : index
    %get3A_716 = arith.constant 0 : index
    %get3A_717 = vector.load %arg33[%get3A_715, %get3A_716] : memref<3x1xf32, #tpu.memory_space<vmem>>, vector<3x1xf32>
    %add3A_718 = vector.broadcast %get3A_717 : vector<3x1xf32> to vector<3x2048xf32>
    %add3A_719 = arith.addf %dot_general3A_714, %add3A_718 : vector<3x2048xf32>
    %tanh3A_720 = math.tanh %add3A_719 : vector<3x2048xf32>
    %slice3A_721 = vector.extract_strided_slice %get3A_669 {offsets = [0, 0], sizes = [32, 2048], strides = [1, 1]} : vector<48x2048xf32> to vector<32x2048xf32>
    %mul3A_722 = vector.broadcast %min3A_41 : vector<1x2048xf32> to vector<32x2048xf32>
    %mul3A_723 = arith.mulf %slice3A_721, %mul3A_722 : vector<32x2048xf32>
    %mul3A_724 = vector.broadcast %sub3A_112 : vector<1x2048xf32> to vector<32x2048xf32>
    %mul3A_725 = arith.mulf %add3A_686, %mul3A_724 : vector<32x2048xf32>
    %add3A_726 = arith.addf %mul3A_723, %mul3A_725 : vector<32x2048xf32>
    %slice3A_727 = vector.extract_strided_slice %get3A_669 {offsets = [32, 0], sizes = [8, 2048], strides = [1, 1]} : vector<48x2048xf32> to vector<8x2048xf32>
    %mul3A_728 = vector.broadcast %min3A_41 : vector<1x2048xf32> to vector<8x2048xf32>
    %mul3A_729 = arith.mulf %slice3A_727, %mul3A_728 : vector<8x2048xf32>
    %mul3A_730 = vector.broadcast %sub3A_112 : vector<1x2048xf32> to vector<8x2048xf32>
    %mul3A_731 = arith.mulf %add3A_703, %mul3A_730 : vector<8x2048xf32>
    %add3A_732 = arith.addf %mul3A_729, %mul3A_731 : vector<8x2048xf32>
    %slice3A_733 = vector.extract_strided_slice %get3A_669 {offsets = [40, 0], sizes = [3, 2048], strides = [1, 1]} : vector<48x2048xf32> to vector<3x2048xf32>
    %mul3A_734 = vector.broadcast %min3A_41 : vector<1x2048xf32> to vector<3x2048xf32>
    %mul3A_735 = arith.mulf %slice3A_733, %mul3A_734 : vector<3x2048xf32>
    %mul3A_736 = vector.broadcast %sub3A_112 : vector<1x2048xf32> to vector<3x2048xf32>
    %mul3A_737 = arith.mulf %tanh3A_720, %mul3A_736 : vector<3x2048xf32>
    %add3A_738 = arith.addf %mul3A_735, %mul3A_737 : vector<3x2048xf32>
    %slice3A_739 = vector.extract_strided_slice %get3A_106 {offsets = [1, 0], sizes = [1, 1], strides = [1, 1]} : vector<2x1xf32> to vector<1x1xf32>
    %squeeze3A_740 = vector.extract %slice3A_739[0, 0] : f32 from vector<1x1xf32>
    %slice3A_741 = vector.extract_strided_slice %add3A_732 {offsets = [0, 0], sizes = [3, 2048], strides = [1, 1]} : vector<8x2048xf32> to vector<3x2048xf32>
    %mul3A_742 = arith.constant 5.000000e-02 : f32
    %mul3A_743 = vector.broadcast %mul3A_742 : f32 to vector<3x2048xf32>
    %mul3A_744 = arith.mulf %slice3A_741, %mul3A_743 : vector<3x2048xf32>
    %add3A_745 = arith.addf %slice3A_6, %mul3A_744 : vector<3x2048xf32>
    %exp3A_746 = math.exp %add3A_745 : vector<3x2048xf32>
    %mul3A_747 = vector.broadcast %squeeze3A_740 : f32 to vector<3x2048xf32>
    %mul3A_748 = arith.mulf %exp3A_746, %mul3A_747 : vector<3x2048xf32>
    %slice3A_749 = vector.extract_strided_slice %add3A_732 {offsets = [7, 0], sizes = [1, 2048], strides = [1, 1]} : vector<8x2048xf32> to vector<1x2048xf32>
    %mul3A_750 = arith.constant 5.000000e-02 : f32
    %mul3A_751 = vector.broadcast %mul3A_750 : f32 to vector<1x2048xf32>
    %mul3A_752 = arith.mulf %slice3A_749, %mul3A_751 : vector<1x2048xf32>
    %add3A_753 = arith.addf %slice3A_8, %mul3A_752 : vector<1x2048xf32>
    %logistic3A_754 = arith.negf %add3A_753 : vector<1x2048xf32>
    %logistic3A_755 = math.exp %logistic3A_754 : vector<1x2048xf32>
    %logistic3A_756 = arith.constant 1.000000e+00 : f32
    %logistic3A_757 = vector.broadcast %logistic3A_756 : f32 to vector<1x2048xf32>
    %logistic3A_758 = arith.addf %logistic3A_757, %logistic3A_755 : vector<1x2048xf32>
    %logistic3A_759 = arith.divf %logistic3A_757, %logistic3A_758 : vector<1x2048xf32>
    %mul3A_760 = arith.constant 3.000000e-01 : f32
    %mul3A_761 = vector.broadcast %mul3A_760 : f32 to vector<3x2048xf32>
    %mul3A_762 = arith.mulf %add3A_738, %mul3A_761 : vector<3x2048xf32>
    %add3A_763 = arith.addf %slice3A_5, %mul3A_762 : vector<3x2048xf32>
    %mul3A_764 = vector.broadcast %squeeze3A_740 : f32 to vector<3x2048xf32>
    %mul3A_765 = arith.mulf %add3A_763, %mul3A_764 : vector<3x2048xf32>
    %slice3A_766 = vector.extract_strided_slice %get3A_103 {offsets = [3, 0], sizes = [3, 3], strides = [1, 1]} : vector<6x3xf32> to vector<3x3xf32>
    %dot_general3A_767 = arith.constant dense<0.000000e+00> : vector<3x2048xf32>
    %dot_general3A_768 = tpu.matmul %slice3A_766, %mul3A_765, %dot_general3A_767 {dimension_numbers = #tpu.dot_dimension_numbers<[1], [0], [0], [1], [0, 0, 1, 1], [], []>, transpose_lhs_hint = false} : vector<3x3xf32>, vector<3x2048xf32>, vector<3x2048xf32> -> vector<3x2048xf32>
    %slice3A_769 = vector.extract_strided_slice %get3A_109 {offsets = [3, 1], sizes = [3, 1], strides = [1, 1]} : vector<6x2xf32> to vector<3x1xf32>
    %add3A_770 = vector.broadcast %slice3A_769 : vector<3x1xf32> to vector<3x2048xf32>
    %add3A_771 = arith.addf %dot_general3A_768, %add3A_770 : vector<3x2048xf32>
    %slice3A_772 = vector.extract_strided_slice %add3A_732 {offsets = [3, 0], sizes = [4, 2048], strides = [1, 1]} : vector<8x2048xf32> to vector<4x2048xf32>
    %mul3A_773 = arith.constant 5.000000e-02 : f32
    %mul3A_774 = vector.broadcast %mul3A_773 : f32 to vector<4x2048xf32>
    %mul3A_775 = arith.mulf %slice3A_772, %mul3A_774 : vector<4x2048xf32>
    %add3A_776 = arith.addf %slice3A_7, %mul3A_775 : vector<4x2048xf32>
    %mul3A_777 = arith.mulf %add3A_776, %add3A_776 : vector<4x2048xf32>
    %reduce_sum3A_778 = arith.constant dense<0.000000e+00> : vector<2048xf32>
    %reduce_sum3A_779 = vector.multi_reduction <add>, %mul3A_777, %reduce_sum3A_778 [0] : vector<4x2048xf32> to vector<2048xf32>
    %broadcast_in_dim3A_780 = vector.shape_cast %reduce_sum3A_779 : vector<2048xf32> to vector<1x2048xf32>
    %sqrt3A_781 = math.sqrt %broadcast_in_dim3A_780 : vector<1x2048xf32>
    %max3A_782 = arith.constant 9.99999996E-13 : f32
    %max3A_783 = vector.broadcast %max3A_782 : f32 to vector<1x2048xf32>
    %max3A_784 = arith.maximumf %sqrt3A_781, %max3A_783 : vector<1x2048xf32>
    %div3A_785 = vector.broadcast %max3A_784 : vector<1x2048xf32> to vector<4x2048xf32>
    %div3A_786 = arith.divf %add3A_776, %div3A_785 : vector<4x2048xf32>
    %slice3A_787 = vector.extract_strided_slice %div3A_786 {offsets = [0, 0], sizes = [1, 2048], strides = [1, 1]} : vector<4x2048xf32> to vector<1x2048xf32>
    %slice3A_788 = vector.extract_strided_slice %div3A_786 {offsets = [1, 0], sizes = [1, 2048], strides = [1, 1]} : vector<4x2048xf32> to vector<1x2048xf32>
    %slice3A_789 = vector.extract_strided_slice %div3A_786 {offsets = [2, 0], sizes = [1, 2048], strides = [1, 1]} : vector<4x2048xf32> to vector<1x2048xf32>
    %slice3A_790 = vector.extract_strided_slice %div3A_786 {offsets = [3, 0], sizes = [1, 2048], strides = [1, 1]} : vector<4x2048xf32> to vector<1x2048xf32>
    %mul3A_791 = arith.mulf %div3A_786, %div3A_786 : vector<4x2048xf32>
    %reduce_sum3A_792 = arith.constant dense<0.000000e+00> : vector<2048xf32>
    %reduce_sum3A_793 = vector.multi_reduction <add>, %mul3A_791, %reduce_sum3A_792 [0] : vector<4x2048xf32> to vector<2048xf32>
    %broadcast_in_dim3A_794 = vector.shape_cast %reduce_sum3A_793 : vector<2048xf32> to vector<1x2048xf32>
    %div3A_795 = arith.constant 2.000000e+00 : f32
    %div3A_796 = vector.broadcast %div3A_795 : f32 to vector<1x2048xf32>
    %div3A_797 = arith.divf %div3A_796, %broadcast_in_dim3A_794 : vector<1x2048xf32>
    %mul3A_798 = arith.mulf %slice3A_789, %slice3A_789 : vector<1x2048xf32>
    %mul3A_799 = arith.mulf %slice3A_790, %slice3A_790 : vector<1x2048xf32>
    %add3A_800 = arith.addf %mul3A_798, %mul3A_799 : vector<1x2048xf32>
    %mul3A_801 = arith.mulf %div3A_797, %add3A_800 : vector<1x2048xf32>
    %sub3A_802 = arith.constant 1.000000e+00 : f32
    %sub3A_803 = vector.broadcast %sub3A_802 : f32 to vector<1x2048xf32>
    %sub3A_804 = arith.subf %sub3A_803, %mul3A_801 : vector<1x2048xf32>
    %mul3A_805 = arith.mulf %slice3A_788, %slice3A_789 : vector<1x2048xf32>
    %mul3A_806 = arith.mulf %slice3A_790, %slice3A_787 : vector<1x2048xf32>
    %sub3A_807 = arith.subf %mul3A_805, %mul3A_806 : vector<1x2048xf32>
    %mul3A_808 = arith.mulf %div3A_797, %sub3A_807 : vector<1x2048xf32>
    %mul3A_809 = arith.mulf %slice3A_788, %slice3A_790 : vector<1x2048xf32>
    %mul3A_810 = arith.mulf %slice3A_789, %slice3A_787 : vector<1x2048xf32>
    %add3A_811 = arith.addf %mul3A_809, %mul3A_810 : vector<1x2048xf32>
    %mul3A_812 = arith.mulf %div3A_797, %add3A_811 : vector<1x2048xf32>
    %mul3A_813 = arith.mulf %slice3A_788, %slice3A_789 : vector<1x2048xf32>
    %mul3A_814 = arith.mulf %slice3A_790, %slice3A_787 : vector<1x2048xf32>
    %add3A_815 = arith.addf %mul3A_813, %mul3A_814 : vector<1x2048xf32>
    %mul3A_816 = arith.mulf %div3A_797, %add3A_815 : vector<1x2048xf32>
    %mul3A_817 = arith.mulf %slice3A_788, %slice3A_788 : vector<1x2048xf32>
    %mul3A_818 = arith.mulf %slice3A_790, %slice3A_790 : vector<1x2048xf32>
    %add3A_819 = arith.addf %mul3A_817, %mul3A_818 : vector<1x2048xf32>
    %mul3A_820 = arith.mulf %div3A_797, %add3A_819 : vector<1x2048xf32>
    %sub3A_821 = arith.constant 1.000000e+00 : f32
    %sub3A_822 = vector.broadcast %sub3A_821 : f32 to vector<1x2048xf32>
    %sub3A_823 = arith.subf %sub3A_822, %mul3A_820 : vector<1x2048xf32>
    %mul3A_824 = arith.mulf %slice3A_789, %slice3A_790 : vector<1x2048xf32>
    %mul3A_825 = arith.mulf %slice3A_788, %slice3A_787 : vector<1x2048xf32>
    %sub3A_826 = arith.subf %mul3A_824, %mul3A_825 : vector<1x2048xf32>
    %mul3A_827 = arith.mulf %div3A_797, %sub3A_826 : vector<1x2048xf32>
    %mul3A_828 = arith.mulf %slice3A_788, %slice3A_790 : vector<1x2048xf32>
    %mul3A_829 = arith.mulf %slice3A_789, %slice3A_787 : vector<1x2048xf32>
    %sub3A_830 = arith.subf %mul3A_828, %mul3A_829 : vector<1x2048xf32>
    %mul3A_831 = arith.mulf %div3A_797, %sub3A_830 : vector<1x2048xf32>
    %mul3A_832 = arith.mulf %slice3A_789, %slice3A_790 : vector<1x2048xf32>
    %mul3A_833 = arith.mulf %slice3A_788, %slice3A_787 : vector<1x2048xf32>
    %add3A_834 = arith.addf %mul3A_832, %mul3A_833 : vector<1x2048xf32>
    %mul3A_835 = arith.mulf %div3A_797, %add3A_834 : vector<1x2048xf32>
    %mul3A_836 = arith.mulf %slice3A_788, %slice3A_788 : vector<1x2048xf32>
    %mul3A_837 = arith.mulf %slice3A_789, %slice3A_789 : vector<1x2048xf32>
    %add3A_838 = arith.addf %mul3A_836, %mul3A_837 : vector<1x2048xf32>
    %mul3A_839 = arith.mulf %div3A_797, %add3A_838 : vector<1x2048xf32>
    %sub3A_840 = arith.constant 1.000000e+00 : f32
    %sub3A_841 = vector.broadcast %sub3A_840 : f32 to vector<1x2048xf32>
    %sub3A_842 = arith.subf %sub3A_841, %mul3A_839 : vector<1x2048xf32>
    %slice3A_843 = vector.extract_strided_slice %get3A_100 {offsets = [1, 0], sizes = [1, 1], strides = [1, 1]} : vector<2x9xf32> to vector<1x1xf32>
    %squeeze3A_844 = vector.extract %slice3A_843[0, 0] : f32 from vector<1x1xf32>
    %mul3A_845 = vector.broadcast %squeeze3A_844 : f32 to vector<1x2048xf32>
    %mul3A_846 = arith.mulf %mul3A_845, %sub3A_804 : vector<1x2048xf32>
    %slice3A_847 = vector.extract_strided_slice %get3A_100 {offsets = [1, 1], sizes = [1, 1], strides = [1, 1]} : vector<2x9xf32> to vector<1x1xf32>
    %squeeze3A_848 = vector.extract %slice3A_847[0, 0] : f32 from vector<1x1xf32>
    %mul3A_849 = vector.broadcast %squeeze3A_848 : f32 to vector<1x2048xf32>
    %mul3A_850 = arith.mulf %mul3A_849, %mul3A_816 : vector<1x2048xf32>
    %add3A_851 = arith.addf %mul3A_846, %mul3A_850 : vector<1x2048xf32>
    %slice3A_852 = vector.extract_strided_slice %get3A_100 {offsets = [1, 2], sizes = [1, 1], strides = [1, 1]} : vector<2x9xf32> to vector<1x1xf32>
    %squeeze3A_853 = vector.extract %slice3A_852[0, 0] : f32 from vector<1x1xf32>
    %mul3A_854 = vector.broadcast %squeeze3A_853 : f32 to vector<1x2048xf32>
    %mul3A_855 = arith.mulf %mul3A_854, %mul3A_831 : vector<1x2048xf32>
    %add3A_856 = arith.addf %add3A_851, %mul3A_855 : vector<1x2048xf32>
    %slice3A_857 = vector.extract_strided_slice %get3A_100 {offsets = [1, 0], sizes = [1, 1], strides = [1, 1]} : vector<2x9xf32> to vector<1x1xf32>
    %squeeze3A_858 = vector.extract %slice3A_857[0, 0] : f32 from vector<1x1xf32>
    %mul3A_859 = vector.broadcast %squeeze3A_858 : f32 to vector<1x2048xf32>
    %mul3A_860 = arith.mulf %mul3A_859, %mul3A_808 : vector<1x2048xf32>
    %slice3A_861 = vector.extract_strided_slice %get3A_100 {offsets = [1, 1], sizes = [1, 1], strides = [1, 1]} : vector<2x9xf32> to vector<1x1xf32>
    %squeeze3A_862 = vector.extract %slice3A_861[0, 0] : f32 from vector<1x1xf32>
    %mul3A_863 = vector.broadcast %squeeze3A_862 : f32 to vector<1x2048xf32>
    %mul3A_864 = arith.mulf %mul3A_863, %sub3A_823 : vector<1x2048xf32>
    %add3A_865 = arith.addf %mul3A_860, %mul3A_864 : vector<1x2048xf32>
    %slice3A_866 = vector.extract_strided_slice %get3A_100 {offsets = [1, 2], sizes = [1, 1], strides = [1, 1]} : vector<2x9xf32> to vector<1x1xf32>
    %squeeze3A_867 = vector.extract %slice3A_866[0, 0] : f32 from vector<1x1xf32>
    %mul3A_868 = vector.broadcast %squeeze3A_867 : f32 to vector<1x2048xf32>
    %mul3A_869 = arith.mulf %mul3A_868, %mul3A_835 : vector<1x2048xf32>
    %add3A_870 = arith.addf %add3A_865, %mul3A_869 : vector<1x2048xf32>
    %slice3A_871 = vector.extract_strided_slice %get3A_100 {offsets = [1, 0], sizes = [1, 1], strides = [1, 1]} : vector<2x9xf32> to vector<1x1xf32>
    %squeeze3A_872 = vector.extract %slice3A_871[0, 0] : f32 from vector<1x1xf32>
    %mul3A_873 = vector.broadcast %squeeze3A_872 : f32 to vector<1x2048xf32>
    %mul3A_874 = arith.mulf %mul3A_873, %mul3A_812 : vector<1x2048xf32>
    %slice3A_875 = vector.extract_strided_slice %get3A_100 {offsets = [1, 1], sizes = [1, 1], strides = [1, 1]} : vector<2x9xf32> to vector<1x1xf32>
    %squeeze3A_876 = vector.extract %slice3A_875[0, 0] : f32 from vector<1x1xf32>
    %mul3A_877 = vector.broadcast %squeeze3A_876 : f32 to vector<1x2048xf32>
    %mul3A_878 = arith.mulf %mul3A_877, %mul3A_827 : vector<1x2048xf32>
    %add3A_879 = arith.addf %mul3A_874, %mul3A_878 : vector<1x2048xf32>
    %slice3A_880 = vector.extract_strided_slice %get3A_100 {offsets = [1, 2], sizes = [1, 1], strides = [1, 1]} : vector<2x9xf32> to vector<1x1xf32>
    %squeeze3A_881 = vector.extract %slice3A_880[0, 0] : f32 from vector<1x1xf32>
    %mul3A_882 = vector.broadcast %squeeze3A_881 : f32 to vector<1x2048xf32>
    %mul3A_883 = arith.mulf %mul3A_882, %sub3A_842 : vector<1x2048xf32>
    %add3A_884 = arith.addf %add3A_879, %mul3A_883 : vector<1x2048xf32>
    %slice3A_885 = vector.extract_strided_slice %get3A_100 {offsets = [1, 3], sizes = [1, 1], strides = [1, 1]} : vector<2x9xf32> to vector<1x1xf32>
    %squeeze3A_886 = vector.extract %slice3A_885[0, 0] : f32 from vector<1x1xf32>
    %mul3A_887 = vector.broadcast %squeeze3A_886 : f32 to vector<1x2048xf32>
    %mul3A_888 = arith.mulf %mul3A_887, %sub3A_804 : vector<1x2048xf32>
    %slice3A_889 = vector.extract_strided_slice %get3A_100 {offsets = [1, 4], sizes = [1, 1], strides = [1, 1]} : vector<2x9xf32> to vector<1x1xf32>
    %squeeze3A_890 = vector.extract %slice3A_889[0, 0] : f32 from vector<1x1xf32>
    %mul3A_891 = vector.broadcast %squeeze3A_890 : f32 to vector<1x2048xf32>
    %mul3A_892 = arith.mulf %mul3A_891, %mul3A_816 : vector<1x2048xf32>
    %add3A_893 = arith.addf %mul3A_888, %mul3A_892 : vector<1x2048xf32>
    %slice3A_894 = vector.extract_strided_slice %get3A_100 {offsets = [1, 5], sizes = [1, 1], strides = [1, 1]} : vector<2x9xf32> to vector<1x1xf32>
    %squeeze3A_895 = vector.extract %slice3A_894[0, 0] : f32 from vector<1x1xf32>
    %mul3A_896 = vector.broadcast %squeeze3A_895 : f32 to vector<1x2048xf32>
    %mul3A_897 = arith.mulf %mul3A_896, %mul3A_831 : vector<1x2048xf32>
    %add3A_898 = arith.addf %add3A_893, %mul3A_897 : vector<1x2048xf32>
    %slice3A_899 = vector.extract_strided_slice %get3A_100 {offsets = [1, 3], sizes = [1, 1], strides = [1, 1]} : vector<2x9xf32> to vector<1x1xf32>
    %squeeze3A_900 = vector.extract %slice3A_899[0, 0] : f32 from vector<1x1xf32>
    %mul3A_901 = vector.broadcast %squeeze3A_900 : f32 to vector<1x2048xf32>
    %mul3A_902 = arith.mulf %mul3A_901, %mul3A_808 : vector<1x2048xf32>
    %slice3A_903 = vector.extract_strided_slice %get3A_100 {offsets = [1, 4], sizes = [1, 1], strides = [1, 1]} : vector<2x9xf32> to vector<1x1xf32>
    %squeeze3A_904 = vector.extract %slice3A_903[0, 0] : f32 from vector<1x1xf32>
    %mul3A_905 = vector.broadcast %squeeze3A_904 : f32 to vector<1x2048xf32>
    %mul3A_906 = arith.mulf %mul3A_905, %sub3A_823 : vector<1x2048xf32>
    %add3A_907 = arith.addf %mul3A_902, %mul3A_906 : vector<1x2048xf32>
    %slice3A_908 = vector.extract_strided_slice %get3A_100 {offsets = [1, 5], sizes = [1, 1], strides = [1, 1]} : vector<2x9xf32> to vector<1x1xf32>
    %squeeze3A_909 = vector.extract %slice3A_908[0, 0] : f32 from vector<1x1xf32>
    %mul3A_910 = vector.broadcast %squeeze3A_909 : f32 to vector<1x2048xf32>
    %mul3A_911 = arith.mulf %mul3A_910, %mul3A_835 : vector<1x2048xf32>
    %add3A_912 = arith.addf %add3A_907, %mul3A_911 : vector<1x2048xf32>
    %slice3A_913 = vector.extract_strided_slice %get3A_100 {offsets = [1, 3], sizes = [1, 1], strides = [1, 1]} : vector<2x9xf32> to vector<1x1xf32>
    %squeeze3A_914 = vector.extract %slice3A_913[0, 0] : f32 from vector<1x1xf32>
    %mul3A_915 = vector.broadcast %squeeze3A_914 : f32 to vector<1x2048xf32>
    %mul3A_916 = arith.mulf %mul3A_915, %mul3A_812 : vector<1x2048xf32>
    %slice3A_917 = vector.extract_strided_slice %get3A_100 {offsets = [1, 4], sizes = [1, 1], strides = [1, 1]} : vector<2x9xf32> to vector<1x1xf32>
    %squeeze3A_918 = vector.extract %slice3A_917[0, 0] : f32 from vector<1x1xf32>
    %mul3A_919 = vector.broadcast %squeeze3A_918 : f32 to vector<1x2048xf32>
    %mul3A_920 = arith.mulf %mul3A_919, %mul3A_827 : vector<1x2048xf32>
    %add3A_921 = arith.addf %mul3A_916, %mul3A_920 : vector<1x2048xf32>
    %slice3A_922 = vector.extract_strided_slice %get3A_100 {offsets = [1, 5], sizes = [1, 1], strides = [1, 1]} : vector<2x9xf32> to vector<1x1xf32>
    %squeeze3A_923 = vector.extract %slice3A_922[0, 0] : f32 from vector<1x1xf32>
    %mul3A_924 = vector.broadcast %squeeze3A_923 : f32 to vector<1x2048xf32>
    %mul3A_925 = arith.mulf %mul3A_924, %sub3A_842 : vector<1x2048xf32>
    %add3A_926 = arith.addf %add3A_921, %mul3A_925 : vector<1x2048xf32>
    %slice3A_927 = vector.extract_strided_slice %get3A_100 {offsets = [1, 6], sizes = [1, 1], strides = [1, 1]} : vector<2x9xf32> to vector<1x1xf32>
    %squeeze3A_928 = vector.extract %slice3A_927[0, 0] : f32 from vector<1x1xf32>
    %mul3A_929 = vector.broadcast %squeeze3A_928 : f32 to vector<1x2048xf32>
    %mul3A_930 = arith.mulf %mul3A_929, %sub3A_804 : vector<1x2048xf32>
    %slice3A_931 = vector.extract_strided_slice %get3A_100 {offsets = [1, 7], sizes = [1, 1], strides = [1, 1]} : vector<2x9xf32> to vector<1x1xf32>
    %squeeze3A_932 = vector.extract %slice3A_931[0, 0] : f32 from vector<1x1xf32>
    %mul3A_933 = vector.broadcast %squeeze3A_932 : f32 to vector<1x2048xf32>
    %mul3A_934 = arith.mulf %mul3A_933, %mul3A_816 : vector<1x2048xf32>
    %add3A_935 = arith.addf %mul3A_930, %mul3A_934 : vector<1x2048xf32>
    %slice3A_936 = vector.extract_strided_slice %get3A_100 {offsets = [1, 8], sizes = [1, 1], strides = [1, 1]} : vector<2x9xf32> to vector<1x1xf32>
    %squeeze3A_937 = vector.extract %slice3A_936[0, 0] : f32 from vector<1x1xf32>
    %mul3A_938 = vector.broadcast %squeeze3A_937 : f32 to vector<1x2048xf32>
    %mul3A_939 = arith.mulf %mul3A_938, %mul3A_831 : vector<1x2048xf32>
    %add3A_940 = arith.addf %add3A_935, %mul3A_939 : vector<1x2048xf32>
    %slice3A_941 = vector.extract_strided_slice %get3A_100 {offsets = [1, 6], sizes = [1, 1], strides = [1, 1]} : vector<2x9xf32> to vector<1x1xf32>
    %squeeze3A_942 = vector.extract %slice3A_941[0, 0] : f32 from vector<1x1xf32>
    %mul3A_943 = vector.broadcast %squeeze3A_942 : f32 to vector<1x2048xf32>
    %mul3A_944 = arith.mulf %mul3A_943, %mul3A_808 : vector<1x2048xf32>
    %slice3A_945 = vector.extract_strided_slice %get3A_100 {offsets = [1, 7], sizes = [1, 1], strides = [1, 1]} : vector<2x9xf32> to vector<1x1xf32>
    %squeeze3A_946 = vector.extract %slice3A_945[0, 0] : f32 from vector<1x1xf32>
    %mul3A_947 = vector.broadcast %squeeze3A_946 : f32 to vector<1x2048xf32>
    %mul3A_948 = arith.mulf %mul3A_947, %sub3A_823 : vector<1x2048xf32>
    %add3A_949 = arith.addf %mul3A_944, %mul3A_948 : vector<1x2048xf32>
    %slice3A_950 = vector.extract_strided_slice %get3A_100 {offsets = [1, 8], sizes = [1, 1], strides = [1, 1]} : vector<2x9xf32> to vector<1x1xf32>
    %squeeze3A_951 = vector.extract %slice3A_950[0, 0] : f32 from vector<1x1xf32>
    %mul3A_952 = vector.broadcast %squeeze3A_951 : f32 to vector<1x2048xf32>
    %mul3A_953 = arith.mulf %mul3A_952, %mul3A_835 : vector<1x2048xf32>
    %add3A_954 = arith.addf %add3A_949, %mul3A_953 : vector<1x2048xf32>
    %slice3A_955 = vector.extract_strided_slice %get3A_100 {offsets = [1, 6], sizes = [1, 1], strides = [1, 1]} : vector<2x9xf32> to vector<1x1xf32>
    %squeeze3A_956 = vector.extract %slice3A_955[0, 0] : f32 from vector<1x1xf32>
    %mul3A_957 = vector.broadcast %squeeze3A_956 : f32 to vector<1x2048xf32>
    %mul3A_958 = arith.mulf %mul3A_957, %mul3A_812 : vector<1x2048xf32>
    %slice3A_959 = vector.extract_strided_slice %get3A_100 {offsets = [1, 7], sizes = [1, 1], strides = [1, 1]} : vector<2x9xf32> to vector<1x1xf32>
    %squeeze3A_960 = vector.extract %slice3A_959[0, 0] : f32 from vector<1x1xf32>
    %mul3A_961 = vector.broadcast %squeeze3A_960 : f32 to vector<1x2048xf32>
    %mul3A_962 = arith.mulf %mul3A_961, %mul3A_827 : vector<1x2048xf32>
    %add3A_963 = arith.addf %mul3A_958, %mul3A_962 : vector<1x2048xf32>
    %slice3A_964 = vector.extract_strided_slice %get3A_100 {offsets = [1, 8], sizes = [1, 1], strides = [1, 1]} : vector<2x9xf32> to vector<1x1xf32>
    %squeeze3A_965 = vector.extract %slice3A_964[0, 0] : f32 from vector<1x1xf32>
    %mul3A_966 = vector.broadcast %squeeze3A_965 : f32 to vector<1x2048xf32>
    %mul3A_967 = arith.mulf %mul3A_966, %sub3A_842 : vector<1x2048xf32>
    %add3A_968 = arith.addf %add3A_963, %mul3A_967 : vector<1x2048xf32>
    %add3A_969 = arith.constant 1.000000e+00 : f32
    %add3A_970 = vector.broadcast %add3A_969 : f32 to vector<1x2048xf32>
    %add3A_971 = arith.addf %add3A_970, %add3A_856 : vector<1x2048xf32>
    %add3A_972 = arith.addf %add3A_971, %add3A_912 : vector<1x2048xf32>
    %add3A_973 = arith.addf %add3A_972, %add3A_968 : vector<1x2048xf32>
    %add3A_974 = arith.constant 1.000000e+00 : f32
    %add3A_975 = vector.broadcast %add3A_974 : f32 to vector<1x2048xf32>
    %add3A_976 = arith.addf %add3A_975, %add3A_856 : vector<1x2048xf32>
    %sub3A_977 = arith.subf %add3A_976, %add3A_912 : vector<1x2048xf32>
    %sub3A_978 = arith.subf %sub3A_977, %add3A_968 : vector<1x2048xf32>
    %sub3A_979 = arith.constant 1.000000e+00 : f32
    %sub3A_980 = vector.broadcast %sub3A_979 : f32 to vector<1x2048xf32>
    %sub3A_981 = arith.subf %sub3A_980, %add3A_856 : vector<1x2048xf32>
    %add3A_982 = arith.addf %sub3A_981, %add3A_912 : vector<1x2048xf32>
    %sub3A_983 = arith.subf %add3A_982, %add3A_968 : vector<1x2048xf32>
    %sub3A_984 = arith.constant 1.000000e+00 : f32
    %sub3A_985 = vector.broadcast %sub3A_984 : f32 to vector<1x2048xf32>
    %sub3A_986 = arith.subf %sub3A_985, %add3A_856 : vector<1x2048xf32>
    %sub3A_987 = arith.subf %sub3A_986, %add3A_912 : vector<1x2048xf32>
    %add3A_988 = arith.addf %sub3A_987, %add3A_968 : vector<1x2048xf32>
    %max3A_989 = arith.constant 9.99999993E-9 : f32
    %max3A_990 = vector.broadcast %max3A_989 : f32 to vector<1x2048xf32>
    %max3A_991 = arith.maximumf %add3A_973, %max3A_990 : vector<1x2048xf32>
    %sqrt3A_992 = math.sqrt %max3A_991 : vector<1x2048xf32>
    %max3A_993 = arith.constant 9.99999993E-9 : f32
    %max3A_994 = vector.broadcast %max3A_993 : f32 to vector<1x2048xf32>
    %max3A_995 = arith.maximumf %sub3A_978, %max3A_994 : vector<1x2048xf32>
    %sqrt3A_996 = math.sqrt %max3A_995 : vector<1x2048xf32>
    %max3A_997 = arith.constant 9.99999993E-9 : f32
    %max3A_998 = vector.broadcast %max3A_997 : f32 to vector<1x2048xf32>
    %max3A_999 = arith.maximumf %sub3A_983, %max3A_998 : vector<1x2048xf32>
    %sqrt3A_1000 = math.sqrt %max3A_999 : vector<1x2048xf32>
    %max3A_1001 = arith.constant 9.99999993E-9 : f32
    %max3A_1002 = vector.broadcast %max3A_1001 : f32 to vector<1x2048xf32>
    %max3A_1003 = arith.maximumf %add3A_988, %max3A_1002 : vector<1x2048xf32>
    %sqrt3A_1004 = math.sqrt %max3A_1003 : vector<1x2048xf32>
    %mul3A_1005 = arith.mulf %sqrt3A_992, %sqrt3A_992 : vector<1x2048xf32>
    %sub3A_1006 = arith.subf %add3A_954, %add3A_926 : vector<1x2048xf32>
    %sub3A_1007 = arith.subf %add3A_884, %add3A_940 : vector<1x2048xf32>
    %sub3A_1008 = arith.subf %add3A_898, %add3A_870 : vector<1x2048xf32>
    %sub3A_1009 = arith.subf %add3A_954, %add3A_926 : vector<1x2048xf32>
    %mul3A_1010 = arith.mulf %sqrt3A_996, %sqrt3A_996 : vector<1x2048xf32>
    %add3A_1011 = arith.addf %add3A_898, %add3A_870 : vector<1x2048xf32>
    %add3A_1012 = arith.addf %add3A_884, %add3A_940 : vector<1x2048xf32>
    %sub3A_1013 = arith.subf %add3A_884, %add3A_940 : vector<1x2048xf32>
    %add3A_1014 = arith.addf %add3A_898, %add3A_870 : vector<1x2048xf32>
    %mul3A_1015 = arith.mulf %sqrt3A_1000, %sqrt3A_1000 : vector<1x2048xf32>
    %add3A_1016 = arith.addf %add3A_926, %add3A_954 : vector<1x2048xf32>
    %sub3A_1017 = arith.subf %add3A_898, %add3A_870 : vector<1x2048xf32>
    %add3A_1018 = arith.addf %add3A_940, %add3A_884 : vector<1x2048xf32>
    %add3A_1019 = arith.addf %add3A_954, %add3A_926 : vector<1x2048xf32>
    %mul3A_1020 = arith.mulf %sqrt3A_1004, %sqrt3A_1004 : vector<1x2048xf32>
    %max3A_1021 = arith.maximumf %sqrt3A_992, %sqrt3A_996 : vector<1x2048xf32>
    %max3A_1022 = arith.maximumf %sqrt3A_1000, %sqrt3A_1004 : vector<1x2048xf32>
    %max3A_1023 = arith.maximumf %max3A_1021, %max3A_1022 : vector<1x2048xf32>
    %ge3A_1024 = arith.cmpf oge, %sqrt3A_992, %max3A_1023 : vector<1x2048xf32>
    %convert_element_type3A_1025 = arith.extui %ge3A_1024 : vector<1x2048xi1> to vector<1x2048xi32>
    %convert_element_type3A_1026 = arith.sitofp %convert_element_type3A_1025 : vector<1x2048xi32> to vector<1x2048xf32>
    %ge3A_1027 = arith.cmpf oge, %sqrt3A_996, %max3A_1023 : vector<1x2048xf32>
    %convert_element_type3A_1028 = arith.extui %ge3A_1027 : vector<1x2048xi1> to vector<1x2048xi32>
    %convert_element_type3A_1029 = arith.sitofp %convert_element_type3A_1028 : vector<1x2048xi32> to vector<1x2048xf32>
    %ge3A_1030 = arith.cmpf oge, %sqrt3A_1000, %max3A_1023 : vector<1x2048xf32>
    %convert_element_type3A_1031 = arith.extui %ge3A_1030 : vector<1x2048xi1> to vector<1x2048xi32>
    %convert_element_type3A_1032 = arith.sitofp %convert_element_type3A_1031 : vector<1x2048xi32> to vector<1x2048xf32>
    %ge3A_1033 = arith.cmpf oge, %sqrt3A_1004, %max3A_1023 : vector<1x2048xf32>
    %convert_element_type3A_1034 = arith.extui %ge3A_1033 : vector<1x2048xi1> to vector<1x2048xi32>
    %convert_element_type3A_1035 = arith.sitofp %convert_element_type3A_1034 : vector<1x2048xi32> to vector<1x2048xf32>
    %sub3A_1036 = arith.constant 1.000000e+00 : f32
    %sub3A_1037 = vector.broadcast %sub3A_1036 : f32 to vector<1x2048xf32>
    %sub3A_1038 = arith.subf %sub3A_1037, %convert_element_type3A_1026 : vector<1x2048xf32>
    %mul3A_1039 = arith.mulf %convert_element_type3A_1029, %sub3A_1038 : vector<1x2048xf32>
    %sub3A_1040 = arith.constant 1.000000e+00 : f32
    %sub3A_1041 = vector.broadcast %sub3A_1040 : f32 to vector<1x2048xf32>
    %sub3A_1042 = arith.subf %sub3A_1041, %convert_element_type3A_1026 : vector<1x2048xf32>
    %mul3A_1043 = arith.mulf %convert_element_type3A_1032, %sub3A_1042 : vector<1x2048xf32>
    %sub3A_1044 = arith.constant 1.000000e+00 : f32
    %sub3A_1045 = vector.broadcast %sub3A_1044 : f32 to vector<1x2048xf32>
    %sub3A_1046 = arith.subf %sub3A_1045, %convert_element_type3A_1029 : vector<1x2048xf32>
    %mul3A_1047 = arith.mulf %mul3A_1043, %sub3A_1046 : vector<1x2048xf32>
    %sub3A_1048 = arith.constant 1.000000e+00 : f32
    %sub3A_1049 = vector.broadcast %sub3A_1048 : f32 to vector<1x2048xf32>
    %sub3A_1050 = arith.subf %sub3A_1049, %convert_element_type3A_1026 : vector<1x2048xf32>
    %mul3A_1051 = arith.mulf %convert_element_type3A_1035, %sub3A_1050 : vector<1x2048xf32>
    %sub3A_1052 = arith.constant 1.000000e+00 : f32
    %sub3A_1053 = vector.broadcast %sub3A_1052 : f32 to vector<1x2048xf32>
    %sub3A_1054 = arith.subf %sub3A_1053, %convert_element_type3A_1029 : vector<1x2048xf32>
    %mul3A_1055 = arith.mulf %mul3A_1051, %sub3A_1054 : vector<1x2048xf32>
    %sub3A_1056 = arith.constant 1.000000e+00 : f32
    %sub3A_1057 = vector.broadcast %sub3A_1056 : f32 to vector<1x2048xf32>
    %sub3A_1058 = arith.subf %sub3A_1057, %convert_element_type3A_1032 : vector<1x2048xf32>
    %mul3A_1059 = arith.mulf %mul3A_1055, %sub3A_1058 : vector<1x2048xf32>
    %mul3A_1060 = arith.mulf %convert_element_type3A_1026, %mul3A_1005 : vector<1x2048xf32>
    %mul3A_1061 = arith.mulf %mul3A_1039, %sub3A_1009 : vector<1x2048xf32>
    %add3A_1062 = arith.addf %mul3A_1060, %mul3A_1061 : vector<1x2048xf32>
    %mul3A_1063 = arith.mulf %mul3A_1047, %sub3A_1013 : vector<1x2048xf32>
    %add3A_1064 = arith.addf %add3A_1062, %mul3A_1063 : vector<1x2048xf32>
    %mul3A_1065 = arith.mulf %mul3A_1059, %sub3A_1017 : vector<1x2048xf32>
    %add3A_1066 = arith.addf %add3A_1064, %mul3A_1065 : vector<1x2048xf32>
    %max3A_1067 = arith.constant 1.000000e-01 : f32
    %max3A_1068 = vector.broadcast %max3A_1067 : f32 to vector<1x2048xf32>
    %max3A_1069 = arith.maximumf %sqrt3A_992, %max3A_1068 : vector<1x2048xf32>
    %mul3A_1070 = arith.constant 2.000000e+00 : f32
    %mul3A_1071 = vector.broadcast %mul3A_1070 : f32 to vector<1x2048xf32>
    %mul3A_1072 = arith.mulf %mul3A_1071, %max3A_1069 : vector<1x2048xf32>
    %mul3A_1073 = arith.mulf %convert_element_type3A_1026, %mul3A_1072 : vector<1x2048xf32>
    %max3A_1074 = arith.constant 1.000000e-01 : f32
    %max3A_1075 = vector.broadcast %max3A_1074 : f32 to vector<1x2048xf32>
    %max3A_1076 = arith.maximumf %sqrt3A_996, %max3A_1075 : vector<1x2048xf32>
    %mul3A_1077 = arith.constant 2.000000e+00 : f32
    %mul3A_1078 = vector.broadcast %mul3A_1077 : f32 to vector<1x2048xf32>
    %mul3A_1079 = arith.mulf %mul3A_1078, %max3A_1076 : vector<1x2048xf32>
    %mul3A_1080 = arith.mulf %mul3A_1039, %mul3A_1079 : vector<1x2048xf32>
    %add3A_1081 = arith.addf %mul3A_1073, %mul3A_1080 : vector<1x2048xf32>
    %max3A_1082 = arith.constant 1.000000e-01 : f32
    %max3A_1083 = vector.broadcast %max3A_1082 : f32 to vector<1x2048xf32>
    %max3A_1084 = arith.maximumf %sqrt3A_1000, %max3A_1083 : vector<1x2048xf32>
    %mul3A_1085 = arith.constant 2.000000e+00 : f32
    %mul3A_1086 = vector.broadcast %mul3A_1085 : f32 to vector<1x2048xf32>
    %mul3A_1087 = arith.mulf %mul3A_1086, %max3A_1084 : vector<1x2048xf32>
    %mul3A_1088 = arith.mulf %mul3A_1047, %mul3A_1087 : vector<1x2048xf32>
    %add3A_1089 = arith.addf %add3A_1081, %mul3A_1088 : vector<1x2048xf32>
    %max3A_1090 = arith.constant 1.000000e-01 : f32
    %max3A_1091 = vector.broadcast %max3A_1090 : f32 to vector<1x2048xf32>
    %max3A_1092 = arith.maximumf %sqrt3A_1004, %max3A_1091 : vector<1x2048xf32>
    %mul3A_1093 = arith.constant 2.000000e+00 : f32
    %mul3A_1094 = vector.broadcast %mul3A_1093 : f32 to vector<1x2048xf32>
    %mul3A_1095 = arith.mulf %mul3A_1094, %max3A_1092 : vector<1x2048xf32>
    %mul3A_1096 = arith.mulf %mul3A_1059, %mul3A_1095 : vector<1x2048xf32>
    %add3A_1097 = arith.addf %add3A_1089, %mul3A_1096 : vector<1x2048xf32>
    %div3A_1098 = arith.divf %add3A_1066, %add3A_1097 : vector<1x2048xf32>
    %mul3A_1099 = arith.mulf %convert_element_type3A_1026, %sub3A_1006 : vector<1x2048xf32>
    %mul3A_1100 = arith.mulf %mul3A_1039, %mul3A_1010 : vector<1x2048xf32>
    %add3A_1101 = arith.addf %mul3A_1099, %mul3A_1100 : vector<1x2048xf32>
    %mul3A_1102 = arith.mulf %mul3A_1047, %add3A_1014 : vector<1x2048xf32>
    %add3A_1103 = arith.addf %add3A_1101, %mul3A_1102 : vector<1x2048xf32>
    %mul3A_1104 = arith.mulf %mul3A_1059, %add3A_1018 : vector<1x2048xf32>
    %add3A_1105 = arith.addf %add3A_1103, %mul3A_1104 : vector<1x2048xf32>
    %max3A_1106 = arith.constant 1.000000e-01 : f32
    %max3A_1107 = vector.broadcast %max3A_1106 : f32 to vector<1x2048xf32>
    %max3A_1108 = arith.maximumf %sqrt3A_992, %max3A_1107 : vector<1x2048xf32>
    %mul3A_1109 = arith.constant 2.000000e+00 : f32
    %mul3A_1110 = vector.broadcast %mul3A_1109 : f32 to vector<1x2048xf32>
    %mul3A_1111 = arith.mulf %mul3A_1110, %max3A_1108 : vector<1x2048xf32>
    %mul3A_1112 = arith.mulf %convert_element_type3A_1026, %mul3A_1111 : vector<1x2048xf32>
    %max3A_1113 = arith.constant 1.000000e-01 : f32
    %max3A_1114 = vector.broadcast %max3A_1113 : f32 to vector<1x2048xf32>
    %max3A_1115 = arith.maximumf %sqrt3A_996, %max3A_1114 : vector<1x2048xf32>
    %mul3A_1116 = arith.constant 2.000000e+00 : f32
    %mul3A_1117 = vector.broadcast %mul3A_1116 : f32 to vector<1x2048xf32>
    %mul3A_1118 = arith.mulf %mul3A_1117, %max3A_1115 : vector<1x2048xf32>
    %mul3A_1119 = arith.mulf %mul3A_1039, %mul3A_1118 : vector<1x2048xf32>
    %add3A_1120 = arith.addf %mul3A_1112, %mul3A_1119 : vector<1x2048xf32>
    %max3A_1121 = arith.constant 1.000000e-01 : f32
    %max3A_1122 = vector.broadcast %max3A_1121 : f32 to vector<1x2048xf32>
    %max3A_1123 = arith.maximumf %sqrt3A_1000, %max3A_1122 : vector<1x2048xf32>
    %mul3A_1124 = arith.constant 2.000000e+00 : f32
    %mul3A_1125 = vector.broadcast %mul3A_1124 : f32 to vector<1x2048xf32>
    %mul3A_1126 = arith.mulf %mul3A_1125, %max3A_1123 : vector<1x2048xf32>
    %mul3A_1127 = arith.mulf %mul3A_1047, %mul3A_1126 : vector<1x2048xf32>
    %add3A_1128 = arith.addf %add3A_1120, %mul3A_1127 : vector<1x2048xf32>
    %max3A_1129 = arith.constant 1.000000e-01 : f32
    %max3A_1130 = vector.broadcast %max3A_1129 : f32 to vector<1x2048xf32>
    %max3A_1131 = arith.maximumf %sqrt3A_1004, %max3A_1130 : vector<1x2048xf32>
    %mul3A_1132 = arith.constant 2.000000e+00 : f32
    %mul3A_1133 = vector.broadcast %mul3A_1132 : f32 to vector<1x2048xf32>
    %mul3A_1134 = arith.mulf %mul3A_1133, %max3A_1131 : vector<1x2048xf32>
    %mul3A_1135 = arith.mulf %mul3A_1059, %mul3A_1134 : vector<1x2048xf32>
    %add3A_1136 = arith.addf %add3A_1128, %mul3A_1135 : vector<1x2048xf32>
    %div3A_1137 = arith.divf %add3A_1105, %add3A_1136 : vector<1x2048xf32>
    %mul3A_1138 = arith.mulf %convert_element_type3A_1026, %sub3A_1007 : vector<1x2048xf32>
    %mul3A_1139 = arith.mulf %mul3A_1039, %add3A_1011 : vector<1x2048xf32>
    %add3A_1140 = arith.addf %mul3A_1138, %mul3A_1139 : vector<1x2048xf32>
    %mul3A_1141 = arith.mulf %mul3A_1047, %mul3A_1015 : vector<1x2048xf32>
    %add3A_1142 = arith.addf %add3A_1140, %mul3A_1141 : vector<1x2048xf32>
    %mul3A_1143 = arith.mulf %mul3A_1059, %add3A_1019 : vector<1x2048xf32>
    %add3A_1144 = arith.addf %add3A_1142, %mul3A_1143 : vector<1x2048xf32>
    %max3A_1145 = arith.constant 1.000000e-01 : f32
    %max3A_1146 = vector.broadcast %max3A_1145 : f32 to vector<1x2048xf32>
    %max3A_1147 = arith.maximumf %sqrt3A_992, %max3A_1146 : vector<1x2048xf32>
    %mul3A_1148 = arith.constant 2.000000e+00 : f32
    %mul3A_1149 = vector.broadcast %mul3A_1148 : f32 to vector<1x2048xf32>
    %mul3A_1150 = arith.mulf %mul3A_1149, %max3A_1147 : vector<1x2048xf32>
    %mul3A_1151 = arith.mulf %convert_element_type3A_1026, %mul3A_1150 : vector<1x2048xf32>
    %max3A_1152 = arith.constant 1.000000e-01 : f32
    %max3A_1153 = vector.broadcast %max3A_1152 : f32 to vector<1x2048xf32>
    %max3A_1154 = arith.maximumf %sqrt3A_996, %max3A_1153 : vector<1x2048xf32>
    %mul3A_1155 = arith.constant 2.000000e+00 : f32
    %mul3A_1156 = vector.broadcast %mul3A_1155 : f32 to vector<1x2048xf32>
    %mul3A_1157 = arith.mulf %mul3A_1156, %max3A_1154 : vector<1x2048xf32>
    %mul3A_1158 = arith.mulf %mul3A_1039, %mul3A_1157 : vector<1x2048xf32>
    %add3A_1159 = arith.addf %mul3A_1151, %mul3A_1158 : vector<1x2048xf32>
    %max3A_1160 = arith.constant 1.000000e-01 : f32
    %max3A_1161 = vector.broadcast %max3A_1160 : f32 to vector<1x2048xf32>
    %max3A_1162 = arith.maximumf %sqrt3A_1000, %max3A_1161 : vector<1x2048xf32>
    %mul3A_1163 = arith.constant 2.000000e+00 : f32
    %mul3A_1164 = vector.broadcast %mul3A_1163 : f32 to vector<1x2048xf32>
    %mul3A_1165 = arith.mulf %mul3A_1164, %max3A_1162 : vector<1x2048xf32>
    %mul3A_1166 = arith.mulf %mul3A_1047, %mul3A_1165 : vector<1x2048xf32>
    %add3A_1167 = arith.addf %add3A_1159, %mul3A_1166 : vector<1x2048xf32>
    %max3A_1168 = arith.constant 1.000000e-01 : f32
    %max3A_1169 = vector.broadcast %max3A_1168 : f32 to vector<1x2048xf32>
    %max3A_1170 = arith.maximumf %sqrt3A_1004, %max3A_1169 : vector<1x2048xf32>
    %mul3A_1171 = arith.constant 2.000000e+00 : f32
    %mul3A_1172 = vector.broadcast %mul3A_1171 : f32 to vector<1x2048xf32>
    %mul3A_1173 = arith.mulf %mul3A_1172, %max3A_1170 : vector<1x2048xf32>
    %mul3A_1174 = arith.mulf %mul3A_1059, %mul3A_1173 : vector<1x2048xf32>
    %add3A_1175 = arith.addf %add3A_1167, %mul3A_1174 : vector<1x2048xf32>
    %div3A_1176 = arith.divf %add3A_1144, %add3A_1175 : vector<1x2048xf32>
    %mul3A_1177 = arith.mulf %convert_element_type3A_1026, %sub3A_1008 : vector<1x2048xf32>
    %mul3A_1178 = arith.mulf %mul3A_1039, %add3A_1012 : vector<1x2048xf32>
    %add3A_1179 = arith.addf %mul3A_1177, %mul3A_1178 : vector<1x2048xf32>
    %mul3A_1180 = arith.mulf %mul3A_1047, %add3A_1016 : vector<1x2048xf32>
    %add3A_1181 = arith.addf %add3A_1179, %mul3A_1180 : vector<1x2048xf32>
    %mul3A_1182 = arith.mulf %mul3A_1059, %mul3A_1020 : vector<1x2048xf32>
    %add3A_1183 = arith.addf %add3A_1181, %mul3A_1182 : vector<1x2048xf32>
    %max3A_1184 = arith.constant 1.000000e-01 : f32
    %max3A_1185 = vector.broadcast %max3A_1184 : f32 to vector<1x2048xf32>
    %max3A_1186 = arith.maximumf %sqrt3A_992, %max3A_1185 : vector<1x2048xf32>
    %mul3A_1187 = arith.constant 2.000000e+00 : f32
    %mul3A_1188 = vector.broadcast %mul3A_1187 : f32 to vector<1x2048xf32>
    %mul3A_1189 = arith.mulf %mul3A_1188, %max3A_1186 : vector<1x2048xf32>
    %mul3A_1190 = arith.mulf %convert_element_type3A_1026, %mul3A_1189 : vector<1x2048xf32>
    %max3A_1191 = arith.constant 1.000000e-01 : f32
    %max3A_1192 = vector.broadcast %max3A_1191 : f32 to vector<1x2048xf32>
    %max3A_1193 = arith.maximumf %sqrt3A_996, %max3A_1192 : vector<1x2048xf32>
    %mul3A_1194 = arith.constant 2.000000e+00 : f32
    %mul3A_1195 = vector.broadcast %mul3A_1194 : f32 to vector<1x2048xf32>
    %mul3A_1196 = arith.mulf %mul3A_1195, %max3A_1193 : vector<1x2048xf32>
    %mul3A_1197 = arith.mulf %mul3A_1039, %mul3A_1196 : vector<1x2048xf32>
    %add3A_1198 = arith.addf %mul3A_1190, %mul3A_1197 : vector<1x2048xf32>
    %max3A_1199 = arith.constant 1.000000e-01 : f32
    %max3A_1200 = vector.broadcast %max3A_1199 : f32 to vector<1x2048xf32>
    %max3A_1201 = arith.maximumf %sqrt3A_1000, %max3A_1200 : vector<1x2048xf32>
    %mul3A_1202 = arith.constant 2.000000e+00 : f32
    %mul3A_1203 = vector.broadcast %mul3A_1202 : f32 to vector<1x2048xf32>
    %mul3A_1204 = arith.mulf %mul3A_1203, %max3A_1201 : vector<1x2048xf32>
    %mul3A_1205 = arith.mulf %mul3A_1047, %mul3A_1204 : vector<1x2048xf32>
    %add3A_1206 = arith.addf %add3A_1198, %mul3A_1205 : vector<1x2048xf32>
    %max3A_1207 = arith.constant 1.000000e-01 : f32
    %max3A_1208 = vector.broadcast %max3A_1207 : f32 to vector<1x2048xf32>
    %max3A_1209 = arith.maximumf %sqrt3A_1004, %max3A_1208 : vector<1x2048xf32>
    %mul3A_1210 = arith.constant 2.000000e+00 : f32
    %mul3A_1211 = vector.broadcast %mul3A_1210 : f32 to vector<1x2048xf32>
    %mul3A_1212 = arith.mulf %mul3A_1211, %max3A_1209 : vector<1x2048xf32>
    %mul3A_1213 = arith.mulf %mul3A_1059, %mul3A_1212 : vector<1x2048xf32>
    %add3A_1214 = arith.addf %add3A_1206, %mul3A_1213 : vector<1x2048xf32>
    %div3A_1215 = arith.divf %add3A_1183, %add3A_1214 : vector<1x2048xf32>
    %concatenate3A_1216 = tpu.concatenate %div3A_1098, %div3A_1137, %div3A_1176, %div3A_1215 in 0 : vector<1x2048xf32>, vector<1x2048xf32>, vector<1x2048xf32>, vector<1x2048xf32> -> vector<4x2048xf32>
    %broadcast_in_dim3A_1217 = arith.constant 0.000000e+00 : f32
    %broadcast_in_dim3A_1218 = vector.broadcast %broadcast_in_dim3A_1217 : f32 to vector<5x2048xf32>
    %concatenate3A_1219 = tpu.concatenate %add3A_771, %add3A_726, %mul3A_748, %concatenate3A_1216, %logistic3A_759, %broadcast_in_dim3A_1218 in 0 : vector<3x2048xf32>, vector<32x2048xf32>, vector<3x2048xf32>, vector<4x2048xf32>, vector<1x2048xf32>, vector<5x2048xf32> -> vector<48x2048xf32>
    %transpose3A_1220 = tpu.transpose %concatenate3A_1219, [1, 0] : vector<48x2048xf32> -> vector<2048x48xf32>
    %swap3A_1221 = arith.constant 0 : index
    %swap3A_1222 = arith.constant 48 : index
    %swap3A_1223 = vector.load %arg34[%swap3A_1221, %swap3A_1222] : memref<2048x128xf32, #tpu.memory_space<vmem>>, vector<2048x48xf32>
    tpu.vector_store %arg34[%swap3A_1221, %swap3A_1222], %transpose3A_1220 {strides = array<i32>} : memref<2048x128xf32, #tpu.memory_space<vmem>>, vector<2048x48xf32>,
    %broadcast_in_dim3A_1224 = arith.constant 0.000000e+00 : f32
    %broadcast_in_dim3A_1225 = vector.broadcast %broadcast_in_dim3A_1224 : f32 to vector<2048x32xf32>
    %swap3A_1226 = arith.constant 0 : index
    %swap3A_1227 = arith.constant 96 : index
    %swap3A_1228 = vector.load %arg34[%swap3A_1226, %swap3A_1227] : memref<2048x128xf32, #tpu.memory_space<vmem>>, vector<2048x32xf32>
    tpu.vector_store %arg34[%swap3A_1226, %swap3A_1227], %broadcast_in_dim3A_1225 {strides = array<i32>} : memref<2048x128xf32, #tpu.memory_space<vmem>>, vector<2048x32xf32>,
    return
  }
  func.func @transform_0(%arg0: i32, %arg1: memref<1xi32, #tpu.memory_space<smem>>) -> (i32, i32) {
    %c0_i32 = arith.constant 0 : i32
    %c0_i32_0 = arith.constant 0 : i32
    return %arg0, %c0_i32 : i32, i32
  }
  func.func @transform_1(%arg0: i32, %arg1: memref<1xi32, #tpu.memory_space<smem>>) -> (i32, i32) {
    %c0_i32 = arith.constant 0 : i32
    %c0_i32_0 = arith.constant 0 : i32
    return %arg0, %c0_i32 : i32, i32
  }
  func.func @transform_2(%arg0: i32, %arg1: memref<1xi32, #tpu.memory_space<smem>>) -> (i32, i32) {
    %c0_i32 = arith.constant 0 : i32
    %c0_i32_0 = arith.constant 0 : i32
    %c0_i32_1 = arith.constant 0 : i32
    return %c0_i32, %c0_i32_0 : i32, i32
  }
  func.func @transform_3(%arg0: i32, %arg1: memref<1xi32, #tpu.memory_space<smem>>) -> (i32, i32) {
    %c0_i32 = arith.constant 0 : i32
    %c0_i32_0 = arith.constant 0 : i32
    %c0_i32_1 = arith.constant 0 : i32
    return %c0_i32, %c0_i32_0 : i32, i32
  }
  func.func @transform_4(%arg0: i32, %arg1: memref<1xi32, #tpu.memory_space<smem>>) -> (i32, i32) {
    %c0_i32 = arith.constant 0 : i32
    %c0_i32_0 = arith.constant 0 : i32
    %c0_i32_1 = arith.constant 0 : i32
    return %c0_i32, %c0_i32_0 : i32, i32
  }
  func.func @transform_5(%arg0: i32, %arg1: memref<1xi32, #tpu.memory_space<smem>>) -> (i32, i32) {
    %c0_i32 = arith.constant 0 : i32
    %c0_i32_0 = arith.constant 0 : i32
    %c0_i32_1 = arith.constant 0 : i32
    return %c0_i32, %c0_i32_0 : i32, i32
  }
  func.func @transform_6(%arg0: i32, %arg1: memref<1xi32, #tpu.memory_space<smem>>) -> (i32, i32) {
    %c0_i32 = arith.constant 0 : i32
    %c0_i32_0 = arith.constant 0 : i32
    %c0_i32_1 = arith.constant 0 : i32
    return %c0_i32, %c0_i32_0 : i32, i32
  }
  func.func @transform_7(%arg0: i32, %arg1: memref<1xi32, #tpu.memory_space<smem>>) -> (i32, i32) {
    %c0_i32 = arith.constant 0 : i32
    %c0_i32_0 = arith.constant 0 : i32
    %c0_i32_1 = arith.constant 0 : i32
    return %c0_i32, %c0_i32_0 : i32, i32
  }
  func.func @transform_8(%arg0: i32, %arg1: memref<1xi32, #tpu.memory_space<smem>>) -> (i32, i32) {
    %c0_i32 = arith.constant 0 : i32
    %c0_i32_0 = arith.constant 0 : i32
    %c0_i32_1 = arith.constant 0 : i32
    return %c0_i32, %c0_i32_0 : i32, i32
  }
  func.func @transform_9(%arg0: i32, %arg1: memref<1xi32, #tpu.memory_space<smem>>) -> (i32, i32) {
    %c0_i32 = arith.constant 0 : i32
    %c0_i32_0 = arith.constant 0 : i32
    %c0_i32_1 = arith.constant 0 : i32
    return %c0_i32, %c0_i32_0 : i32, i32
  }
  func.func @transform_10(%arg0: i32, %arg1: memref<1xi32, #tpu.memory_space<smem>>) -> (i32, i32) {
    %c0_i32 = arith.constant 0 : i32
    %c0_i32_0 = arith.constant 0 : i32
    %c0_i32_1 = arith.constant 0 : i32
    return %c0_i32, %c0_i32_0 : i32, i32
  }
  func.func @transform_11(%arg0: i32, %arg1: memref<1xi32, #tpu.memory_space<smem>>) -> (i32, i32) {
    %c0_i32 = arith.constant 0 : i32
    %c0_i32_0 = arith.constant 0 : i32
    %c0_i32_1 = arith.constant 0 : i32
    return %c0_i32, %c0_i32_0 : i32, i32
  }
  func.func @transform_12(%arg0: i32, %arg1: memref<1xi32, #tpu.memory_space<smem>>) -> (i32, i32) {
    %c0_i32 = arith.constant 0 : i32
    %c0_i32_0 = arith.constant 0 : i32
    %c0_i32_1 = arith.constant 0 : i32
    return %c0_i32, %c0_i32_0 : i32, i32
  }
  func.func @transform_13(%arg0: i32, %arg1: memref<1xi32, #tpu.memory_space<smem>>) -> (i32, i32) {
    %c0_i32 = arith.constant 0 : i32
    %c0_i32_0 = arith.constant 0 : i32
    %c0_i32_1 = arith.constant 0 : i32
    return %c0_i32, %c0_i32_0 : i32, i32
  }
  func.func @transform_14(%arg0: i32, %arg1: memref<1xi32, #tpu.memory_space<smem>>) -> (i32, i32) {
    %c0_i32 = arith.constant 0 : i32
    %c0_i32_0 = arith.constant 0 : i32
    %c0_i32_1 = arith.constant 0 : i32
    return %c0_i32, %c0_i32_0 : i32, i32
  }
  func.func @transform_15(%arg0: i32, %arg1: memref<1xi32, #tpu.memory_space<smem>>) -> (i32, i32) {
    %c0_i32 = arith.constant 0 : i32
    %c0_i32_0 = arith.constant 0 : i32
    %c0_i32_1 = arith.constant 0 : i32
    return %c0_i32, %c0_i32_0 : i32, i32
  }
  func.func @transform_16(%arg0: i32, %arg1: memref<1xi32, #tpu.memory_space<smem>>) -> (i32, i32) {
    %c0_i32 = arith.constant 0 : i32
    %c0_i32_0 = arith.constant 0 : i32
    %c0_i32_1 = arith.constant 0 : i32
    return %c0_i32, %c0_i32_0 : i32, i32
  }
  func.func @transform_17(%arg0: i32, %arg1: memref<1xi32, #tpu.memory_space<smem>>) -> (i32, i32) {
    %c0_i32 = arith.constant 0 : i32
    %c0_i32_0 = arith.constant 0 : i32
    %c0_i32_1 = arith.constant 0 : i32
    return %c0_i32, %c0_i32_0 : i32, i32
  }
  func.func @transform_18(%arg0: i32, %arg1: memref<1xi32, #tpu.memory_space<smem>>) -> (i32, i32) {
    %c0_i32 = arith.constant 0 : i32
    %c0_i32_0 = arith.constant 0 : i32
    %c0_i32_1 = arith.constant 0 : i32
    return %c0_i32, %c0_i32_0 : i32, i32
  }
  func.func @transform_19(%arg0: i32, %arg1: memref<1xi32, #tpu.memory_space<smem>>) -> (i32, i32) {
    %c0_i32 = arith.constant 0 : i32
    %c0_i32_0 = arith.constant 0 : i32
    %c0_i32_1 = arith.constant 0 : i32
    return %c0_i32, %c0_i32_0 : i32, i32
  }
  func.func @transform_20(%arg0: i32, %arg1: memref<1xi32, #tpu.memory_space<smem>>) -> (i32, i32) {
    %c0_i32 = arith.constant 0 : i32
    %c0_i32_0 = arith.constant 0 : i32
    %c0_i32_1 = arith.constant 0 : i32
    return %c0_i32, %c0_i32_0 : i32, i32
  }
  func.func @transform_21(%arg0: i32, %arg1: memref<1xi32, #tpu.memory_space<smem>>) -> (i32, i32) {
    %c0_i32 = arith.constant 0 : i32
    %c0_i32_0 = arith.constant 0 : i32
    %c0_i32_1 = arith.constant 0 : i32
    return %c0_i32, %c0_i32_0 : i32, i32
  }
  func.func @transform_22(%arg0: i32, %arg1: memref<1xi32, #tpu.memory_space<smem>>) -> (i32, i32) {
    %c0_i32 = arith.constant 0 : i32
    %c0_i32_0 = arith.constant 0 : i32
    %c0_i32_1 = arith.constant 0 : i32
    return %c0_i32, %c0_i32_0 : i32, i32
  }
  func.func @transform_23(%arg0: i32, %arg1: memref<1xi32, #tpu.memory_space<smem>>) -> (i32, i32) {
    %c0_i32 = arith.constant 0 : i32
    %c0_i32_0 = arith.constant 0 : i32
    %c0_i32_1 = arith.constant 0 : i32
    return %c0_i32, %c0_i32_0 : i32, i32
  }
  func.func @transform_24(%arg0: i32, %arg1: memref<1xi32, #tpu.memory_space<smem>>) -> (i32, i32) {
    %c0_i32 = arith.constant 0 : i32
    %c0_i32_0 = arith.constant 0 : i32
    %c0_i32_1 = arith.constant 0 : i32
    return %c0_i32, %c0_i32_0 : i32, i32
  }
  func.func @transform_25(%arg0: i32, %arg1: memref<1xi32, #tpu.memory_space<smem>>) -> (i32, i32) {
    %c0_i32 = arith.constant 0 : i32
    %c0_i32_0 = arith.constant 0 : i32
    %c0_i32_1 = arith.constant 0 : i32
    return %c0_i32, %c0_i32_0 : i32, i32
  }
  func.func @transform_26(%arg0: i32, %arg1: memref<1xi32, #tpu.memory_space<smem>>) -> (i32, i32) {
    %c0_i32 = arith.constant 0 : i32
    %c0_i32_0 = arith.constant 0 : i32
    %c0_i32_1 = arith.constant 0 : i32
    return %c0_i32, %c0_i32_0 : i32, i32
  }
  func.func @transform_27(%arg0: i32, %arg1: memref<1xi32, #tpu.memory_space<smem>>) -> (i32, i32) {
    %c0_i32 = arith.constant 0 : i32
    %c0_i32_0 = arith.constant 0 : i32
    %c0_i32_1 = arith.constant 0 : i32
    return %c0_i32, %c0_i32_0 : i32, i32
  }
  func.func @transform_28(%arg0: i32, %arg1: memref<1xi32, #tpu.memory_space<smem>>) -> (i32, i32) {
    %c0_i32 = arith.constant 0 : i32
    %c0_i32_0 = arith.constant 0 : i32
    %c0_i32_1 = arith.constant 0 : i32
    return %c0_i32, %c0_i32_0 : i32, i32
  }
  func.func @transform_29(%arg0: i32, %arg1: memref<1xi32, #tpu.memory_space<smem>>) -> (i32, i32) {
    %c0_i32 = arith.constant 0 : i32
    %c0_i32_0 = arith.constant 0 : i32
    %c0_i32_1 = arith.constant 0 : i32
    return %c0_i32, %c0_i32_0 : i32, i32
  }
  func.func @transform_30(%arg0: i32, %arg1: memref<1xi32, #tpu.memory_space<smem>>) -> (i32, i32) {
    %c0_i32 = arith.constant 0 : i32
    %c0_i32_0 = arith.constant 0 : i32
    %c0_i32_1 = arith.constant 0 : i32
    return %c0_i32, %c0_i32_0 : i32, i32
  }
  func.func @transform_31(%arg0: i32, %arg1: memref<1xi32, #tpu.memory_space<smem>>) -> (i32, i32) {
    %c0_i32 = arith.constant 0 : i32
    %c0_i32_0 = arith.constant 0 : i32
    %c0_i32_1 = arith.constant 0 : i32
    return %c0_i32, %c0_i32_0 : i32, i32
  }
  func.func @transform_32(%arg0: i32, %arg1: memref<1xi32, #tpu.memory_space<smem>>) -> (i32, i32) {
    %c0_i32 = arith.constant 0 : i32
    %c0_i32_0 = arith.constant 0 : i32
    return %arg0, %c0_i32 : i32, i32
  }
}

</mosaic_0001>

<sc_bundles>
// kernel: kernel.10.cloned.1.call-start
scs
__scs_entry_jumppad:
0x0: {  	(pc) =	sbr.rel $0x88, $3  }
0x1: {  	(tag) =	ssettag $0x0;
	lr =	simm.s32 $0x1  }
0x2: {  	[smem:$0x3F7A] =	sst lr;
	_ =	strace $0xD0000000  }
0x3: {  	_ = 	snop  }
0x4: {  	_ = 	snop  }
0x5: {  	_ = 	snop  }
0x6: {  	_ = 	snop  }
0x7: {  	_ = 	snop  }
__scs_overlays_trampoline_lowered:
0x8: {  	[smem:$0x3F89] =	sst s0  }
0x9: {  	[smem:$0x3F8A] =	sst s1  }
0xa: {  	[smem:$0x3F8B] =	sst s2  }
0xb: {  	[smem:$0x3F8C] =	sst s3  }
0xc: {  	[smem:$0x3F8D] =	sst s4  }
0xd: {  	[smem:$0x3F8E] =	sst s5  }
0xe: {  	[smem:$0x3F8F] =	sst s6  }
0xf: {  	[smem:$0x3F90] =	sst s7  }
0x10: {  	[smem:$0x3F91] =	sst s8  }
0x11: {  	[smem:$0x3F92] =	sst s9;
	s0 =	simm.s32 @!p0 $0x0  }
0x12: {  	s1 =	sld [smem:$0x3F78];
	s0 =	simm.s32 @p0 $0x1  }
0x13: {  	[smem:$0x3F93] =	sst s0;
	s0 =	simm.s32 @!p1 $0x0  }
0x14: {  	s2 =	sld [smem:$0x3F77];
	s0 =	simm.s32 @p1 $0x1  }
0x15: {  	[smem:$0x3F94] =	sst s0;
	s0 =	simm.s32 @!p2 $0x0  }
0x16: {  	s3 =	sld [smem:$0x3FDB];
	s0 =	simm.s32 @p2 $0x1  }
0x17: {  	s4 =	simm.s32 $0x1BF5;
	[smem:$0x3F96] =	sst s0  }
0x18: {  	s0 =	sld [smem:$0x3F79];
	_ =	swait.ge [sflag:s4], $0x0  }
0x19: {  	s7 =	sld [smem:$0x3F7A]  }
0x1a: {  	s8 =	sadd.s32 $0xFFFFE003, lr  }
0x1b: {  	s9 =	sadd.s32 $0xFFFFFEF7, lr;
	s5 =	simm.s32 $0xFFFFFFFF;
	p2 =	slt.u32 s8, $0xFFFFF086  }
0x1c: {  	p1 =	slt.u32 s9, $0xF7A;
	s5 =	simm.s32 @!p2 $0x0  }
0x1d: {  	s5 =	simm.s32 @p1 $0x1;
	p0 =	seq.s32 s7, s2  }
0x1e: {  	s7 =	smul.u32 @!p0 $0xF7A, s2;
	p2 =	seq.s32 @!p0 s5, $0x0  }
0x1f: {  	s9 =	smul.u32 $0xF7A, s1;
	s8 =	simm.s32 @!p0 $0x1BF5;
	p2 =	por !p2, p0  }
0x20: {  	[sflag:s8] =	ssyncset.s32 @!p0 $0xFFFFF086;
	s6 =	sadd.s32 @!p0 s3, s7;
	s7 =	simm.s32 @!p0 $0x108  }
0x21: {  	s3 =	sadd.s32 s3, s9;
	s6 =	sadd.s32 @!p0 $0x88, s6;
	s7 =	simm.s32 @p2 $0x1082  }
0x22: {  	[simem:s7], [sflag:s8] =	dma.local @!p0 [hbm:s6], $0xF7A  }
0x23: {  	s9 =	sor.u32 $0xD0000000, s2;
	s6 =	simm.s32 $0x108;
	_ =	swait.ge @!p0 [sflag:s8], $0x0  }
0x24: {  	s3 =	sadd.s32 $0x88, s3;
	s6 =	simm.s32 @!p1 $0x1082;
	[sflag:s4] =	ssyncset.s32 $0xFFFFF086  }
0x25: {  	[simem:s6], [sflag:s4] =	dma.local [hbm:s3], $0xF7A  }
0x26: {  	[smem:$0x3F7A] =	sst s1;
	(tag) =	ssettag s2;
	_ =	strace s9  }
0x27: {  	s1 =	sld [smem:$0x3F8A]  }
0x28: {  	s2 =	sld [smem:$0x3F8B]  }
0x29: {  	s4 =	sld [smem:$0x3F8D]  }
0x2a: {  	p0 =	seq.s32 s5, $0x0;
	s5 =	sld [smem:$0x3F8E]  }
0x2b: {  	s6 =	sld [smem:$0x3F8F]  }
0x2c: {  	s7 =	sld [smem:$0x3F90]  }
0x2d: {  	s3 =	simm.s32 $0x108;
	s8 =	sld [smem:$0x3F91]  }
0x2e: {  	s3 =	simm.s32 @!p0 $0x1082;
	s9 =	sld [smem:$0x3F92]  }
0x2f: {  	lr =	sadd.s32 s0, s3;
	s0 =	sld [smem:$0x3F89]  }
0x30: {  	s3 =	sld [smem:$0x3F8C]  }
0x31: {  	[smem:$0x3F95] =	sst s10  }
0x32: {  	s10 =	sld [smem:$0x3F93];
	_ =	sdelay $0x3  }
0x33: {  	p0 =	seq.s32 s10, $0x1;
	s10 =	sld [smem:$0x3F95];
	_ =	sdelay $0x3  }
0x34: {  	[smem:$0x3F95] =	sst s10  }
0x35: {  	s10 =	sld [smem:$0x3F94];
	_ =	sdelay $0x3  }
0x36: {  	p1 =	seq.s32 s10, $0x1;
	s10 =	sld [smem:$0x3F95];
	_ =	sdelay $0x3  }
0x37: {  	[smem:$0x3F95] =	sst s10  }
0x38: {  	s10 =	sld [smem:$0x3F96]  }
0x39: {  	_ = 	snop;
	(pc) =	sbr.ind lr, $3  }
0x3a: {  	_ = 	snop  }
0x3b: {  	_ = 	snop  }
0x3c: {  	p2 =	seq.s32 s10, $0x1;
	s10 =	sld [smem:$0x3F95]  }
0x3d: {  	_ =	shalt  }
0x3e: {  	_ =	shalt  }
0x3f: {  	_ =	shalt  }
0x40: {  	_ =	shalt  }
0x41: {  	_ =	shalt  }
0x42: {  	_ =	shalt  }
0x43: {  	_ =	shalt  }
0x44: {  	_ =	shalt  }
0x45: {  	_ =	shalt  }
0x46: {  	_ =	shalt  }
0x47: {  	_ =	shalt  }
0x48: {  	_ =	shalt  }
0x49: {  	_ =	shalt  }
0x4a: {  	_ =	shalt  }
0x4b: {  	_ =	shalt  }
0x4c: {  	_ =	shalt  }
0x4d: {  	_ =	shalt  }
0x4e: {  	_ =	shalt  }
0x4f: {  	_ =	shalt  }
0x50: {  	_ =	shalt  }
0x51: {  	_ =	shalt  }
0x52: {  	_ =	shalt  }
0x53: {  	_ =	shalt  }
0x54: {  	_ =	shalt  }
0x55: {  	_ =	shalt  }
0x56: {  	_ =	shalt  }
0x57: {  	_ =	shalt  }
0x58: {  	_ =	shalt  }
0x59: {  	_ =	shalt  }
0x5a: {  	_ =	shalt  }
0x5b: {  	_ =	shalt  }
0x5c: {  	_ =	shalt  }
0x5d: {  	_ =	shalt  }
0x5e: {  	_ =	shalt  }
0x5f: {  	_ =	shalt  }
0x60: {  	_ =	shalt  }
0x61: {  	_ =	shalt  }
0x62: {  	_ =	shalt  }
0x63: {  	_ =	shalt  }
0x64: {  	_ =	shalt  }
0x65: {  	_ =	shalt  }
0x66: {  	_ =	shalt  }
0x67: {  	_ =	shalt  }
0x68: {  	_ =	shalt  }
0x69: {  	_ =	shalt  }
0x6a: {  	_ =	shalt  }
0x6b: {  	_ =	shalt  }
0x6c: {  	_ =	shalt  }
0x6d: {  	_ =	shalt  }
0x6e: {  	_ =	shalt  }
0x6f: {  	_ =	shalt  }
0x70: {  	_ =	shalt  }
0x71: {  	_ =	shalt  }
0x72: {  	_ =	shalt  }
0x73: {  	_ =	shalt  }
0x74: {  	_ =	shalt  }
0x75: {  	_ =	shalt  }
0x76: {  	_ =	shalt  }
0x77: {  	_ =	shalt  }
0x78: {  	_ =	shalt  }
0x79: {  	_ =	shalt  }
0x7a: {  	_ =	shalt  }
0x7b: {  	_ =	shalt  }
0x7c: {  	_ =	shalt  }
0x7d: {  	_ =	shalt  }
0x7e: {  	_ =	shalt  }
0x7f: {  	_ =	shalt  }
0x80: {  	_ =	shalt  }
0x81: {  	_ =	shalt  }
0x82: {  	_ =	shalt  }
0x83: {  	_ =	shalt  }
0x84: {  	_ =	shalt  }
0x85: {  	_ =	shalt  }
0x86: {  	_ =	shalt  }
0x87: {  	_ =	shalt  }
.Lfunc_end0:
.L_simem_size_0:
called_computation.1_lowered:
.L_overlay_start_0:
0x88: {  	s2 =	sld [smem:$0x3FD9]  }
0x89: {  	s3 =	sld [smem:$0x3FFE];
	_ =	sdelay $0x1  }
0x8a: {  	s1 =	srdreg.scid  }
0x8b: {  	s0 =	sand.u32 $0x1, s1  }
0x8c: {  	s14 =	sshll.u32 s0, $0xA;
	s2 =	sadd.s32 s3, s2  }
0x8d: {  	s2 =	sadd.s32 s2, s14  }
0x8e: {  	[smem:$0x3FA1] =	sst s2  }
0x8f: {  	_ = 	snop  }
0x90: {  	s2 =	sld [smem:$0x3FD0];
	_ =	sdelay $0x2  }
0x91: {  	s15 =	simm.s32 $0xA;
	s4 =	simm.s32 $0x10  }
0x92: {  	[smem:s4], [sflag:s15] =	dma.local [hbm:s2], $0x1  }
0x93: {  	_ =	swait.eq [sflag:s15], $0x1  }
0x94: {  	[sflag:s15] =	ssyncset.done $0x0  }
0x95: {  	[sflag:s15] =	ssyncadd.s32 $0xFFFFFFFF  }
0x96: {  	s16 =	sld [smem:$0x12];
	(tm) =	ssettm $0x1  }
0x97: {  	s17 =	sld [smem:$0x3FFB];
	_ =	sdelay $0x3  }
0x98: {  	_ =	strace s17  }
0x99: {  	s3 =	sld [smem:$0x3FFC];
	_ =	sdelay $0x3  }
0x9a: {  	_ =	strace s3  }
0x9b: {  	s3 =	sld [smem:$0x3FFD];
	_ =	sdelay $0x3  }
0x9c: {  	_ =	strace s3  }
0x9d: {  	_ =	strace $0x8FFFFFFF  }
0x9e: {  	s18 =	sld [smem:$0x3FDB];
	_ =	sdelay $0x1  }
0x9f: {  	s19 =	simm.s32 $_scs_section_size  }
0xa0: {  	s5 =	simm.s32 $_size__tile_overlayer_lowered;
	s6 =	simm.s32 $_tile_overlayer_lowered  }
0xa1: {  	s22 =	simm.s32 $0x1BFF;
	s21 =	sshll.u32 s6, $0x1;
	s3 =	sadd.s32 s19, s18  }
0xa2: {  	s7 =	simm.s32 $0x0;
	s20 =	sshll.u32 s5, $0x1;
	s5 =	sadd.s32 s21, s3  }
0xa3: {  	[timem:s7], [sflag:s22] =	dma.local [hbm:s5], s20  }
0xa4: {  	_ =	swait.ge [sflag:s22], s20  }
0xa5: {  	s4 =	ssub.s32 $0x0, s20;
	[sflag:s22] =	ssyncset.done $0x0  }
0xa6: {  	[sflag:s22] =	ssyncadd.s32 s4;
	_ =	sdelay $0x1  }
0xa7: {  	s23 =	simm.s32 $0x1B8B  }
0xa8: {  	_ =	swait.ge [sflag:s23], $0x1  }
0xa9: {  	[sflag:s23] =	ssyncset.done $0x0  }
0xaa: {  	s25 =	simm.s32 $0x1B8E;
	s24 =	sld [smem:$0x3FFE];
	[sflag:s23] =	ssyncadd.s32 $0xFFFFFFFF  }
0xab: {  	s26 =	simm.s32 $execute0_lowered;
	[smem:$0x3FD2] =	sst s25  }
0xac: {  	s5 =	sshll.u32 s26, $0x1;
	_ =	strace $0x80000049;
	[dreg:$0x1] =	wrdreg $0xFFFFFFFF  }
0xad: {  	s28 =	simm.s32 $_size_execute0_lowered;
	s3 =	sadd.s32 s3, s5;
	[dreg:$0x0] =	wrdreg $0x0  }
0xae: {  	s5 =	sshll.u32 s28, $0x1;
	[dreg:$0x2] =	wrdreg s3  }
0xaf: {  	[dreg:$0x3] =	wrdreg s5  }
0xb0: {  	[dreg:$0x4] =	wrdreg $0xC0  }
0xb1: {  	_ =	task [dreg:s7], $0x5FFFF  }
0xb2: {  	[dreg:$0x1] =	wrdreg $0xFFFFFFFF  }
0xb3: {  	[dreg:$0x0] =	wrdreg $0x60  }
0xb4: {  	[dreg:$0x2] =	wrdreg s24  }
0xb5: {  	[dreg:$0x3] =	wrdreg s16  }
0xb6: {  	[dreg:$0x4] =	wrdreg $0x9  }
0xb7: {  	_ =	task.clear_ibuf [dreg:s7], $0x5FFFF;
	_ =	strace $0x90000049  }
0xb8: {  	s29 =	simm.s32 $0x9;
	_ =	strace $0x8000004B  }
0xb9: {  	_ =	swait.ge [sflag:s29], $0x1  }
0xba: {  	[sflag:s29] =	ssyncadd.s32 $0xFFFFFFFF  }
0xbb: {  	_ =	strace $0x9000004B  }
0xbc: {  	_ =	sfence  }
0xbd: {  	s30 =	sld [smem:$0x0];
	_ =	sdelay $0x2  }
0xbe: {  	s31 =	sshll.u32 s1, $0xD;
	s1 =	sshrl.u32 s1, $0x2  }
0xbf: {  	s3 =	sand.u32 $0x4000, s31;
	s1 =	sadd.s32 s1, s30  }
0xc0: {  	s0 =	sor.u32 s3, s0;
	s1 =	sshll.u32 s1, $0x11  }
0xc1: {  	s0 =	sor.u32 s1, s0  }
0xc2: {  	s0 =	sadd.s32 $0x8F2B, s0  }
0xc3: {  	[sflag:s0] =	ssyncadd.remote.s32 $0x1  }
0xc4: {  	_ =	sfence.sel $0xFFFF  }
0xc5: {  	[dreg:$0x0] =	wrdreg $0xFFFFFFFF;
	(pc) =	sbr.abs _section_cstart, $3  }
0xc6: {  	[dreg:$0x1] =	wrdreg $0xFFFFFFFF  }
0xc7: {  	_ =	task.clear_ibuf [dreg:s7], $0x2FFFF;
	_ =	strace $0x9FFFFFFF  }
0xc8: {  	(tm) =	ssettm $0x7FFFFFFF  }
0xc9: {  	_ =	shalt  }
tec
execute0_lowered:
.L_overlay_start_1:
0x0: {  	(tag) =	ssettag $0x1  }
0x1: {  	s1 =	srdreg.scid;
	s0 =	stileid.u32  }
0x2: {  	s1 =	sand.u32 $0x1, s1;
	s4 =	sshll.u32 s0, $0x1  }
0x3: {  	s12 =	rddreg [dreg:$0x0];
	s13 =	sor.u32 s1, s4  }
0x4: {  	s3 =	rddreg [dreg:$0x1];
	s2 =	simm.s32 $0x0;
	s4 =	sshll.u32 s13, $0x8  }
0x5: {  	[smem:$0x7FF] =	sst s2;
	s3 =	sadd.s32 s3, s4  }
0x6: {  	_ =	strace $0x8000004A;
	[dreg:$0x3] =	wrdreg s3  }
0x7: {  	s3 =	simm.s32 $0x4;
	s26 =	rddreg [dreg:$0x3]  }
0x8: {  	[tilespmem:s2], [sflag:$0x4] =	stream.linear.gather [hbm4b:s26+s2], $0x500, $0x38;
	[tilespmem:$0x9800] =	vst v63  }
0x9: {  	_ =	swait.ge [sflag:s3], $0x500  }
0xa: {  	s5 =	simm.s32 $0x60;
	[sflag:s3] =	ssyncset.done $0x0  }
0xb: {  	s6 =	simm.s32 $0x800;
	s4 =	sadd.s32 $0x9400, s12;
	[sflag:s3] =	ssyncadd.s32 $0xFFFFFB00  }
0xc: {  	[tilespmem:s6], [sflag:$0x1] =	stream.indirect.gather [hbm4b:s4+s5], $0x80, s2, s5, $0xb8;
	[tilespmem:$0x9800] =	vst v63  }
0xd: {  	s7 =	simm.s32 $0x80;
	s8 =	simm.s32 $0x3800  }
0xe: {  	[tilespmem:s8], [sflag:$0x2] =	stream.indirect.gather [hbm4b:s4+s5], $0x80, s7, s5, $0xb8;
	[tilespmem:$0x9800] =	vst v63  }
0xf: {  	s9 =	simm.s32 $0x100;
	s10 =	simm.s32 $0x6800;
	s11 =	simm.s32 $0x1  }
0x10: {  	[tilespmem:s10], [sflag:$0x3] =	stream.indirect.gather [hbm4b:s4+s5], $0x80, s9, s5, $0xb8;
	[tilespmem:$0x9800] =	vst v63  }
0x11: {  	s14 =	smul.u32 $0x3C00, s13;
	_ =	swait.ge [sflag:s11], $0x3000  }
0x12: {  	s15 =	sadd.s32 $0x81400, s12;
	[sflag:s11] =	ssyncset.done $0x0  }
0x13: {  	s12 =	sadd.s32 s15, s14;
	[sflag:s11] =	ssyncadd.s32 $0xFFFFD000  }
0x14: {  	[hbm4b:s12+s2] =	stream.linear.scatter [tilespmem:s6], [sflag:$0x4], $0x3000, $0x38;
	[tilespmem:$0x9800] =	vst v63  }
0x15: {  	_ =	swait.ge [sflag:s3], $0x3000  }
0x16: {  	s16 =	smul.u32 $0x1E000, s13;
	[sflag:s3] =	ssyncset.done $0x0  }
0x17: {  	s13 =	simm.s32 $0x180;
	s14 =	simm.s32 $0x2;
	[sflag:s3] =	ssyncadd.s32 $0xFFFFD000  }
0x18: {  	[tilespmem:s6], [sflag:$0x1] =	stream.indirect.gather [hbm4b:s4+s5], $0x80, s13, s5, $0xb8;
	[tilespmem:$0x9800] =	vst v63  }
0x19: {  	s16 =	sshrl.u32 s16, $0x3;
	_ =	swait.ge [sflag:s14], $0x3000  }
0x1a: {  	s31 =	sadd.s32 s15, s16;
	[sflag:s14] =	ssyncset.done $0x0  }
0x1b: {  	s15 =	sadd.s32 $0x600, s31;
	[sflag:s14] =	ssyncadd.s32 $0xFFFFD000  }
0x1c: {  	[hbm4b:s15+s2] =	stream.linear.scatter [tilespmem:s8], [sflag:$0x4], $0x3000, $0x38;
	[tilespmem:$0x9800] =	vst v63  }
0x1d: {  	_ =	swait.ge [sflag:s3], $0x3000  }
0x1e: {  	[sflag:s3] =	ssyncset.done $0x0  }
0x1f: {  	s17 =	simm.s32 $0x3;
	s16 =	simm.s32 $0x200;
	[sflag:s3] =	ssyncadd.s32 $0xFFFFD000  }
0x20: {  	[tilespmem:s8], [sflag:$0x2] =	stream.indirect.gather [hbm4b:s4+s5], $0x80, s16, s5, $0xb8;
	[tilespmem:$0x9800] =	vst v63  }
0x21: {  	_ =	swait.ge [sflag:s17], $0x3000  }
0x22: {  	[sflag:s17] =	ssyncset.done $0x0  }
0x23: {  	s18 =	sadd.s32 $0xC00, s31;
	[sflag:s17] =	ssyncadd.s32 $0xFFFFD000  }
0x24: {  	[hbm4b:s18+s2] =	stream.linear.scatter [tilespmem:s10], [sflag:$0x4], $0x3000, $0x38;
	[tilespmem:$0x9800] =	vst v63  }
0x25: {  	_ =	swait.ge [sflag:s3], $0x3000  }
0x26: {  	[sflag:s3] =	ssyncset.done $0x0  }
0x27: {  	s19 =	simm.s32 $0x280;
	[sflag:s3] =	ssyncadd.s32 $0xFFFFD000  }
0x28: {  	[tilespmem:s10], [sflag:$0x3] =	stream.indirect.gather [hbm4b:s4+s5], $0x80, s19, s5, $0xb8;
	[tilespmem:$0x9800] =	vst v63  }
0x29: {  	_ =	swait.ge [sflag:s11], $0x3000  }
0x2a: {  	[sflag:s11] =	ssyncset.done $0x0  }
0x2b: {  	s20 =	sadd.s32 $0x1200, s31;
	[sflag:s11] =	ssyncadd.s32 $0xFFFFD000  }
0x2c: {  	[hbm4b:s20+s2] =	stream.linear.scatter [tilespmem:s6], [sflag:$0x4], $0x3000, $0x38;
	[tilespmem:$0x9800] =	vst v63  }
0x2d: {  	_ =	swait.ge [sflag:s3], $0x3000  }
0x2e: {  	[sflag:s3] =	ssyncset.done $0x0  }
0x2f: {  	s21 =	simm.s32 $0x300;
	[sflag:s3] =	ssyncadd.s32 $0xFFFFD000  }
0x30: {  	[tilespmem:s6], [sflag:$0x1] =	stream.indirect.gather [hbm4b:s4+s5], $0x80, s21, s5, $0xb8;
	[tilespmem:$0x9800] =	vst v63  }
0x31: {  	_ =	swait.ge [sflag:s14], $0x3000  }
0x32: {  	[sflag:s14] =	ssyncset.done $0x0  }
0x33: {  	s22 =	sadd.s32 $0x1800, s31;
	[sflag:s14] =	ssyncadd.s32 $0xFFFFD000  }
0x34: {  	[hbm4b:s22+s2] =	stream.linear.scatter [tilespmem:s8], [sflag:$0x4], $0x3000, $0x38;
	[tilespmem:$0x9800] =	vst v63  }
0x35: {  	_ =	swait.ge [sflag:s3], $0x3000  }
0x36: {  	[sflag:s3] =	ssyncset.done $0x0  }
0x37: {  	s23 =	simm.s32 $0x380;
	[sflag:s3] =	ssyncadd.s32 $0xFFFFD000  }
0x38: {  	[tilespmem:s8], [sflag:$0x2] =	stream.indirect.gather [hbm4b:s4+s5], $0x80, s23, s5, $0xb8;
	[tilespmem:$0x9800] =	vst v63  }
0x39: {  	_ =	swait.ge [sflag:s17], $0x3000  }
0x3a: {  	[sflag:s17] =	ssyncset.done $0x0  }
0x3b: {  	s24 =	sadd.s32 $0x1E00, s31;
	[sflag:s17] =	ssyncadd.s32 $0xFFFFD000  }
0x3c: {  	[hbm4b:s24+s2] =	stream.linear.scatter [tilespmem:s10], [sflag:$0x4], $0x3000, $0x38;
	[tilespmem:$0x9800] =	vst v63  }
0x3d: {  	_ =	swait.ge [sflag:s3], $0x3000  }
0x3e: {  	[sflag:s3] =	ssyncset.done $0x0  }
0x3f: {  	s25 =	simm.s32 $0x400;
	[sflag:s3] =	ssyncadd.s32 $0xFFFFD000  }
0x40: {  	[tilespmem:s10], [sflag:$0x3] =	stream.indirect.gather [hbm4b:s4+s5], $0x80, s25, s5, $0xb8;
	[tilespmem:$0x9800] =	vst v63  }
0x41: {  	_ =	swait.ge [sflag:s11], $0x3000  }
0x42: {  	[sflag:s11] =	ssyncset.done $0x0  }
0x43: {  	s26 =	sadd.s32 $0x2400, s31;
	[sflag:s11] =	ssyncadd.s32 $0xFFFFD000  }
0x44: {  	[hbm4b:s26+s2] =	stream.linear.scatter [tilespmem:s6], [sflag:$0x4], $0x3000, $0x38;
	[tilespmem:$0x9800] =	vst v63  }
0x45: {  	_ =	swait.ge [sflag:s3], $0x3000  }
0x46: {  	[sflag:s3] =	ssyncset.done $0x0  }
0x47: {  	s28 =	simm.s32 $0x480;
	[sflag:s3] =	ssyncadd.s32 $0xFFFFD000  }
0x48: {  	[tilespmem:s6], [sflag:$0x1] =	stream.indirect.gather [hbm4b:s4+s5], $0x80, s28, s5, $0xb8;
	[tilespmem:$0x9800] =	vst v63  }
0x49: {  	_ =	swait.ge [sflag:s14], $0x3000  }
0x4a: {  	[sflag:s14] =	ssyncset.done $0x0  }
0x4b: {  	s29 =	sadd.s32 $0x2A00, s31;
	[sflag:s14] =	ssyncadd.s32 $0xFFFFD000  }
0x4c: {  	[hbm4b:s29+s2] =	stream.linear.scatter [tilespmem:s8], [sflag:$0x4], $0x3000, $0x38;
	[tilespmem:$0x9800] =	vst v63  }
0x4d: {  	_ =	swait.ge [sflag:s3], $0x3000  }
0x4e: {  	[sflag:s3] =	ssyncset.done $0x0  }
0x4f: {  	[sflag:s3] =	ssyncadd.s32 $0xFFFFD000  }
0x50: {  	_ =	swait.ge [sflag:s17], $0x3000  }
0x51: {  	s1 =	ssub.s32 $0x2, s1;
	[sflag:s17] =	ssyncset.done $0x0  }
0x52: {  	s0 =	sshrl.u32 s1, $0x1;
	s30 =	sadd.s32 $0x3000, s31;
	[sflag:s17] =	ssyncadd.s32 $0xFFFFD000  }
0x53: {  	[hbm4b:s30+s2] =	stream.linear.scatter [tilespmem:s10], [sflag:$0x4], $0x3000, $0x38;
	[tilespmem:$0x9800] =	vst v63  }
0x54: {  	s0 =	ssub.s32 s1, s0;
	_ =	swait.ge [sflag:s3], $0x3000  }
0x55: {  	s0 =	smax.u32 s0, $0x1;
	[sflag:s3] =	ssyncset.done $0x0  }
0x56: {  	p0 =	sne.s32 s0, $0x1;
	[sflag:s3] =	ssyncadd.s32 $0xFFFFD000  }
.Ltmp0:
0x57: {  	_ =	swait.ge [sflag:s11], $0x3000;
	(pc) =	sbr.rel @!p0 .LBB2_2-.Ltmp0, $4  }
0x58: {  	[sflag:s11] =	ssyncset.done $0x0  }
0x59: {  	s31 =	sadd.s32 $0x3600, s31;
	[sflag:s11] =	ssyncadd.s32 $0xFFFFD000  }
0x5a: {  	[hbm4b:s31+s2] =	stream.linear.scatter [tilespmem:s6], [sflag:$0x4], $0x3000, $0x38;
	[tilespmem:$0x9800] =	vst v63  }
0x5b: {  	s1 =	sadd.s32 $0xFFFFFFFF, s0;
	_ =	swait.ge [sflag:s3], $0x3000  }
.LBB2_1:
0x5c: {  	[sflag:s3] =	ssyncset.done $0x0  }
0x5d: {  	s0 =	rddreg [dreg:$0x3];
	[sflag:s3] =	ssyncadd.s32 $0xFFFFD000  }
0x5e: {  	[tilespmem:s2], [sflag:$0x4] =	stream.linear.gather [hbm4b:s0+s2], $0x500, $0x38;
	[tilespmem:$0x9800] =	vst v63  }
0x5f: {  	_ =	swait.ge [sflag:s3], $0x500  }
0x60: {  	[sflag:s3] =	ssyncset.done $0x0  }
0x61: {  	[sflag:s3] =	ssyncadd.s32 $0xFFFFFB00  }
0x62: {  	[tilespmem:s6], [sflag:$0x1] =	stream.indirect.gather [hbm4b:s4+s5], $0x80, s2, s5, $0xb8;
	[tilespmem:$0x9800] =	vst v63  }
0x63: {  	_ = 	snop  }
0x64: {  	[tilespmem:s8], [sflag:$0x2] =	stream.indirect.gather [hbm4b:s4+s5], $0x80, s7, s5, $0xb8;
	[tilespmem:$0x9800] =	vst v63  }
0x65: {  	_ = 	snop  }
0x66: {  	[tilespmem:s10], [sflag:$0x3] =	stream.indirect.gather [hbm4b:s4+s5], $0x80, s9, s5, $0xb8;
	[tilespmem:$0x9800] =	vst v63  }
0x67: {  	_ =	swait.ge [sflag:s11], $0x3000  }
0x68: {  	[sflag:s11] =	ssyncset.done $0x0  }
0x69: {  	[sflag:s11] =	ssyncadd.s32 $0xFFFFD000  }
0x6a: {  	[hbm4b:s12+s2] =	stream.linear.scatter [tilespmem:s6], [sflag:$0x4], $0x3000, $0x38;
	[tilespmem:$0x9800] =	vst v63  }
0x6b: {  	_ =	swait.ge [sflag:s3], $0x3000  }
0x6c: {  	[sflag:s3] =	ssyncset.done $0x0  }
0x6d: {  	[sflag:s3] =	ssyncadd.s32 $0xFFFFD000  }
0x6e: {  	[tilespmem:s6], [sflag:$0x1] =	stream.indirect.gather [hbm4b:s4+s5], $0x80, s13, s5, $0xb8;
	[tilespmem:$0x9800] =	vst v63  }
0x6f: {  	_ =	swait.ge [sflag:s14], $0x3000  }
0x70: {  	[sflag:s14] =	ssyncset.done $0x0  }
0x71: {  	[sflag:s14] =	ssyncadd.s32 $0xFFFFD000  }
0x72: {  	[hbm4b:s15+s2] =	stream.linear.scatter [tilespmem:s8], [sflag:$0x4], $0x3000, $0x38;
	[tilespmem:$0x9800] =	vst v63  }
0x73: {  	_ =	swait.ge [sflag:s3], $0x3000  }
0x74: {  	[sflag:s3] =	ssyncset.done $0x0  }
0x75: {  	[sflag:s3] =	ssyncadd.s32 $0xFFFFD000  }
0x76: {  	[tilespmem:s8], [sflag:$0x2] =	stream.indirect.gather [hbm4b:s4+s5], $0x80, s16, s5, $0xb8;
	[tilespmem:$0x9800] =	vst v63  }
0x77: {  	_ =	swait.ge [sflag:s17], $0x3000  }
0x78: {  	[sflag:s17] =	ssyncset.done $0x0  }
0x79: {  	[sflag:s17] =	ssyncadd.s32 $0xFFFFD000  }
0x7a: {  	[hbm4b:s18+s2] =	stream.linear.scatter [tilespmem:s10], [sflag:$0x4], $0x3000, $0x38;
	[tilespmem:$0x9800] =	vst v63  }
0x7b: {  	_ =	swait.ge [sflag:s3], $0x3000  }
0x7c: {  	[sflag:s3] =	ssyncset.done $0x0  }
0x7d: {  	[sflag:s3] =	ssyncadd.s32 $0xFFFFD000  }
0x7e: {  	[tilespmem:s10], [sflag:$0x3] =	stream.indirect.gather [hbm4b:s4+s5], $0x80, s19, s5, $0xb8;
	[tilespmem:$0x9800] =	vst v63  }
0x7f: {  	_ =	swait.ge [sflag:s11], $0x3000  }
0x80: {  	[sflag:s11] =	ssyncset.done $0x0  }
0x81: {  	[sflag:s11] =	ssyncadd.s32 $0xFFFFD000  }
0x82: {  	[hbm4b:s20+s2] =	stream.linear.scatter [tilespmem:s6], [sflag:$0x4], $0x3000, $0x38;
	[tilespmem:$0x9800] =	vst v63  }
0x83: {  	_ =	swait.ge [sflag:s3], $0x3000  }
0x84: {  	[sflag:s3] =	ssyncset.done $0x0  }
0x85: {  	[sflag:s3] =	ssyncadd.s32 $0xFFFFD000  }
0x86: {  	[tilespmem:s6], [sflag:$0x1] =	stream.indirect.gather [hbm4b:s4+s5], $0x80, s21, s5, $0xb8;
	[tilespmem:$0x9800] =	vst v63  }
0x87: {  	_ =	swait.ge [sflag:s14], $0x3000  }
0x88: {  	[sflag:s14] =	ssyncset.done $0x0  }
0x89: {  	[sflag:s14] =	ssyncadd.s32 $0xFFFFD000  }
0x8a: {  	[hbm4b:s22+s2] =	stream.linear.scatter [tilespmem:s8], [sflag:$0x4], $0x3000, $0x38;
	[tilespmem:$0x9800] =	vst v63  }
0x8b: {  	_ =	swait.ge [sflag:s3], $0x3000  }
0x8c: {  	[sflag:s3] =	ssyncset.done $0x0  }
0x8d: {  	[sflag:s3] =	ssyncadd.s32 $0xFFFFD000  }
0x8e: {  	[tilespmem:s8], [sflag:$0x2] =	stream.indirect.gather [hbm4b:s4+s5], $0x80, s23, s5, $0xb8;
	[tilespmem:$0x9800] =	vst v63  }
0x8f: {  	_ =	swait.ge [sflag:s17], $0x3000  }
0x90: {  	[sflag:s17] =	ssyncset.done $0x0  }
0x91: {  	[sflag:s17] =	ssyncadd.s32 $0xFFFFD000  }
0x92: {  	[hbm4b:s24+s2] =	stream.linear.scatter [tilespmem:s10], [sflag:$0x4], $0x3000, $0x38;
	[tilespmem:$0x9800] =	vst v63  }
0x93: {  	_ =	swait.ge [sflag:s3], $0x3000  }
0x94: {  	[sflag:s3] =	ssyncset.done $0x0  }
0x95: {  	[sflag:s3] =	ssyncadd.s32 $0xFFFFD000  }
0x96: {  	[tilespmem:s10], [sflag:$0x3] =	stream.indirect.gather [hbm4b:s4+s5], $0x80, s25, s5, $0xb8;
	[tilespmem:$0x9800] =	vst v63  }
0x97: {  	_ =	swait.ge [sflag:s11], $0x3000  }
0x98: {  	[sflag:s11] =	ssyncset.done $0x0  }
0x99: {  	[sflag:s11] =	ssyncadd.s32 $0xFFFFD000  }
0x9a: {  	[hbm4b:s26+s2] =	stream.linear.scatter [tilespmem:s6], [sflag:$0x4], $0x3000, $0x38;
	[tilespmem:$0x9800] =	vst v63  }
0x9b: {  	_ =	swait.ge [sflag:s3], $0x3000  }
0x9c: {  	[sflag:s3] =	ssyncset.done $0x0  }
0x9d: {  	[sflag:s3] =	ssyncadd.s32 $0xFFFFD000  }
0x9e: {  	[tilespmem:s6], [sflag:$0x1] =	stream.indirect.gather [hbm4b:s4+s5], $0x80, s28, s5, $0xb8;
	[tilespmem:$0x9800] =	vst v63  }
0x9f: {  	_ =	swait.ge [sflag:s14], $0x3000  }
0xa0: {  	[sflag:s14] =	ssyncset.done $0x0  }
0xa1: {  	[sflag:s14] =	ssyncadd.s32 $0xFFFFD000  }
0xa2: {  	[hbm4b:s29+s2] =	stream.linear.scatter [tilespmem:s8], [sflag:$0x4], $0x3000, $0x38;
	[tilespmem:$0x9800] =	vst v63  }
0xa3: {  	_ =	swait.ge [sflag:s3], $0x3000  }
0xa4: {  	[sflag:s3] =	ssyncset.done $0x0  }
0xa5: {  	[sflag:s3] =	ssyncadd.s32 $0xFFFFD000  }
0xa6: {  	_ =	swait.ge [sflag:s17], $0x3000  }
0xa7: {  	[sflag:s17] =	ssyncset.done $0x0  }
0xa8: {  	[sflag:s17] =	ssyncadd.s32 $0xFFFFD000  }
0xa9: {  	[hbm4b:s30+s2] =	stream.linear.scatter [tilespmem:s10], [sflag:$0x4], $0x3000, $0x38;
	[tilespmem:$0x9800] =	vst v63  }
0xaa: {  	_ =	swait.ge [sflag:s3], $0x3000  }
0xab: {  	[sflag:s3] =	ssyncset.done $0x0  }
0xac: {  	p0 =	sne.s32 s1, $0x1;
	[sflag:s3] =	ssyncadd.s32 $0xFFFFD000  }
.Ltmp1:
0xad: {  	_ =	swait.ge [sflag:s11], $0x3000;
	(pc) =	sbr.rel @p0 .LBB2_1-.Ltmp1, $4  }
0xae: {  	[sflag:s11] =	ssyncset.done $0x0  }
0xaf: {  	[sflag:s11] =	ssyncadd.s32 $0xFFFFD000  }
0xb0: {  	[hbm4b:s31+s2] =	stream.linear.scatter [tilespmem:s6], [sflag:$0x4], $0x3000, $0x38;
	[tilespmem:$0x9800] =	vst v63  }
0xb1: {  	s1 =	sadd.s32 $0xFFFFFFFF, s1;
	_ =	swait.ge [sflag:s3], $0x3000  }
.LBB2_2:
0xb2: {  	[sflag:s3] =	ssyncset.done $0x0  }
0xb3: {  	[sflag:s3] =	ssyncadd.s32 $0xFFFFD000  }
0xb4: {  	_ =	sfence.sel $0x180000  }
0xb5: {  	[bflag:$0x0] =	sbarrier.arrive $0xFFFF  }
0xb6: {  	_ =	strace $0x9000004A  }
0xb7: {  	s0 =	stileid.u32;
	[bflag:$0x2] =	sbarrier.arrive $0xFFFF  }
0xb8: {  	p0 =	sne.s32 s0, $0x0;
	s0 =	rddreg [dreg:$0x2]  }
0xb9: {  	s0 =	sadd.s32 @!p0 $0x100000, s0  }
0xba: {  	[sflag:s0] =	ssyncadd.tile.s32 @!p0 $0x1;
	_ =	shalt  }
.Lfunc_end2:
_tile_overlayer_lowered:
.L_overlay_start_2:
0xbb: {  	(tag) =	ssettag $0x2  }
0xbc: {  	s0 =	rddreg [dreg:$0x0];
	s2 =	stileid.u32  }
0xbd: {  	s1 =	rddreg [dreg:$0x1];
	p0 =	sne.s32 s2, $0x0  }
0xbe: {  	s3 =	rddreg [dreg:$0x2];
	[bflag:$0x3] =	sbarrier.arrive $0xFFFF;
	s2 =	simm.s32 @!p0 $0x1C04  }
0xbf: {  	[timem:s3], [sflag:s2] =	dma.local @!p0 [hbm:s0], s1  }
0xc0: {  	s0 =	simm.s32 @!p0 $0x4  }
0xc1: {  	_ =	swait.ge @!p0 [sflag:s0], s1  }
0xc2: {  	s1 =	ssub.s32 @!p0 $0x0, s1;
	[sflag:s0] =	ssyncset.done @!p0 $0x0  }
0xc3: {  	[sflag:s0] =	ssyncadd.s32 @!p0 s1  }
0xc4: {  	[bflag:$0x3] =	sbarrier.arrive $0xFFFF  }
0xc5: {  	_ =	shalt  }

// kernel: kernel.7.cloned.1.call-start
scs
__scs_entry_jumppad:
0x0: {  	(pc) =	sbr.rel $0x88, $3  }
0x1: {  	(tag) =	ssettag $0x0;
	lr =	simm.s32 $0x1  }
0x2: {  	[smem:$0x3F7A] =	sst lr;
	_ =	strace $0xD0000000  }
0x3: {  	_ = 	snop  }
0x4: {  	_ = 	snop  }
0x5: {  	_ = 	snop  }
0x6: {  	_ = 	snop  }
0x7: {  	_ = 	snop  }
__scs_overlays_trampoline_lowered:
0x8: {  	[smem:$0x3F89] =	sst s0  }
0x9: {  	[smem:$0x3F8A] =	sst s1  }
0xa: {  	[smem:$0x3F8B] =	sst s2  }
0xb: {  	[smem:$0x3F8C] =	sst s3  }
0xc: {  	[smem:$0x3F8D] =	sst s4  }
0xd: {  	[smem:$0x3F8E] =	sst s5  }
0xe: {  	[smem:$0x3F8F] =	sst s6  }
0xf: {  	[smem:$0x3F90] =	sst s7  }
0x10: {  	[smem:$0x3F91] =	sst s8  }
0x11: {  	[smem:$0x3F92] =	sst s9;
	s0 =	simm.s32 @!p0 $0x0  }
0x12: {  	s1 =	sld [smem:$0x3F78];
	s0 =	simm.s32 @p0 $0x1  }
0x13: {  	[smem:$0x3F93] =	sst s0;
	s0 =	simm.s32 @!p1 $0x0  }
0x14: {  	s2 =	sld [smem:$0x3F77];
	s0 =	simm.s32 @p1 $0x1  }
0x15: {  	[smem:$0x3F94] =	sst s0;
	s0 =	simm.s32 @!p2 $0x0  }
0x16: {  	s3 =	sld [smem:$0x3FDB];
	s0 =	simm.s32 @p2 $0x1  }
0x17: {  	s4 =	simm.s32 $0x1BF5;
	[smem:$0x3F96] =	sst s0  }
0x18: {  	s0 =	sld [smem:$0x3F79];
	_ =	swait.ge [sflag:s4], $0x0  }
0x19: {  	s7 =	sld [smem:$0x3F7A]  }
0x1a: {  	s8 =	sadd.s32 $0xFFFFE003, lr  }
0x1b: {  	s9 =	sadd.s32 $0xFFFFFEF7, lr;
	s5 =	simm.s32 $0xFFFFFFFF;
	p2 =	slt.u32 s8, $0xFFFFF086  }
0x1c: {  	p1 =	slt.u32 s9, $0xF7A;
	s5 =	simm.s32 @!p2 $0x0  }
0x1d: {  	s5 =	simm.s32 @p1 $0x1;
	p0 =	seq.s32 s7, s2  }
0x1e: {  	s7 =	smul.u32 @!p0 $0xF7A, s2;
	p2 =	seq.s32 @!p0 s5, $0x0  }
0x1f: {  	s9 =	smul.u32 $0xF7A, s1;
	s8 =	simm.s32 @!p0 $0x1BF5;
	p2 =	por !p2, p0  }
0x20: {  	[sflag:s8] =	ssyncset.s32 @!p0 $0xFFFFF086;
	s6 =	sadd.s32 @!p0 s3, s7;
	s7 =	simm.s32 @!p0 $0x108  }
0x21: {  	s3 =	sadd.s32 s3, s9;
	s6 =	sadd.s32 @!p0 $0x88, s6;
	s7 =	simm.s32 @p2 $0x1082  }
0x22: {  	[simem:s7], [sflag:s8] =	dma.local @!p0 [hbm:s6], $0xF7A  }
0x23: {  	s9 =	sor.u32 $0xD0000000, s2;
	s6 =	simm.s32 $0x108;
	_ =	swait.ge @!p0 [sflag:s8], $0x0  }
0x24: {  	s3 =	sadd.s32 $0x88, s3;
	s6 =	simm.s32 @!p1 $0x1082;
	[sflag:s4] =	ssyncset.s32 $0xFFFFF086  }
0x25: {  	[simem:s6], [sflag:s4] =	dma.local [hbm:s3], $0xF7A  }
0x26: {  	[smem:$0x3F7A] =	sst s1;
	(tag) =	ssettag s2;
	_ =	strace s9  }
0x27: {  	s1 =	sld [smem:$0x3F8A]  }
0x28: {  	s2 =	sld [smem:$0x3F8B]  }
0x29: {  	s4 =	sld [smem:$0x3F8D]  }
0x2a: {  	p0 =	seq.s32 s5, $0x0;
	s5 =	sld [smem:$0x3F8E]  }
0x2b: {  	s6 =	sld [smem:$0x3F8F]  }
0x2c: {  	s7 =	sld [smem:$0x3F90]  }
0x2d: {  	s3 =	simm.s32 $0x108;
	s8 =	sld [smem:$0x3F91]  }
0x2e: {  	s3 =	simm.s32 @!p0 $0x1082;
	s9 =	sld [smem:$0x3F92]  }
0x2f: {  	lr =	sadd.s32 s0, s3;
	s0 =	sld [smem:$0x3F89]  }
0x30: {  	s3 =	sld [smem:$0x3F8C]  }
0x31: {  	[smem:$0x3F95] =	sst s10  }
0x32: {  	s10 =	sld [smem:$0x3F93];
	_ =	sdelay $0x3  }
0x33: {  	p0 =	seq.s32 s10, $0x1;
	s10 =	sld [smem:$0x3F95];
	_ =	sdelay $0x3  }
0x34: {  	[smem:$0x3F95] =	sst s10  }
0x35: {  	s10 =	sld [smem:$0x3F94];
	_ =	sdelay $0x3  }
0x36: {  	p1 =	seq.s32 s10, $0x1;
	s10 =	sld [smem:$0x3F95];
	_ =	sdelay $0x3  }
0x37: {  	[smem:$0x3F95] =	sst s10  }
0x38: {  	s10 =	sld [smem:$0x3F96]  }
0x39: {  	_ = 	snop;
	(pc) =	sbr.ind lr, $3  }
0x3a: {  	_ = 	snop  }
0x3b: {  	_ = 	snop  }
0x3c: {  	p2 =	seq.s32 s10, $0x1;
	s10 =	sld [smem:$0x3F95]  }
0x3d: {  	_ =	shalt  }
0x3e: {  	_ =	shalt  }
0x3f: {  	_ =	shalt  }
0x40: {  	_ =	shalt  }
0x41: {  	_ =	shalt  }
0x42: {  	_ =	shalt  }
0x43: {  	_ =	shalt  }
0x44: {  	_ =	shalt  }
0x45: {  	_ =	shalt  }
0x46: {  	_ =	shalt  }
0x47: {  	_ =	shalt  }
0x48: {  	_ =	shalt  }
0x49: {  	_ =	shalt  }
0x4a: {  	_ =	shalt  }
0x4b: {  	_ =	shalt  }
0x4c: {  	_ =	shalt  }
0x4d: {  	_ =	shalt  }
0x4e: {  	_ =	shalt  }
0x4f: {  	_ =	shalt  }
0x50: {  	_ =	shalt  }
0x51: {  	_ =	shalt  }
0x52: {  	_ =	shalt  }
0x53: {  	_ =	shalt  }
0x54: {  	_ =	shalt  }
0x55: {  	_ =	shalt  }
0x56: {  	_ =	shalt  }
0x57: {  	_ =	shalt  }
0x58: {  	_ =	shalt  }
0x59: {  	_ =	shalt  }
0x5a: {  	_ =	shalt  }
0x5b: {  	_ =	shalt  }
0x5c: {  	_ =	shalt  }
0x5d: {  	_ =	shalt  }
0x5e: {  	_ =	shalt  }
0x5f: {  	_ =	shalt  }
0x60: {  	_ =	shalt  }
0x61: {  	_ =	shalt  }
0x62: {  	_ =	shalt  }
0x63: {  	_ =	shalt  }
0x64: {  	_ =	shalt  }
0x65: {  	_ =	shalt  }
0x66: {  	_ =	shalt  }
0x67: {  	_ =	shalt  }
0x68: {  	_ =	shalt  }
0x69: {  	_ =	shalt  }
0x6a: {  	_ =	shalt  }
0x6b: {  	_ =	shalt  }
0x6c: {  	_ =	shalt  }
0x6d: {  	_ =	shalt  }
0x6e: {  	_ =	shalt  }
0x6f: {  	_ =	shalt  }
0x70: {  	_ =	shalt  }
0x71: {  	_ =	shalt  }
0x72: {  	_ =	shalt  }
0x73: {  	_ =	shalt  }
0x74: {  	_ =	shalt  }
0x75: {  	_ =	shalt  }
0x76: {  	_ =	shalt  }
0x77: {  	_ =	shalt  }
0x78: {  	_ =	shalt  }
0x79: {  	_ =	shalt  }
0x7a: {  	_ =	shalt  }
0x7b: {  	_ =	shalt  }
0x7c: {  	_ =	shalt  }
0x7d: {  	_ =	shalt  }
0x7e: {  	_ =	shalt  }
0x7f: {  	_ =	shalt  }
0x80: {  	_ =	shalt  }
0x81: {  	_ =	shalt  }
0x82: {  	_ =	shalt  }
0x83: {  	_ =	shalt  }
0x84: {  	_ =	shalt  }
0x85: {  	_ =	shalt  }
0x86: {  	_ =	shalt  }
0x87: {  	_ =	shalt  }
.Lfunc_end0:
.L_simem_size_0:
called_computation_lowered:
.L_overlay_start_0:
0x88: {  	s2 =	sld [smem:$0x3FD9]  }
0x89: {  	s3 =	sld [smem:$0x3FFE];
	_ =	sdelay $0x1  }
0x8a: {  	s1 =	srdreg.scid  }
0x8b: {  	s0 =	sand.u32 $0x1, s1  }
0x8c: {  	s14 =	sshll.u32 s0, $0xA;
	s2 =	sadd.s32 s3, s2  }
0x8d: {  	s2 =	sadd.s32 s2, s14  }
0x8e: {  	[smem:$0x3FA1] =	sst s2  }
0x8f: {  	_ = 	snop  }
0x90: {  	s2 =	sld [smem:$0x3FD0];
	_ =	sdelay $0x2  }
0x91: {  	s15 =	simm.s32 $0xA;
	s4 =	simm.s32 $0x10  }
0x92: {  	[smem:s4], [sflag:s15] =	dma.local [hbm:s2], $0x1  }
0x93: {  	_ =	swait.eq [sflag:s15], $0x1  }
0x94: {  	[sflag:s15] =	ssyncset.done $0x0  }
0x95: {  	[sflag:s15] =	ssyncadd.s32 $0xFFFFFFFF  }
0x96: {  	s16 =	sld [smem:$0x12];
	(tm) =	ssettm $0x1  }
0x97: {  	s17 =	sld [smem:$0x3FFB];
	_ =	sdelay $0x3  }
0x98: {  	_ =	strace s17  }
0x99: {  	s3 =	sld [smem:$0x3FFC];
	_ =	sdelay $0x3  }
0x9a: {  	_ =	strace s3  }
0x9b: {  	s3 =	sld [smem:$0x3FFD];
	_ =	sdelay $0x3  }
0x9c: {  	_ =	strace s3  }
0x9d: {  	_ =	strace $0x8FFFFFFF  }
0x9e: {  	s18 =	sld [smem:$0x3FDB];
	_ =	sdelay $0x1  }
0x9f: {  	s19 =	simm.s32 $_scs_section_size  }
0xa0: {  	s5 =	simm.s32 $_size__tile_overlayer_lowered;
	s6 =	simm.s32 $_tile_overlayer_lowered  }
0xa1: {  	s22 =	simm.s32 $0x1BFF;
	s21 =	sshll.u32 s6, $0x1;
	s3 =	sadd.s32 s19, s18  }
0xa2: {  	s7 =	simm.s32 $0x0;
	s20 =	sshll.u32 s5, $0x1;
	s5 =	sadd.s32 s21, s3  }
0xa3: {  	[timem:s7], [sflag:s22] =	dma.local [hbm:s5], s20  }
0xa4: {  	_ =	swait.ge [sflag:s22], s20  }
0xa5: {  	s4 =	ssub.s32 $0x0, s20;
	[sflag:s22] =	ssyncset.done $0x0  }
0xa6: {  	[sflag:s22] =	ssyncadd.s32 s4;
	_ =	sdelay $0x1  }
0xa7: {  	s23 =	simm.s32 $0x1B8B  }
0xa8: {  	_ =	swait.ge [sflag:s23], $0x1  }
0xa9: {  	[sflag:s23] =	ssyncset.done $0x0  }
0xaa: {  	s25 =	simm.s32 $0x1B8E;
	s24 =	sld [smem:$0x3FFE];
	[sflag:s23] =	ssyncadd.s32 $0xFFFFFFFF  }
0xab: {  	s26 =	simm.s32 $execute0_lowered;
	[smem:$0x3FD2] =	sst s25  }
0xac: {  	s5 =	sshll.u32 s26, $0x1;
	_ =	strace $0x80000046;
	[dreg:$0x1] =	wrdreg $0xFFFFFFFF  }
0xad: {  	s28 =	simm.s32 $_size_execute0_lowered;
	s3 =	sadd.s32 s3, s5;
	[dreg:$0x0] =	wrdreg $0x0  }
0xae: {  	s5 =	sshll.u32 s28, $0x1;
	[dreg:$0x2] =	wrdreg s3  }
0xaf: {  	[dreg:$0x3] =	wrdreg s5  }
0xb0: {  	[dreg:$0x4] =	wrdreg $0xC0  }
0xb1: {  	_ =	task [dreg:s7], $0x5FFFF  }
0xb2: {  	[dreg:$0x1] =	wrdreg $0xFFFFFFFF  }
0xb3: {  	[dreg:$0x0] =	wrdreg $0x60  }
0xb4: {  	[dreg:$0x2] =	wrdreg s24  }
0xb5: {  	[dreg:$0x3] =	wrdreg s16  }
0xb6: {  	[dreg:$0x4] =	wrdreg $0x9  }
0xb7: {  	_ =	task.clear_ibuf [dreg:s7], $0x5FFFF;
	_ =	strace $0x90000046  }
0xb8: {  	s29 =	simm.s32 $0x9;
	_ =	strace $0x80000048  }
0xb9: {  	_ =	swait.ge [sflag:s29], $0x1  }
0xba: {  	[sflag:s29] =	ssyncadd.s32 $0xFFFFFFFF  }
0xbb: {  	_ =	strace $0x90000048  }
0xbc: {  	_ =	sfence  }
0xbd: {  	s30 =	sld [smem:$0x0];
	_ =	sdelay $0x2  }
0xbe: {  	s31 =	sshll.u32 s1, $0xD;
	s1 =	sshrl.u32 s1, $0x2  }
0xbf: {  	s3 =	sand.u32 $0x4000, s31;
	s1 =	sadd.s32 s1, s30  }
0xc0: {  	s0 =	sor.u32 s3, s0;
	s1 =	sshll.u32 s1, $0x11  }
0xc1: {  	s0 =	sor.u32 s1, s0  }
0xc2: {  	s0 =	sadd.s32 $0x8F2B, s0  }
0xc3: {  	[sflag:s0] =	ssyncadd.remote.s32 $0x1  }
0xc4: {  	_ =	sfence.sel $0xFFFF  }
0xc5: {  	[dreg:$0x0] =	wrdreg $0xFFFFFFFF;
	(pc) =	sbr.abs _section_cstart, $3  }
0xc6: {  	[dreg:$0x1] =	wrdreg $0xFFFFFFFF  }
0xc7: {  	_ =	task.clear_ibuf [dreg:s7], $0x2FFFF;
	_ =	strace $0x9FFFFFFF  }
0xc8: {  	(tm) =	ssettm $0x7FFFFFFF  }
0xc9: {  	_ =	shalt  }
tec
execute0_lowered:
.L_overlay_start_1:
0x0: {  	(tag) =	ssettag $0x1  }
0x1: {  	s0 =	rddreg [dreg:$0x0];
	s1 =	srdreg.scid  }
0x2: {  	s28 =	stileid.u32;
	s3 =	rddreg [dreg:$0x1]  }
0x3: {  	s2 =	simm.s32 $0x0;
	s1 =	sand.u32 $0x1, s1;
	s4 =	sshll.u32 s28, $0x1  }
0x4: {  	p0 =	por $0x0, $0x0;
	s31 =	simm.s32 $0x380;
	s4 =	sor.u32 s1, s4  }
0x5: {  	s30 =	simm.s32 $0x400;
	[smem:$0x7FF] =	sst s2;
	s5 =	smul.u32 $0x3C00, s4  }
0x6: {  	s7 =	sadd.s32 $0x81400, s0;
	s6 =	sshll.u32 s4, $0x8;
	s4 =	smul.u32 $0x1E000, s4  }
0x7: {  	s8 =	sadd.s32 $0x9400, s0;
	_ =	strace $0x80000047;
	s3 =	sadd.s32 s3, s6  }
0x8: {  	[dreg:$0x3] =	wrdreg s3;
	s18 =	sadd.s32 s7, s5;
	s4 =	sshrl.u32 s4, $0x3  }
0x9: {  	s19 =	sadd.s32 s8, s5;
	[dreg:$0x4] =	wrdreg s18;
	s20 =	sadd.s32 $0x600, s4  }
0xa: {  	s29 =	simm.s32 $0x480;
	[dreg:$0x5] =	wrdreg s19;
	s21 =	sadd.s32 s7, s20  }
0xb: {  	s23 =	sadd.s32 $0xC00, s4;
	s22 =	sadd.s32 s8, s20;
	[dreg:$0x6] =	wrdreg s21  }
0xc: {  	s1 =	ssub.s32 $0x2, s1;
	s24 =	sadd.s32 s7, s23;
	[dreg:$0x7] =	wrdreg s22  }
0xd: {  	s26 =	sadd.s32 $0x1200, s4;
	s25 =	sadd.s32 s8, s23;
	[dreg:$0x8] =	wrdreg s24  }
0xe: {  	s3 =	sadd.s32 $0xF9400, s0;
	s6 =	sadd.s32 s7, s26;
	[dreg:$0x9] =	wrdreg s25  }
0xf: {  	s10 =	sadd.s32 $0x1800, s4;
	s9 =	sadd.s32 s8, s26;
	[dreg:$0xa] =	wrdreg s6  }
0x10: {  	s13 =	sadd.s32 $0x1E00, s4;
	s11 =	sadd.s32 s7, s10;
	[dreg:$0xb] =	wrdreg s9  }
0x11: {  	s16 =	sadd.s32 $0x2400, s4;
	s12 =	sadd.s32 s8, s10;
	[dreg:$0xc] =	wrdreg s11  }
0x12: {  	s18 =	sadd.s32 $0x2A00, s4;
	s14 =	sadd.s32 s7, s13;
	[dreg:$0xd] =	wrdreg s12  }
0x13: {  	s15 =	sadd.s32 s8, s13;
	s17 =	sadd.s32 s7, s16;
	[dreg:$0xe] =	wrdreg s14  }
0x14: {  	s5 =	sadd.s32 s8, s16;
	s19 =	sadd.s32 s7, s18;
	[dreg:$0xf] =	wrdreg s15  }
0x15: {  	s20 =	sadd.s32 s8, s18;
	s18 =	simm.s32 $0xD;
	[dreg:$0x10] =	wrdreg s17  }
0x16: {  	s10 =	simm.s32 $0xA;
	s16 =	simm.s32 $0x8;
	[dreg:$0x11] =	wrdreg s5  }
0x17: {  	s13 =	simm.s32 $0x6;
	[dreg:$0x12] =	wrdreg s19;
	s21 =	sadd.s32 $0x3000, s4  }
0x18: {  	[dreg:$0x13] =	wrdreg s20;
	s4 =	sadd.s32 $0x3600, s4;
	s24 =	sshrl.u32 s1, $0x1  }
0x19: {  	s5 =	simm.s32 $0x800;
	s6 =	simm.s32 $0x9800;
	s11 =	simm.s32 $0x1  }
0x1a: {  	s9 =	simm.s32 $0x60;
	s14 =	simm.s32 $0x6800;
	s15 =	simm.s32 $0xF800  }
0x1b: {  	s20 =	simm.s32 $0x3;
	s19 =	simm.s32 $0xC;
	s17 =	simm.s32 $0x5  }
0x1c: {  	s22 =	sadd.s32 s7, s21;
	s23 =	sadd.s32 s8, s21;
	s1 =	ssub.s32 s1, s24  }
0x1d: {  	s25 =	sadd.s32 s7, s4;
	s26 =	sadd.s32 s8, s4;
	s12 =	smax.u32 s1, $0x1  }
0x1e: {  	s4 =	sadd.s32 $0x171400, s0;
	[dreg:$0x14] =	wrdreg s22;
	p1 =	sne.s32 s12, $0x1  }
.Ltmp0:
0x1f: {  	s21 =	simm.s32 $0x3800;
	[dreg:$0x15] =	wrdreg s23;
	(pc) =	sbr.rel @!p1 .LBB2_5-.Ltmp0, $4  }
0x20: {  	s24 =	simm.s32 $0xB;
	s8 =	simm.s32 $0x4;
	[dreg:$0x16] =	wrdreg s25  }
0x21: {  	s7 =	simm.s32 $0x7;
	s0 =	simm.s32 $0x280;
	[dreg:$0x17] =	wrdreg s26  }
0x22: {  	s22 =	simm.s32 $0xC800;
	s25 =	simm.s32 $0x2;
	s1 =	simm.s32 $0x300  }
0x23: {  	s26 =	rddreg [dreg:$0x3];
	s23 =	sadd.s32 $0xFFFFFFFF, s12;
	s12 =	simm.s32 $0x9  }
0x24: {  	[tilespmem:s2], [sflag:$0xD] =	stream.linear.gather [hbm4b:s26+s2], $0x500, $0x38;
	[tilespmem:$0x12800] =	vst v63  }
0x25: {  	_ =	swait.ge [sflag:s18], $0x500  }
0x26: {  	[sflag:s18] =	ssyncset.done $0x0  }
0x27: {  	s26 =	rddreg [dreg:$0x4];
	[sflag:s18] =	ssyncadd.s32 $0xFFFFFB00  }
0x28: {  	[tilespmem:s5], [sflag:$0x1] =	stream.linear.gather [hbm4b:s26+s2], $0x3000, $0x38;
	[tilespmem:$0x12800] =	vst v63  }
0x29: {  	s28 =	smov.u32 s23;
	s23 =	rddreg [dreg:$0x5]  }
0x2a: {  	[tilespmem:s6], [sflag:$0xA] =	stream.linear.gather [hbm4b:s23+s2], $0x3000, $0x38;
	[tilespmem:$0x12800] =	vst v63  }
0x2b: {  	s26 =	rddreg [dreg:$0x6]  }
0x2c: {  	[tilespmem:s21], [sflag:$0x2] =	stream.linear.gather [hbm4b:s26+s2], $0x3000, $0x38;
	[tilespmem:$0x12800] =	vst v63  }
0x2d: {  	s23 =	rddreg [dreg:$0x7]  }
0x2e: {  	[tilespmem:s22], [sflag:$0xB] =	stream.linear.gather [hbm4b:s23+s2], $0x3000, $0x38;
	[tilespmem:$0x12800] =	vst v63  }
0x2f: {  	_ =	swait.ge [sflag:s11], $0x3000  }
0x30: {  	[sflag:s11] =	ssyncset.done $0x0  }
0x31: {  	[sflag:s11] =	ssyncadd.s32 $0xFFFFD000  }
0x32: {  	_ =	swait.ge [sflag:s10], $0x3000  }
0x33: {  	[sflag:s10] =	ssyncset.done $0x0  }
0x34: {  	[sflag:s10] =	ssyncadd.s32 $0xFFFFD000  }
0x35: {  	[hbm4b:s3+s9] =	stream.indirect.scatter [tilespmem:s5], [sflag:$0x4], $0x80, s2, s9, $0xb8;
	[tilespmem:$0x12800] =	vst v63  }
0x36: {  	_ = 	snop  }
0x37: {  	[hbm4b:s4+s9] =	stream.indirect.scatter [tilespmem:s6], [sflag:$0x7], $0x80, s2, s9, $0xb8;
	[tilespmem:$0x12800] =	vst v63  }
0x38: {  	s23 =	rddreg [dreg:$0x8]  }
0x39: {  	[tilespmem:s14], [sflag:$0x3] =	stream.linear.gather [hbm4b:s23+s2], $0x3000, $0x38;
	[tilespmem:$0x12800] =	vst v63  }
0x3a: {  	s26 =	rddreg [dreg:$0x9]  }
0x3b: {  	[tilespmem:s15], [sflag:$0xC] =	stream.linear.gather [hbm4b:s26+s2], $0x3000, $0x38;
	[tilespmem:$0x12800] =	vst v63  }
0x3c: {  	_ =	swait.ge [sflag:s25], $0x3000  }
0x3d: {  	[sflag:s25] =	ssyncset.done $0x0  }
0x3e: {  	[sflag:s25] =	ssyncadd.s32 $0xFFFFD000  }
0x3f: {  	_ =	swait.ge [sflag:s24], $0x3000  }
0x40: {  	[sflag:s24] =	ssyncset.done $0x0  }
0x41: {  	s26 =	simm.s32 $0x80;
	[sflag:s24] =	ssyncadd.s32 $0xFFFFD000  }
0x42: {  	[hbm4b:s3+s9] =	stream.indirect.scatter [tilespmem:s21], [sflag:$0x5], $0x80, s26, s9, $0xb8;
	[tilespmem:$0x12800] =	vst v63  }
0x43: {  	_ = 	snop  }
0x44: {  	[hbm4b:s4+s9] =	stream.indirect.scatter [tilespmem:s22], [sflag:$0x8], $0x80, s26, s9, $0xb8;
	[tilespmem:$0x12800] =	vst v63  }
0x45: {  	_ =	swait.ge [sflag:s8], $0x3000  }
0x46: {  	[sflag:s8] =	ssyncset.done $0x0  }
0x47: {  	[sflag:s8] =	ssyncadd.s32 $0xFFFFD000  }
0x48: {  	_ =	swait.ge [sflag:s7], $0x3000  }
0x49: {  	[sflag:s7] =	ssyncset.done $0x0  }
0x4a: {  	s23 =	rddreg [dreg:$0xa];
	[sflag:s7] =	ssyncadd.s32 $0xFFFFD000  }
0x4b: {  	[tilespmem:s5], [sflag:$0x1] =	stream.linear.gather [hbm4b:s23+s2], $0x3000, $0x38;
	[tilespmem:$0x12800] =	vst v63  }
0x4c: {  	s26 =	rddreg [dreg:$0xb]  }
0x4d: {  	[tilespmem:s6], [sflag:$0xA] =	stream.linear.gather [hbm4b:s26+s2], $0x3000, $0x38;
	[tilespmem:$0x12800] =	vst v63  }
0x4e: {  	_ =	swait.ge [sflag:s20], $0x3000  }
0x4f: {  	[sflag:s20] =	ssyncset.done $0x0  }
0x50: {  	[sflag:s20] =	ssyncadd.s32 $0xFFFFD000  }
0x51: {  	_ =	swait.ge [sflag:s19], $0x3000  }
0x52: {  	[sflag:s19] =	ssyncset.done $0x0  }
0x53: {  	s26 =	simm.s32 $0x100;
	[sflag:s19] =	ssyncadd.s32 $0xFFFFD000  }
0x54: {  	[hbm4b:s3+s9] =	stream.indirect.scatter [tilespmem:s14], [sflag:$0x6], $0x80, s26, s9, $0xb8;
	[tilespmem:$0x12800] =	vst v63  }
0x55: {  	_ = 	snop  }
0x56: {  	[hbm4b:s4+s9] =	stream.indirect.scatter [tilespmem:s15], [sflag:$0x9], $0x80, s26, s9, $0xb8;
	[tilespmem:$0x12800] =	vst v63  }
0x57: {  	_ =	swait.ge [sflag:s17], $0x3000  }
0x58: {  	[sflag:s17] =	ssyncset.done $0x0  }
0x59: {  	[sflag:s17] =	ssyncadd.s32 $0xFFFFD000  }
0x5a: {  	_ =	swait.ge [sflag:s16], $0x3000  }
0x5b: {  	[sflag:s16] =	ssyncset.done $0x0  }
0x5c: {  	s23 =	rddreg [dreg:$0xc];
	[sflag:s16] =	ssyncadd.s32 $0xFFFFD000  }
0x5d: {  	[tilespmem:s21], [sflag:$0x2] =	stream.linear.gather [hbm4b:s23+s2], $0x3000, $0x38;
	[tilespmem:$0x12800] =	vst v63  }
0x5e: {  	s26 =	rddreg [dreg:$0xd]  }
0x5f: {  	[tilespmem:s22], [sflag:$0xB] =	stream.linear.gather [hbm4b:s26+s2], $0x3000, $0x38;
	[tilespmem:$0x12800] =	vst v63  }
0x60: {  	_ =	swait.ge [sflag:s11], $0x3000  }
0x61: {  	[sflag:s11] =	ssyncset.done $0x0  }
0x62: {  	[sflag:s11] =	ssyncadd.s32 $0xFFFFD000  }
0x63: {  	_ =	swait.ge [sflag:s10], $0x3000  }
0x64: {  	[sflag:s10] =	ssyncset.done $0x0  }
0x65: {  	s26 =	simm.s32 $0x180;
	[sflag:s10] =	ssyncadd.s32 $0xFFFFD000  }
0x66: {  	[hbm4b:s3+s9] =	stream.indirect.scatter [tilespmem:s5], [sflag:$0x4], $0x80, s26, s9, $0xb8;
	[tilespmem:$0x12800] =	vst v63  }
0x67: {  	_ = 	snop  }
0x68: {  	[hbm4b:s4+s9] =	stream.indirect.scatter [tilespmem:s6], [sflag:$0x7], $0x80, s26, s9, $0xb8;
	[tilespmem:$0x12800] =	vst v63  }
0x69: {  	_ =	swait.ge [sflag:s13], $0x3000  }
0x6a: {  	[sflag:s13] =	ssyncset.done $0x0  }
0x6b: {  	[sflag:s13] =	ssyncadd.s32 $0xFFFFD000  }
0x6c: {  	_ =	swait.ge [sflag:s12], $0x3000  }
0x6d: {  	[sflag:s12] =	ssyncset.done $0x0  }
0x6e: {  	s23 =	rddreg [dreg:$0xe];
	[sflag:s12] =	ssyncadd.s32 $0xFFFFD000  }
0x6f: {  	[tilespmem:s14], [sflag:$0x3] =	stream.linear.gather [hbm4b:s23+s2], $0x3000, $0x38;
	[tilespmem:$0x12800] =	vst v63  }
0x70: {  	s26 =	rddreg [dreg:$0xf]  }
0x71: {  	[tilespmem:s15], [sflag:$0xC] =	stream.linear.gather [hbm4b:s26+s2], $0x3000, $0x38;
	[tilespmem:$0x12800] =	vst v63  }
0x72: {  	_ =	swait.ge [sflag:s25], $0x3000  }
0x73: {  	[sflag:s25] =	ssyncset.done $0x0  }
0x74: {  	[sflag:s25] =	ssyncadd.s32 $0xFFFFD000  }
0x75: {  	_ =	swait.ge [sflag:s24], $0x3000  }
0x76: {  	[sflag:s24] =	ssyncset.done $0x0  }
0x77: {  	s26 =	simm.s32 $0x200;
	[sflag:s24] =	ssyncadd.s32 $0xFFFFD000  }
0x78: {  	[hbm4b:s3+s9] =	stream.indirect.scatter [tilespmem:s21], [sflag:$0x5], $0x80, s26, s9, $0xb8;
	[tilespmem:$0x12800] =	vst v63  }
0x79: {  	_ = 	snop  }
0x7a: {  	[hbm4b:s4+s9] =	stream.indirect.scatter [tilespmem:s22], [sflag:$0x8], $0x80, s26, s9, $0xb8;
	[tilespmem:$0x12800] =	vst v63  }
0x7b: {  	_ =	swait.ge [sflag:s8], $0x3000  }
0x7c: {  	[sflag:s8] =	ssyncset.done $0x0  }
0x7d: {  	[sflag:s8] =	ssyncadd.s32 $0xFFFFD000  }
0x7e: {  	_ =	swait.ge [sflag:s7], $0x3000  }
0x7f: {  	[sflag:s7] =	ssyncset.done $0x0  }
0x80: {  	s23 =	rddreg [dreg:$0x10];
	[sflag:s7] =	ssyncadd.s32 $0xFFFFD000  }
0x81: {  	[tilespmem:s5], [sflag:$0x1] =	stream.linear.gather [hbm4b:s23+s2], $0x3000, $0x38;
	[tilespmem:$0x12800] =	vst v63  }
0x82: {  	s26 =	rddreg [dreg:$0x11]  }
0x83: {  	[tilespmem:s6], [sflag:$0xA] =	stream.linear.gather [hbm4b:s26+s2], $0x3000, $0x38;
	[tilespmem:$0x12800] =	vst v63  }
0x84: {  	_ =	swait.ge [sflag:s20], $0x3000  }
0x85: {  	[sflag:s20] =	ssyncset.done $0x0  }
0x86: {  	[sflag:s20] =	ssyncadd.s32 $0xFFFFD000  }
0x87: {  	_ =	swait.ge [sflag:s19], $0x3000  }
0x88: {  	[sflag:s19] =	ssyncset.done $0x0  }
0x89: {  	[sflag:s19] =	ssyncadd.s32 $0xFFFFD000  }
0x8a: {  	[hbm4b:s3+s9] =	stream.indirect.scatter [tilespmem:s14], [sflag:$0x6], $0x80, s0, s9, $0xb8;
	[tilespmem:$0x12800] =	vst v63  }
0x8b: {  	_ = 	snop  }
0x8c: {  	[hbm4b:s4+s9] =	stream.indirect.scatter [tilespmem:s15], [sflag:$0x9], $0x80, s0, s9, $0xb8;
	[tilespmem:$0x12800] =	vst v63  }
0x8d: {  	_ =	swait.ge [sflag:s17], $0x3000  }
0x8e: {  	[sflag:s17] =	ssyncset.done $0x0  }
0x8f: {  	[sflag:s17] =	ssyncadd.s32 $0xFFFFD000  }
0x90: {  	_ =	swait.ge [sflag:s16], $0x3000  }
0x91: {  	[sflag:s16] =	ssyncset.done $0x0  }
0x92: {  	s23 =	rddreg [dreg:$0x12];
	[sflag:s16] =	ssyncadd.s32 $0xFFFFD000  }
0x93: {  	[tilespmem:s21], [sflag:$0x2] =	stream.linear.gather [hbm4b:s23+s2], $0x3000, $0x38;
	[tilespmem:$0x12800] =	vst v63  }
0x94: {  	s26 =	rddreg [dreg:$0x13]  }
0x95: {  	[tilespmem:s22], [sflag:$0xB] =	stream.linear.gather [hbm4b:s26+s2], $0x3000, $0x38;
	[tilespmem:$0x12800] =	vst v63  }
0x96: {  	_ =	swait.ge [sflag:s11], $0x3000  }
0x97: {  	[sflag:s11] =	ssyncset.done $0x0  }
0x98: {  	[sflag:s11] =	ssyncadd.s32 $0xFFFFD000  }
0x99: {  	_ =	swait.ge [sflag:s10], $0x3000  }
0x9a: {  	[sflag:s10] =	ssyncset.done $0x0  }
0x9b: {  	[sflag:s10] =	ssyncadd.s32 $0xFFFFD000  }
0x9c: {  	[hbm4b:s3+s9] =	stream.indirect.scatter [tilespmem:s5], [sflag:$0x4], $0x80, s1, s9, $0xb8;
	[tilespmem:$0x12800] =	vst v63  }
0x9d: {  	_ = 	snop  }
0x9e: {  	[hbm4b:s4+s9] =	stream.indirect.scatter [tilespmem:s6], [sflag:$0x7], $0x80, s1, s9, $0xb8;
	[tilespmem:$0x12800] =	vst v63  }
0x9f: {  	_ =	swait.ge [sflag:s13], $0x3000  }
0xa0: {  	[sflag:s13] =	ssyncset.done $0x0  }
0xa1: {  	[sflag:s13] =	ssyncadd.s32 $0xFFFFD000  }
0xa2: {  	_ =	swait.ge [sflag:s12], $0x3000  }
0xa3: {  	[sflag:s12] =	ssyncset.done $0x0  }
0xa4: {  	s23 =	rddreg [dreg:$0x14];
	[sflag:s12] =	ssyncadd.s32 $0xFFFFD000  }
0xa5: {  	[tilespmem:s14], [sflag:$0x3] =	stream.linear.gather [hbm4b:s23+s2], $0x3000, $0x38;
	[tilespmem:$0x12800] =	vst v63  }
0xa6: {  	s26 =	rddreg [dreg:$0x15]  }
0xa7: {  	[tilespmem:s15], [sflag:$0xC] =	stream.linear.gather [hbm4b:s26+s2], $0x3000, $0x38;
	[tilespmem:$0x12800] =	vst v63  }
0xa8: {  	_ =	swait.ge [sflag:s25], $0x3000  }
0xa9: {  	[sflag:s25] =	ssyncset.done $0x0  }
0xaa: {  	[sflag:s25] =	ssyncadd.s32 $0xFFFFD000  }
0xab: {  	_ =	swait.ge [sflag:s24], $0x3000  }
0xac: {  	[sflag:s24] =	ssyncset.done $0x0  }
0xad: {  	[sflag:s24] =	ssyncadd.s32 $0xFFFFD000  }
0xae: {  	[hbm4b:s3+s9] =	stream.indirect.scatter [tilespmem:s21], [sflag:$0x5], $0x80, s31, s9, $0xb8;
	[tilespmem:$0x12800] =	vst v63  }
0xaf: {  	_ = 	snop  }
0xb0: {  	[hbm4b:s4+s9] =	stream.indirect.scatter [tilespmem:s22], [sflag:$0x8], $0x80, s31, s9, $0xb8;
	[tilespmem:$0x12800] =	vst v63  }
0xb1: {  	_ =	swait.ge [sflag:s8], $0x3000  }
0xb2: {  	[sflag:s8] =	ssyncset.done $0x0  }
0xb3: {  	[sflag:s8] =	ssyncadd.s32 $0xFFFFD000  }
0xb4: {  	_ =	swait.ge [sflag:s7], $0x3000  }
0xb5: {  	[sflag:s7] =	ssyncset.done $0x0  }
0xb6: {  	s23 =	rddreg [dreg:$0x16];
	[sflag:s7] =	ssyncadd.s32 $0xFFFFD000  }
0xb7: {  	[tilespmem:s5], [sflag:$0x1] =	stream.linear.gather [hbm4b:s23+s2], $0x3000, $0x38;
	[tilespmem:$0x12800] =	vst v63  }
0xb8: {  	s26 =	rddreg [dreg:$0x17]  }
0xb9: {  	[tilespmem:s6], [sflag:$0xA] =	stream.linear.gather [hbm4b:s26+s2], $0x3000, $0x38;
	[tilespmem:$0x12800] =	vst v63  }
0xba: {  	_ =	swait.ge [sflag:s20], $0x3000  }
0xbb: {  	[sflag:s20] =	ssyncset.done $0x0  }
0xbc: {  	[sflag:s20] =	ssyncadd.s32 $0xFFFFD000  }
0xbd: {  	_ =	swait.ge [sflag:s19], $0x3000  }
0xbe: {  	[sflag:s19] =	ssyncset.done $0x0  }
0xbf: {  	[sflag:s19] =	ssyncadd.s32 $0xFFFFD000  }
0xc0: {  	[hbm4b:s3+s9] =	stream.indirect.scatter [tilespmem:s14], [sflag:$0x6], $0x80, s30, s9, $0xb8;
	[tilespmem:$0x12800] =	vst v63  }
0xc1: {  	_ = 	snop  }
0xc2: {  	[hbm4b:s4+s9] =	stream.indirect.scatter [tilespmem:s15], [sflag:$0x9], $0x80, s30, s9, $0xb8;
	[tilespmem:$0x12800] =	vst v63  }
0xc3: {  	_ =	swait.ge [sflag:s17], $0x3000  }
0xc4: {  	[sflag:s17] =	ssyncset.done $0x0  }
0xc5: {  	[sflag:s17] =	ssyncadd.s32 $0xFFFFD000  }
0xc6: {  	_ =	swait.ge [sflag:s16], $0x3000  }
0xc7: {  	[sflag:s16] =	ssyncset.done $0x0  }
0xc8: {  	[sflag:s16] =	ssyncadd.s32 $0xFFFFD000  }
0xc9: {  	_ =	swait.ge [sflag:s11], $0x3000  }
0xca: {  	[sflag:s11] =	ssyncset.done $0x0  }
0xcb: {  	[sflag:s11] =	ssyncadd.s32 $0xFFFFD000  }
0xcc: {  	_ =	swait.ge [sflag:s10], $0x3000  }
0xcd: {  	[sflag:s10] =	ssyncset.done $0x0  }
0xce: {  	[sflag:s10] =	ssyncadd.s32 $0xFFFFD000  }
0xcf: {  	[hbm4b:s3+s9] =	stream.indirect.scatter [tilespmem:s5], [sflag:$0x4], $0x80, s29, s9, $0xb8;
	[tilespmem:$0x12800] =	vst v63  }
0xd0: {  	_ = 	snop  }
0xd1: {  	[hbm4b:s4+s9] =	stream.indirect.scatter [tilespmem:s6], [sflag:$0x7], $0x80, s29, s9, $0xb8;
	[tilespmem:$0x12800] =	vst v63  }
0xd2: {  	_ =	swait.ge [sflag:s13], $0x3000  }
0xd3: {  	[sflag:s13] =	ssyncset.done $0x0  }
0xd4: {  	[sflag:s13] =	ssyncadd.s32 $0xFFFFD000  }
0xd5: {  	_ =	swait.ge [sflag:s12], $0x3000  }
0xd6: {  	[sflag:s12] =	ssyncset.done $0x0  }
0xd7: {  	p1 =	sne.s32 s28, $0x1;
	[sflag:s12] =	ssyncadd.s32 $0xFFFFD000  }
.Ltmp1:
0xd8: {  	_ =	swait.ge [sflag:s8], $0x3000;
	(pc) =	sbr.rel @!p1 .LBB2_2-.Ltmp1, $4  }
0xd9: {  	[sflag:s8] =	ssyncset.done $0x0  }
0xda: {  	[sflag:s8] =	ssyncadd.s32 $0xFFFFD000  }
0xdb: {  	p0 =	por $0x1, $0x1;
	_ =	swait.ge [sflag:s7], $0x3000  }
0xdc: {  	s23 =	sadd.s32 $0xFFFFFFFF, s28;
	s26 =	rddreg [dreg:$0x3];
	[sflag:s7] =	ssyncset.done $0x0  }
.LBB2_3:
0xdd: {  	[sflag:s7] =	ssyncadd.s32 $0xFFFFD000  }
0xde: {  	[tilespmem:s2], [sflag:$0xD] =	stream.linear.gather [hbm4b:s26+s2], $0x500, $0x38;
	[tilespmem:$0x12800] =	vst v63  }
0xdf: {  	_ =	swait.ge [sflag:s18], $0x500  }
0xe0: {  	[sflag:s18] =	ssyncset.done $0x0  }
0xe1: {  	s26 =	rddreg [dreg:$0x4];
	[sflag:s18] =	ssyncadd.s32 $0xFFFFFB00  }
0xe2: {  	[tilespmem:s5], [sflag:$0x1] =	stream.linear.gather [hbm4b:s26+s2], $0x3000, $0x38;
	[tilespmem:$0x12800] =	vst v63  }
0xe3: {  	s28 =	rddreg [dreg:$0x5]  }
0xe4: {  	[tilespmem:s6], [sflag:$0xA] =	stream.linear.gather [hbm4b:s28+s2], $0x3000, $0x38;
	[tilespmem:$0x12800] =	vst v63  }
0xe5: {  	s26 =	rddreg [dreg:$0x6]  }
0xe6: {  	[tilespmem:s21], [sflag:$0x2] =	stream.linear.gather [hbm4b:s26+s2], $0x3000, $0x38;
	[tilespmem:$0x12800] =	vst v63  }
0xe7: {  	s28 =	rddreg [dreg:$0x7]  }
0xe8: {  	[tilespmem:s22], [sflag:$0xB] =	stream.linear.gather [hbm4b:s28+s2], $0x3000, $0x38;
	[tilespmem:$0x12800] =	vst v63  }
0xe9: {  	_ =	swait.ge [sflag:s11], $0x3000  }
0xea: {  	[sflag:s11] =	ssyncset.done $0x0  }
0xeb: {  	[sflag:s11] =	ssyncadd.s32 $0xFFFFD000  }
0xec: {  	_ =	swait.ge [sflag:s10], $0x3000  }
0xed: {  	[sflag:s10] =	ssyncset.done $0x0  }
0xee: {  	[sflag:s10] =	ssyncadd.s32 $0xFFFFD000  }
0xef: {  	[hbm4b:s3+s9] =	stream.indirect.scatter [tilespmem:s5], [sflag:$0x4], $0x80, s2, s9, $0xb8;
	[tilespmem:$0x12800] =	vst v63  }
0xf0: {  	_ = 	snop  }
0xf1: {  	[hbm4b:s4+s9] =	stream.indirect.scatter [tilespmem:s6], [sflag:$0x7], $0x80, s2, s9, $0xb8;
	[tilespmem:$0x12800] =	vst v63  }
0xf2: {  	s26 =	rddreg [dreg:$0x8]  }
0xf3: {  	[tilespmem:s14], [sflag:$0x3] =	stream.linear.gather [hbm4b:s26+s2], $0x3000, $0x38;
	[tilespmem:$0x12800] =	vst v63  }
0xf4: {  	s28 =	rddreg [dreg:$0x9]  }
0xf5: {  	[tilespmem:s15], [sflag:$0xC] =	stream.linear.gather [hbm4b:s28+s2], $0x3000, $0x38;
	[tilespmem:$0x12800] =	vst v63  }
0xf6: {  	_ =	swait.ge [sflag:s25], $0x3000  }
0xf7: {  	[sflag:s25] =	ssyncset.done $0x0  }
0xf8: {  	[sflag:s25] =	ssyncadd.s32 $0xFFFFD000  }
0xf9: {  	_ =	swait.ge [sflag:s24], $0x3000  }
0xfa: {  	[sflag:s24] =	ssyncset.done $0x0  }
0xfb: {  	s28 =	simm.s32 $0x80;
	[sflag:s24] =	ssyncadd.s32 $0xFFFFD000  }
0xfc: {  	[hbm4b:s3+s9] =	stream.indirect.scatter [tilespmem:s21], [sflag:$0x5], $0x80, s28, s9, $0xb8;
	[tilespmem:$0x12800] =	vst v63  }
0xfd: {  	_ = 	snop  }
0xfe: {  	[hbm4b:s4+s9] =	stream.indirect.scatter [tilespmem:s22], [sflag:$0x8], $0x80, s28, s9, $0xb8;
	[tilespmem:$0x12800] =	vst v63  }
0xff: {  	_ =	swait.ge [sflag:s8], $0x3000  }
0x100: {  	[sflag:s8] =	ssyncset.done $0x0  }
0x101: {  	[sflag:s8] =	ssyncadd.s32 $0xFFFFD000  }
0x102: {  	_ =	swait.ge [sflag:s7], $0x3000  }
0x103: {  	[sflag:s7] =	ssyncset.done $0x0  }
0x104: {  	s26 =	rddreg [dreg:$0xa];
	[sflag:s7] =	ssyncadd.s32 $0xFFFFD000  }
0x105: {  	[tilespmem:s5], [sflag:$0x1] =	stream.linear.gather [hbm4b:s26+s2], $0x3000, $0x38;
	[tilespmem:$0x12800] =	vst v63  }
0x106: {  	s28 =	rddreg [dreg:$0xb]  }
0x107: {  	[tilespmem:s6], [sflag:$0xA] =	stream.linear.gather [hbm4b:s28+s2], $0x3000, $0x38;
	[tilespmem:$0x12800] =	vst v63  }
0x108: {  	_ =	swait.ge [sflag:s20], $0x3000  }
0x109: {  	[sflag:s20] =	ssyncset.done $0x0  }
0x10a: {  	[sflag:s20] =	ssyncadd.s32 $0xFFFFD000  }
0x10b: {  	_ =	swait.ge [sflag:s19], $0x3000  }
0x10c: {  	[sflag:s19] =	ssyncset.done $0x0  }
0x10d: {  	s28 =	simm.s32 $0x100;
	[sflag:s19] =	ssyncadd.s32 $0xFFFFD000  }
0x10e: {  	[hbm4b:s3+s9] =	stream.indirect.scatter [tilespmem:s14], [sflag:$0x6], $0x80, s28, s9, $0xb8;
	[tilespmem:$0x12800] =	vst v63  }
0x10f: {  	_ = 	snop  }
0x110: {  	[hbm4b:s4+s9] =	stream.indirect.scatter [tilespmem:s15], [sflag:$0x9], $0x80, s28, s9, $0xb8;
	[tilespmem:$0x12800] =	vst v63  }
0x111: {  	_ =	swait.ge [sflag:s17], $0x3000  }
0x112: {  	[sflag:s17] =	ssyncset.done $0x0  }
0x113: {  	[sflag:s17] =	ssyncadd.s32 $0xFFFFD000  }
0x114: {  	_ =	swait.ge [sflag:s16], $0x3000  }
0x115: {  	[sflag:s16] =	ssyncset.done $0x0  }
0x116: {  	s26 =	rddreg [dreg:$0xc];
	[sflag:s16] =	ssyncadd.s32 $0xFFFFD000  }
0x117: {  	[tilespmem:s21], [sflag:$0x2] =	stream.linear.gather [hbm4b:s26+s2], $0x3000, $0x38;
	[tilespmem:$0x12800] =	vst v63  }
0x118: {  	s28 =	rddreg [dreg:$0xd]  }
0x119: {  	[tilespmem:s22], [sflag:$0xB] =	stream.linear.gather [hbm4b:s28+s2], $0x3000, $0x38;
	[tilespmem:$0x12800] =	vst v63  }
0x11a: {  	_ =	swait.ge [sflag:s11], $0x3000  }
0x11b: {  	[sflag:s11] =	ssyncset.done $0x0  }
0x11c: {  	[sflag:s11] =	ssyncadd.s32 $0xFFFFD000  }
0x11d: {  	_ =	swait.ge [sflag:s10], $0x3000  }
0x11e: {  	[sflag:s10] =	ssyncset.done $0x0  }
0x11f: {  	s28 =	simm.s32 $0x180;
	[sflag:s10] =	ssyncadd.s32 $0xFFFFD000  }
0x120: {  	[hbm4b:s3+s9] =	stream.indirect.scatter [tilespmem:s5], [sflag:$0x4], $0x80, s28, s9, $0xb8;
	[tilespmem:$0x12800] =	vst v63  }
0x121: {  	_ = 	snop  }
0x122: {  	[hbm4b:s4+s9] =	stream.indirect.scatter [tilespmem:s6], [sflag:$0x7], $0x80, s28, s9, $0xb8;
	[tilespmem:$0x12800] =	vst v63  }
0x123: {  	_ =	swait.ge [sflag:s13], $0x3000  }
0x124: {  	[sflag:s13] =	ssyncset.done $0x0  }
0x125: {  	[sflag:s13] =	ssyncadd.s32 $0xFFFFD000  }
0x126: {  	_ =	swait.ge [sflag:s12], $0x3000  }
0x127: {  	[sflag:s12] =	ssyncset.done $0x0  }
0x128: {  	s26 =	rddreg [dreg:$0xe];
	[sflag:s12] =	ssyncadd.s32 $0xFFFFD000  }
0x129: {  	[tilespmem:s14], [sflag:$0x3] =	stream.linear.gather [hbm4b:s26+s2], $0x3000, $0x38;
	[tilespmem:$0x12800] =	vst v63  }
0x12a: {  	s28 =	rddreg [dreg:$0xf]  }
0x12b: {  	[tilespmem:s15], [sflag:$0xC] =	stream.linear.gather [hbm4b:s28+s2], $0x3000, $0x38;
	[tilespmem:$0x12800] =	vst v63  }
0x12c: {  	_ =	swait.ge [sflag:s25], $0x3000  }
0x12d: {  	[sflag:s25] =	ssyncset.done $0x0  }
0x12e: {  	[sflag:s25] =	ssyncadd.s32 $0xFFFFD000  }
0x12f: {  	_ =	swait.ge [sflag:s24], $0x3000  }
0x130: {  	[sflag:s24] =	ssyncset.done $0x0  }
0x131: {  	s28 =	simm.s32 $0x200;
	[sflag:s24] =	ssyncadd.s32 $0xFFFFD000  }
0x132: {  	[hbm4b:s3+s9] =	stream.indirect.scatter [tilespmem:s21], [sflag:$0x5], $0x80, s28, s9, $0xb8;
	[tilespmem:$0x12800] =	vst v63  }
0x133: {  	_ = 	snop  }
0x134: {  	[hbm4b:s4+s9] =	stream.indirect.scatter [tilespmem:s22], [sflag:$0x8], $0x80, s28, s9, $0xb8;
	[tilespmem:$0x12800] =	vst v63  }
0x135: {  	_ =	swait.ge [sflag:s8], $0x3000  }
0x136: {  	[sflag:s8] =	ssyncset.done $0x0  }
0x137: {  	[sflag:s8] =	ssyncadd.s32 $0xFFFFD000  }
0x138: {  	_ =	swait.ge [sflag:s7], $0x3000  }
0x139: {  	[sflag:s7] =	ssyncset.done $0x0  }
0x13a: {  	s26 =	rddreg [dreg:$0x10];
	[sflag:s7] =	ssyncadd.s32 $0xFFFFD000  }
0x13b: {  	[tilespmem:s5], [sflag:$0x1] =	stream.linear.gather [hbm4b:s26+s2], $0x3000, $0x38;
	[tilespmem:$0x12800] =	vst v63  }
0x13c: {  	s28 =	rddreg [dreg:$0x11]  }
0x13d: {  	[tilespmem:s6], [sflag:$0xA] =	stream.linear.gather [hbm4b:s28+s2], $0x3000, $0x38;
	[tilespmem:$0x12800] =	vst v63  }
0x13e: {  	_ =	swait.ge [sflag:s20], $0x3000  }
0x13f: {  	[sflag:s20] =	ssyncset.done $0x0  }
0x140: {  	[sflag:s20] =	ssyncadd.s32 $0xFFFFD000  }
0x141: {  	_ =	swait.ge [sflag:s19], $0x3000  }
0x142: {  	[sflag:s19] =	ssyncset.done $0x0  }
0x143: {  	[sflag:s19] =	ssyncadd.s32 $0xFFFFD000  }
0x144: {  	[hbm4b:s3+s9] =	stream.indirect.scatter [tilespmem:s14], [sflag:$0x6], $0x80, s0, s9, $0xb8;
	[tilespmem:$0x12800] =	vst v63  }
0x145: {  	_ = 	snop  }
0x146: {  	[hbm4b:s4+s9] =	stream.indirect.scatter [tilespmem:s15], [sflag:$0x9], $0x80, s0, s9, $0xb8;
	[tilespmem:$0x12800] =	vst v63  }
0x147: {  	_ =	swait.ge [sflag:s17], $0x3000  }
0x148: {  	[sflag:s17] =	ssyncset.done $0x0  }
0x149: {  	[sflag:s17] =	ssyncadd.s32 $0xFFFFD000  }
0x14a: {  	_ =	swait.ge [sflag:s16], $0x3000  }
0x14b: {  	[sflag:s16] =	ssyncset.done $0x0  }
0x14c: {  	s26 =	rddreg [dreg:$0x12];
	[sflag:s16] =	ssyncadd.s32 $0xFFFFD000  }
0x14d: {  	[tilespmem:s21], [sflag:$0x2] =	stream.linear.gather [hbm4b:s26+s2], $0x3000, $0x38;
	[tilespmem:$0x12800] =	vst v63  }
0x14e: {  	s28 =	rddreg [dreg:$0x13]  }
0x14f: {  	[tilespmem:s22], [sflag:$0xB] =	stream.linear.gather [hbm4b:s28+s2], $0x3000, $0x38;
	[tilespmem:$0x12800] =	vst v63  }
0x150: {  	_ =	swait.ge [sflag:s11], $0x3000  }
0x151: {  	[sflag:s11] =	ssyncset.done $0x0  }
0x152: {  	[sflag:s11] =	ssyncadd.s32 $0xFFFFD000  }
0x153: {  	_ =	swait.ge [sflag:s10], $0x3000  }
0x154: {  	[sflag:s10] =	ssyncset.done $0x0  }
0x155: {  	[sflag:s10] =	ssyncadd.s32 $0xFFFFD000  }
0x156: {  	[hbm4b:s3+s9] =	stream.indirect.scatter [tilespmem:s5], [sflag:$0x4], $0x80, s1, s9, $0xb8;
	[tilespmem:$0x12800] =	vst v63  }
0x157: {  	_ = 	snop  }
0x158: {  	[hbm4b:s4+s9] =	stream.indirect.scatter [tilespmem:s6], [sflag:$0x7], $0x80, s1, s9, $0xb8;
	[tilespmem:$0x12800] =	vst v63  }
0x159: {  	_ =	swait.ge [sflag:s13], $0x3000  }
0x15a: {  	[sflag:s13] =	ssyncset.done $0x0  }
0x15b: {  	[sflag:s13] =	ssyncadd.s32 $0xFFFFD000  }
0x15c: {  	_ =	swait.ge [sflag:s12], $0x3000  }
0x15d: {  	[sflag:s12] =	ssyncset.done $0x0  }
0x15e: {  	s26 =	rddreg [dreg:$0x14];
	[sflag:s12] =	ssyncadd.s32 $0xFFFFD000  }
0x15f: {  	[tilespmem:s14], [sflag:$0x3] =	stream.linear.gather [hbm4b:s26+s2], $0x3000, $0x38;
	[tilespmem:$0x12800] =	vst v63  }
0x160: {  	s28 =	rddreg [dreg:$0x15]  }
0x161: {  	[tilespmem:s15], [sflag:$0xC] =	stream.linear.gather [hbm4b:s28+s2], $0x3000, $0x38;
	[tilespmem:$0x12800] =	vst v63  }
0x162: {  	_ =	swait.ge [sflag:s25], $0x3000  }
0x163: {  	[sflag:s25] =	ssyncset.done $0x0  }
0x164: {  	[sflag:s25] =	ssyncadd.s32 $0xFFFFD000  }
0x165: {  	_ =	swait.ge [sflag:s24], $0x3000  }
0x166: {  	[sflag:s24] =	ssyncset.done $0x0  }
0x167: {  	[sflag:s24] =	ssyncadd.s32 $0xFFFFD000  }
0x168: {  	[hbm4b:s3+s9] =	stream.indirect.scatter [tilespmem:s21], [sflag:$0x5], $0x80, s31, s9, $0xb8;
	[tilespmem:$0x12800] =	vst v63  }
0x169: {  	_ = 	snop  }
0x16a: {  	[hbm4b:s4+s9] =	stream.indirect.scatter [tilespmem:s22], [sflag:$0x8], $0x80, s31, s9, $0xb8;
	[tilespmem:$0x12800] =	vst v63  }
0x16b: {  	_ =	swait.ge [sflag:s8], $0x3000  }
0x16c: {  	[sflag:s8] =	ssyncset.done $0x0  }
0x16d: {  	[sflag:s8] =	ssyncadd.s32 $0xFFFFD000  }
0x16e: {  	_ =	swait.ge [sflag:s7], $0x3000  }
0x16f: {  	[sflag:s7] =	ssyncset.done $0x0  }
0x170: {  	s26 =	rddreg [dreg:$0x16];
	[sflag:s7] =	ssyncadd.s32 $0xFFFFD000  }
0x171: {  	[tilespmem:s5], [sflag:$0x1] =	stream.linear.gather [hbm4b:s26+s2], $0x3000, $0x38;
	[tilespmem:$0x12800] =	vst v63  }
0x172: {  	s28 =	rddreg [dreg:$0x17]  }
0x173: {  	[tilespmem:s6], [sflag:$0xA] =	stream.linear.gather [hbm4b:s28+s2], $0x3000, $0x38;
	[tilespmem:$0x12800] =	vst v63  }
0x174: {  	_ =	swait.ge [sflag:s20], $0x3000  }
0x175: {  	[sflag:s20] =	ssyncset.done $0x0  }
0x176: {  	[sflag:s20] =	ssyncadd.s32 $0xFFFFD000  }
0x177: {  	_ =	swait.ge [sflag:s19], $0x3000  }
0x178: {  	[sflag:s19] =	ssyncset.done $0x0  }
0x179: {  	[sflag:s19] =	ssyncadd.s32 $0xFFFFD000  }
0x17a: {  	[hbm4b:s3+s9] =	stream.indirect.scatter [tilespmem:s14], [sflag:$0x6], $0x80, s30, s9, $0xb8;
	[tilespmem:$0x12800] =	vst v63  }
0x17b: {  	_ = 	snop  }
0x17c: {  	[hbm4b:s4+s9] =	stream.indirect.scatter [tilespmem:s15], [sflag:$0x9], $0x80, s30, s9, $0xb8;
	[tilespmem:$0x12800] =	vst v63  }
0x17d: {  	_ =	swait.ge [sflag:s17], $0x3000  }
0x17e: {  	[sflag:s17] =	ssyncset.done $0x0  }
0x17f: {  	[sflag:s17] =	ssyncadd.s32 $0xFFFFD000  }
0x180: {  	_ =	swait.ge [sflag:s16], $0x3000  }
0x181: {  	[sflag:s16] =	ssyncset.done $0x0  }
0x182: {  	[sflag:s16] =	ssyncadd.s32 $0xFFFFD000  }
0x183: {  	_ =	swait.ge [sflag:s11], $0x3000  }
0x184: {  	[sflag:s11] =	ssyncset.done $0x0  }
0x185: {  	[sflag:s11] =	ssyncadd.s32 $0xFFFFD000  }
0x186: {  	_ =	swait.ge [sflag:s10], $0x3000  }
0x187: {  	[sflag:s10] =	ssyncset.done $0x0  }
0x188: {  	[sflag:s10] =	ssyncadd.s32 $0xFFFFD000  }
0x189: {  	[hbm4b:s3+s9] =	stream.indirect.scatter [tilespmem:s5], [sflag:$0x4], $0x80, s29, s9, $0xb8;
	[tilespmem:$0x12800] =	vst v63  }
0x18a: {  	_ = 	snop  }
0x18b: {  	[hbm4b:s4+s9] =	stream.indirect.scatter [tilespmem:s6], [sflag:$0x7], $0x80, s29, s9, $0xb8;
	[tilespmem:$0x12800] =	vst v63  }
0x18c: {  	_ =	swait.ge [sflag:s13], $0x3000  }
0x18d: {  	[sflag:s13] =	ssyncset.done $0x0  }
0x18e: {  	[sflag:s13] =	ssyncadd.s32 $0xFFFFD000  }
0x18f: {  	_ =	swait.ge [sflag:s12], $0x3000  }
0x190: {  	[sflag:s12] =	ssyncset.done $0x0  }
0x191: {  	p1 =	sne.s32 s23, $0x1;
	[sflag:s12] =	ssyncadd.s32 $0xFFFFD000  }
.Ltmp2:
0x192: {  	_ =	swait.ge [sflag:s8], $0x3000;
	(pc) =	sbr.rel @p1 .LBB2_3-.Ltmp2, $4  }
0x193: {  	[sflag:s8] =	ssyncset.done $0x0  }
0x194: {  	[sflag:s8] =	ssyncadd.s32 $0xFFFFD000  }
0x195: {  	_ =	swait.ge [sflag:s7], $0x3000  }
0x196: {  	s23 =	sadd.s32 $0xFFFFFFFF, s23;
	s26 =	rddreg [dreg:$0x3];
	[sflag:s7] =	ssyncset.done $0x0  }
0x197: {  	s28 =	stileid.u32  }
.LBB2_5:
0x198: {  	[sflag:s7] =	ssyncadd.s32 @p0 $0xFFFFD000  }
0x199: {  	[tilespmem:s2], [sflag:$0xD] =	stream.linear.gather [hbm4b:s26+s2], $0x500, $0x38;
	[tilespmem:$0x12800] =	vst v63  }
0x19a: {  	_ =	swait.ge [sflag:s18], $0x500  }
0x19b: {  	[sflag:s18] =	ssyncset.done $0x0  }
0x19c: {  	s23 =	rddreg [dreg:$0x4];
	[sflag:s18] =	ssyncadd.s32 $0xFFFFFB00  }
0x19d: {  	[tilespmem:s5], [sflag:$0x1] =	stream.linear.gather [hbm4b:s23+s2], $0x3000, $0x38;
	[tilespmem:$0x12800] =	vst v63  }
0x19e: {  	s0 =	rddreg [dreg:$0x5]  }
0x19f: {  	[tilespmem:s6], [sflag:$0xA] =	stream.linear.gather [hbm4b:s0+s2], $0x3000, $0x38;
	[tilespmem:$0x12800] =	vst v63  }
0x1a0: {  	s1 =	rddreg [dreg:$0x6]  }
0x1a1: {  	[tilespmem:s21], [sflag:$0x2] =	stream.linear.gather [hbm4b:s1+s2], $0x3000, $0x38;
	[tilespmem:$0x12800] =	vst v63  }
0x1a2: {  	s26 =	rddreg [dreg:$0x7]  }
0x1a3: {  	[tilespmem:s22], [sflag:$0xB] =	stream.linear.gather [hbm4b:s26+s2], $0x3000, $0x38;
	[tilespmem:$0x12800] =	vst v63  }
0x1a4: {  	_ =	swait.ge [sflag:s11], $0x3000  }
0x1a5: {  	[sflag:s11] =	ssyncset.done $0x0  }
0x1a6: {  	[sflag:s11] =	ssyncadd.s32 $0xFFFFD000  }
0x1a7: {  	_ =	swait.ge [sflag:s10], $0x3000  }
0x1a8: {  	[sflag:s10] =	ssyncset.done $0x0  }
0x1a9: {  	[sflag:s10] =	ssyncadd.s32 $0xFFFFD000  }
0x1aa: {  	[hbm4b:s3+s9] =	stream.indirect.scatter [tilespmem:s5], [sflag:$0x4], $0x80, s2, s9, $0xb8;
	[tilespmem:$0x12800] =	vst v63  }
0x1ab: {  	_ = 	snop  }
0x1ac: {  	[hbm4b:s4+s9] =	stream.indirect.scatter [tilespmem:s6], [sflag:$0x7], $0x80, s2, s9, $0xb8;
	[tilespmem:$0x12800] =	vst v63  }
0x1ad: {  	s29 =	rddreg [dreg:$0x8]  }
0x1ae: {  	[tilespmem:s14], [sflag:$0x3] =	stream.linear.gather [hbm4b:s29+s2], $0x3000, $0x38;
	[tilespmem:$0x12800] =	vst v63  }
0x1af: {  	s30 =	rddreg [dreg:$0x9]  }
0x1b0: {  	[tilespmem:s15], [sflag:$0xC] =	stream.linear.gather [hbm4b:s30+s2], $0x3000, $0x38;
	[tilespmem:$0x12800] =	vst v63  }
0x1b1: {  	_ =	swait.ge [sflag:s25], $0x3000  }
0x1b2: {  	[sflag:s25] =	ssyncset.done $0x0  }
0x1b3: {  	[sflag:s25] =	ssyncadd.s32 $0xFFFFD000  }
0x1b4: {  	_ =	swait.ge [sflag:s24], $0x3000  }
0x1b5: {  	[sflag:s24] =	ssyncset.done $0x0  }
0x1b6: {  	s0 =	simm.s32 $0x80;
	[sflag:s24] =	ssyncadd.s32 $0xFFFFD000  }
0x1b7: {  	[hbm4b:s3+s9] =	stream.indirect.scatter [tilespmem:s21], [sflag:$0x5], $0x80, s0, s9, $0xb8;
	[tilespmem:$0x12800] =	vst v63  }
0x1b8: {  	_ = 	snop  }
0x1b9: {  	[hbm4b:s4+s9] =	stream.indirect.scatter [tilespmem:s22], [sflag:$0x8], $0x80, s0, s9, $0xb8;
	[tilespmem:$0x12800] =	vst v63  }
0x1ba: {  	_ =	swait.ge [sflag:s8], $0x3000  }
0x1bb: {  	[sflag:s8] =	ssyncset.done $0x0  }
0x1bc: {  	[sflag:s8] =	ssyncadd.s32 $0xFFFFD000  }
0x1bd: {  	_ =	swait.ge [sflag:s7], $0x3000  }
0x1be: {  	[sflag:s7] =	ssyncset.done $0x0  }
0x1bf: {  	s31 =	rddreg [dreg:$0xa];
	[sflag:s7] =	ssyncadd.s32 $0xFFFFD000  }
0x1c0: {  	[tilespmem:s5], [sflag:$0x1] =	stream.linear.gather [hbm4b:s31+s2], $0x3000, $0x38;
	[tilespmem:$0x12800] =	vst v63  }
0x1c1: {  	s1 =	rddreg [dreg:$0xb]  }
0x1c2: {  	[tilespmem:s6], [sflag:$0xA] =	stream.linear.gather [hbm4b:s1+s2], $0x3000, $0x38;
	[tilespmem:$0x12800] =	vst v63  }
0x1c3: {  	_ =	swait.ge [sflag:s20], $0x3000  }
0x1c4: {  	[sflag:s20] =	ssyncset.done $0x0  }
0x1c5: {  	[sflag:s20] =	ssyncadd.s32 $0xFFFFD000  }
0x1c6: {  	_ =	swait.ge [sflag:s19], $0x3000  }
0x1c7: {  	[sflag:s19] =	ssyncset.done $0x0  }
0x1c8: {  	s23 =	simm.s32 $0x100;
	[sflag:s19] =	ssyncadd.s32 $0xFFFFD000  }
0x1c9: {  	[hbm4b:s3+s9] =	stream.indirect.scatter [tilespmem:s14], [sflag:$0x6], $0x80, s23, s9, $0xb8;
	[tilespmem:$0x12800] =	vst v63  }
0x1ca: {  	_ = 	snop  }
0x1cb: {  	[hbm4b:s4+s9] =	stream.indirect.scatter [tilespmem:s15], [sflag:$0x9], $0x80, s23, s9, $0xb8;
	[tilespmem:$0x12800] =	vst v63  }
0x1cc: {  	_ =	swait.ge [sflag:s17], $0x3000  }
0x1cd: {  	[sflag:s17] =	ssyncset.done $0x0  }
0x1ce: {  	[sflag:s17] =	ssyncadd.s32 $0xFFFFD000  }
0x1cf: {  	_ =	swait.ge [sflag:s16], $0x3000  }
0x1d0: {  	[sflag:s16] =	ssyncset.done $0x0  }
0x1d1: {  	s26 =	rddreg [dreg:$0xc];
	[sflag:s16] =	ssyncadd.s32 $0xFFFFD000  }
0x1d2: {  	[tilespmem:s21], [sflag:$0x2] =	stream.linear.gather [hbm4b:s26+s2], $0x3000, $0x38;
	[tilespmem:$0x12800] =	vst v63  }
0x1d3: {  	s1 =	rddreg [dreg:$0xd]  }
0x1d4: {  	[tilespmem:s22], [sflag:$0xB] =	stream.linear.gather [hbm4b:s1+s2], $0x3000, $0x38;
	[tilespmem:$0x12800] =	vst v63  }
0x1d5: {  	_ =	swait.ge [sflag:s11], $0x3000  }
0x1d6: {  	[sflag:s11] =	ssyncset.done $0x0  }
0x1d7: {  	[sflag:s11] =	ssyncadd.s32 $0xFFFFD000  }
0x1d8: {  	_ =	swait.ge [sflag:s10], $0x3000  }
0x1d9: {  	[sflag:s10] =	ssyncset.done $0x0  }
0x1da: {  	s29 =	simm.s32 $0x180;
	[sflag:s10] =	ssyncadd.s32 $0xFFFFD000  }
0x1db: {  	[hbm4b:s3+s9] =	stream.indirect.scatter [tilespmem:s5], [sflag:$0x4], $0x80, s29, s9, $0xb8;
	[tilespmem:$0x12800] =	vst v63  }
0x1dc: {  	_ = 	snop  }
0x1dd: {  	[hbm4b:s4+s9] =	stream.indirect.scatter [tilespmem:s6], [sflag:$0x7], $0x80, s29, s9, $0xb8;
	[tilespmem:$0x12800] =	vst v63  }
0x1de: {  	_ =	swait.ge [sflag:s13], $0x3000  }
0x1df: {  	[sflag:s13] =	ssyncset.done $0x0  }
0x1e0: {  	[sflag:s13] =	ssyncadd.s32 $0xFFFFD000  }
0x1e1: {  	_ =	swait.ge [sflag:s12], $0x3000  }
0x1e2: {  	[sflag:s12] =	ssyncset.done $0x0  }
0x1e3: {  	s30 =	rddreg [dreg:$0xe];
	[sflag:s12] =	ssyncadd.s32 $0xFFFFD000  }
0x1e4: {  	[tilespmem:s14], [sflag:$0x3] =	stream.linear.gather [hbm4b:s30+s2], $0x3000, $0x38;
	[tilespmem:$0x12800] =	vst v63  }
0x1e5: {  	s31 =	rddreg [dreg:$0xf]  }
0x1e6: {  	[tilespmem:s15], [sflag:$0xC] =	stream.linear.gather [hbm4b:s31+s2], $0x3000, $0x38;
	[tilespmem:$0x12800] =	vst v63  }
0x1e7: {  	_ =	swait.ge [sflag:s25], $0x3000  }
0x1e8: {  	[sflag:s25] =	ssyncset.done $0x0  }
0x1e9: {  	[sflag:s25] =	ssyncadd.s32 $0xFFFFD000  }
0x1ea: {  	_ =	swait.ge [sflag:s24], $0x3000  }
0x1eb: {  	[sflag:s24] =	ssyncset.done $0x0  }
0x1ec: {  	s18 =	simm.s32 $0x200;
	[sflag:s24] =	ssyncadd.s32 $0xFFFFD000  }
0x1ed: {  	[hbm4b:s3+s9] =	stream.indirect.scatter [tilespmem:s21], [sflag:$0x5], $0x80, s18, s9, $0xb8;
	[tilespmem:$0x12800] =	vst v63  }
0x1ee: {  	_ = 	snop  }
0x1ef: {  	[hbm4b:s4+s9] =	stream.indirect.scatter [tilespmem:s22], [sflag:$0x8], $0x80, s18, s9, $0xb8;
	[tilespmem:$0x12800] =	vst v63  }
0x1f0: {  	_ =	swait.ge [sflag:s8], $0x3000  }
0x1f1: {  	[sflag:s8] =	ssyncset.done $0x0  }
0x1f2: {  	[sflag:s8] =	ssyncadd.s32 $0xFFFFD000  }
0x1f3: {  	_ =	swait.ge [sflag:s7], $0x3000  }
0x1f4: {  	[sflag:s7] =	ssyncset.done $0x0  }
0x1f5: {  	s23 =	rddreg [dreg:$0x10];
	[sflag:s7] =	ssyncadd.s32 $0xFFFFD000  }
0x1f6: {  	[tilespmem:s5], [sflag:$0x1] =	stream.linear.gather [hbm4b:s23+s2], $0x3000, $0x38;
	[tilespmem:$0x12800] =	vst v63  }
0x1f7: {  	s26 =	rddreg [dreg:$0x11]  }
0x1f8: {  	[tilespmem:s6], [sflag:$0xA] =	stream.linear.gather [hbm4b:s26+s2], $0x3000, $0x38;
	[tilespmem:$0x12800] =	vst v63  }
0x1f9: {  	_ =	swait.ge [sflag:s20], $0x3000  }
0x1fa: {  	[sflag:s20] =	ssyncset.done $0x0  }
0x1fb: {  	[sflag:s20] =	ssyncadd.s32 $0xFFFFD000  }
0x1fc: {  	_ =	swait.ge [sflag:s19], $0x3000  }
0x1fd: {  	[sflag:s19] =	ssyncset.done $0x0  }
0x1fe: {  	s29 =	simm.s32 $0x280;
	[sflag:s19] =	ssyncadd.s32 $0xFFFFD000  }
0x1ff: {  	[hbm4b:s3+s9] =	stream.indirect.scatter [tilespmem:s14], [sflag:$0x6], $0x80, s29, s9, $0xb8;
	[tilespmem:$0x12800] =	vst v63  }
0x200: {  	_ = 	snop  }
0x201: {  	[hbm4b:s4+s9] =	stream.indirect.scatter [tilespmem:s15], [sflag:$0x9], $0x80, s29, s9, $0xb8;
	[tilespmem:$0x12800] =	vst v63  }
0x202: {  	_ =	swait.ge [sflag:s17], $0x3000  }
0x203: {  	[sflag:s17] =	ssyncset.done $0x0  }
0x204: {  	[sflag:s17] =	ssyncadd.s32 $0xFFFFD000  }
0x205: {  	_ =	swait.ge [sflag:s16], $0x3000  }
0x206: {  	[sflag:s16] =	ssyncset.done $0x0  }
0x207: {  	s30 =	rddreg [dreg:$0x12];
	[sflag:s16] =	ssyncadd.s32 $0xFFFFD000  }
0x208: {  	[tilespmem:s21], [sflag:$0x2] =	stream.linear.gather [hbm4b:s30+s2], $0x3000, $0x38;
	[tilespmem:$0x12800] =	vst v63  }
0x209: {  	s31 =	rddreg [dreg:$0x13]  }
0x20a: {  	[tilespmem:s22], [sflag:$0xB] =	stream.linear.gather [hbm4b:s31+s2], $0x3000, $0x38;
	[tilespmem:$0x12800] =	vst v63  }
0x20b: {  	_ =	swait.ge [sflag:s11], $0x3000  }
0x20c: {  	[sflag:s11] =	ssyncset.done $0x0  }
0x20d: {  	[sflag:s11] =	ssyncadd.s32 $0xFFFFD000  }
0x20e: {  	_ =	swait.ge [sflag:s10], $0x3000  }
0x20f: {  	[sflag:s10] =	ssyncset.done $0x0  }
0x210: {  	s1 =	simm.s32 $0x300;
	[sflag:s10] =	ssyncadd.s32 $0xFFFFD000  }
0x211: {  	[hbm4b:s3+s9] =	stream.indirect.scatter [tilespmem:s5], [sflag:$0x4], $0x80, s1, s9, $0xb8;
	[tilespmem:$0x12800] =	vst v63  }
0x212: {  	_ = 	snop  }
0x213: {  	[hbm4b:s4+s9] =	stream.indirect.scatter [tilespmem:s6], [sflag:$0x7], $0x80, s1, s9, $0xb8;
	[tilespmem:$0x12800] =	vst v63  }
0x214: {  	_ =	swait.ge [sflag:s13], $0x3000  }
0x215: {  	[sflag:s13] =	ssyncset.done $0x0  }
0x216: {  	[sflag:s13] =	ssyncadd.s32 $0xFFFFD000  }
0x217: {  	_ =	swait.ge [sflag:s12], $0x3000  }
0x218: {  	[sflag:s12] =	ssyncset.done $0x0  }
0x219: {  	s18 =	rddreg [dreg:$0x14];
	[sflag:s12] =	ssyncadd.s32 $0xFFFFD000  }
0x21a: {  	[tilespmem:s14], [sflag:$0x3] =	stream.linear.gather [hbm4b:s18+s2], $0x3000, $0x38;
	[tilespmem:$0x12800] =	vst v63  }
0x21b: {  	s23 =	rddreg [dreg:$0x15]  }
0x21c: {  	[tilespmem:s15], [sflag:$0xC] =	stream.linear.gather [hbm4b:s23+s2], $0x3000, $0x38;
	[tilespmem:$0x12800] =	vst v63  }
0x21d: {  	_ =	swait.ge [sflag:s25], $0x3000  }
0x21e: {  	[sflag:s25] =	ssyncset.done $0x0  }
0x21f: {  	[sflag:s25] =	ssyncadd.s32 $0xFFFFD000  }
0x220: {  	_ =	swait.ge [sflag:s24], $0x3000  }
0x221: {  	[sflag:s24] =	ssyncset.done $0x0  }
0x222: {  	s25 =	simm.s32 $0x380;
	[sflag:s24] =	ssyncadd.s32 $0xFFFFD000  }
0x223: {  	[hbm4b:s3+s9] =	stream.indirect.scatter [tilespmem:s21], [sflag:$0x5], $0x80, s25, s9, $0xb8;
	[tilespmem:$0x12800] =	vst v63  }
0x224: {  	_ = 	snop  }
0x225: {  	[hbm4b:s4+s9] =	stream.indirect.scatter [tilespmem:s22], [sflag:$0x8], $0x80, s25, s9, $0xb8;
	[tilespmem:$0x12800] =	vst v63  }
0x226: {  	_ =	swait.ge [sflag:s8], $0x3000  }
0x227: {  	[sflag:s8] =	ssyncset.done $0x0  }
0x228: {  	[sflag:s8] =	ssyncadd.s32 $0xFFFFD000  }
0x229: {  	_ =	swait.ge [sflag:s7], $0x3000  }
0x22a: {  	[sflag:s7] =	ssyncset.done $0x0  }
0x22b: {  	s26 =	rddreg [dreg:$0x16];
	[sflag:s7] =	ssyncadd.s32 $0xFFFFD000  }
0x22c: {  	[tilespmem:s5], [sflag:$0x1] =	stream.linear.gather [hbm4b:s26+s2], $0x3000, $0x38;
	[tilespmem:$0x12800] =	vst v63  }
0x22d: {  	s29 =	rddreg [dreg:$0x17]  }
0x22e: {  	[tilespmem:s6], [sflag:$0xA] =	stream.linear.gather [hbm4b:s29+s2], $0x3000, $0x38;
	[tilespmem:$0x12800] =	vst v63  }
0x22f: {  	_ =	swait.ge [sflag:s20], $0x3000  }
0x230: {  	[sflag:s20] =	ssyncset.done $0x0  }
0x231: {  	[sflag:s20] =	ssyncadd.s32 $0xFFFFD000  }
0x232: {  	_ =	swait.ge [sflag:s19], $0x3000  }
0x233: {  	[sflag:s19] =	ssyncset.done $0x0  }
0x234: {  	s30 =	simm.s32 $0x400;
	[sflag:s19] =	ssyncadd.s32 $0xFFFFD000  }
0x235: {  	[hbm4b:s3+s9] =	stream.indirect.scatter [tilespmem:s14], [sflag:$0x6], $0x80, s30, s9, $0xb8;
	[tilespmem:$0x12800] =	vst v63  }
0x236: {  	_ = 	snop  }
0x237: {  	[hbm4b:s4+s9] =	stream.indirect.scatter [tilespmem:s15], [sflag:$0x9], $0x80, s30, s9, $0xb8;
	[tilespmem:$0x12800] =	vst v63  }
0x238: {  	_ =	swait.ge [sflag:s17], $0x3000  }
0x239: {  	[sflag:s17] =	ssyncset.done $0x0  }
0x23a: {  	[sflag:s17] =	ssyncadd.s32 $0xFFFFD000  }
0x23b: {  	_ =	swait.ge [sflag:s16], $0x3000  }
0x23c: {  	[sflag:s16] =	ssyncset.done $0x0  }
0x23d: {  	[sflag:s16] =	ssyncadd.s32 $0xFFFFD000  }
0x23e: {  	_ =	swait.ge [sflag:s11], $0x3000  }
0x23f: {  	[sflag:s11] =	ssyncset.done $0x0  }
0x240: {  	[sflag:s11] =	ssyncadd.s32 $0xFFFFD000  }
0x241: {  	_ =	swait.ge [sflag:s10], $0x3000  }
0x242: {  	[sflag:s10] =	ssyncset.done $0x0  }
0x243: {  	s31 =	simm.s32 $0x480;
	[sflag:s10] =	ssyncadd.s32 $0xFFFFD000  }
0x244: {  	[hbm4b:s3+s9] =	stream.indirect.scatter [tilespmem:s5], [sflag:$0x4], $0x80, s31, s9, $0xb8;
	[tilespmem:$0x12800] =	vst v63  }
0x245: {  	_ = 	snop  }
0x246: {  	[hbm4b:s4+s9] =	stream.indirect.scatter [tilespmem:s6], [sflag:$0x7], $0x80, s31, s9, $0xb8;
	[tilespmem:$0x12800] =	vst v63  }
0x247: {  	_ =	swait.ge [sflag:s13], $0x3000  }
0x248: {  	[sflag:s13] =	ssyncset.done $0x0  }
0x249: {  	[sflag:s13] =	ssyncadd.s32 $0xFFFFD000  }
0x24a: {  	_ =	swait.ge [sflag:s12], $0x3000  }
0x24b: {  	[sflag:s12] =	ssyncset.done $0x0  }
0x24c: {  	[sflag:s12] =	ssyncadd.s32 $0xFFFFD000  }
0x24d: {  	_ =	swait.ge [sflag:s8], $0x3000  }
0x24e: {  	[sflag:s8] =	ssyncset.done $0x0  }
0x24f: {  	[sflag:s8] =	ssyncadd.s32 $0xFFFFD000  }
0x250: {  	_ =	swait.ge [sflag:s7], $0x3000  }
0x251: {  	[sflag:s7] =	ssyncset.done $0x0  }
0x252: {  	[sflag:s7] =	ssyncadd.s32 $0xFFFFD000  }
0x253: {  	_ =	sfence.sel $0x180000  }
0x254: {  	[bflag:$0x0] =	sbarrier.arrive $0xFFFF  }
0x255: {  	_ =	strace $0x90000047  }
0x256: {  	[bflag:$0x2] =	sbarrier.arrive $0xFFFF  }
0x257: {  	p0 =	sne.s32 s28, $0x0;
	s0 =	rddreg [dreg:$0x2]  }
0x258: {  	s0 =	sadd.s32 @!p0 $0x100000, s0  }
0x259: {  	[sflag:s0] =	ssyncadd.tile.s32 @!p0 $0x1;
	_ =	shalt  }
.LBB2_2:
.Ltmp3:
0x25a: {  	(pc) =	sbr.rel .LBB2_5-.Ltmp3, $2  }
0x25b: {  	_ =	sdelay $0x2  }
0x25c: {  	s28 =	stileid.u32  }
.Lfunc_end2:
_tile_overlayer_lowered:
.L_overlay_start_2:
0x25d: {  	(tag) =	ssettag $0x2  }
0x25e: {  	s0 =	rddreg [dreg:$0x0];
	s2 =	stileid.u32  }
0x25f: {  	s1 =	rddreg [dreg:$0x1];
	p0 =	sne.s32 s2, $0x0  }
0x260: {  	s3 =	rddreg [dreg:$0x2];
	[bflag:$0x3] =	sbarrier.arrive $0xFFFF;
	s2 =	simm.s32 @!p0 $0x1C0D  }
0x261: {  	[timem:s3], [sflag:s2] =	dma.local @!p0 [hbm:s0], s1  }
0x262: {  	s0 =	simm.s32 @!p0 $0xD  }
0x263: {  	_ =	swait.ge @!p0 [sflag:s0], s1  }
0x264: {  	s1 =	ssub.s32 @!p0 $0x0, s1;
	[sflag:s0] =	ssyncset.done @!p0 $0x0  }
0x265: {  	[sflag:s0] =	ssyncadd.s32 @!p0 s1  }
0x266: {  	[bflag:$0x3] =	sbarrier.arrive $0xFFFF  }
0x267: {  	_ =	shalt  }

</sc_bundles>
